<compile_context>
chip_gen: v7x
topology: tpu7x:2x2x1
jax: 0.10.2.dev20260603
libtpu: 0.0.44.dev20260713+nightly
codegen_flags: <defaults>
</compile_context>

<pallas_src>
import functools

import jax
import jax.numpy as jnp
from jax import lax
from jax.experimental import pallas as pl
from jax.experimental.pallas import tpu as pltpu
from jax.experimental.pallas import tpu_sc as plsc

_TILE = 512
_CHUNK = 128


def _ceil_to(x, m):
    return (x + m - 1) // m * m


def _gather_body(nt, b_per_w, waves, xt_ref, *rest):
    table_refs = rest[:nt]
    out_refs = rest[nt:2 * nt]
    idx_v = rest[2 * nt]
    wide = rest[2 * nt + 1]
    bufs = rest[2 * nt + 2:2 * nt + 2 + 5]
    gsem = rest[2 * nt + 7]
    wsems = rest[2 * nt + 8:2 * nt + 8 + 6]
    wid = lax.axis_index("s") * 2 + lax.axis_index("c")
    base = wid * b_per_w

    def slot_ref(slot):
        if slot == "wide":
            return wide
        if slot == "wide0":
            return wide.at[:, pl.ds(0, 128)]
        if slot == "wide1":
            return wide.at[:, pl.ds(128, 128)]
        return bufs[slot]

    def slot_buf(slot):
        return slot if isinstance(slot, int) else 5

    pltpu.sync_copy(xt_ref.at[:, pl.ds(base, b_per_w)], idx_v)

    pending = {}
    for c in range(b_per_w // _CHUNK):
        lo = base + c * _CHUNK
        for wave in waves:
            for t, slot in wave:
                for cp_ in pending.pop(slot_buf(slot), ()):
                    cp_.wait()
            copies = [
                pltpu.async_copy(
                    table_refs[t].at[idx_v.at[t, pl.ds(c * _CHUNK, _CHUNK)]],
                    slot_ref(slot), gsem)
                for t, slot in wave
            ]
            for (t, slot), cp_ in zip(wave, copies):
                cp_.wait()
                wb = pltpu.async_copy(slot_ref(slot),
                                      out_refs[t].at[pl.ds(lo, _CHUNK), :],
                                      wsems[slot_buf(slot)])
                pending.setdefault(slot_buf(slot), []).append(wb)
    for cps in pending.values():
        for cp_ in cps:
            cp_.wait()


def _mlp_body(nt, dp16s, *refs):
    piece_refs = refs[:nt]
    w1p_ref, b1_ref, w2t_ref, b2_ref, w3_ref, b3_ref, out_ref = refs[nt:]
    h0 = jnp.concatenate(
        [p[:, :w] for p, w in zip(piece_refs, dp16s)], axis=1)
    h0 = jnp.maximum(h0, 0.0).astype(jnp.bfloat16)
    h1 = jnp.maximum(
        jnp.dot(h0, w1p_ref[:, :], preferred_element_type=jnp.float32)
        + b1_ref[:, :], 0.0)
    h2 = jnp.maximum(
        jnp.dot(h1.astype(jnp.bfloat16), w2t_ref[:, :],
                preferred_element_type=jnp.float32) + b2_ref[:, :], 0.0)
    out_ref[:] = jnp.sum(h2 * w3_ref[:, :], axis=1) + b3_ref[0]


def kernel(x, emb_id, emb_year, emb_month, emb_day, emb_hour, emb_dayofweek,
           emb_aqi, emb_humidity, emb_temp, emb_weather, emb_wind, emb_winp,
           emb_holiday, emb_surrounding, W1, b1, W2, b2, W3, b3):
    tables = [emb_id, emb_year, emb_month, emb_day, emb_hour, emb_dayofweek,
              emb_aqi, emb_humidity, emb_temp, emb_weather, emb_wind, emb_winp,
              emb_holiday, emb_surrounding]
    nt = len(tables)
    dims = [int(t.shape[1]) for t in tables]
    B = x.shape[0]

    dp16s = [_ceil_to(d, 16) for d in dims]
    cp = _ceil_to(sum(dp16s), 128)
    dp16s[-1] += cp - sum(dp16s)
    dp128s = [_ceil_to(d, 128) for d in dp16s]

    tpads = [jnp.pad(t, ((0, 0), (0, dp - d))).astype(jnp.float32)
             for t, d, dp in zip(tables, dims, dp128s)]
    xt = x.astype(jnp.int32).T

    nw = 32
    b_per_w = B // nw
    mesh = plsc.VectorSubcoreMesh(core_axis_name="c", subcore_axis_name="s")
    scratch = ([pltpu.VMEM((nt, b_per_w), jnp.int32),
                pltpu.VMEM((_CHUNK, 256), jnp.float32)]
               + [pltpu.VMEM((_CHUNK, 128), jnp.float32) for _ in range(5)]
               + [pltpu.SemaphoreType.DMA for _ in range(7)])
    assert dp128s[0] == 256 and all(dp == 128 for dp in dp128s[1:])
    waves = [
        [(0, "wide"), (1, 0), (2, 1), (3, 2), (4, 3), (5, 4)],
        [(6, 0), (7, 1), (8, 2), (9, 3), (10, 4), (11, "wide0"),
         (12, "wide1")],
        [(13, 0)],
    ]
    pieces = pl.kernel(
        functools.partial(_gather_body, nt, b_per_w, waves),
        mesh=mesh,
        out_type=[jax.ShapeDtypeStruct((B, dp), jnp.float32) for dp in dp128s],
        scratch_types=scratch,
    )(xt, *tpads)

    w1t = W1.T
    segs = []
    s = 0
    for d, dp in zip(dims, dp16s):
        segs.append(jnp.pad(w1t[s:s + d, :], ((0, dp - d), (0, 0))))
        s += d
    w1p = jnp.concatenate(segs, axis=0).astype(jnp.bfloat16)

    w2t = W2.T.astype(jnp.bfloat16)
    h1n = W1.shape[0]
    h2n = W2.shape[0]

    grid = (B // _TILE,)
    piece_specs = [
        pl.BlockSpec((_TILE, dp), lambda i: (i, 0)) for dp in dp128s
    ]
    out = pl.pallas_call(
        functools.partial(_mlp_body, nt, dp16s),
        grid=grid,
        in_specs=piece_specs + [
            pl.BlockSpec((cp, h1n), lambda i: (0, 0)),
            pl.BlockSpec((1, h1n), lambda i: (0, 0)),
            pl.BlockSpec((h1n, h2n), lambda i: (0, 0)),
            pl.BlockSpec((1, h2n), lambda i: (0, 0)),
            pl.BlockSpec((1, h2n), lambda i: (0, 0)),
            pl.BlockSpec(memory_space=pltpu.SMEM),
        ],
        out_specs=pl.BlockSpec((_TILE,), lambda i: (i,)),
        out_shape=jax.ShapeDtypeStruct((B,), jnp.float32),
    )(*pieces, w1p, b1.reshape(1, h1n), w2t, b2.reshape(1, h2n), W3, b3)
    return out

# --- scband reference (transcript-rebuilt; emitter-appended) ---
"""Pipeline reference for scband-em-63333587747191 (READ-ONLY COPY).

The authoritative reference and input builder live on the scoring server;
editing this copy changes nothing except your own understanding.
"""

import jax, jax.numpy as jnp
import numpy as np

VOCABS = [100, 3, 12, 31, 24, 7, 281, 81, 46, 13, 9, 10, 10, 8]
DIMS   = [150, 2, 15, 40, 30, 15, 100, 100, 100, 15, 15, 15, 15, 15]


def setup_inputs(seed: int = 0) -> dict:
    key = jax.random.key(seed)
    ks = jax.random.split(key, 32)
    B = 16384
    # indices: fill_max=3 so every column is in-range for the smallest vocab (year=3)
    x = jax.random.randint(ks[0], (B, 14), 0, 3, dtype=jnp.int64) if jax.config.jax_enable_x64 else jax.random.randint(ks[0], (B, 14), 0, 3, dtype=jnp.int32)
    inp = {"x": x}
    names = ["emb_id", "emb_year", "emb_month", "emb_day", "emb_hour", "emb_dayofweek", "emb_aqi", "emb_humidity", "emb_temp", "emb_weather", "emb_wind", "emb_winp", "emb_holiday", "emb_surrounding"]
    for i, (n, v, d) in enumerate(zip(names, VOCABS, DIMS)):
        inp[n] = jax.random.normal(ks[1 + i], (v, d), dtype=jnp.float32) * 0.05
    inp["W1"] = jax.random.normal(ks[16], (2048, 627), dtype=jnp.float32) * 0.05
    inp["b1"] = jnp.zeros((2048,), dtype=jnp.float32)
    inp["W2"] = jax.random.normal(ks[17], (1024, 2048), dtype=jnp.float32) * 0.05
    inp["b2"] = jnp.zeros((1024,), dtype=jnp.float32)
    inp["W3"] = jax.random.normal(ks[18], (1, 1024), dtype=jnp.float32) * 0.05
    inp["b3"] = jnp.zeros((1,), dtype=jnp.float32)
    return inp


def reference(x, emb_id, emb_year, emb_month, emb_day, emb_hour, emb_dayofweek, emb_aqi, emb_humidity, emb_temp, emb_weather, emb_wind, emb_winp, emb_holiday, emb_surrounding, W1, b1, W2, b2, W3, b3):
    tables = [emb_id, emb_year, emb_month, emb_day, emb_hour, emb_dayofweek, emb_aqi, emb_humidity, emb_temp, emb_weather, emb_wind, emb_winp, emb_holiday, emb_surrounding]
    parts = [jnp.take(t, x[:, i], axis=0) for i, t in enumerate(tables)]
    h = jax.nn.relu(jnp.concatenate(parts, axis=1))
    h = jax.nn.relu(h @ W1.T + b1)
    # dropmid is identity in eval mode; bnl1/bnl2 are defined but unused in forward
    h = jax.nn.relu(h @ W2.T + b2)
    out = h @ W3.T + b3
    return out.reshape(x.shape[0])

if __name__ == "__main__":
    import jax
    _d = setup_inputs()
    print(jax.jit(kernel)(*tuple(_d.values())))

</pallas_src>

<mosaic_0001>
#map = affine_map<(d0, d1) -> (0, 0)>
module attributes {stable_mosaic.version = 14 : i64} {
  func.func @_gather_body(%arg0: i32, %arg1: i32, %arg2: memref<14x16384xi32, #tpu.memory_space<hbm>>, %arg3: memref<100x256xf32, #tpu.memory_space<hbm>>, %arg4: memref<3x128xf32, #tpu.memory_space<hbm>>, %arg5: memref<12x128xf32, #tpu.memory_space<hbm>>, %arg6: memref<31x128xf32, #tpu.memory_space<hbm>>, %arg7: memref<24x128xf32, #tpu.memory_space<hbm>>, %arg8: memref<7x128xf32, #tpu.memory_space<hbm>>, %arg9: memref<281x128xf32, #tpu.memory_space<hbm>>, %arg10: memref<81x128xf32, #tpu.memory_space<hbm>>, %arg11: memref<46x128xf32, #tpu.memory_space<hbm>>, %arg12: memref<13x128xf32, #tpu.memory_space<hbm>>, %arg13: memref<9x128xf32, #tpu.memory_space<hbm>>, %arg14: memref<10x128xf32, #tpu.memory_space<hbm>>, %arg15: memref<10x128xf32, #tpu.memory_space<hbm>>, %arg16: memref<8x128xf32, #tpu.memory_space<hbm>>, %arg17: memref<16384x256xf32, #tpu.memory_space<hbm>>, %arg18: memref<16384x128xf32, #tpu.memory_space<hbm>>, %arg19: memref<16384x128xf32, #tpu.memory_space<hbm>>, %arg20: memref<16384x128xf32, #tpu.memory_space<hbm>>, %arg21: memref<16384x128xf32, #tpu.memory_space<hbm>>, %arg22: memref<16384x128xf32, #tpu.memory_space<hbm>>, %arg23: memref<16384x128xf32, #tpu.memory_space<hbm>>, %arg24: memref<16384x128xf32, #tpu.memory_space<hbm>>, %arg25: memref<16384x128xf32, #tpu.memory_space<hbm>>, %arg26: memref<16384x128xf32, #tpu.memory_space<hbm>>, %arg27: memref<16384x128xf32, #tpu.memory_space<hbm>>, %arg28: memref<16384x128xf32, #tpu.memory_space<hbm>>, %arg29: memref<16384x128xf32, #tpu.memory_space<hbm>>, %arg30: memref<16384x128xf32, #tpu.memory_space<hbm>>, %arg31: memref<14x512xi32, #tpu.memory_space<vmem>>, %arg32: memref<128x256xf32, #tpu.memory_space<vmem>>, %arg33: memref<128x128xf32, #tpu.memory_space<vmem>>, %arg34: memref<128x128xf32, #tpu.memory_space<vmem>>, %arg35: memref<128x128xf32, #tpu.memory_space<vmem>>, %arg36: memref<128x128xf32, #tpu.memory_space<vmem>>, %arg37: memref<128x128xf32, #tpu.memory_space<vmem>>, %arg38: memref<!tpu.dma_semaphore, #tpu.memory_space<semaphore_mem>>, %arg39: memref<!tpu.dma_semaphore, #tpu.memory_space<semaphore_mem>>, %arg40: memref<!tpu.dma_semaphore, #tpu.memory_space<semaphore_mem>>, %arg41: memref<!tpu.dma_semaphore, #tpu.memory_space<semaphore_mem>>, %arg42: memref<!tpu.dma_semaphore, #tpu.memory_space<semaphore_mem>>, %arg43: memref<!tpu.dma_semaphore, #tpu.memory_space<semaphore_mem>>, %arg44: memref<!tpu.dma_semaphore, #tpu.memory_space<semaphore_mem>>) attributes {dimension_semantics = [#tpu.dimension_semantics<core_parallel>, #tpu.dimension_semantics<subcore_parallel>], iteration_bounds = array<i64: 2, 16>, scalar_prefetch = 0 : i64, scratch_operands = 14 : i64, tpu.core_type = #tpu.core_type<sc_vector_subcore>, window_params = [{transform_indices = #map}, {transform_indices = #map}, {transform_indices = #map}, {transform_indices = #map}, {transform_indices = #map}, {transform_indices = #map}, {transform_indices = #map}, {transform_indices = #map}, {transform_indices = #map}, {transform_indices = #map}, {transform_indices = #map}, {transform_indices = #map}, {transform_indices = #map}, {transform_indices = #map}, {transform_indices = #map}, {transform_indices = #map}, {transform_indices = #map}, {transform_indices = #map}, {transform_indices = #map}, {transform_indices = #map}, {transform_indices = #map}, {transform_indices = #map}, {transform_indices = #map}, {transform_indices = #map}, {transform_indices = #map}, {transform_indices = #map}, {transform_indices = #map}, {transform_indices = #map}, {transform_indices = #map}]} {
    %mul3A = arith.constant 2 : i32
    %mul3A_0 = arith.muli %arg1, %mul3A : i32
    %add3A = arith.addi %mul3A_0, %arg0 : i32
    %mul3A_1 = arith.constant 512 : i32
    %mul3A_2 = arith.muli %add3A, %mul3A_1 : i32
    "tpu.region"() ({
      %run_scoped3A = tpu.sem_alloc : memref<!tpu.dma_semaphore, #tpu.memory_space<semaphore_mem>>
      %dma_start3A_1385 = arith.constant 0 : i32
      %dma_start3A_1386 = tpu.memref_slice %arg2[%dma_start3A_1385, %mul3A_2] : memref<14x16384xi32, #tpu.memory_space<hbm>> -> memref<14x512xi32, #tpu.memory_space<hbm>>
      %dma_start3A_1387 = arith.constant 0 : i32
      %dma_start3A_1388 = tpu.memref_slice %arg2[%dma_start3A_1387, %mul3A_2] : memref<14x16384xi32, #tpu.memory_space<hbm>> -> memref<14x512xi32, #tpu.memory_space<hbm>>
      tpu.enqueue_dma source(%dma_start3A_1388 : memref<14x512xi32, #tpu.memory_space<hbm>>) target(%arg31 : memref<14x512xi32, #tpu.memory_space<vmem>>) target_semaphore(%run_scoped3A : memref<!tpu.dma_semaphore, #tpu.memory_space<semaphore_mem>>)
      %dma_wait3A_1389 = arith.constant 0 : i32
      %dma_wait3A_1390 = tpu.memref_slice %arg2[%dma_wait3A_1389, %mul3A_2] : memref<14x16384xi32, #tpu.memory_space<hbm>> -> memref<14x512xi32, #tpu.memory_space<hbm>>
      %dma_wait3A_1391 = arith.constant 0 : i32
      %dma_wait3A_1392 = tpu.memref_slice %arg2[%dma_wait3A_1391, %mul3A_2] : memref<14x16384xi32, #tpu.memory_space<hbm>> -> memref<14x512xi32, #tpu.memory_space<hbm>>
      tpu.wait_dma2 semaphore(%run_scoped3A : memref<!tpu.dma_semaphore, #tpu.memory_space<semaphore_mem>>) src(%dma_wait3A_1392 : memref<14x512xi32, #tpu.memory_space<hbm>>) dst(%arg31 : memref<14x512xi32, #tpu.memory_space<vmem>>)
      tpu.yield
    }) : () -> ()
    %add3A_3 = arith.constant 0 : i32
    %add3A_4 = arith.addi %mul3A_2, %add3A_3 : i32
    %dma_start3A = arith.constant 0 : i32
    %dma_start3A_5 = arith.constant 0 : i32
    %dma_start3A_6 = tpu.memref_slice %arg31[%dma_start3A, %dma_start3A_5] : memref<14x512xi32, #tpu.memory_space<vmem>> -> memref<1x128xi32, #tpu.memory_space<vmem>>
    %dma_start3A_7 = tpu.memref_squeeze %dma_start3A_6 : memref<1x128xi32, #tpu.memory_space<vmem>> -> memref<128xi32, #tpu.memory_space<vmem>>
    %dma_start3A_8 = arith.constant 0 : i32
    %dma_start3A_9 = arith.constant 0 : i32
    %dma_start3A_10 = tpu.memref_slice %arg3[%dma_start3A_8, %dma_start3A_9] : memref<100x256xf32, #tpu.memory_space<hbm>> -> memref<100x256xf32, #tpu.memory_space<hbm>>
    tpu.enqueue_indirect_dma source(%dma_start3A_10 : memref<100x256xf32, #tpu.memory_space<hbm>>) target(%arg32 : memref<128x256xf32, #tpu.memory_space<vmem>>) offsets(%dma_start3A_7 : memref<128xi32, #tpu.memory_space<vmem>>) semaphore(%arg38 : memref<!tpu.dma_semaphore, #tpu.memory_space<semaphore_mem>>)
    %dma_start3A_11 = arith.constant 1 : i32
    %dma_start3A_12 = arith.constant 0 : i32
    %dma_start3A_13 = tpu.memref_slice %arg31[%dma_start3A_11, %dma_start3A_12] : memref<14x512xi32, #tpu.memory_space<vmem>> -> memref<1x128xi32, #tpu.memory_space<vmem>>
    %dma_start3A_14 = tpu.memref_squeeze %dma_start3A_13 : memref<1x128xi32, #tpu.memory_space<vmem>> -> memref<128xi32, #tpu.memory_space<vmem>>
    %dma_start3A_15 = arith.constant 0 : i32
    %dma_start3A_16 = arith.constant 0 : i32
    %dma_start3A_17 = tpu.memref_slice %arg4[%dma_start3A_15, %dma_start3A_16] : memref<3x128xf32, #tpu.memory_space<hbm>> -> memref<3x128xf32, #tpu.memory_space<hbm>>
    tpu.enqueue_indirect_dma source(%dma_start3A_17 : memref<3x128xf32, #tpu.memory_space<hbm>>) target(%arg33 : memref<128x128xf32, #tpu.memory_space<vmem>>) offsets(%dma_start3A_14 : memref<128xi32, #tpu.memory_space<vmem>>) semaphore(%arg38 : memref<!tpu.dma_semaphore, #tpu.memory_space<semaphore_mem>>)
    %dma_start3A_18 = arith.constant 2 : i32
    %dma_start3A_19 = arith.constant 0 : i32
    %dma_start3A_20 = tpu.memref_slice %arg31[%dma_start3A_18, %dma_start3A_19] : memref<14x512xi32, #tpu.memory_space<vmem>> -> memref<1x128xi32, #tpu.memory_space<vmem>>
    %dma_start3A_21 = tpu.memref_squeeze %dma_start3A_20 : memref<1x128xi32, #tpu.memory_space<vmem>> -> memref<128xi32, #tpu.memory_space<vmem>>
    %dma_start3A_22 = arith.constant 0 : i32
    %dma_start3A_23 = arith.constant 0 : i32
    %dma_start3A_24 = tpu.memref_slice %arg5[%dma_start3A_22, %dma_start3A_23] : memref<12x128xf32, #tpu.memory_space<hbm>> -> memref<12x128xf32, #tpu.memory_space<hbm>>
    tpu.enqueue_indirect_dma source(%dma_start3A_24 : memref<12x128xf32, #tpu.memory_space<hbm>>) target(%arg34 : memref<128x128xf32, #tpu.memory_space<vmem>>) offsets(%dma_start3A_21 : memref<128xi32, #tpu.memory_space<vmem>>) semaphore(%arg38 : memref<!tpu.dma_semaphore, #tpu.memory_space<semaphore_mem>>)
    %dma_start3A_25 = arith.constant 3 : i32
    %dma_start3A_26 = arith.constant 0 : i32
    %dma_start3A_27 = tpu.memref_slice %arg31[%dma_start3A_25, %dma_start3A_26] : memref<14x512xi32, #tpu.memory_space<vmem>> -> memref<1x128xi32, #tpu.memory_space<vmem>>
    %dma_start3A_28 = tpu.memref_squeeze %dma_start3A_27 : memref<1x128xi32, #tpu.memory_space<vmem>> -> memref<128xi32, #tpu.memory_space<vmem>>
    %dma_start3A_29 = arith.constant 0 : i32
    %dma_start3A_30 = arith.constant 0 : i32
    %dma_start3A_31 = tpu.memref_slice %arg6[%dma_start3A_29, %dma_start3A_30] : memref<31x128xf32, #tpu.memory_space<hbm>> -> memref<31x128xf32, #tpu.memory_space<hbm>>
    tpu.enqueue_indirect_dma source(%dma_start3A_31 : memref<31x128xf32, #tpu.memory_space<hbm>>) target(%arg35 : memref<128x128xf32, #tpu.memory_space<vmem>>) offsets(%dma_start3A_28 : memref<128xi32, #tpu.memory_space<vmem>>) semaphore(%arg38 : memref<!tpu.dma_semaphore, #tpu.memory_space<semaphore_mem>>)
    %dma_start3A_32 = arith.constant 4 : i32
    %dma_start3A_33 = arith.constant 0 : i32
    %dma_start3A_34 = tpu.memref_slice %arg31[%dma_start3A_32, %dma_start3A_33] : memref<14x512xi32, #tpu.memory_space<vmem>> -> memref<1x128xi32, #tpu.memory_space<vmem>>
    %dma_start3A_35 = tpu.memref_squeeze %dma_start3A_34 : memref<1x128xi32, #tpu.memory_space<vmem>> -> memref<128xi32, #tpu.memory_space<vmem>>
    %dma_start3A_36 = arith.constant 0 : i32
    %dma_start3A_37 = arith.constant 0 : i32
    %dma_start3A_38 = tpu.memref_slice %arg7[%dma_start3A_36, %dma_start3A_37] : memref<24x128xf32, #tpu.memory_space<hbm>> -> memref<24x128xf32, #tpu.memory_space<hbm>>
    tpu.enqueue_indirect_dma source(%dma_start3A_38 : memref<24x128xf32, #tpu.memory_space<hbm>>) target(%arg36 : memref<128x128xf32, #tpu.memory_space<vmem>>) offsets(%dma_start3A_35 : memref<128xi32, #tpu.memory_space<vmem>>) semaphore(%arg38 : memref<!tpu.dma_semaphore, #tpu.memory_space<semaphore_mem>>)
    %dma_start3A_39 = arith.constant 5 : i32
    %dma_start3A_40 = arith.constant 0 : i32
    %dma_start3A_41 = tpu.memref_slice %arg31[%dma_start3A_39, %dma_start3A_40] : memref<14x512xi32, #tpu.memory_space<vmem>> -> memref<1x128xi32, #tpu.memory_space<vmem>>
    %dma_start3A_42 = tpu.memref_squeeze %dma_start3A_41 : memref<1x128xi32, #tpu.memory_space<vmem>> -> memref<128xi32, #tpu.memory_space<vmem>>
    %dma_start3A_43 = arith.constant 0 : i32
    %dma_start3A_44 = arith.constant 0 : i32
    %dma_start3A_45 = tpu.memref_slice %arg8[%dma_start3A_43, %dma_start3A_44] : memref<7x128xf32, #tpu.memory_space<hbm>> -> memref<7x128xf32, #tpu.memory_space<hbm>>
    tpu.enqueue_indirect_dma source(%dma_start3A_45 : memref<7x128xf32, #tpu.memory_space<hbm>>) target(%arg37 : memref<128x128xf32, #tpu.memory_space<vmem>>) offsets(%dma_start3A_42 : memref<128xi32, #tpu.memory_space<vmem>>) semaphore(%arg38 : memref<!tpu.dma_semaphore, #tpu.memory_space<semaphore_mem>>)
    %dma_wait3A = arith.constant 0 : i32
    %dma_wait3A_46 = arith.constant 0 : i32
    %dma_wait3A_47 = tpu.memref_slice %arg31[%dma_wait3A, %dma_wait3A_46] : memref<14x512xi32, #tpu.memory_space<vmem>> -> memref<1x128xi32, #tpu.memory_space<vmem>>
    %dma_wait3A_48 = tpu.memref_squeeze %dma_wait3A_47 : memref<1x128xi32, #tpu.memory_space<vmem>> -> memref<128xi32, #tpu.memory_space<vmem>>
    %dma_wait3A_49 = arith.constant 0 : i32
    %dma_wait3A_50 = arith.constant 0 : i32
    %dma_wait3A_51 = tpu.memref_slice %arg3[%dma_wait3A_49, %dma_wait3A_50] : memref<100x256xf32, #tpu.memory_space<hbm>> -> memref<100x256xf32, #tpu.memory_space<hbm>>
    tpu.wait_indirect_dma semaphore(%arg38 : memref<!tpu.dma_semaphore, #tpu.memory_space<semaphore_mem>>) src(%dma_wait3A_51 : memref<100x256xf32, #tpu.memory_space<hbm>>) dst(%arg32 : memref<128x256xf32, #tpu.memory_space<vmem>>)
    %dma_start3A_52 = arith.constant 0 : i32
    %dma_start3A_53 = tpu.memref_slice %arg17[%add3A_4, %dma_start3A_52] : memref<16384x256xf32, #tpu.memory_space<hbm>> -> memref<128x256xf32, #tpu.memory_space<hbm>>
    %dma_start3A_54 = arith.constant 0 : i32
    %dma_start3A_55 = tpu.memref_slice %arg17[%add3A_4, %dma_start3A_54] : memref<16384x256xf32, #tpu.memory_space<hbm>> -> memref<128x256xf32, #tpu.memory_space<hbm>>
    tpu.enqueue_dma source(%arg32 : memref<128x256xf32, #tpu.memory_space<vmem>>) target(%dma_start3A_55 : memref<128x256xf32, #tpu.memory_space<hbm>>) target_semaphore(%arg44 : memref<!tpu.dma_semaphore, #tpu.memory_space<semaphore_mem>>)
    %dma_wait3A_56 = arith.constant 1 : i32
    %dma_wait3A_57 = arith.constant 0 : i32
    %dma_wait3A_58 = tpu.memref_slice %arg31[%dma_wait3A_56, %dma_wait3A_57] : memref<14x512xi32, #tpu.memory_space<vmem>> -> memref<1x128xi32, #tpu.memory_space<vmem>>
    %dma_wait3A_59 = tpu.memref_squeeze %dma_wait3A_58 : memref<1x128xi32, #tpu.memory_space<vmem>> -> memref<128xi32, #tpu.memory_space<vmem>>
    %dma_wait3A_60 = arith.constant 0 : i32
    %dma_wait3A_61 = arith.constant 0 : i32
    %dma_wait3A_62 = tpu.memref_slice %arg4[%dma_wait3A_60, %dma_wait3A_61] : memref<3x128xf32, #tpu.memory_space<hbm>> -> memref<3x128xf32, #tpu.memory_space<hbm>>
    tpu.wait_indirect_dma semaphore(%arg38 : memref<!tpu.dma_semaphore, #tpu.memory_space<semaphore_mem>>) src(%dma_wait3A_62 : memref<3x128xf32, #tpu.memory_space<hbm>>) dst(%arg33 : memref<128x128xf32, #tpu.memory_space<vmem>>)
    %dma_start3A_63 = arith.constant 0 : i32
    %dma_start3A_64 = tpu.memref_slice %arg18[%add3A_4, %dma_start3A_63] : memref<16384x128xf32, #tpu.memory_space<hbm>> -> memref<128x128xf32, #tpu.memory_space<hbm>>
    %dma_start3A_65 = arith.constant 0 : i32
    %dma_start3A_66 = tpu.memref_slice %arg18[%add3A_4, %dma_start3A_65] : memref<16384x128xf32, #tpu.memory_space<hbm>> -> memref<128x128xf32, #tpu.memory_space<hbm>>
    tpu.enqueue_dma source(%arg33 : memref<128x128xf32, #tpu.memory_space<vmem>>) target(%dma_start3A_66 : memref<128x128xf32, #tpu.memory_space<hbm>>) target_semaphore(%arg39 : memref<!tpu.dma_semaphore, #tpu.memory_space<semaphore_mem>>)
    %dma_wait3A_67 = arith.constant 2 : i32
    %dma_wait3A_68 = arith.constant 0 : i32
    %dma_wait3A_69 = tpu.memref_slice %arg31[%dma_wait3A_67, %dma_wait3A_68] : memref<14x512xi32, #tpu.memory_space<vmem>> -> memref<1x128xi32, #tpu.memory_space<vmem>>
    %dma_wait3A_70 = tpu.memref_squeeze %dma_wait3A_69 : memref<1x128xi32, #tpu.memory_space<vmem>> -> memref<128xi32, #tpu.memory_space<vmem>>
    %dma_wait3A_71 = arith.constant 0 : i32
    %dma_wait3A_72 = arith.constant 0 : i32
    %dma_wait3A_73 = tpu.memref_slice %arg5[%dma_wait3A_71, %dma_wait3A_72] : memref<12x128xf32, #tpu.memory_space<hbm>> -> memref<12x128xf32, #tpu.memory_space<hbm>>
    tpu.wait_indirect_dma semaphore(%arg38 : memref<!tpu.dma_semaphore, #tpu.memory_space<semaphore_mem>>) src(%dma_wait3A_73 : memref<12x128xf32, #tpu.memory_space<hbm>>) dst(%arg34 : memref<128x128xf32, #tpu.memory_space<vmem>>)
    %dma_start3A_74 = arith.constant 0 : i32
    %dma_start3A_75 = tpu.memref_slice %arg19[%add3A_4, %dma_start3A_74] : memref<16384x128xf32, #tpu.memory_space<hbm>> -> memref<128x128xf32, #tpu.memory_space<hbm>>
    %dma_start3A_76 = arith.constant 0 : i32
    %dma_start3A_77 = tpu.memref_slice %arg19[%add3A_4, %dma_start3A_76] : memref<16384x128xf32, #tpu.memory_space<hbm>> -> memref<128x128xf32, #tpu.memory_space<hbm>>
    tpu.enqueue_dma source(%arg34 : memref<128x128xf32, #tpu.memory_space<vmem>>) target(%dma_start3A_77 : memref<128x128xf32, #tpu.memory_space<hbm>>) target_semaphore(%arg40 : memref<!tpu.dma_semaphore, #tpu.memory_space<semaphore_mem>>)
    %dma_wait3A_78 = arith.constant 3 : i32
    %dma_wait3A_79 = arith.constant 0 : i32
    %dma_wait3A_80 = tpu.memref_slice %arg31[%dma_wait3A_78, %dma_wait3A_79] : memref<14x512xi32, #tpu.memory_space<vmem>> -> memref<1x128xi32, #tpu.memory_space<vmem>>
    %dma_wait3A_81 = tpu.memref_squeeze %dma_wait3A_80 : memref<1x128xi32, #tpu.memory_space<vmem>> -> memref<128xi32, #tpu.memory_space<vmem>>
    %dma_wait3A_82 = arith.constant 0 : i32
    %dma_wait3A_83 = arith.constant 0 : i32
    %dma_wait3A_84 = tpu.memref_slice %arg6[%dma_wait3A_82, %dma_wait3A_83] : memref<31x128xf32, #tpu.memory_space<hbm>> -> memref<31x128xf32, #tpu.memory_space<hbm>>
    tpu.wait_indirect_dma semaphore(%arg38 : memref<!tpu.dma_semaphore, #tpu.memory_space<semaphore_mem>>) src(%dma_wait3A_84 : memref<31x128xf32, #tpu.memory_space<hbm>>) dst(%arg35 : memref<128x128xf32, #tpu.memory_space<vmem>>)
    %dma_start3A_85 = arith.constant 0 : i32
    %dma_start3A_86 = tpu.memref_slice %arg20[%add3A_4, %dma_start3A_85] : memref<16384x128xf32, #tpu.memory_space<hbm>> -> memref<128x128xf32, #tpu.memory_space<hbm>>
    %dma_start3A_87 = arith.constant 0 : i32
    %dma_start3A_88 = tpu.memref_slice %arg20[%add3A_4, %dma_start3A_87] : memref<16384x128xf32, #tpu.memory_space<hbm>> -> memref<128x128xf32, #tpu.memory_space<hbm>>
    tpu.enqueue_dma source(%arg35 : memref<128x128xf32, #tpu.memory_space<vmem>>) target(%dma_start3A_88 : memref<128x128xf32, #tpu.memory_space<hbm>>) target_semaphore(%arg41 : memref<!tpu.dma_semaphore, #tpu.memory_space<semaphore_mem>>)
    %dma_wait3A_89 = arith.constant 4 : i32
    %dma_wait3A_90 = arith.constant 0 : i32
    %dma_wait3A_91 = tpu.memref_slice %arg31[%dma_wait3A_89, %dma_wait3A_90] : memref<14x512xi32, #tpu.memory_space<vmem>> -> memref<1x128xi32, #tpu.memory_space<vmem>>
    %dma_wait3A_92 = tpu.memref_squeeze %dma_wait3A_91 : memref<1x128xi32, #tpu.memory_space<vmem>> -> memref<128xi32, #tpu.memory_space<vmem>>
    %dma_wait3A_93 = arith.constant 0 : i32
    %dma_wait3A_94 = arith.constant 0 : i32
    %dma_wait3A_95 = tpu.memref_slice %arg7[%dma_wait3A_93, %dma_wait3A_94] : memref<24x128xf32, #tpu.memory_space<hbm>> -> memref<24x128xf32, #tpu.memory_space<hbm>>
    tpu.wait_indirect_dma semaphore(%arg38 : memref<!tpu.dma_semaphore, #tpu.memory_space<semaphore_mem>>) src(%dma_wait3A_95 : memref<24x128xf32, #tpu.memory_space<hbm>>) dst(%arg36 : memref<128x128xf32, #tpu.memory_space<vmem>>)
    %dma_start3A_96 = arith.constant 0 : i32
    %dma_start3A_97 = tpu.memref_slice %arg21[%add3A_4, %dma_start3A_96] : memref<16384x128xf32, #tpu.memory_space<hbm>> -> memref<128x128xf32, #tpu.memory_space<hbm>>
    %dma_start3A_98 = arith.constant 0 : i32
    %dma_start3A_99 = tpu.memref_slice %arg21[%add3A_4, %dma_start3A_98] : memref<16384x128xf32, #tpu.memory_space<hbm>> -> memref<128x128xf32, #tpu.memory_space<hbm>>
    tpu.enqueue_dma source(%arg36 : memref<128x128xf32, #tpu.memory_space<vmem>>) target(%dma_start3A_99 : memref<128x128xf32, #tpu.memory_space<hbm>>) target_semaphore(%arg42 : memref<!tpu.dma_semaphore, #tpu.memory_space<semaphore_mem>>)
    %dma_wait3A_100 = arith.constant 5 : i32
    %dma_wait3A_101 = arith.constant 0 : i32
    %dma_wait3A_102 = tpu.memref_slice %arg31[%dma_wait3A_100, %dma_wait3A_101] : memref<14x512xi32, #tpu.memory_space<vmem>> -> memref<1x128xi32, #tpu.memory_space<vmem>>
    %dma_wait3A_103 = tpu.memref_squeeze %dma_wait3A_102 : memref<1x128xi32, #tpu.memory_space<vmem>> -> memref<128xi32, #tpu.memory_space<vmem>>
    %dma_wait3A_104 = arith.constant 0 : i32
    %dma_wait3A_105 = arith.constant 0 : i32
    %dma_wait3A_106 = tpu.memref_slice %arg8[%dma_wait3A_104, %dma_wait3A_105] : memref<7x128xf32, #tpu.memory_space<hbm>> -> memref<7x128xf32, #tpu.memory_space<hbm>>
    tpu.wait_indirect_dma semaphore(%arg38 : memref<!tpu.dma_semaphore, #tpu.memory_space<semaphore_mem>>) src(%dma_wait3A_106 : memref<7x128xf32, #tpu.memory_space<hbm>>) dst(%arg37 : memref<128x128xf32, #tpu.memory_space<vmem>>)
    %dma_start3A_107 = arith.constant 0 : i32
    %dma_start3A_108 = tpu.memref_slice %arg22[%add3A_4, %dma_start3A_107] : memref<16384x128xf32, #tpu.memory_space<hbm>> -> memref<128x128xf32, #tpu.memory_space<hbm>>
    %dma_start3A_109 = arith.constant 0 : i32
    %dma_start3A_110 = tpu.memref_slice %arg22[%add3A_4, %dma_start3A_109] : memref<16384x128xf32, #tpu.memory_space<hbm>> -> memref<128x128xf32, #tpu.memory_space<hbm>>
    tpu.enqueue_dma source(%arg37 : memref<128x128xf32, #tpu.memory_space<vmem>>) target(%dma_start3A_110 : memref<128x128xf32, #tpu.memory_space<hbm>>) target_semaphore(%arg43 : memref<!tpu.dma_semaphore, #tpu.memory_space<semaphore_mem>>)
    %dma_wait3A_111 = arith.constant 0 : i32
    %dma_wait3A_112 = tpu.memref_slice %arg18[%add3A_4, %dma_wait3A_111] : memref<16384x128xf32, #tpu.memory_space<hbm>> -> memref<128x128xf32, #tpu.memory_space<hbm>>
    %dma_wait3A_113 = arith.constant 0 : i32
    %dma_wait3A_114 = tpu.memref_slice %arg18[%add3A_4, %dma_wait3A_113] : memref<16384x128xf32, #tpu.memory_space<hbm>> -> memref<128x128xf32, #tpu.memory_space<hbm>>
    tpu.wait_dma2 semaphore(%arg39 : memref<!tpu.dma_semaphore, #tpu.memory_space<semaphore_mem>>) src(%arg33 : memref<128x128xf32, #tpu.memory_space<vmem>>) dst(%dma_wait3A_114 : memref<128x128xf32, #tpu.memory_space<hbm>>)
    %dma_wait3A_115 = arith.constant 0 : i32
    %dma_wait3A_116 = tpu.memref_slice %arg19[%add3A_4, %dma_wait3A_115] : memref<16384x128xf32, #tpu.memory_space<hbm>> -> memref<128x128xf32, #tpu.memory_space<hbm>>
    %dma_wait3A_117 = arith.constant 0 : i32
    %dma_wait3A_118 = tpu.memref_slice %arg19[%add3A_4, %dma_wait3A_117] : memref<16384x128xf32, #tpu.memory_space<hbm>> -> memref<128x128xf32, #tpu.memory_space<hbm>>
    tpu.wait_dma2 semaphore(%arg40 : memref<!tpu.dma_semaphore, #tpu.memory_space<semaphore_mem>>) src(%arg34 : memref<128x128xf32, #tpu.memory_space<vmem>>) dst(%dma_wait3A_118 : memref<128x128xf32, #tpu.memory_space<hbm>>)
    %dma_wait3A_119 = arith.constant 0 : i32
    %dma_wait3A_120 = tpu.memref_slice %arg20[%add3A_4, %dma_wait3A_119] : memref<16384x128xf32, #tpu.memory_space<hbm>> -> memref<128x128xf32, #tpu.memory_space<hbm>>
    %dma_wait3A_121 = arith.constant 0 : i32
    %dma_wait3A_122 = tpu.memref_slice %arg20[%add3A_4, %dma_wait3A_121] : memref<16384x128xf32, #tpu.memory_space<hbm>> -> memref<128x128xf32, #tpu.memory_space<hbm>>
    tpu.wait_dma2 semaphore(%arg41 : memref<!tpu.dma_semaphore, #tpu.memory_space<semaphore_mem>>) src(%arg35 : memref<128x128xf32, #tpu.memory_space<vmem>>) dst(%dma_wait3A_122 : memref<128x128xf32, #tpu.memory_space<hbm>>)
    %dma_wait3A_123 = arith.constant 0 : i32
    %dma_wait3A_124 = tpu.memref_slice %arg21[%add3A_4, %dma_wait3A_123] : memref<16384x128xf32, #tpu.memory_space<hbm>> -> memref<128x128xf32, #tpu.memory_space<hbm>>
    %dma_wait3A_125 = arith.constant 0 : i32
    %dma_wait3A_126 = tpu.memref_slice %arg21[%add3A_4, %dma_wait3A_125] : memref<16384x128xf32, #tpu.memory_space<hbm>> -> memref<128x128xf32, #tpu.memory_space<hbm>>
    tpu.wait_dma2 semaphore(%arg42 : memref<!tpu.dma_semaphore, #tpu.memory_space<semaphore_mem>>) src(%arg36 : memref<128x128xf32, #tpu.memory_space<vmem>>) dst(%dma_wait3A_126 : memref<128x128xf32, #tpu.memory_space<hbm>>)
    %dma_wait3A_127 = arith.constant 0 : i32
    %dma_wait3A_128 = tpu.memref_slice %arg22[%add3A_4, %dma_wait3A_127] : memref<16384x128xf32, #tpu.memory_space<hbm>> -> memref<128x128xf32, #tpu.memory_space<hbm>>
    %dma_wait3A_129 = arith.constant 0 : i32
    %dma_wait3A_130 = tpu.memref_slice %arg22[%add3A_4, %dma_wait3A_129] : memref<16384x128xf32, #tpu.memory_space<hbm>> -> memref<128x128xf32, #tpu.memory_space<hbm>>
    tpu.wait_dma2 semaphore(%arg43 : memref<!tpu.dma_semaphore, #tpu.memory_space<semaphore_mem>>) src(%arg37 : memref<128x128xf32, #tpu.memory_space<vmem>>) dst(%dma_wait3A_130 : memref<128x128xf32, #tpu.memory_space<hbm>>)
    %dma_wait3A_131 = arith.constant 0 : i32
    %dma_wait3A_132 = tpu.memref_slice %arg17[%add3A_4, %dma_wait3A_131] : memref<16384x256xf32, #tpu.memory_space<hbm>> -> memref<128x256xf32, #tpu.memory_space<hbm>>
    %dma_wait3A_133 = arith.constant 0 : i32
    %dma_wait3A_134 = tpu.memref_slice %arg17[%add3A_4, %dma_wait3A_133] : memref<16384x256xf32, #tpu.memory_space<hbm>> -> memref<128x256xf32, #tpu.memory_space<hbm>>
    tpu.wait_dma2 semaphore(%arg44 : memref<!tpu.dma_semaphore, #tpu.memory_space<semaphore_mem>>) src(%arg32 : memref<128x256xf32, #tpu.memory_space<vmem>>) dst(%dma_wait3A_134 : memref<128x256xf32, #tpu.memory_space<hbm>>)
    %dma_start3A_135 = arith.constant 6 : i32
    %dma_start3A_136 = arith.constant 0 : i32
    %dma_start3A_137 = tpu.memref_slice %arg31[%dma_start3A_135, %dma_start3A_136] : memref<14x512xi32, #tpu.memory_space<vmem>> -> memref<1x128xi32, #tpu.memory_space<vmem>>
    %dma_start3A_138 = tpu.memref_squeeze %dma_start3A_137 : memref<1x128xi32, #tpu.memory_space<vmem>> -> memref<128xi32, #tpu.memory_space<vmem>>
    %dma_start3A_139 = arith.constant 0 : i32
    %dma_start3A_140 = arith.constant 0 : i32
    %dma_start3A_141 = tpu.memref_slice %arg9[%dma_start3A_139, %dma_start3A_140] : memref<281x128xf32, #tpu.memory_space<hbm>> -> memref<281x128xf32, #tpu.memory_space<hbm>>
    tpu.enqueue_indirect_dma source(%dma_start3A_141 : memref<281x128xf32, #tpu.memory_space<hbm>>) target(%arg33 : memref<128x128xf32, #tpu.memory_space<vmem>>) offsets(%dma_start3A_138 : memref<128xi32, #tpu.memory_space<vmem>>) semaphore(%arg38 : memref<!tpu.dma_semaphore, #tpu.memory_space<semaphore_mem>>)
    %dma_start3A_142 = arith.constant 7 : i32
    %dma_start3A_143 = arith.constant 0 : i32
    %dma_start3A_144 = tpu.memref_slice %arg31[%dma_start3A_142, %dma_start3A_143] : memref<14x512xi32, #tpu.memory_space<vmem>> -> memref<1x128xi32, #tpu.memory_space<vmem>>
    %dma_start3A_145 = tpu.memref_squeeze %dma_start3A_144 : memref<1x128xi32, #tpu.memory_space<vmem>> -> memref<128xi32, #tpu.memory_space<vmem>>
    %dma_start3A_146 = arith.constant 0 : i32
    %dma_start3A_147 = arith.constant 0 : i32
    %dma_start3A_148 = tpu.memref_slice %arg10[%dma_start3A_146, %dma_start3A_147] : memref<81x128xf32, #tpu.memory_space<hbm>> -> memref<81x128xf32, #tpu.memory_space<hbm>>
    tpu.enqueue_indirect_dma source(%dma_start3A_148 : memref<81x128xf32, #tpu.memory_space<hbm>>) target(%arg34 : memref<128x128xf32, #tpu.memory_space<vmem>>) offsets(%dma_start3A_145 : memref<128xi32, #tpu.memory_space<vmem>>) semaphore(%arg38 : memref<!tpu.dma_semaphore, #tpu.memory_space<semaphore_mem>>)
    %dma_start3A_149 = arith.constant 8 : i32
    %dma_start3A_150 = arith.constant 0 : i32
    %dma_start3A_151 = tpu.memref_slice %arg31[%dma_start3A_149, %dma_start3A_150] : memref<14x512xi32, #tpu.memory_space<vmem>> -> memref<1x128xi32, #tpu.memory_space<vmem>>
    %dma_start3A_152 = tpu.memref_squeeze %dma_start3A_151 : memref<1x128xi32, #tpu.memory_space<vmem>> -> memref<128xi32, #tpu.memory_space<vmem>>
    %dma_start3A_153 = arith.constant 0 : i32
    %dma_start3A_154 = arith.constant 0 : i32
    %dma_start3A_155 = tpu.memref_slice %arg11[%dma_start3A_153, %dma_start3A_154] : memref<46x128xf32, #tpu.memory_space<hbm>> -> memref<46x128xf32, #tpu.memory_space<hbm>>
    tpu.enqueue_indirect_dma source(%dma_start3A_155 : memref<46x128xf32, #tpu.memory_space<hbm>>) target(%arg35 : memref<128x128xf32, #tpu.memory_space<vmem>>) offsets(%dma_start3A_152 : memref<128xi32, #tpu.memory_space<vmem>>) semaphore(%arg38 : memref<!tpu.dma_semaphore, #tpu.memory_space<semaphore_mem>>)
    %dma_start3A_156 = arith.constant 9 : i32
    %dma_start3A_157 = arith.constant 0 : i32
    %dma_start3A_158 = tpu.memref_slice %arg31[%dma_start3A_156, %dma_start3A_157] : memref<14x512xi32, #tpu.memory_space<vmem>> -> memref<1x128xi32, #tpu.memory_space<vmem>>
    %dma_start3A_159 = tpu.memref_squeeze %dma_start3A_158 : memref<1x128xi32, #tpu.memory_space<vmem>> -> memref<128xi32, #tpu.memory_space<vmem>>
    %dma_start3A_160 = arith.constant 0 : i32
    %dma_start3A_161 = arith.constant 0 : i32
    %dma_start3A_162 = tpu.memref_slice %arg12[%dma_start3A_160, %dma_start3A_161] : memref<13x128xf32, #tpu.memory_space<hbm>> -> memref<13x128xf32, #tpu.memory_space<hbm>>
    tpu.enqueue_indirect_dma source(%dma_start3A_162 : memref<13x128xf32, #tpu.memory_space<hbm>>) target(%arg36 : memref<128x128xf32, #tpu.memory_space<vmem>>) offsets(%dma_start3A_159 : memref<128xi32, #tpu.memory_space<vmem>>) semaphore(%arg38 : memref<!tpu.dma_semaphore, #tpu.memory_space<semaphore_mem>>)
    %dma_start3A_163 = arith.constant 10 : i32
    %dma_start3A_164 = arith.constant 0 : i32
    %dma_start3A_165 = tpu.memref_slice %arg31[%dma_start3A_163, %dma_start3A_164] : memref<14x512xi32, #tpu.memory_space<vmem>> -> memref<1x128xi32, #tpu.memory_space<vmem>>
    %dma_start3A_166 = tpu.memref_squeeze %dma_start3A_165 : memref<1x128xi32, #tpu.memory_space<vmem>> -> memref<128xi32, #tpu.memory_space<vmem>>
    %dma_start3A_167 = arith.constant 0 : i32
    %dma_start3A_168 = arith.constant 0 : i32
    %dma_start3A_169 = tpu.memref_slice %arg13[%dma_start3A_167, %dma_start3A_168] : memref<9x128xf32, #tpu.memory_space<hbm>> -> memref<9x128xf32, #tpu.memory_space<hbm>>
    tpu.enqueue_indirect_dma source(%dma_start3A_169 : memref<9x128xf32, #tpu.memory_space<hbm>>) target(%arg37 : memref<128x128xf32, #tpu.memory_space<vmem>>) offsets(%dma_start3A_166 : memref<128xi32, #tpu.memory_space<vmem>>) semaphore(%arg38 : memref<!tpu.dma_semaphore, #tpu.memory_space<semaphore_mem>>)
    %dma_start3A_170 = arith.constant 11 : i32
    %dma_start3A_171 = arith.constant 0 : i32
    %dma_start3A_172 = arith.constant 0 : i32
    %dma_start3A_173 = tpu.memref_slice %arg32[%dma_start3A_171, %dma_start3A_172] : memref<128x256xf32, #tpu.memory_space<vmem>> -> memref<128x128xf32, #tpu.memory_space<vmem>>
    %dma_start3A_174 = arith.constant 0 : i32
    %dma_start3A_175 = tpu.memref_slice %arg31[%dma_start3A_170, %dma_start3A_174] : memref<14x512xi32, #tpu.memory_space<vmem>> -> memref<1x128xi32, #tpu.memory_space<vmem>>
    %dma_start3A_176 = tpu.memref_squeeze %dma_start3A_175 : memref<1x128xi32, #tpu.memory_space<vmem>> -> memref<128xi32, #tpu.memory_space<vmem>>
    %dma_start3A_177 = arith.constant 0 : i32
    %dma_start3A_178 = arith.constant 0 : i32
    %dma_start3A_179 = tpu.memref_slice %arg14[%dma_start3A_177, %dma_start3A_178] : memref<10x128xf32, #tpu.memory_space<hbm>> -> memref<10x128xf32, #tpu.memory_space<hbm>>
    tpu.enqueue_indirect_dma source(%dma_start3A_179 : memref<10x128xf32, #tpu.memory_space<hbm>>) target(%dma_start3A_173 : memref<128x128xf32, #tpu.memory_space<vmem>>) offsets(%dma_start3A_176 : memref<128xi32, #tpu.memory_space<vmem>>) semaphore(%arg38 : memref<!tpu.dma_semaphore, #tpu.memory_space<semaphore_mem>>)
    %dma_start3A_180 = arith.constant 12 : i32
    %dma_start3A_181 = arith.constant 0 : i32
    %dma_start3A_182 = arith.constant 128 : i32
    %dma_start3A_183 = tpu.memref_slice %arg32[%dma_start3A_181, %dma_start3A_182] : memref<128x256xf32, #tpu.memory_space<vmem>> -> memref<128x128xf32, #tpu.memory_space<vmem>>
    %dma_start3A_184 = arith.constant 0 : i32
    %dma_start3A_185 = tpu.memref_slice %arg31[%dma_start3A_180, %dma_start3A_184] : memref<14x512xi32, #tpu.memory_space<vmem>> -> memref<1x128xi32, #tpu.memory_space<vmem>>
    %dma_start3A_186 = tpu.memref_squeeze %dma_start3A_185 : memref<1x128xi32, #tpu.memory_space<vmem>> -> memref<128xi32, #tpu.memory_space<vmem>>
    %dma_start3A_187 = arith.constant 0 : i32
    %dma_start3A_188 = arith.constant 0 : i32
    %dma_start3A_189 = tpu.memref_slice %arg15[%dma_start3A_187, %dma_start3A_188] : memref<10x128xf32, #tpu.memory_space<hbm>> -> memref<10x128xf32, #tpu.memory_space<hbm>>
    tpu.enqueue_indirect_dma source(%dma_start3A_189 : memref<10x128xf32, #tpu.memory_space<hbm>>) target(%dma_start3A_183 : memref<128x128xf32, #tpu.memory_space<vmem>>) offsets(%dma_start3A_186 : memref<128xi32, #tpu.memory_space<vmem>>) semaphore(%arg38 : memref<!tpu.dma_semaphore, #tpu.memory_space<semaphore_mem>>)
    %dma_wait3A_190 = arith.constant 6 : i32
    %dma_wait3A_191 = arith.constant 0 : i32
    %dma_wait3A_192 = tpu.memref_slice %arg31[%dma_wait3A_190, %dma_wait3A_191] : memref<14x512xi32, #tpu.memory_space<vmem>> -> memref<1x128xi32, #tpu.memory_space<vmem>>
    %dma_wait3A_193 = tpu.memref_squeeze %dma_wait3A_192 : memref<1x128xi32, #tpu.memory_space<vmem>> -> memref<128xi32, #tpu.memory_space<vmem>>
    %dma_wait3A_194 = arith.constant 0 : i32
    %dma_wait3A_195 = arith.constant 0 : i32
    %dma_wait3A_196 = tpu.memref_slice %arg9[%dma_wait3A_194, %dma_wait3A_195] : memref<281x128xf32, #tpu.memory_space<hbm>> -> memref<281x128xf32, #tpu.memory_space<hbm>>
    tpu.wait_indirect_dma semaphore(%arg38 : memref<!tpu.dma_semaphore, #tpu.memory_space<semaphore_mem>>) src(%dma_wait3A_196 : memref<281x128xf32, #tpu.memory_space<hbm>>) dst(%arg33 : memref<128x128xf32, #tpu.memory_space<vmem>>)
    %dma_start3A_197 = arith.constant 0 : i32
    %dma_start3A_198 = tpu.memref_slice %arg23[%add3A_4, %dma_start3A_197] : memref<16384x128xf32, #tpu.memory_space<hbm>> -> memref<128x128xf32, #tpu.memory_space<hbm>>
    %dma_start3A_199 = arith.constant 0 : i32
    %dma_start3A_200 = tpu.memref_slice %arg23[%add3A_4, %dma_start3A_199] : memref<16384x128xf32, #tpu.memory_space<hbm>> -> memref<128x128xf32, #tpu.memory_space<hbm>>
    tpu.enqueue_dma source(%arg33 : memref<128x128xf32, #tpu.memory_space<vmem>>) target(%dma_start3A_200 : memref<128x128xf32, #tpu.memory_space<hbm>>) target_semaphore(%arg39 : memref<!tpu.dma_semaphore, #tpu.memory_space<semaphore_mem>>)
    %dma_wait3A_201 = arith.constant 7 : i32
    %dma_wait3A_202 = arith.constant 0 : i32
    %dma_wait3A_203 = tpu.memref_slice %arg31[%dma_wait3A_201, %dma_wait3A_202] : memref<14x512xi32, #tpu.memory_space<vmem>> -> memref<1x128xi32, #tpu.memory_space<vmem>>
    %dma_wait3A_204 = tpu.memref_squeeze %dma_wait3A_203 : memref<1x128xi32, #tpu.memory_space<vmem>> -> memref<128xi32, #tpu.memory_space<vmem>>
    %dma_wait3A_205 = arith.constant 0 : i32
    %dma_wait3A_206 = arith.constant 0 : i32
    %dma_wait3A_207 = tpu.memref_slice %arg10[%dma_wait3A_205, %dma_wait3A_206] : memref<81x128xf32, #tpu.memory_space<hbm>> -> memref<81x128xf32, #tpu.memory_space<hbm>>
    tpu.wait_indirect_dma semaphore(%arg38 : memref<!tpu.dma_semaphore, #tpu.memory_space<semaphore_mem>>) src(%dma_wait3A_207 : memref<81x128xf32, #tpu.memory_space<hbm>>) dst(%arg34 : memref<128x128xf32, #tpu.memory_space<vmem>>)
    %dma_start3A_208 = arith.constant 0 : i32
    %dma_start3A_209 = tpu.memref_slice %arg24[%add3A_4, %dma_start3A_208] : memref<16384x128xf32, #tpu.memory_space<hbm>> -> memref<128x128xf32, #tpu.memory_space<hbm>>
    %dma_start3A_210 = arith.constant 0 : i32
    %dma_start3A_211 = tpu.memref_slice %arg24[%add3A_4, %dma_start3A_210] : memref<16384x128xf32, #tpu.memory_space<hbm>> -> memref<128x128xf32, #tpu.memory_space<hbm>>
    tpu.enqueue_dma source(%arg34 : memref<128x128xf32, #tpu.memory_space<vmem>>) target(%dma_start3A_211 : memref<128x128xf32, #tpu.memory_space<hbm>>) target_semaphore(%arg40 : memref<!tpu.dma_semaphore, #tpu.memory_space<semaphore_mem>>)
    %dma_wait3A_212 = arith.constant 8 : i32
    %dma_wait3A_213 = arith.constant 0 : i32
    %dma_wait3A_214 = tpu.memref_slice %arg31[%dma_wait3A_212, %dma_wait3A_213] : memref<14x512xi32, #tpu.memory_space<vmem>> -> memref<1x128xi32, #tpu.memory_space<vmem>>
    %dma_wait3A_215 = tpu.memref_squeeze %dma_wait3A_214 : memref<1x128xi32, #tpu.memory_space<vmem>> -> memref<128xi32, #tpu.memory_space<vmem>>
    %dma_wait3A_216 = arith.constant 0 : i32
    %dma_wait3A_217 = arith.constant 0 : i32
    %dma_wait3A_218 = tpu.memref_slice %arg11[%dma_wait3A_216, %dma_wait3A_217] : memref<46x128xf32, #tpu.memory_space<hbm>> -> memref<46x128xf32, #tpu.memory_space<hbm>>
    tpu.wait_indirect_dma semaphore(%arg38 : memref<!tpu.dma_semaphore, #tpu.memory_space<semaphore_mem>>) src(%dma_wait3A_218 : memref<46x128xf32, #tpu.memory_space<hbm>>) dst(%arg35 : memref<128x128xf32, #tpu.memory_space<vmem>>)
    %dma_start3A_219 = arith.constant 0 : i32
    %dma_start3A_220 = tpu.memref_slice %arg25[%add3A_4, %dma_start3A_219] : memref<16384x128xf32, #tpu.memory_space<hbm>> -> memref<128x128xf32, #tpu.memory_space<hbm>>
    %dma_start3A_221 = arith.constant 0 : i32
    %dma_start3A_222 = tpu.memref_slice %arg25[%add3A_4, %dma_start3A_221] : memref<16384x128xf32, #tpu.memory_space<hbm>> -> memref<128x128xf32, #tpu.memory_space<hbm>>
    tpu.enqueue_dma source(%arg35 : memref<128x128xf32, #tpu.memory_space<vmem>>) target(%dma_start3A_222 : memref<128x128xf32, #tpu.memory_space<hbm>>) target_semaphore(%arg41 : memref<!tpu.dma_semaphore, #tpu.memory_space<semaphore_mem>>)
    %dma_wait3A_223 = arith.constant 9 : i32
    %dma_wait3A_224 = arith.constant 0 : i32
    %dma_wait3A_225 = tpu.memref_slice %arg31[%dma_wait3A_223, %dma_wait3A_224] : memref<14x512xi32, #tpu.memory_space<vmem>> -> memref<1x128xi32, #tpu.memory_space<vmem>>
    %dma_wait3A_226 = tpu.memref_squeeze %dma_wait3A_225 : memref<1x128xi32, #tpu.memory_space<vmem>> -> memref<128xi32, #tpu.memory_space<vmem>>
    %dma_wait3A_227 = arith.constant 0 : i32
    %dma_wait3A_228 = arith.constant 0 : i32
    %dma_wait3A_229 = tpu.memref_slice %arg12[%dma_wait3A_227, %dma_wait3A_228] : memref<13x128xf32, #tpu.memory_space<hbm>> -> memref<13x128xf32, #tpu.memory_space<hbm>>
    tpu.wait_indirect_dma semaphore(%arg38 : memref<!tpu.dma_semaphore, #tpu.memory_space<semaphore_mem>>) src(%dma_wait3A_229 : memref<13x128xf32, #tpu.memory_space<hbm>>) dst(%arg36 : memref<128x128xf32, #tpu.memory_space<vmem>>)
    %dma_start3A_230 = arith.constant 0 : i32
    %dma_start3A_231 = tpu.memref_slice %arg26[%add3A_4, %dma_start3A_230] : memref<16384x128xf32, #tpu.memory_space<hbm>> -> memref<128x128xf32, #tpu.memory_space<hbm>>
    %dma_start3A_232 = arith.constant 0 : i32
    %dma_start3A_233 = tpu.memref_slice %arg26[%add3A_4, %dma_start3A_232] : memref<16384x128xf32, #tpu.memory_space<hbm>> -> memref<128x128xf32, #tpu.memory_space<hbm>>
    tpu.enqueue_dma source(%arg36 : memref<128x128xf32, #tpu.memory_space<vmem>>) target(%dma_start3A_233 : memref<128x128xf32, #tpu.memory_space<hbm>>) target_semaphore(%arg42 : memref<!tpu.dma_semaphore, #tpu.memory_space<semaphore_mem>>)
    %dma_wait3A_234 = arith.constant 10 : i32
    %dma_wait3A_235 = arith.constant 0 : i32
    %dma_wait3A_236 = tpu.memref_slice %arg31[%dma_wait3A_234, %dma_wait3A_235] : memref<14x512xi32, #tpu.memory_space<vmem>> -> memref<1x128xi32, #tpu.memory_space<vmem>>
    %dma_wait3A_237 = tpu.memref_squeeze %dma_wait3A_236 : memref<1x128xi32, #tpu.memory_space<vmem>> -> memref<128xi32, #tpu.memory_space<vmem>>
    %dma_wait3A_238 = arith.constant 0 : i32
    %dma_wait3A_239 = arith.constant 0 : i32
    %dma_wait3A_240 = tpu.memref_slice %arg13[%dma_wait3A_238, %dma_wait3A_239] : memref<9x128xf32, #tpu.memory_space<hbm>> -> memref<9x128xf32, #tpu.memory_space<hbm>>
    tpu.wait_indirect_dma semaphore(%arg38 : memref<!tpu.dma_semaphore, #tpu.memory_space<semaphore_mem>>) src(%dma_wait3A_240 : memref<9x128xf32, #tpu.memory_space<hbm>>) dst(%arg37 : memref<128x128xf32, #tpu.memory_space<vmem>>)
    %dma_start3A_241 = arith.constant 0 : i32
    %dma_start3A_242 = tpu.memref_slice %arg27[%add3A_4, %dma_start3A_241] : memref<16384x128xf32, #tpu.memory_space<hbm>> -> memref<128x128xf32, #tpu.memory_space<hbm>>
    %dma_start3A_243 = arith.constant 0 : i32
    %dma_start3A_244 = tpu.memref_slice %arg27[%add3A_4, %dma_start3A_243] : memref<16384x128xf32, #tpu.memory_space<hbm>> -> memref<128x128xf32, #tpu.memory_space<hbm>>
    tpu.enqueue_dma source(%arg37 : memref<128x128xf32, #tpu.memory_space<vmem>>) target(%dma_start3A_244 : memref<128x128xf32, #tpu.memory_space<hbm>>) target_semaphore(%arg43 : memref<!tpu.dma_semaphore, #tpu.memory_space<semaphore_mem>>)
    %dma_wait3A_245 = arith.constant 11 : i32
    %dma_wait3A_246 = arith.constant 0 : i32
    %dma_wait3A_247 = arith.constant 0 : i32
    %dma_wait3A_248 = tpu.memref_slice %arg32[%dma_wait3A_246, %dma_wait3A_247] : memref<128x256xf32, #tpu.memory_space<vmem>> -> memref<128x128xf32, #tpu.memory_space<vmem>>
    %dma_wait3A_249 = arith.constant 0 : i32
    %dma_wait3A_250 = tpu.memref_slice %arg31[%dma_wait3A_245, %dma_wait3A_249] : memref<14x512xi32, #tpu.memory_space<vmem>> -> memref<1x128xi32, #tpu.memory_space<vmem>>
    %dma_wait3A_251 = tpu.memref_squeeze %dma_wait3A_250 : memref<1x128xi32, #tpu.memory_space<vmem>> -> memref<128xi32, #tpu.memory_space<vmem>>
    %dma_wait3A_252 = arith.constant 0 : i32
    %dma_wait3A_253 = arith.constant 0 : i32
    %dma_wait3A_254 = tpu.memref_slice %arg14[%dma_wait3A_252, %dma_wait3A_253] : memref<10x128xf32, #tpu.memory_space<hbm>> -> memref<10x128xf32, #tpu.memory_space<hbm>>
    tpu.wait_indirect_dma semaphore(%arg38 : memref<!tpu.dma_semaphore, #tpu.memory_space<semaphore_mem>>) src(%dma_wait3A_254 : memref<10x128xf32, #tpu.memory_space<hbm>>) dst(%dma_wait3A_248 : memref<128x128xf32, #tpu.memory_space<vmem>>)
    %dma_start3A_255 = arith.constant 0 : i32
    %dma_start3A_256 = arith.constant 0 : i32
    %dma_start3A_257 = tpu.memref_slice %arg32[%dma_start3A_255, %dma_start3A_256] : memref<128x256xf32, #tpu.memory_space<vmem>> -> memref<128x128xf32, #tpu.memory_space<vmem>>
    %dma_start3A_258 = arith.constant 0 : i32
    %dma_start3A_259 = tpu.memref_slice %arg28[%add3A_4, %dma_start3A_258] : memref<16384x128xf32, #tpu.memory_space<hbm>> -> memref<128x128xf32, #tpu.memory_space<hbm>>
    %dma_start3A_260 = arith.constant 0 : i32
    %dma_start3A_261 = tpu.memref_slice %arg28[%add3A_4, %dma_start3A_260] : memref<16384x128xf32, #tpu.memory_space<hbm>> -> memref<128x128xf32, #tpu.memory_space<hbm>>
    %dma_start3A_262 = arith.constant 0 : i32
    %dma_start3A_263 = arith.constant 0 : i32
    %dma_start3A_264 = tpu.memref_slice %arg32[%dma_start3A_262, %dma_start3A_263] : memref<128x256xf32, #tpu.memory_space<vmem>> -> memref<128x128xf32, #tpu.memory_space<vmem>>
    tpu.enqueue_dma source(%dma_start3A_264 : memref<128x128xf32, #tpu.memory_space<vmem>>) target(%dma_start3A_261 : memref<128x128xf32, #tpu.memory_space<hbm>>) target_semaphore(%arg44 : memref<!tpu.dma_semaphore, #tpu.memory_space<semaphore_mem>>)
    %dma_wait3A_265 = arith.constant 12 : i32
    %dma_wait3A_266 = arith.constant 0 : i32
    %dma_wait3A_267 = arith.constant 128 : i32
    %dma_wait3A_268 = tpu.memref_slice %arg32[%dma_wait3A_266, %dma_wait3A_267] : memref<128x256xf32, #tpu.memory_space<vmem>> -> memref<128x128xf32, #tpu.memory_space<vmem>>
    %dma_wait3A_269 = arith.constant 0 : i32
    %dma_wait3A_270 = tpu.memref_slice %arg31[%dma_wait3A_265, %dma_wait3A_269] : memref<14x512xi32, #tpu.memory_space<vmem>> -> memref<1x128xi32, #tpu.memory_space<vmem>>
    %dma_wait3A_271 = tpu.memref_squeeze %dma_wait3A_270 : memref<1x128xi32, #tpu.memory_space<vmem>> -> memref<128xi32, #tpu.memory_space<vmem>>
    %dma_wait3A_272 = arith.constant 0 : i32
    %dma_wait3A_273 = arith.constant 0 : i32
    %dma_wait3A_274 = tpu.memref_slice %arg15[%dma_wait3A_272, %dma_wait3A_273] : memref<10x128xf32, #tpu.memory_space<hbm>> -> memref<10x128xf32, #tpu.memory_space<hbm>>
    tpu.wait_indirect_dma semaphore(%arg38 : memref<!tpu.dma_semaphore, #tpu.memory_space<semaphore_mem>>) src(%dma_wait3A_274 : memref<10x128xf32, #tpu.memory_space<hbm>>) dst(%dma_wait3A_268 : memref<128x128xf32, #tpu.memory_space<vmem>>)
    %dma_start3A_275 = arith.constant 0 : i32
    %dma_start3A_276 = arith.constant 128 : i32
    %dma_start3A_277 = tpu.memref_slice %arg32[%dma_start3A_275, %dma_start3A_276] : memref<128x256xf32, #tpu.memory_space<vmem>> -> memref<128x128xf32, #tpu.memory_space<vmem>>
    %dma_start3A_278 = arith.constant 0 : i32
    %dma_start3A_279 = tpu.memref_slice %arg29[%add3A_4, %dma_start3A_278] : memref<16384x128xf32, #tpu.memory_space<hbm>> -> memref<128x128xf32, #tpu.memory_space<hbm>>
    %dma_start3A_280 = arith.constant 0 : i32
    %dma_start3A_281 = tpu.memref_slice %arg29[%add3A_4, %dma_start3A_280] : memref<16384x128xf32, #tpu.memory_space<hbm>> -> memref<128x128xf32, #tpu.memory_space<hbm>>
    %dma_start3A_282 = arith.constant 0 : i32
    %dma_start3A_283 = arith.constant 128 : i32
    %dma_start3A_284 = tpu.memref_slice %arg32[%dma_start3A_282, %dma_start3A_283] : memref<128x256xf32, #tpu.memory_space<vmem>> -> memref<128x128xf32, #tpu.memory_space<vmem>>
    tpu.enqueue_dma source(%dma_start3A_284 : memref<128x128xf32, #tpu.memory_space<vmem>>) target(%dma_start3A_281 : memref<128x128xf32, #tpu.memory_space<hbm>>) target_semaphore(%arg44 : memref<!tpu.dma_semaphore, #tpu.memory_space<semaphore_mem>>)
    %dma_wait3A_285 = arith.constant 0 : i32
    %dma_wait3A_286 = tpu.memref_slice %arg23[%add3A_4, %dma_wait3A_285] : memref<16384x128xf32, #tpu.memory_space<hbm>> -> memref<128x128xf32, #tpu.memory_space<hbm>>
    %dma_wait3A_287 = arith.constant 0 : i32
    %dma_wait3A_288 = tpu.memref_slice %arg23[%add3A_4, %dma_wait3A_287] : memref<16384x128xf32, #tpu.memory_space<hbm>> -> memref<128x128xf32, #tpu.memory_space<hbm>>
    tpu.wait_dma2 semaphore(%arg39 : memref<!tpu.dma_semaphore, #tpu.memory_space<semaphore_mem>>) src(%arg33 : memref<128x128xf32, #tpu.memory_space<vmem>>) dst(%dma_wait3A_288 : memref<128x128xf32, #tpu.memory_space<hbm>>)
    %dma_start3A_289 = arith.constant 13 : i32
    %dma_start3A_290 = arith.constant 0 : i32
    %dma_start3A_291 = tpu.memref_slice %arg31[%dma_start3A_289, %dma_start3A_290] : memref<14x512xi32, #tpu.memory_space<vmem>> -> memref<1x128xi32, #tpu.memory_space<vmem>>
    %dma_start3A_292 = tpu.memref_squeeze %dma_start3A_291 : memref<1x128xi32, #tpu.memory_space<vmem>> -> memref<128xi32, #tpu.memory_space<vmem>>
    %dma_start3A_293 = arith.constant 0 : i32
    %dma_start3A_294 = arith.constant 0 : i32
    %dma_start3A_295 = tpu.memref_slice %arg16[%dma_start3A_293, %dma_start3A_294] : memref<8x128xf32, #tpu.memory_space<hbm>> -> memref<8x128xf32, #tpu.memory_space<hbm>>
    tpu.enqueue_indirect_dma source(%dma_start3A_295 : memref<8x128xf32, #tpu.memory_space<hbm>>) target(%arg33 : memref<128x128xf32, #tpu.memory_space<vmem>>) offsets(%dma_start3A_292 : memref<128xi32, #tpu.memory_space<vmem>>) semaphore(%arg38 : memref<!tpu.dma_semaphore, #tpu.memory_space<semaphore_mem>>)
    %dma_wait3A_296 = arith.constant 13 : i32
    %dma_wait3A_297 = arith.constant 0 : i32
    %dma_wait3A_298 = tpu.memref_slice %arg31[%dma_wait3A_296, %dma_wait3A_297] : memref<14x512xi32, #tpu.memory_space<vmem>> -> memref<1x128xi32, #tpu.memory_space<vmem>>
    %dma_wait3A_299 = tpu.memref_squeeze %dma_wait3A_298 : memref<1x128xi32, #tpu.memory_space<vmem>> -> memref<128xi32, #tpu.memory_space<vmem>>
    %dma_wait3A_300 = arith.constant 0 : i32
    %dma_wait3A_301 = arith.constant 0 : i32
    %dma_wait3A_302 = tpu.memref_slice %arg16[%dma_wait3A_300, %dma_wait3A_301] : memref<8x128xf32, #tpu.memory_space<hbm>> -> memref<8x128xf32, #tpu.memory_space<hbm>>
    tpu.wait_indirect_dma semaphore(%arg38 : memref<!tpu.dma_semaphore, #tpu.memory_space<semaphore_mem>>) src(%dma_wait3A_302 : memref<8x128xf32, #tpu.memory_space<hbm>>) dst(%arg33 : memref<128x128xf32, #tpu.memory_space<vmem>>)
    %dma_start3A_303 = arith.constant 0 : i32
    %dma_start3A_304 = tpu.memref_slice %arg30[%add3A_4, %dma_start3A_303] : memref<16384x128xf32, #tpu.memory_space<hbm>> -> memref<128x128xf32, #tpu.memory_space<hbm>>
    %dma_start3A_305 = arith.constant 0 : i32
    %dma_start3A_306 = tpu.memref_slice %arg30[%add3A_4, %dma_start3A_305] : memref<16384x128xf32, #tpu.memory_space<hbm>> -> memref<128x128xf32, #tpu.memory_space<hbm>>
    tpu.enqueue_dma source(%arg33 : memref<128x128xf32, #tpu.memory_space<vmem>>) target(%dma_start3A_306 : memref<128x128xf32, #tpu.memory_space<hbm>>) target_semaphore(%arg39 : memref<!tpu.dma_semaphore, #tpu.memory_space<semaphore_mem>>)
    %add3A_307 = arith.constant 128 : i32
    %add3A_308 = arith.addi %mul3A_2, %add3A_307 : i32
    %dma_wait3A_309 = arith.constant 0 : i32
    %dma_wait3A_310 = arith.constant 0 : i32
    %dma_wait3A_311 = tpu.memref_slice %arg32[%dma_wait3A_309, %dma_wait3A_310] : memref<128x256xf32, #tpu.memory_space<vmem>> -> memref<128x128xf32, #tpu.memory_space<vmem>>
    %dma_wait3A_312 = arith.constant 0 : i32
    %dma_wait3A_313 = tpu.memref_slice %arg28[%add3A_4, %dma_wait3A_312] : memref<16384x128xf32, #tpu.memory_space<hbm>> -> memref<128x128xf32, #tpu.memory_space<hbm>>
    %dma_wait3A_314 = arith.constant 0 : i32
    %dma_wait3A_315 = tpu.memref_slice %arg28[%add3A_4, %dma_wait3A_314] : memref<16384x128xf32, #tpu.memory_space<hbm>> -> memref<128x128xf32, #tpu.memory_space<hbm>>
    %dma_wait3A_316 = arith.constant 0 : i32
    %dma_wait3A_317 = arith.constant 0 : i32
    %dma_wait3A_318 = tpu.memref_slice %arg32[%dma_wait3A_316, %dma_wait3A_317] : memref<128x256xf32, #tpu.memory_space<vmem>> -> memref<128x128xf32, #tpu.memory_space<vmem>>
    tpu.wait_dma2 semaphore(%arg44 : memref<!tpu.dma_semaphore, #tpu.memory_space<semaphore_mem>>) src(%dma_wait3A_318 : memref<128x128xf32, #tpu.memory_space<vmem>>) dst(%dma_wait3A_315 : memref<128x128xf32, #tpu.memory_space<hbm>>)
    %dma_wait3A_319 = arith.constant 0 : i32
    %dma_wait3A_320 = arith.constant 128 : i32
    %dma_wait3A_321 = tpu.memref_slice %arg32[%dma_wait3A_319, %dma_wait3A_320] : memref<128x256xf32, #tpu.memory_space<vmem>> -> memref<128x128xf32, #tpu.memory_space<vmem>>
    %dma_wait3A_322 = arith.constant 0 : i32
    %dma_wait3A_323 = tpu.memref_slice %arg29[%add3A_4, %dma_wait3A_322] : memref<16384x128xf32, #tpu.memory_space<hbm>> -> memref<128x128xf32, #tpu.memory_space<hbm>>
    %dma_wait3A_324 = arith.constant 0 : i32
    %dma_wait3A_325 = tpu.memref_slice %arg29[%add3A_4, %dma_wait3A_324] : memref<16384x128xf32, #tpu.memory_space<hbm>> -> memref<128x128xf32, #tpu.memory_space<hbm>>
    %dma_wait3A_326 = arith.constant 0 : i32
    %dma_wait3A_327 = arith.constant 128 : i32
    %dma_wait3A_328 = tpu.memref_slice %arg32[%dma_wait3A_326, %dma_wait3A_327] : memref<128x256xf32, #tpu.memory_space<vmem>> -> memref<128x128xf32, #tpu.memory_space<vmem>>
    tpu.wait_dma2 semaphore(%arg44 : memref<!tpu.dma_semaphore, #tpu.memory_space<semaphore_mem>>) src(%dma_wait3A_328 : memref<128x128xf32, #tpu.memory_space<vmem>>) dst(%dma_wait3A_325 : memref<128x128xf32, #tpu.memory_space<hbm>>)
    %dma_wait3A_329 = arith.constant 0 : i32
    %dma_wait3A_330 = tpu.memref_slice %arg30[%add3A_4, %dma_wait3A_329] : memref<16384x128xf32, #tpu.memory_space<hbm>> -> memref<128x128xf32, #tpu.memory_space<hbm>>
    %dma_wait3A_331 = arith.constant 0 : i32
    %dma_wait3A_332 = tpu.memref_slice %arg30[%add3A_4, %dma_wait3A_331] : memref<16384x128xf32, #tpu.memory_space<hbm>> -> memref<128x128xf32, #tpu.memory_space<hbm>>
    tpu.wait_dma2 semaphore(%arg39 : memref<!tpu.dma_semaphore, #tpu.memory_space<semaphore_mem>>) src(%arg33 : memref<128x128xf32, #tpu.memory_space<vmem>>) dst(%dma_wait3A_332 : memref<128x128xf32, #tpu.memory_space<hbm>>)
    %dma_wait3A_333 = arith.constant 0 : i32
    %dma_wait3A_334 = tpu.memref_slice %arg24[%add3A_4, %dma_wait3A_333] : memref<16384x128xf32, #tpu.memory_space<hbm>> -> memref<128x128xf32, #tpu.memory_space<hbm>>
    %dma_wait3A_335 = arith.constant 0 : i32
    %dma_wait3A_336 = tpu.memref_slice %arg24[%add3A_4, %dma_wait3A_335] : memref<16384x128xf32, #tpu.memory_space<hbm>> -> memref<128x128xf32, #tpu.memory_space<hbm>>
    tpu.wait_dma2 semaphore(%arg40 : memref<!tpu.dma_semaphore, #tpu.memory_space<semaphore_mem>>) src(%arg34 : memref<128x128xf32, #tpu.memory_space<vmem>>) dst(%dma_wait3A_336 : memref<128x128xf32, #tpu.memory_space<hbm>>)
    %dma_wait3A_337 = arith.constant 0 : i32
    %dma_wait3A_338 = tpu.memref_slice %arg25[%add3A_4, %dma_wait3A_337] : memref<16384x128xf32, #tpu.memory_space<hbm>> -> memref<128x128xf32, #tpu.memory_space<hbm>>
    %dma_wait3A_339 = arith.constant 0 : i32
    %dma_wait3A_340 = tpu.memref_slice %arg25[%add3A_4, %dma_wait3A_339] : memref<16384x128xf32, #tpu.memory_space<hbm>> -> memref<128x128xf32, #tpu.memory_space<hbm>>
    tpu.wait_dma2 semaphore(%arg41 : memref<!tpu.dma_semaphore, #tpu.memory_space<semaphore_mem>>) src(%arg35 : memref<128x128xf32, #tpu.memory_space<vmem>>) dst(%dma_wait3A_340 : memref<128x128xf32, #tpu.memory_space<hbm>>)
    %dma_wait3A_341 = arith.constant 0 : i32
    %dma_wait3A_342 = tpu.memref_slice %arg26[%add3A_4, %dma_wait3A_341] : memref<16384x128xf32, #tpu.memory_space<hbm>> -> memref<128x128xf32, #tpu.memory_space<hbm>>
    %dma_wait3A_343 = arith.constant 0 : i32
    %dma_wait3A_344 = tpu.memref_slice %arg26[%add3A_4, %dma_wait3A_343] : memref<16384x128xf32, #tpu.memory_space<hbm>> -> memref<128x128xf32, #tpu.memory_space<hbm>>
    tpu.wait_dma2 semaphore(%arg42 : memref<!tpu.dma_semaphore, #tpu.memory_space<semaphore_mem>>) src(%arg36 : memref<128x128xf32, #tpu.memory_space<vmem>>) dst(%dma_wait3A_344 : memref<128x128xf32, #tpu.memory_space<hbm>>)
    %dma_wait3A_345 = arith.constant 0 : i32
    %dma_wait3A_346 = tpu.memref_slice %arg27[%add3A_4, %dma_wait3A_345] : memref<16384x128xf32, #tpu.memory_space<hbm>> -> memref<128x128xf32, #tpu.memory_space<hbm>>
    %dma_wait3A_347 = arith.constant 0 : i32
    %dma_wait3A_348 = tpu.memref_slice %arg27[%add3A_4, %dma_wait3A_347] : memref<16384x128xf32, #tpu.memory_space<hbm>> -> memref<128x128xf32, #tpu.memory_space<hbm>>
    tpu.wait_dma2 semaphore(%arg43 : memref<!tpu.dma_semaphore, #tpu.memory_space<semaphore_mem>>) src(%arg37 : memref<128x128xf32, #tpu.memory_space<vmem>>) dst(%dma_wait3A_348 : memref<128x128xf32, #tpu.memory_space<hbm>>)
    %dma_start3A_349 = arith.constant 0 : i32
    %dma_start3A_350 = arith.constant 128 : i32
    %dma_start3A_351 = tpu.memref_slice %arg31[%dma_start3A_349, %dma_start3A_350] : memref<14x512xi32, #tpu.memory_space<vmem>> -> memref<1x128xi32, #tpu.memory_space<vmem>>
    %dma_start3A_352 = tpu.memref_squeeze %dma_start3A_351 : memref<1x128xi32, #tpu.memory_space<vmem>> -> memref<128xi32, #tpu.memory_space<vmem>>
    %dma_start3A_353 = arith.constant 0 : i32
    %dma_start3A_354 = arith.constant 0 : i32
    %dma_start3A_355 = tpu.memref_slice %arg3[%dma_start3A_353, %dma_start3A_354] : memref<100x256xf32, #tpu.memory_space<hbm>> -> memref<100x256xf32, #tpu.memory_space<hbm>>
    tpu.enqueue_indirect_dma source(%dma_start3A_355 : memref<100x256xf32, #tpu.memory_space<hbm>>) target(%arg32 : memref<128x256xf32, #tpu.memory_space<vmem>>) offsets(%dma_start3A_352 : memref<128xi32, #tpu.memory_space<vmem>>) semaphore(%arg38 : memref<!tpu.dma_semaphore, #tpu.memory_space<semaphore_mem>>)
    %dma_start3A_356 = arith.constant 1 : i32
    %dma_start3A_357 = arith.constant 128 : i32
    %dma_start3A_358 = tpu.memref_slice %arg31[%dma_start3A_356, %dma_start3A_357] : memref<14x512xi32, #tpu.memory_space<vmem>> -> memref<1x128xi32, #tpu.memory_space<vmem>>
    %dma_start3A_359 = tpu.memref_squeeze %dma_start3A_358 : memref<1x128xi32, #tpu.memory_space<vmem>> -> memref<128xi32, #tpu.memory_space<vmem>>
    %dma_start3A_360 = arith.constant 0 : i32
    %dma_start3A_361 = arith.constant 0 : i32
    %dma_start3A_362 = tpu.memref_slice %arg4[%dma_start3A_360, %dma_start3A_361] : memref<3x128xf32, #tpu.memory_space<hbm>> -> memref<3x128xf32, #tpu.memory_space<hbm>>
    tpu.enqueue_indirect_dma source(%dma_start3A_362 : memref<3x128xf32, #tpu.memory_space<hbm>>) target(%arg33 : memref<128x128xf32, #tpu.memory_space<vmem>>) offsets(%dma_start3A_359 : memref<128xi32, #tpu.memory_space<vmem>>) semaphore(%arg38 : memref<!tpu.dma_semaphore, #tpu.memory_space<semaphore_mem>>)
    %dma_start3A_363 = arith.constant 2 : i32
    %dma_start3A_364 = arith.constant 128 : i32
    %dma_start3A_365 = tpu.memref_slice %arg31[%dma_start3A_363, %dma_start3A_364] : memref<14x512xi32, #tpu.memory_space<vmem>> -> memref<1x128xi32, #tpu.memory_space<vmem>>
    %dma_start3A_366 = tpu.memref_squeeze %dma_start3A_365 : memref<1x128xi32, #tpu.memory_space<vmem>> -> memref<128xi32, #tpu.memory_space<vmem>>
    %dma_start3A_367 = arith.constant 0 : i32
    %dma_start3A_368 = arith.constant 0 : i32
    %dma_start3A_369 = tpu.memref_slice %arg5[%dma_start3A_367, %dma_start3A_368] : memref<12x128xf32, #tpu.memory_space<hbm>> -> memref<12x128xf32, #tpu.memory_space<hbm>>
    tpu.enqueue_indirect_dma source(%dma_start3A_369 : memref<12x128xf32, #tpu.memory_space<hbm>>) target(%arg34 : memref<128x128xf32, #tpu.memory_space<vmem>>) offsets(%dma_start3A_366 : memref<128xi32, #tpu.memory_space<vmem>>) semaphore(%arg38 : memref<!tpu.dma_semaphore, #tpu.memory_space<semaphore_mem>>)
    %dma_start3A_370 = arith.constant 3 : i32
    %dma_start3A_371 = arith.constant 128 : i32
    %dma_start3A_372 = tpu.memref_slice %arg31[%dma_start3A_370, %dma_start3A_371] : memref<14x512xi32, #tpu.memory_space<vmem>> -> memref<1x128xi32, #tpu.memory_space<vmem>>
    %dma_start3A_373 = tpu.memref_squeeze %dma_start3A_372 : memref<1x128xi32, #tpu.memory_space<vmem>> -> memref<128xi32, #tpu.memory_space<vmem>>
    %dma_start3A_374 = arith.constant 0 : i32
    %dma_start3A_375 = arith.constant 0 : i32
    %dma_start3A_376 = tpu.memref_slice %arg6[%dma_start3A_374, %dma_start3A_375] : memref<31x128xf32, #tpu.memory_space<hbm>> -> memref<31x128xf32, #tpu.memory_space<hbm>>
    tpu.enqueue_indirect_dma source(%dma_start3A_376 : memref<31x128xf32, #tpu.memory_space<hbm>>) target(%arg35 : memref<128x128xf32, #tpu.memory_space<vmem>>) offsets(%dma_start3A_373 : memref<128xi32, #tpu.memory_space<vmem>>) semaphore(%arg38 : memref<!tpu.dma_semaphore, #tpu.memory_space<semaphore_mem>>)
    %dma_start3A_377 = arith.constant 4 : i32
    %dma_start3A_378 = arith.constant 128 : i32
    %dma_start3A_379 = tpu.memref_slice %arg31[%dma_start3A_377, %dma_start3A_378] : memref<14x512xi32, #tpu.memory_space<vmem>> -> memref<1x128xi32, #tpu.memory_space<vmem>>
    %dma_start3A_380 = tpu.memref_squeeze %dma_start3A_379 : memref<1x128xi32, #tpu.memory_space<vmem>> -> memref<128xi32, #tpu.memory_space<vmem>>
    %dma_start3A_381 = arith.constant 0 : i32
    %dma_start3A_382 = arith.constant 0 : i32
    %dma_start3A_383 = tpu.memref_slice %arg7[%dma_start3A_381, %dma_start3A_382] : memref<24x128xf32, #tpu.memory_space<hbm>> -> memref<24x128xf32, #tpu.memory_space<hbm>>
    tpu.enqueue_indirect_dma source(%dma_start3A_383 : memref<24x128xf32, #tpu.memory_space<hbm>>) target(%arg36 : memref<128x128xf32, #tpu.memory_space<vmem>>) offsets(%dma_start3A_380 : memref<128xi32, #tpu.memory_space<vmem>>) semaphore(%arg38 : memref<!tpu.dma_semaphore, #tpu.memory_space<semaphore_mem>>)
    %dma_start3A_384 = arith.constant 5 : i32
    %dma_start3A_385 = arith.constant 128 : i32
    %dma_start3A_386 = tpu.memref_slice %arg31[%dma_start3A_384, %dma_start3A_385] : memref<14x512xi32, #tpu.memory_space<vmem>> -> memref<1x128xi32, #tpu.memory_space<vmem>>
    %dma_start3A_387 = tpu.memref_squeeze %dma_start3A_386 : memref<1x128xi32, #tpu.memory_space<vmem>> -> memref<128xi32, #tpu.memory_space<vmem>>
    %dma_start3A_388 = arith.constant 0 : i32
    %dma_start3A_389 = arith.constant 0 : i32
    %dma_start3A_390 = tpu.memref_slice %arg8[%dma_start3A_388, %dma_start3A_389] : memref<7x128xf32, #tpu.memory_space<hbm>> -> memref<7x128xf32, #tpu.memory_space<hbm>>
    tpu.enqueue_indirect_dma source(%dma_start3A_390 : memref<7x128xf32, #tpu.memory_space<hbm>>) target(%arg37 : memref<128x128xf32, #tpu.memory_space<vmem>>) offsets(%dma_start3A_387 : memref<128xi32, #tpu.memory_space<vmem>>) semaphore(%arg38 : memref<!tpu.dma_semaphore, #tpu.memory_space<semaphore_mem>>)
    %dma_wait3A_391 = arith.constant 0 : i32
    %dma_wait3A_392 = arith.constant 128 : i32
    %dma_wait3A_393 = tpu.memref_slice %arg31[%dma_wait3A_391, %dma_wait3A_392] : memref<14x512xi32, #tpu.memory_space<vmem>> -> memref<1x128xi32, #tpu.memory_space<vmem>>
    %dma_wait3A_394 = tpu.memref_squeeze %dma_wait3A_393 : memref<1x128xi32, #tpu.memory_space<vmem>> -> memref<128xi32, #tpu.memory_space<vmem>>
    %dma_wait3A_395 = arith.constant 0 : i32
    %dma_wait3A_396 = arith.constant 0 : i32
    %dma_wait3A_397 = tpu.memref_slice %arg3[%dma_wait3A_395, %dma_wait3A_396] : memref<100x256xf32, #tpu.memory_space<hbm>> -> memref<100x256xf32, #tpu.memory_space<hbm>>
    tpu.wait_indirect_dma semaphore(%arg38 : memref<!tpu.dma_semaphore, #tpu.memory_space<semaphore_mem>>) src(%dma_wait3A_397 : memref<100x256xf32, #tpu.memory_space<hbm>>) dst(%arg32 : memref<128x256xf32, #tpu.memory_space<vmem>>)
    %dma_start3A_398 = arith.constant 0 : i32
    %dma_start3A_399 = tpu.memref_slice %arg17[%add3A_308, %dma_start3A_398] : memref<16384x256xf32, #tpu.memory_space<hbm>> -> memref<128x256xf32, #tpu.memory_space<hbm>>
    %dma_start3A_400 = arith.constant 0 : i32
    %dma_start3A_401 = tpu.memref_slice %arg17[%add3A_308, %dma_start3A_400] : memref<16384x256xf32, #tpu.memory_space<hbm>> -> memref<128x256xf32, #tpu.memory_space<hbm>>
    tpu.enqueue_dma source(%arg32 : memref<128x256xf32, #tpu.memory_space<vmem>>) target(%dma_start3A_401 : memref<128x256xf32, #tpu.memory_space<hbm>>) target_semaphore(%arg44 : memref<!tpu.dma_semaphore, #tpu.memory_space<semaphore_mem>>)
    %dma_wait3A_402 = arith.constant 1 : i32
    %dma_wait3A_403 = arith.constant 128 : i32
    %dma_wait3A_404 = tpu.memref_slice %arg31[%dma_wait3A_402, %dma_wait3A_403] : memref<14x512xi32, #tpu.memory_space<vmem>> -> memref<1x128xi32, #tpu.memory_space<vmem>>
    %dma_wait3A_405 = tpu.memref_squeeze %dma_wait3A_404 : memref<1x128xi32, #tpu.memory_space<vmem>> -> memref<128xi32, #tpu.memory_space<vmem>>
    %dma_wait3A_406 = arith.constant 0 : i32
    %dma_wait3A_407 = arith.constant 0 : i32
    %dma_wait3A_408 = tpu.memref_slice %arg4[%dma_wait3A_406, %dma_wait3A_407] : memref<3x128xf32, #tpu.memory_space<hbm>> -> memref<3x128xf32, #tpu.memory_space<hbm>>
    tpu.wait_indirect_dma semaphore(%arg38 : memref<!tpu.dma_semaphore, #tpu.memory_space<semaphore_mem>>) src(%dma_wait3A_408 : memref<3x128xf32, #tpu.memory_space<hbm>>) dst(%arg33 : memref<128x128xf32, #tpu.memory_space<vmem>>)
    %dma_start3A_409 = arith.constant 0 : i32
    %dma_start3A_410 = tpu.memref_slice %arg18[%add3A_308, %dma_start3A_409] : memref<16384x128xf32, #tpu.memory_space<hbm>> -> memref<128x128xf32, #tpu.memory_space<hbm>>
    %dma_start3A_411 = arith.constant 0 : i32
    %dma_start3A_412 = tpu.memref_slice %arg18[%add3A_308, %dma_start3A_411] : memref<16384x128xf32, #tpu.memory_space<hbm>> -> memref<128x128xf32, #tpu.memory_space<hbm>>
    tpu.enqueue_dma source(%arg33 : memref<128x128xf32, #tpu.memory_space<vmem>>) target(%dma_start3A_412 : memref<128x128xf32, #tpu.memory_space<hbm>>) target_semaphore(%arg39 : memref<!tpu.dma_semaphore, #tpu.memory_space<semaphore_mem>>)
    %dma_wait3A_413 = arith.constant 2 : i32
    %dma_wait3A_414 = arith.constant 128 : i32
    %dma_wait3A_415 = tpu.memref_slice %arg31[%dma_wait3A_413, %dma_wait3A_414] : memref<14x512xi32, #tpu.memory_space<vmem>> -> memref<1x128xi32, #tpu.memory_space<vmem>>
    %dma_wait3A_416 = tpu.memref_squeeze %dma_wait3A_415 : memref<1x128xi32, #tpu.memory_space<vmem>> -> memref<128xi32, #tpu.memory_space<vmem>>
    %dma_wait3A_417 = arith.constant 0 : i32
    %dma_wait3A_418 = arith.constant 0 : i32
    %dma_wait3A_419 = tpu.memref_slice %arg5[%dma_wait3A_417, %dma_wait3A_418] : memref<12x128xf32, #tpu.memory_space<hbm>> -> memref<12x128xf32, #tpu.memory_space<hbm>>
    tpu.wait_indirect_dma semaphore(%arg38 : memref<!tpu.dma_semaphore, #tpu.memory_space<semaphore_mem>>) src(%dma_wait3A_419 : memref<12x128xf32, #tpu.memory_space<hbm>>) dst(%arg34 : memref<128x128xf32, #tpu.memory_space<vmem>>)
    %dma_start3A_420 = arith.constant 0 : i32
    %dma_start3A_421 = tpu.memref_slice %arg19[%add3A_308, %dma_start3A_420] : memref<16384x128xf32, #tpu.memory_space<hbm>> -> memref<128x128xf32, #tpu.memory_space<hbm>>
    %dma_start3A_422 = arith.constant 0 : i32
    %dma_start3A_423 = tpu.memref_slice %arg19[%add3A_308, %dma_start3A_422] : memref<16384x128xf32, #tpu.memory_space<hbm>> -> memref<128x128xf32, #tpu.memory_space<hbm>>
    tpu.enqueue_dma source(%arg34 : memref<128x128xf32, #tpu.memory_space<vmem>>) target(%dma_start3A_423 : memref<128x128xf32, #tpu.memory_space<hbm>>) target_semaphore(%arg40 : memref<!tpu.dma_semaphore, #tpu.memory_space<semaphore_mem>>)
    %dma_wait3A_424 = arith.constant 3 : i32
    %dma_wait3A_425 = arith.constant 128 : i32
    %dma_wait3A_426 = tpu.memref_slice %arg31[%dma_wait3A_424, %dma_wait3A_425] : memref<14x512xi32, #tpu.memory_space<vmem>> -> memref<1x128xi32, #tpu.memory_space<vmem>>
    %dma_wait3A_427 = tpu.memref_squeeze %dma_wait3A_426 : memref<1x128xi32, #tpu.memory_space<vmem>> -> memref<128xi32, #tpu.memory_space<vmem>>
    %dma_wait3A_428 = arith.constant 0 : i32
    %dma_wait3A_429 = arith.constant 0 : i32
    %dma_wait3A_430 = tpu.memref_slice %arg6[%dma_wait3A_428, %dma_wait3A_429] : memref<31x128xf32, #tpu.memory_space<hbm>> -> memref<31x128xf32, #tpu.memory_space<hbm>>
    tpu.wait_indirect_dma semaphore(%arg38 : memref<!tpu.dma_semaphore, #tpu.memory_space<semaphore_mem>>) src(%dma_wait3A_430 : memref<31x128xf32, #tpu.memory_space<hbm>>) dst(%arg35 : memref<128x128xf32, #tpu.memory_space<vmem>>)
    %dma_start3A_431 = arith.constant 0 : i32
    %dma_start3A_432 = tpu.memref_slice %arg20[%add3A_308, %dma_start3A_431] : memref<16384x128xf32, #tpu.memory_space<hbm>> -> memref<128x128xf32, #tpu.memory_space<hbm>>
    %dma_start3A_433 = arith.constant 0 : i32
    %dma_start3A_434 = tpu.memref_slice %arg20[%add3A_308, %dma_start3A_433] : memref<16384x128xf32, #tpu.memory_space<hbm>> -> memref<128x128xf32, #tpu.memory_space<hbm>>
    tpu.enqueue_dma source(%arg35 : memref<128x128xf32, #tpu.memory_space<vmem>>) target(%dma_start3A_434 : memref<128x128xf32, #tpu.memory_space<hbm>>) target_semaphore(%arg41 : memref<!tpu.dma_semaphore, #tpu.memory_space<semaphore_mem>>)
    %dma_wait3A_435 = arith.constant 4 : i32
    %dma_wait3A_436 = arith.constant 128 : i32
    %dma_wait3A_437 = tpu.memref_slice %arg31[%dma_wait3A_435, %dma_wait3A_436] : memref<14x512xi32, #tpu.memory_space<vmem>> -> memref<1x128xi32, #tpu.memory_space<vmem>>
    %dma_wait3A_438 = tpu.memref_squeeze %dma_wait3A_437 : memref<1x128xi32, #tpu.memory_space<vmem>> -> memref<128xi32, #tpu.memory_space<vmem>>
    %dma_wait3A_439 = arith.constant 0 : i32
    %dma_wait3A_440 = arith.constant 0 : i32
    %dma_wait3A_441 = tpu.memref_slice %arg7[%dma_wait3A_439, %dma_wait3A_440] : memref<24x128xf32, #tpu.memory_space<hbm>> -> memref<24x128xf32, #tpu.memory_space<hbm>>
    tpu.wait_indirect_dma semaphore(%arg38 : memref<!tpu.dma_semaphore, #tpu.memory_space<semaphore_mem>>) src(%dma_wait3A_441 : memref<24x128xf32, #tpu.memory_space<hbm>>) dst(%arg36 : memref<128x128xf32, #tpu.memory_space<vmem>>)
    %dma_start3A_442 = arith.constant 0 : i32
    %dma_start3A_443 = tpu.memref_slice %arg21[%add3A_308, %dma_start3A_442] : memref<16384x128xf32, #tpu.memory_space<hbm>> -> memref<128x128xf32, #tpu.memory_space<hbm>>
    %dma_start3A_444 = arith.constant 0 : i32
    %dma_start3A_445 = tpu.memref_slice %arg21[%add3A_308, %dma_start3A_444] : memref<16384x128xf32, #tpu.memory_space<hbm>> -> memref<128x128xf32, #tpu.memory_space<hbm>>
    tpu.enqueue_dma source(%arg36 : memref<128x128xf32, #tpu.memory_space<vmem>>) target(%dma_start3A_445 : memref<128x128xf32, #tpu.memory_space<hbm>>) target_semaphore(%arg42 : memref<!tpu.dma_semaphore, #tpu.memory_space<semaphore_mem>>)
    %dma_wait3A_446 = arith.constant 5 : i32
    %dma_wait3A_447 = arith.constant 128 : i32
    %dma_wait3A_448 = tpu.memref_slice %arg31[%dma_wait3A_446, %dma_wait3A_447] : memref<14x512xi32, #tpu.memory_space<vmem>> -> memref<1x128xi32, #tpu.memory_space<vmem>>
    %dma_wait3A_449 = tpu.memref_squeeze %dma_wait3A_448 : memref<1x128xi32, #tpu.memory_space<vmem>> -> memref<128xi32, #tpu.memory_space<vmem>>
    %dma_wait3A_450 = arith.constant 0 : i32
    %dma_wait3A_451 = arith.constant 0 : i32
    %dma_wait3A_452 = tpu.memref_slice %arg8[%dma_wait3A_450, %dma_wait3A_451] : memref<7x128xf32, #tpu.memory_space<hbm>> -> memref<7x128xf32, #tpu.memory_space<hbm>>
    tpu.wait_indirect_dma semaphore(%arg38 : memref<!tpu.dma_semaphore, #tpu.memory_space<semaphore_mem>>) src(%dma_wait3A_452 : memref<7x128xf32, #tpu.memory_space<hbm>>) dst(%arg37 : memref<128x128xf32, #tpu.memory_space<vmem>>)
    %dma_start3A_453 = arith.constant 0 : i32
    %dma_start3A_454 = tpu.memref_slice %arg22[%add3A_308, %dma_start3A_453] : memref<16384x128xf32, #tpu.memory_space<hbm>> -> memref<128x128xf32, #tpu.memory_space<hbm>>
    %dma_start3A_455 = arith.constant 0 : i32
    %dma_start3A_456 = tpu.memref_slice %arg22[%add3A_308, %dma_start3A_455] : memref<16384x128xf32, #tpu.memory_space<hbm>> -> memref<128x128xf32, #tpu.memory_space<hbm>>
    tpu.enqueue_dma source(%arg37 : memref<128x128xf32, #tpu.memory_space<vmem>>) target(%dma_start3A_456 : memref<128x128xf32, #tpu.memory_space<hbm>>) target_semaphore(%arg43 : memref<!tpu.dma_semaphore, #tpu.memory_space<semaphore_mem>>)
    %dma_wait3A_457 = arith.constant 0 : i32
    %dma_wait3A_458 = tpu.memref_slice %arg18[%add3A_308, %dma_wait3A_457] : memref<16384x128xf32, #tpu.memory_space<hbm>> -> memref<128x128xf32, #tpu.memory_space<hbm>>
    %dma_wait3A_459 = arith.constant 0 : i32
    %dma_wait3A_460 = tpu.memref_slice %arg18[%add3A_308, %dma_wait3A_459] : memref<16384x128xf32, #tpu.memory_space<hbm>> -> memref<128x128xf32, #tpu.memory_space<hbm>>
    tpu.wait_dma2 semaphore(%arg39 : memref<!tpu.dma_semaphore, #tpu.memory_space<semaphore_mem>>) src(%arg33 : memref<128x128xf32, #tpu.memory_space<vmem>>) dst(%dma_wait3A_460 : memref<128x128xf32, #tpu.memory_space<hbm>>)
    %dma_wait3A_461 = arith.constant 0 : i32
    %dma_wait3A_462 = tpu.memref_slice %arg19[%add3A_308, %dma_wait3A_461] : memref<16384x128xf32, #tpu.memory_space<hbm>> -> memref<128x128xf32, #tpu.memory_space<hbm>>
    %dma_wait3A_463 = arith.constant 0 : i32
    %dma_wait3A_464 = tpu.memref_slice %arg19[%add3A_308, %dma_wait3A_463] : memref<16384x128xf32, #tpu.memory_space<hbm>> -> memref<128x128xf32, #tpu.memory_space<hbm>>
    tpu.wait_dma2 semaphore(%arg40 : memref<!tpu.dma_semaphore, #tpu.memory_space<semaphore_mem>>) src(%arg34 : memref<128x128xf32, #tpu.memory_space<vmem>>) dst(%dma_wait3A_464 : memref<128x128xf32, #tpu.memory_space<hbm>>)
    %dma_wait3A_465 = arith.constant 0 : i32
    %dma_wait3A_466 = tpu.memref_slice %arg20[%add3A_308, %dma_wait3A_465] : memref<16384x128xf32, #tpu.memory_space<hbm>> -> memref<128x128xf32, #tpu.memory_space<hbm>>
    %dma_wait3A_467 = arith.constant 0 : i32
    %dma_wait3A_468 = tpu.memref_slice %arg20[%add3A_308, %dma_wait3A_467] : memref<16384x128xf32, #tpu.memory_space<hbm>> -> memref<128x128xf32, #tpu.memory_space<hbm>>
    tpu.wait_dma2 semaphore(%arg41 : memref<!tpu.dma_semaphore, #tpu.memory_space<semaphore_mem>>) src(%arg35 : memref<128x128xf32, #tpu.memory_space<vmem>>) dst(%dma_wait3A_468 : memref<128x128xf32, #tpu.memory_space<hbm>>)
    %dma_wait3A_469 = arith.constant 0 : i32
    %dma_wait3A_470 = tpu.memref_slice %arg21[%add3A_308, %dma_wait3A_469] : memref<16384x128xf32, #tpu.memory_space<hbm>> -> memref<128x128xf32, #tpu.memory_space<hbm>>
    %dma_wait3A_471 = arith.constant 0 : i32
    %dma_wait3A_472 = tpu.memref_slice %arg21[%add3A_308, %dma_wait3A_471] : memref<16384x128xf32, #tpu.memory_space<hbm>> -> memref<128x128xf32, #tpu.memory_space<hbm>>
    tpu.wait_dma2 semaphore(%arg42 : memref<!tpu.dma_semaphore, #tpu.memory_space<semaphore_mem>>) src(%arg36 : memref<128x128xf32, #tpu.memory_space<vmem>>) dst(%dma_wait3A_472 : memref<128x128xf32, #tpu.memory_space<hbm>>)
    %dma_wait3A_473 = arith.constant 0 : i32
    %dma_wait3A_474 = tpu.memref_slice %arg22[%add3A_308, %dma_wait3A_473] : memref<16384x128xf32, #tpu.memory_space<hbm>> -> memref<128x128xf32, #tpu.memory_space<hbm>>
    %dma_wait3A_475 = arith.constant 0 : i32
    %dma_wait3A_476 = tpu.memref_slice %arg22[%add3A_308, %dma_wait3A_475] : memref<16384x128xf32, #tpu.memory_space<hbm>> -> memref<128x128xf32, #tpu.memory_space<hbm>>
    tpu.wait_dma2 semaphore(%arg43 : memref<!tpu.dma_semaphore, #tpu.memory_space<semaphore_mem>>) src(%arg37 : memref<128x128xf32, #tpu.memory_space<vmem>>) dst(%dma_wait3A_476 : memref<128x128xf32, #tpu.memory_space<hbm>>)
    %dma_wait3A_477 = arith.constant 0 : i32
    %dma_wait3A_478 = tpu.memref_slice %arg17[%add3A_308, %dma_wait3A_477] : memref<16384x256xf32, #tpu.memory_space<hbm>> -> memref<128x256xf32, #tpu.memory_space<hbm>>
    %dma_wait3A_479 = arith.constant 0 : i32
    %dma_wait3A_480 = tpu.memref_slice %arg17[%add3A_308, %dma_wait3A_479] : memref<16384x256xf32, #tpu.memory_space<hbm>> -> memref<128x256xf32, #tpu.memory_space<hbm>>
    tpu.wait_dma2 semaphore(%arg44 : memref<!tpu.dma_semaphore, #tpu.memory_space<semaphore_mem>>) src(%arg32 : memref<128x256xf32, #tpu.memory_space<vmem>>) dst(%dma_wait3A_480 : memref<128x256xf32, #tpu.memory_space<hbm>>)
    %dma_start3A_481 = arith.constant 6 : i32
    %dma_start3A_482 = arith.constant 128 : i32
    %dma_start3A_483 = tpu.memref_slice %arg31[%dma_start3A_481, %dma_start3A_482] : memref<14x512xi32, #tpu.memory_space<vmem>> -> memref<1x128xi32, #tpu.memory_space<vmem>>
    %dma_start3A_484 = tpu.memref_squeeze %dma_start3A_483 : memref<1x128xi32, #tpu.memory_space<vmem>> -> memref<128xi32, #tpu.memory_space<vmem>>
    %dma_start3A_485 = arith.constant 0 : i32
    %dma_start3A_486 = arith.constant 0 : i32
    %dma_start3A_487 = tpu.memref_slice %arg9[%dma_start3A_485, %dma_start3A_486] : memref<281x128xf32, #tpu.memory_space<hbm>> -> memref<281x128xf32, #tpu.memory_space<hbm>>
    tpu.enqueue_indirect_dma source(%dma_start3A_487 : memref<281x128xf32, #tpu.memory_space<hbm>>) target(%arg33 : memref<128x128xf32, #tpu.memory_space<vmem>>) offsets(%dma_start3A_484 : memref<128xi32, #tpu.memory_space<vmem>>) semaphore(%arg38 : memref<!tpu.dma_semaphore, #tpu.memory_space<semaphore_mem>>)
    %dma_start3A_488 = arith.constant 7 : i32
    %dma_start3A_489 = arith.constant 128 : i32
    %dma_start3A_490 = tpu.memref_slice %arg31[%dma_start3A_488, %dma_start3A_489] : memref<14x512xi32, #tpu.memory_space<vmem>> -> memref<1x128xi32, #tpu.memory_space<vmem>>
    %dma_start3A_491 = tpu.memref_squeeze %dma_start3A_490 : memref<1x128xi32, #tpu.memory_space<vmem>> -> memref<128xi32, #tpu.memory_space<vmem>>
    %dma_start3A_492 = arith.constant 0 : i32
    %dma_start3A_493 = arith.constant 0 : i32
    %dma_start3A_494 = tpu.memref_slice %arg10[%dma_start3A_492, %dma_start3A_493] : memref<81x128xf32, #tpu.memory_space<hbm>> -> memref<81x128xf32, #tpu.memory_space<hbm>>
    tpu.enqueue_indirect_dma source(%dma_start3A_494 : memref<81x128xf32, #tpu.memory_space<hbm>>) target(%arg34 : memref<128x128xf32, #tpu.memory_space<vmem>>) offsets(%dma_start3A_491 : memref<128xi32, #tpu.memory_space<vmem>>) semaphore(%arg38 : memref<!tpu.dma_semaphore, #tpu.memory_space<semaphore_mem>>)
    %dma_start3A_495 = arith.constant 8 : i32
    %dma_start3A_496 = arith.constant 128 : i32
    %dma_start3A_497 = tpu.memref_slice %arg31[%dma_start3A_495, %dma_start3A_496] : memref<14x512xi32, #tpu.memory_space<vmem>> -> memref<1x128xi32, #tpu.memory_space<vmem>>
    %dma_start3A_498 = tpu.memref_squeeze %dma_start3A_497 : memref<1x128xi32, #tpu.memory_space<vmem>> -> memref<128xi32, #tpu.memory_space<vmem>>
    %dma_start3A_499 = arith.constant 0 : i32
    %dma_start3A_500 = arith.constant 0 : i32
    %dma_start3A_501 = tpu.memref_slice %arg11[%dma_start3A_499, %dma_start3A_500] : memref<46x128xf32, #tpu.memory_space<hbm>> -> memref<46x128xf32, #tpu.memory_space<hbm>>
    tpu.enqueue_indirect_dma source(%dma_start3A_501 : memref<46x128xf32, #tpu.memory_space<hbm>>) target(%arg35 : memref<128x128xf32, #tpu.memory_space<vmem>>) offsets(%dma_start3A_498 : memref<128xi32, #tpu.memory_space<vmem>>) semaphore(%arg38 : memref<!tpu.dma_semaphore, #tpu.memory_space<semaphore_mem>>)
    %dma_start3A_502 = arith.constant 9 : i32
    %dma_start3A_503 = arith.constant 128 : i32
    %dma_start3A_504 = tpu.memref_slice %arg31[%dma_start3A_502, %dma_start3A_503] : memref<14x512xi32, #tpu.memory_space<vmem>> -> memref<1x128xi32, #tpu.memory_space<vmem>>
    %dma_start3A_505 = tpu.memref_squeeze %dma_start3A_504 : memref<1x128xi32, #tpu.memory_space<vmem>> -> memref<128xi32, #tpu.memory_space<vmem>>
    %dma_start3A_506 = arith.constant 0 : i32
    %dma_start3A_507 = arith.constant 0 : i32
    %dma_start3A_508 = tpu.memref_slice %arg12[%dma_start3A_506, %dma_start3A_507] : memref<13x128xf32, #tpu.memory_space<hbm>> -> memref<13x128xf32, #tpu.memory_space<hbm>>
    tpu.enqueue_indirect_dma source(%dma_start3A_508 : memref<13x128xf32, #tpu.memory_space<hbm>>) target(%arg36 : memref<128x128xf32, #tpu.memory_space<vmem>>) offsets(%dma_start3A_505 : memref<128xi32, #tpu.memory_space<vmem>>) semaphore(%arg38 : memref<!tpu.dma_semaphore, #tpu.memory_space<semaphore_mem>>)
    %dma_start3A_509 = arith.constant 10 : i32
    %dma_start3A_510 = arith.constant 128 : i32
    %dma_start3A_511 = tpu.memref_slice %arg31[%dma_start3A_509, %dma_start3A_510] : memref<14x512xi32, #tpu.memory_space<vmem>> -> memref<1x128xi32, #tpu.memory_space<vmem>>
    %dma_start3A_512 = tpu.memref_squeeze %dma_start3A_511 : memref<1x128xi32, #tpu.memory_space<vmem>> -> memref<128xi32, #tpu.memory_space<vmem>>
    %dma_start3A_513 = arith.constant 0 : i32
    %dma_start3A_514 = arith.constant 0 : i32
    %dma_start3A_515 = tpu.memref_slice %arg13[%dma_start3A_513, %dma_start3A_514] : memref<9x128xf32, #tpu.memory_space<hbm>> -> memref<9x128xf32, #tpu.memory_space<hbm>>
    tpu.enqueue_indirect_dma source(%dma_start3A_515 : memref<9x128xf32, #tpu.memory_space<hbm>>) target(%arg37 : memref<128x128xf32, #tpu.memory_space<vmem>>) offsets(%dma_start3A_512 : memref<128xi32, #tpu.memory_space<vmem>>) semaphore(%arg38 : memref<!tpu.dma_semaphore, #tpu.memory_space<semaphore_mem>>)
    %dma_start3A_516 = arith.constant 11 : i32
    %dma_start3A_517 = arith.constant 0 : i32
    %dma_start3A_518 = arith.constant 0 : i32
    %dma_start3A_519 = tpu.memref_slice %arg32[%dma_start3A_517, %dma_start3A_518] : memref<128x256xf32, #tpu.memory_space<vmem>> -> memref<128x128xf32, #tpu.memory_space<vmem>>
    %dma_start3A_520 = arith.constant 128 : i32
    %dma_start3A_521 = tpu.memref_slice %arg31[%dma_start3A_516, %dma_start3A_520] : memref<14x512xi32, #tpu.memory_space<vmem>> -> memref<1x128xi32, #tpu.memory_space<vmem>>
    %dma_start3A_522 = tpu.memref_squeeze %dma_start3A_521 : memref<1x128xi32, #tpu.memory_space<vmem>> -> memref<128xi32, #tpu.memory_space<vmem>>
    %dma_start3A_523 = arith.constant 0 : i32
    %dma_start3A_524 = arith.constant 0 : i32
    %dma_start3A_525 = tpu.memref_slice %arg14[%dma_start3A_523, %dma_start3A_524] : memref<10x128xf32, #tpu.memory_space<hbm>> -> memref<10x128xf32, #tpu.memory_space<hbm>>
    tpu.enqueue_indirect_dma source(%dma_start3A_525 : memref<10x128xf32, #tpu.memory_space<hbm>>) target(%dma_start3A_519 : memref<128x128xf32, #tpu.memory_space<vmem>>) offsets(%dma_start3A_522 : memref<128xi32, #tpu.memory_space<vmem>>) semaphore(%arg38 : memref<!tpu.dma_semaphore, #tpu.memory_space<semaphore_mem>>)
    %dma_start3A_526 = arith.constant 12 : i32
    %dma_start3A_527 = arith.constant 0 : i32
    %dma_start3A_528 = arith.constant 128 : i32
    %dma_start3A_529 = tpu.memref_slice %arg32[%dma_start3A_527, %dma_start3A_528] : memref<128x256xf32, #tpu.memory_space<vmem>> -> memref<128x128xf32, #tpu.memory_space<vmem>>
    %dma_start3A_530 = arith.constant 128 : i32
    %dma_start3A_531 = tpu.memref_slice %arg31[%dma_start3A_526, %dma_start3A_530] : memref<14x512xi32, #tpu.memory_space<vmem>> -> memref<1x128xi32, #tpu.memory_space<vmem>>
    %dma_start3A_532 = tpu.memref_squeeze %dma_start3A_531 : memref<1x128xi32, #tpu.memory_space<vmem>> -> memref<128xi32, #tpu.memory_space<vmem>>
    %dma_start3A_533 = arith.constant 0 : i32
    %dma_start3A_534 = arith.constant 0 : i32
    %dma_start3A_535 = tpu.memref_slice %arg15[%dma_start3A_533, %dma_start3A_534] : memref<10x128xf32, #tpu.memory_space<hbm>> -> memref<10x128xf32, #tpu.memory_space<hbm>>
    tpu.enqueue_indirect_dma source(%dma_start3A_535 : memref<10x128xf32, #tpu.memory_space<hbm>>) target(%dma_start3A_529 : memref<128x128xf32, #tpu.memory_space<vmem>>) offsets(%dma_start3A_532 : memref<128xi32, #tpu.memory_space<vmem>>) semaphore(%arg38 : memref<!tpu.dma_semaphore, #tpu.memory_space<semaphore_mem>>)
    %dma_wait3A_536 = arith.constant 6 : i32
    %dma_wait3A_537 = arith.constant 128 : i32
    %dma_wait3A_538 = tpu.memref_slice %arg31[%dma_wait3A_536, %dma_wait3A_537] : memref<14x512xi32, #tpu.memory_space<vmem>> -> memref<1x128xi32, #tpu.memory_space<vmem>>
    %dma_wait3A_539 = tpu.memref_squeeze %dma_wait3A_538 : memref<1x128xi32, #tpu.memory_space<vmem>> -> memref<128xi32, #tpu.memory_space<vmem>>
    %dma_wait3A_540 = arith.constant 0 : i32
    %dma_wait3A_541 = arith.constant 0 : i32
    %dma_wait3A_542 = tpu.memref_slice %arg9[%dma_wait3A_540, %dma_wait3A_541] : memref<281x128xf32, #tpu.memory_space<hbm>> -> memref<281x128xf32, #tpu.memory_space<hbm>>
    tpu.wait_indirect_dma semaphore(%arg38 : memref<!tpu.dma_semaphore, #tpu.memory_space<semaphore_mem>>) src(%dma_wait3A_542 : memref<281x128xf32, #tpu.memory_space<hbm>>) dst(%arg33 : memref<128x128xf32, #tpu.memory_space<vmem>>)
    %dma_start3A_543 = arith.constant 0 : i32
    %dma_start3A_544 = tpu.memref_slice %arg23[%add3A_308, %dma_start3A_543] : memref<16384x128xf32, #tpu.memory_space<hbm>> -> memref<128x128xf32, #tpu.memory_space<hbm>>
    %dma_start3A_545 = arith.constant 0 : i32
    %dma_start3A_546 = tpu.memref_slice %arg23[%add3A_308, %dma_start3A_545] : memref<16384x128xf32, #tpu.memory_space<hbm>> -> memref<128x128xf32, #tpu.memory_space<hbm>>
    tpu.enqueue_dma source(%arg33 : memref<128x128xf32, #tpu.memory_space<vmem>>) target(%dma_start3A_546 : memref<128x128xf32, #tpu.memory_space<hbm>>) target_semaphore(%arg39 : memref<!tpu.dma_semaphore, #tpu.memory_space<semaphore_mem>>)
    %dma_wait3A_547 = arith.constant 7 : i32
    %dma_wait3A_548 = arith.constant 128 : i32
    %dma_wait3A_549 = tpu.memref_slice %arg31[%dma_wait3A_547, %dma_wait3A_548] : memref<14x512xi32, #tpu.memory_space<vmem>> -> memref<1x128xi32, #tpu.memory_space<vmem>>
    %dma_wait3A_550 = tpu.memref_squeeze %dma_wait3A_549 : memref<1x128xi32, #tpu.memory_space<vmem>> -> memref<128xi32, #tpu.memory_space<vmem>>
    %dma_wait3A_551 = arith.constant 0 : i32
    %dma_wait3A_552 = arith.constant 0 : i32
    %dma_wait3A_553 = tpu.memref_slice %arg10[%dma_wait3A_551, %dma_wait3A_552] : memref<81x128xf32, #tpu.memory_space<hbm>> -> memref<81x128xf32, #tpu.memory_space<hbm>>
    tpu.wait_indirect_dma semaphore(%arg38 : memref<!tpu.dma_semaphore, #tpu.memory_space<semaphore_mem>>) src(%dma_wait3A_553 : memref<81x128xf32, #tpu.memory_space<hbm>>) dst(%arg34 : memref<128x128xf32, #tpu.memory_space<vmem>>)
    %dma_start3A_554 = arith.constant 0 : i32
    %dma_start3A_555 = tpu.memref_slice %arg24[%add3A_308, %dma_start3A_554] : memref<16384x128xf32, #tpu.memory_space<hbm>> -> memref<128x128xf32, #tpu.memory_space<hbm>>
    %dma_start3A_556 = arith.constant 0 : i32
    %dma_start3A_557 = tpu.memref_slice %arg24[%add3A_308, %dma_start3A_556] : memref<16384x128xf32, #tpu.memory_space<hbm>> -> memref<128x128xf32, #tpu.memory_space<hbm>>
    tpu.enqueue_dma source(%arg34 : memref<128x128xf32, #tpu.memory_space<vmem>>) target(%dma_start3A_557 : memref<128x128xf32, #tpu.memory_space<hbm>>) target_semaphore(%arg40 : memref<!tpu.dma_semaphore, #tpu.memory_space<semaphore_mem>>)
    %dma_wait3A_558 = arith.constant 8 : i32
    %dma_wait3A_559 = arith.constant 128 : i32
    %dma_wait3A_560 = tpu.memref_slice %arg31[%dma_wait3A_558, %dma_wait3A_559] : memref<14x512xi32, #tpu.memory_space<vmem>> -> memref<1x128xi32, #tpu.memory_space<vmem>>
    %dma_wait3A_561 = tpu.memref_squeeze %dma_wait3A_560 : memref<1x128xi32, #tpu.memory_space<vmem>> -> memref<128xi32, #tpu.memory_space<vmem>>
    %dma_wait3A_562 = arith.constant 0 : i32
    %dma_wait3A_563 = arith.constant 0 : i32
    %dma_wait3A_564 = tpu.memref_slice %arg11[%dma_wait3A_562, %dma_wait3A_563] : memref<46x128xf32, #tpu.memory_space<hbm>> -> memref<46x128xf32, #tpu.memory_space<hbm>>
    tpu.wait_indirect_dma semaphore(%arg38 : memref<!tpu.dma_semaphore, #tpu.memory_space<semaphore_mem>>) src(%dma_wait3A_564 : memref<46x128xf32, #tpu.memory_space<hbm>>) dst(%arg35 : memref<128x128xf32, #tpu.memory_space<vmem>>)
    %dma_start3A_565 = arith.constant 0 : i32
    %dma_start3A_566 = tpu.memref_slice %arg25[%add3A_308, %dma_start3A_565] : memref<16384x128xf32, #tpu.memory_space<hbm>> -> memref<128x128xf32, #tpu.memory_space<hbm>>
    %dma_start3A_567 = arith.constant 0 : i32
    %dma_start3A_568 = tpu.memref_slice %arg25[%add3A_308, %dma_start3A_567] : memref<16384x128xf32, #tpu.memory_space<hbm>> -> memref<128x128xf32, #tpu.memory_space<hbm>>
    tpu.enqueue_dma source(%arg35 : memref<128x128xf32, #tpu.memory_space<vmem>>) target(%dma_start3A_568 : memref<128x128xf32, #tpu.memory_space<hbm>>) target_semaphore(%arg41 : memref<!tpu.dma_semaphore, #tpu.memory_space<semaphore_mem>>)
    %dma_wait3A_569 = arith.constant 9 : i32
    %dma_wait3A_570 = arith.constant 128 : i32
    %dma_wait3A_571 = tpu.memref_slice %arg31[%dma_wait3A_569, %dma_wait3A_570] : memref<14x512xi32, #tpu.memory_space<vmem>> -> memref<1x128xi32, #tpu.memory_space<vmem>>
    %dma_wait3A_572 = tpu.memref_squeeze %dma_wait3A_571 : memref<1x128xi32, #tpu.memory_space<vmem>> -> memref<128xi32, #tpu.memory_space<vmem>>
    %dma_wait3A_573 = arith.constant 0 : i32
    %dma_wait3A_574 = arith.constant 0 : i32
    %dma_wait3A_575 = tpu.memref_slice %arg12[%dma_wait3A_573, %dma_wait3A_574] : memref<13x128xf32, #tpu.memory_space<hbm>> -> memref<13x128xf32, #tpu.memory_space<hbm>>
    tpu.wait_indirect_dma semaphore(%arg38 : memref<!tpu.dma_semaphore, #tpu.memory_space<semaphore_mem>>) src(%dma_wait3A_575 : memref<13x128xf32, #tpu.memory_space<hbm>>) dst(%arg36 : memref<128x128xf32, #tpu.memory_space<vmem>>)
    %dma_start3A_576 = arith.constant 0 : i32
    %dma_start3A_577 = tpu.memref_slice %arg26[%add3A_308, %dma_start3A_576] : memref<16384x128xf32, #tpu.memory_space<hbm>> -> memref<128x128xf32, #tpu.memory_space<hbm>>
    %dma_start3A_578 = arith.constant 0 : i32
    %dma_start3A_579 = tpu.memref_slice %arg26[%add3A_308, %dma_start3A_578] : memref<16384x128xf32, #tpu.memory_space<hbm>> -> memref<128x128xf32, #tpu.memory_space<hbm>>
    tpu.enqueue_dma source(%arg36 : memref<128x128xf32, #tpu.memory_space<vmem>>) target(%dma_start3A_579 : memref<128x128xf32, #tpu.memory_space<hbm>>) target_semaphore(%arg42 : memref<!tpu.dma_semaphore, #tpu.memory_space<semaphore_mem>>)
    %dma_wait3A_580 = arith.constant 10 : i32
    %dma_wait3A_581 = arith.constant 128 : i32
    %dma_wait3A_582 = tpu.memref_slice %arg31[%dma_wait3A_580, %dma_wait3A_581] : memref<14x512xi32, #tpu.memory_space<vmem>> -> memref<1x128xi32, #tpu.memory_space<vmem>>
    %dma_wait3A_583 = tpu.memref_squeeze %dma_wait3A_582 : memref<1x128xi32, #tpu.memory_space<vmem>> -> memref<128xi32, #tpu.memory_space<vmem>>
    %dma_wait3A_584 = arith.constant 0 : i32
    %dma_wait3A_585 = arith.constant 0 : i32
    %dma_wait3A_586 = tpu.memref_slice %arg13[%dma_wait3A_584, %dma_wait3A_585] : memref<9x128xf32, #tpu.memory_space<hbm>> -> memref<9x128xf32, #tpu.memory_space<hbm>>
    tpu.wait_indirect_dma semaphore(%arg38 : memref<!tpu.dma_semaphore, #tpu.memory_space<semaphore_mem>>) src(%dma_wait3A_586 : memref<9x128xf32, #tpu.memory_space<hbm>>) dst(%arg37 : memref<128x128xf32, #tpu.memory_space<vmem>>)
    %dma_start3A_587 = arith.constant 0 : i32
    %dma_start3A_588 = tpu.memref_slice %arg27[%add3A_308, %dma_start3A_587] : memref<16384x128xf32, #tpu.memory_space<hbm>> -> memref<128x128xf32, #tpu.memory_space<hbm>>
    %dma_start3A_589 = arith.constant 0 : i32
    %dma_start3A_590 = tpu.memref_slice %arg27[%add3A_308, %dma_start3A_589] : memref<16384x128xf32, #tpu.memory_space<hbm>> -> memref<128x128xf32, #tpu.memory_space<hbm>>
    tpu.enqueue_dma source(%arg37 : memref<128x128xf32, #tpu.memory_space<vmem>>) target(%dma_start3A_590 : memref<128x128xf32, #tpu.memory_space<hbm>>) target_semaphore(%arg43 : memref<!tpu.dma_semaphore, #tpu.memory_space<semaphore_mem>>)
    %dma_wait3A_591 = arith.constant 11 : i32
    %dma_wait3A_592 = arith.constant 0 : i32
    %dma_wait3A_593 = arith.constant 0 : i32
    %dma_wait3A_594 = tpu.memref_slice %arg32[%dma_wait3A_592, %dma_wait3A_593] : memref<128x256xf32, #tpu.memory_space<vmem>> -> memref<128x128xf32, #tpu.memory_space<vmem>>
    %dma_wait3A_595 = arith.constant 128 : i32
    %dma_wait3A_596 = tpu.memref_slice %arg31[%dma_wait3A_591, %dma_wait3A_595] : memref<14x512xi32, #tpu.memory_space<vmem>> -> memref<1x128xi32, #tpu.memory_space<vmem>>
    %dma_wait3A_597 = tpu.memref_squeeze %dma_wait3A_596 : memref<1x128xi32, #tpu.memory_space<vmem>> -> memref<128xi32, #tpu.memory_space<vmem>>
    %dma_wait3A_598 = arith.constant 0 : i32
    %dma_wait3A_599 = arith.constant 0 : i32
    %dma_wait3A_600 = tpu.memref_slice %arg14[%dma_wait3A_598, %dma_wait3A_599] : memref<10x128xf32, #tpu.memory_space<hbm>> -> memref<10x128xf32, #tpu.memory_space<hbm>>
    tpu.wait_indirect_dma semaphore(%arg38 : memref<!tpu.dma_semaphore, #tpu.memory_space<semaphore_mem>>) src(%dma_wait3A_600 : memref<10x128xf32, #tpu.memory_space<hbm>>) dst(%dma_wait3A_594 : memref<128x128xf32, #tpu.memory_space<vmem>>)
    %dma_start3A_601 = arith.constant 0 : i32
    %dma_start3A_602 = arith.constant 0 : i32
    %dma_start3A_603 = tpu.memref_slice %arg32[%dma_start3A_601, %dma_start3A_602] : memref<128x256xf32, #tpu.memory_space<vmem>> -> memref<128x128xf32, #tpu.memory_space<vmem>>
    %dma_start3A_604 = arith.constant 0 : i32
    %dma_start3A_605 = tpu.memref_slice %arg28[%add3A_308, %dma_start3A_604] : memref<16384x128xf32, #tpu.memory_space<hbm>> -> memref<128x128xf32, #tpu.memory_space<hbm>>
    %dma_start3A_606 = arith.constant 0 : i32
    %dma_start3A_607 = tpu.memref_slice %arg28[%add3A_308, %dma_start3A_606] : memref<16384x128xf32, #tpu.memory_space<hbm>> -> memref<128x128xf32, #tpu.memory_space<hbm>>
    %dma_start3A_608 = arith.constant 0 : i32
    %dma_start3A_609 = arith.constant 0 : i32
    %dma_start3A_610 = tpu.memref_slice %arg32[%dma_start3A_608, %dma_start3A_609] : memref<128x256xf32, #tpu.memory_space<vmem>> -> memref<128x128xf32, #tpu.memory_space<vmem>>
    tpu.enqueue_dma source(%dma_start3A_610 : memref<128x128xf32, #tpu.memory_space<vmem>>) target(%dma_start3A_607 : memref<128x128xf32, #tpu.memory_space<hbm>>) target_semaphore(%arg44 : memref<!tpu.dma_semaphore, #tpu.memory_space<semaphore_mem>>)
    %dma_wait3A_611 = arith.constant 12 : i32
    %dma_wait3A_612 = arith.constant 0 : i32
    %dma_wait3A_613 = arith.constant 128 : i32
    %dma_wait3A_614 = tpu.memref_slice %arg32[%dma_wait3A_612, %dma_wait3A_613] : memref<128x256xf32, #tpu.memory_space<vmem>> -> memref<128x128xf32, #tpu.memory_space<vmem>>
    %dma_wait3A_615 = arith.constant 128 : i32
    %dma_wait3A_616 = tpu.memref_slice %arg31[%dma_wait3A_611, %dma_wait3A_615] : memref<14x512xi32, #tpu.memory_space<vmem>> -> memref<1x128xi32, #tpu.memory_space<vmem>>
    %dma_wait3A_617 = tpu.memref_squeeze %dma_wait3A_616 : memref<1x128xi32, #tpu.memory_space<vmem>> -> memref<128xi32, #tpu.memory_space<vmem>>
    %dma_wait3A_618 = arith.constant 0 : i32
    %dma_wait3A_619 = arith.constant 0 : i32
    %dma_wait3A_620 = tpu.memref_slice %arg15[%dma_wait3A_618, %dma_wait3A_619] : memref<10x128xf32, #tpu.memory_space<hbm>> -> memref<10x128xf32, #tpu.memory_space<hbm>>
    tpu.wait_indirect_dma semaphore(%arg38 : memref<!tpu.dma_semaphore, #tpu.memory_space<semaphore_mem>>) src(%dma_wait3A_620 : memref<10x128xf32, #tpu.memory_space<hbm>>) dst(%dma_wait3A_614 : memref<128x128xf32, #tpu.memory_space<vmem>>)
    %dma_start3A_621 = arith.constant 0 : i32
    %dma_start3A_622 = arith.constant 128 : i32
    %dma_start3A_623 = tpu.memref_slice %arg32[%dma_start3A_621, %dma_start3A_622] : memref<128x256xf32, #tpu.memory_space<vmem>> -> memref<128x128xf32, #tpu.memory_space<vmem>>
    %dma_start3A_624 = arith.constant 0 : i32
    %dma_start3A_625 = tpu.memref_slice %arg29[%add3A_308, %dma_start3A_624] : memref<16384x128xf32, #tpu.memory_space<hbm>> -> memref<128x128xf32, #tpu.memory_space<hbm>>
    %dma_start3A_626 = arith.constant 0 : i32
    %dma_start3A_627 = tpu.memref_slice %arg29[%add3A_308, %dma_start3A_626] : memref<16384x128xf32, #tpu.memory_space<hbm>> -> memref<128x128xf32, #tpu.memory_space<hbm>>
    %dma_start3A_628 = arith.constant 0 : i32
    %dma_start3A_629 = arith.constant 128 : i32
    %dma_start3A_630 = tpu.memref_slice %arg32[%dma_start3A_628, %dma_start3A_629] : memref<128x256xf32, #tpu.memory_space<vmem>> -> memref<128x128xf32, #tpu.memory_space<vmem>>
    tpu.enqueue_dma source(%dma_start3A_630 : memref<128x128xf32, #tpu.memory_space<vmem>>) target(%dma_start3A_627 : memref<128x128xf32, #tpu.memory_space<hbm>>) target_semaphore(%arg44 : memref<!tpu.dma_semaphore, #tpu.memory_space<semaphore_mem>>)
    %dma_wait3A_631 = arith.constant 0 : i32
    %dma_wait3A_632 = tpu.memref_slice %arg23[%add3A_308, %dma_wait3A_631] : memref<16384x128xf32, #tpu.memory_space<hbm>> -> memref<128x128xf32, #tpu.memory_space<hbm>>
    %dma_wait3A_633 = arith.constant 0 : i32
    %dma_wait3A_634 = tpu.memref_slice %arg23[%add3A_308, %dma_wait3A_633] : memref<16384x128xf32, #tpu.memory_space<hbm>> -> memref<128x128xf32, #tpu.memory_space<hbm>>
    tpu.wait_dma2 semaphore(%arg39 : memref<!tpu.dma_semaphore, #tpu.memory_space<semaphore_mem>>) src(%arg33 : memref<128x128xf32, #tpu.memory_space<vmem>>) dst(%dma_wait3A_634 : memref<128x128xf32, #tpu.memory_space<hbm>>)
    %dma_start3A_635 = arith.constant 13 : i32
    %dma_start3A_636 = arith.constant 128 : i32
    %dma_start3A_637 = tpu.memref_slice %arg31[%dma_start3A_635, %dma_start3A_636] : memref<14x512xi32, #tpu.memory_space<vmem>> -> memref<1x128xi32, #tpu.memory_space<vmem>>
    %dma_start3A_638 = tpu.memref_squeeze %dma_start3A_637 : memref<1x128xi32, #tpu.memory_space<vmem>> -> memref<128xi32, #tpu.memory_space<vmem>>
    %dma_start3A_639 = arith.constant 0 : i32
    %dma_start3A_640 = arith.constant 0 : i32
    %dma_start3A_641 = tpu.memref_slice %arg16[%dma_start3A_639, %dma_start3A_640] : memref<8x128xf32, #tpu.memory_space<hbm>> -> memref<8x128xf32, #tpu.memory_space<hbm>>
    tpu.enqueue_indirect_dma source(%dma_start3A_641 : memref<8x128xf32, #tpu.memory_space<hbm>>) target(%arg33 : memref<128x128xf32, #tpu.memory_space<vmem>>) offsets(%dma_start3A_638 : memref<128xi32, #tpu.memory_space<vmem>>) semaphore(%arg38 : memref<!tpu.dma_semaphore, #tpu.memory_space<semaphore_mem>>)
    %dma_wait3A_642 = arith.constant 13 : i32
    %dma_wait3A_643 = arith.constant 128 : i32
    %dma_wait3A_644 = tpu.memref_slice %arg31[%dma_wait3A_642, %dma_wait3A_643] : memref<14x512xi32, #tpu.memory_space<vmem>> -> memref<1x128xi32, #tpu.memory_space<vmem>>
    %dma_wait3A_645 = tpu.memref_squeeze %dma_wait3A_644 : memref<1x128xi32, #tpu.memory_space<vmem>> -> memref<128xi32, #tpu.memory_space<vmem>>
    %dma_wait3A_646 = arith.constant 0 : i32
    %dma_wait3A_647 = arith.constant 0 : i32
    %dma_wait3A_648 = tpu.memref_slice %arg16[%dma_wait3A_646, %dma_wait3A_647] : memref<8x128xf32, #tpu.memory_space<hbm>> -> memref<8x128xf32, #tpu.memory_space<hbm>>
    tpu.wait_indirect_dma semaphore(%arg38 : memref<!tpu.dma_semaphore, #tpu.memory_space<semaphore_mem>>) src(%dma_wait3A_648 : memref<8x128xf32, #tpu.memory_space<hbm>>) dst(%arg33 : memref<128x128xf32, #tpu.memory_space<vmem>>)
    %dma_start3A_649 = arith.constant 0 : i32
    %dma_start3A_650 = tpu.memref_slice %arg30[%add3A_308, %dma_start3A_649] : memref<16384x128xf32, #tpu.memory_space<hbm>> -> memref<128x128xf32, #tpu.memory_space<hbm>>
    %dma_start3A_651 = arith.constant 0 : i32
    %dma_start3A_652 = tpu.memref_slice %arg30[%add3A_308, %dma_start3A_651] : memref<16384x128xf32, #tpu.memory_space<hbm>> -> memref<128x128xf32, #tpu.memory_space<hbm>>
    tpu.enqueue_dma source(%arg33 : memref<128x128xf32, #tpu.memory_space<vmem>>) target(%dma_start3A_652 : memref<128x128xf32, #tpu.memory_space<hbm>>) target_semaphore(%arg39 : memref<!tpu.dma_semaphore, #tpu.memory_space<semaphore_mem>>)
    %add3A_653 = arith.constant 256 : i32
    %add3A_654 = arith.addi %mul3A_2, %add3A_653 : i32
    %dma_wait3A_655 = arith.constant 0 : i32
    %dma_wait3A_656 = arith.constant 0 : i32
    %dma_wait3A_657 = tpu.memref_slice %arg32[%dma_wait3A_655, %dma_wait3A_656] : memref<128x256xf32, #tpu.memory_space<vmem>> -> memref<128x128xf32, #tpu.memory_space<vmem>>
    %dma_wait3A_658 = arith.constant 0 : i32
    %dma_wait3A_659 = tpu.memref_slice %arg28[%add3A_308, %dma_wait3A_658] : memref<16384x128xf32, #tpu.memory_space<hbm>> -> memref<128x128xf32, #tpu.memory_space<hbm>>
    %dma_wait3A_660 = arith.constant 0 : i32
    %dma_wait3A_661 = tpu.memref_slice %arg28[%add3A_308, %dma_wait3A_660] : memref<16384x128xf32, #tpu.memory_space<hbm>> -> memref<128x128xf32, #tpu.memory_space<hbm>>
    %dma_wait3A_662 = arith.constant 0 : i32
    %dma_wait3A_663 = arith.constant 0 : i32
    %dma_wait3A_664 = tpu.memref_slice %arg32[%dma_wait3A_662, %dma_wait3A_663] : memref<128x256xf32, #tpu.memory_space<vmem>> -> memref<128x128xf32, #tpu.memory_space<vmem>>
    tpu.wait_dma2 semaphore(%arg44 : memref<!tpu.dma_semaphore, #tpu.memory_space<semaphore_mem>>) src(%dma_wait3A_664 : memref<128x128xf32, #tpu.memory_space<vmem>>) dst(%dma_wait3A_661 : memref<128x128xf32, #tpu.memory_space<hbm>>)
    %dma_wait3A_665 = arith.constant 0 : i32
    %dma_wait3A_666 = arith.constant 128 : i32
    %dma_wait3A_667 = tpu.memref_slice %arg32[%dma_wait3A_665, %dma_wait3A_666] : memref<128x256xf32, #tpu.memory_space<vmem>> -> memref<128x128xf32, #tpu.memory_space<vmem>>
    %dma_wait3A_668 = arith.constant 0 : i32
    %dma_wait3A_669 = tpu.memref_slice %arg29[%add3A_308, %dma_wait3A_668] : memref<16384x128xf32, #tpu.memory_space<hbm>> -> memref<128x128xf32, #tpu.memory_space<hbm>>
    %dma_wait3A_670 = arith.constant 0 : i32
    %dma_wait3A_671 = tpu.memref_slice %arg29[%add3A_308, %dma_wait3A_670] : memref<16384x128xf32, #tpu.memory_space<hbm>> -> memref<128x128xf32, #tpu.memory_space<hbm>>
    %dma_wait3A_672 = arith.constant 0 : i32
    %dma_wait3A_673 = arith.constant 128 : i32
    %dma_wait3A_674 = tpu.memref_slice %arg32[%dma_wait3A_672, %dma_wait3A_673] : memref<128x256xf32, #tpu.memory_space<vmem>> -> memref<128x128xf32, #tpu.memory_space<vmem>>
    tpu.wait_dma2 semaphore(%arg44 : memref<!tpu.dma_semaphore, #tpu.memory_space<semaphore_mem>>) src(%dma_wait3A_674 : memref<128x128xf32, #tpu.memory_space<vmem>>) dst(%dma_wait3A_671 : memref<128x128xf32, #tpu.memory_space<hbm>>)
    %dma_wait3A_675 = arith.constant 0 : i32
    %dma_wait3A_676 = tpu.memref_slice %arg30[%add3A_308, %dma_wait3A_675] : memref<16384x128xf32, #tpu.memory_space<hbm>> -> memref<128x128xf32, #tpu.memory_space<hbm>>
    %dma_wait3A_677 = arith.constant 0 : i32
    %dma_wait3A_678 = tpu.memref_slice %arg30[%add3A_308, %dma_wait3A_677] : memref<16384x128xf32, #tpu.memory_space<hbm>> -> memref<128x128xf32, #tpu.memory_space<hbm>>
    tpu.wait_dma2 semaphore(%arg39 : memref<!tpu.dma_semaphore, #tpu.memory_space<semaphore_mem>>) src(%arg33 : memref<128x128xf32, #tpu.memory_space<vmem>>) dst(%dma_wait3A_678 : memref<128x128xf32, #tpu.memory_space<hbm>>)
    %dma_wait3A_679 = arith.constant 0 : i32
    %dma_wait3A_680 = tpu.memref_slice %arg24[%add3A_308, %dma_wait3A_679] : memref<16384x128xf32, #tpu.memory_space<hbm>> -> memref<128x128xf32, #tpu.memory_space<hbm>>
    %dma_wait3A_681 = arith.constant 0 : i32
    %dma_wait3A_682 = tpu.memref_slice %arg24[%add3A_308, %dma_wait3A_681] : memref<16384x128xf32, #tpu.memory_space<hbm>> -> memref<128x128xf32, #tpu.memory_space<hbm>>
    tpu.wait_dma2 semaphore(%arg40 : memref<!tpu.dma_semaphore, #tpu.memory_space<semaphore_mem>>) src(%arg34 : memref<128x128xf32, #tpu.memory_space<vmem>>) dst(%dma_wait3A_682 : memref<128x128xf32, #tpu.memory_space<hbm>>)
    %dma_wait3A_683 = arith.constant 0 : i32
    %dma_wait3A_684 = tpu.memref_slice %arg25[%add3A_308, %dma_wait3A_683] : memref<16384x128xf32, #tpu.memory_space<hbm>> -> memref<128x128xf32, #tpu.memory_space<hbm>>
    %dma_wait3A_685 = arith.constant 0 : i32
    %dma_wait3A_686 = tpu.memref_slice %arg25[%add3A_308, %dma_wait3A_685] : memref<16384x128xf32, #tpu.memory_space<hbm>> -> memref<128x128xf32, #tpu.memory_space<hbm>>
    tpu.wait_dma2 semaphore(%arg41 : memref<!tpu.dma_semaphore, #tpu.memory_space<semaphore_mem>>) src(%arg35 : memref<128x128xf32, #tpu.memory_space<vmem>>) dst(%dma_wait3A_686 : memref<128x128xf32, #tpu.memory_space<hbm>>)
    %dma_wait3A_687 = arith.constant 0 : i32
    %dma_wait3A_688 = tpu.memref_slice %arg26[%add3A_308, %dma_wait3A_687] : memref<16384x128xf32, #tpu.memory_space<hbm>> -> memref<128x128xf32, #tpu.memory_space<hbm>>
    %dma_wait3A_689 = arith.constant 0 : i32
    %dma_wait3A_690 = tpu.memref_slice %arg26[%add3A_308, %dma_wait3A_689] : memref<16384x128xf32, #tpu.memory_space<hbm>> -> memref<128x128xf32, #tpu.memory_space<hbm>>
    tpu.wait_dma2 semaphore(%arg42 : memref<!tpu.dma_semaphore, #tpu.memory_space<semaphore_mem>>) src(%arg36 : memref<128x128xf32, #tpu.memory_space<vmem>>) dst(%dma_wait3A_690 : memref<128x128xf32, #tpu.memory_space<hbm>>)
    %dma_wait3A_691 = arith.constant 0 : i32
    %dma_wait3A_692 = tpu.memref_slice %arg27[%add3A_308, %dma_wait3A_691] : memref<16384x128xf32, #tpu.memory_space<hbm>> -> memref<128x128xf32, #tpu.memory_space<hbm>>
    %dma_wait3A_693 = arith.constant 0 : i32
    %dma_wait3A_694 = tpu.memref_slice %arg27[%add3A_308, %dma_wait3A_693] : memref<16384x128xf32, #tpu.memory_space<hbm>> -> memref<128x128xf32, #tpu.memory_space<hbm>>
    tpu.wait_dma2 semaphore(%arg43 : memref<!tpu.dma_semaphore, #tpu.memory_space<semaphore_mem>>) src(%arg37 : memref<128x128xf32, #tpu.memory_space<vmem>>) dst(%dma_wait3A_694 : memref<128x128xf32, #tpu.memory_space<hbm>>)
    %dma_start3A_695 = arith.constant 0 : i32
    %dma_start3A_696 = arith.constant 256 : i32
    %dma_start3A_697 = tpu.memref_slice %arg31[%dma_start3A_695, %dma_start3A_696] : memref<14x512xi32, #tpu.memory_space<vmem>> -> memref<1x128xi32, #tpu.memory_space<vmem>>
    %dma_start3A_698 = tpu.memref_squeeze %dma_start3A_697 : memref<1x128xi32, #tpu.memory_space<vmem>> -> memref<128xi32, #tpu.memory_space<vmem>>
    %dma_start3A_699 = arith.constant 0 : i32
    %dma_start3A_700 = arith.constant 0 : i32
    %dma_start3A_701 = tpu.memref_slice %arg3[%dma_start3A_699, %dma_start3A_700] : memref<100x256xf32, #tpu.memory_space<hbm>> -> memref<100x256xf32, #tpu.memory_space<hbm>>
    tpu.enqueue_indirect_dma source(%dma_start3A_701 : memref<100x256xf32, #tpu.memory_space<hbm>>) target(%arg32 : memref<128x256xf32, #tpu.memory_space<vmem>>) offsets(%dma_start3A_698 : memref<128xi32, #tpu.memory_space<vmem>>) semaphore(%arg38 : memref<!tpu.dma_semaphore, #tpu.memory_space<semaphore_mem>>)
    %dma_start3A_702 = arith.constant 1 : i32
    %dma_start3A_703 = arith.constant 256 : i32
    %dma_start3A_704 = tpu.memref_slice %arg31[%dma_start3A_702, %dma_start3A_703] : memref<14x512xi32, #tpu.memory_space<vmem>> -> memref<1x128xi32, #tpu.memory_space<vmem>>
    %dma_start3A_705 = tpu.memref_squeeze %dma_start3A_704 : memref<1x128xi32, #tpu.memory_space<vmem>> -> memref<128xi32, #tpu.memory_space<vmem>>
    %dma_start3A_706 = arith.constant 0 : i32
    %dma_start3A_707 = arith.constant 0 : i32
    %dma_start3A_708 = tpu.memref_slice %arg4[%dma_start3A_706, %dma_start3A_707] : memref<3x128xf32, #tpu.memory_space<hbm>> -> memref<3x128xf32, #tpu.memory_space<hbm>>
    tpu.enqueue_indirect_dma source(%dma_start3A_708 : memref<3x128xf32, #tpu.memory_space<hbm>>) target(%arg33 : memref<128x128xf32, #tpu.memory_space<vmem>>) offsets(%dma_start3A_705 : memref<128xi32, #tpu.memory_space<vmem>>) semaphore(%arg38 : memref<!tpu.dma_semaphore, #tpu.memory_space<semaphore_mem>>)
    %dma_start3A_709 = arith.constant 2 : i32
    %dma_start3A_710 = arith.constant 256 : i32
    %dma_start3A_711 = tpu.memref_slice %arg31[%dma_start3A_709, %dma_start3A_710] : memref<14x512xi32, #tpu.memory_space<vmem>> -> memref<1x128xi32, #tpu.memory_space<vmem>>
    %dma_start3A_712 = tpu.memref_squeeze %dma_start3A_711 : memref<1x128xi32, #tpu.memory_space<vmem>> -> memref<128xi32, #tpu.memory_space<vmem>>
    %dma_start3A_713 = arith.constant 0 : i32
    %dma_start3A_714 = arith.constant 0 : i32
    %dma_start3A_715 = tpu.memref_slice %arg5[%dma_start3A_713, %dma_start3A_714] : memref<12x128xf32, #tpu.memory_space<hbm>> -> memref<12x128xf32, #tpu.memory_space<hbm>>
    tpu.enqueue_indirect_dma source(%dma_start3A_715 : memref<12x128xf32, #tpu.memory_space<hbm>>) target(%arg34 : memref<128x128xf32, #tpu.memory_space<vmem>>) offsets(%dma_start3A_712 : memref<128xi32, #tpu.memory_space<vmem>>) semaphore(%arg38 : memref<!tpu.dma_semaphore, #tpu.memory_space<semaphore_mem>>)
    %dma_start3A_716 = arith.constant 3 : i32
    %dma_start3A_717 = arith.constant 256 : i32
    %dma_start3A_718 = tpu.memref_slice %arg31[%dma_start3A_716, %dma_start3A_717] : memref<14x512xi32, #tpu.memory_space<vmem>> -> memref<1x128xi32, #tpu.memory_space<vmem>>
    %dma_start3A_719 = tpu.memref_squeeze %dma_start3A_718 : memref<1x128xi32, #tpu.memory_space<vmem>> -> memref<128xi32, #tpu.memory_space<vmem>>
    %dma_start3A_720 = arith.constant 0 : i32
    %dma_start3A_721 = arith.constant 0 : i32
    %dma_start3A_722 = tpu.memref_slice %arg6[%dma_start3A_720, %dma_start3A_721] : memref<31x128xf32, #tpu.memory_space<hbm>> -> memref<31x128xf32, #tpu.memory_space<hbm>>
    tpu.enqueue_indirect_dma source(%dma_start3A_722 : memref<31x128xf32, #tpu.memory_space<hbm>>) target(%arg35 : memref<128x128xf32, #tpu.memory_space<vmem>>) offsets(%dma_start3A_719 : memref<128xi32, #tpu.memory_space<vmem>>) semaphore(%arg38 : memref<!tpu.dma_semaphore, #tpu.memory_space<semaphore_mem>>)
    %dma_start3A_723 = arith.constant 4 : i32
    %dma_start3A_724 = arith.constant 256 : i32
    %dma_start3A_725 = tpu.memref_slice %arg31[%dma_start3A_723, %dma_start3A_724] : memref<14x512xi32, #tpu.memory_space<vmem>> -> memref<1x128xi32, #tpu.memory_space<vmem>>
    %dma_start3A_726 = tpu.memref_squeeze %dma_start3A_725 : memref<1x128xi32, #tpu.memory_space<vmem>> -> memref<128xi32, #tpu.memory_space<vmem>>
    %dma_start3A_727 = arith.constant 0 : i32
    %dma_start3A_728 = arith.constant 0 : i32
    %dma_start3A_729 = tpu.memref_slice %arg7[%dma_start3A_727, %dma_start3A_728] : memref<24x128xf32, #tpu.memory_space<hbm>> -> memref<24x128xf32, #tpu.memory_space<hbm>>
    tpu.enqueue_indirect_dma source(%dma_start3A_729 : memref<24x128xf32, #tpu.memory_space<hbm>>) target(%arg36 : memref<128x128xf32, #tpu.memory_space<vmem>>) offsets(%dma_start3A_726 : memref<128xi32, #tpu.memory_space<vmem>>) semaphore(%arg38 : memref<!tpu.dma_semaphore, #tpu.memory_space<semaphore_mem>>)
    %dma_start3A_730 = arith.constant 5 : i32
    %dma_start3A_731 = arith.constant 256 : i32
    %dma_start3A_732 = tpu.memref_slice %arg31[%dma_start3A_730, %dma_start3A_731] : memref<14x512xi32, #tpu.memory_space<vmem>> -> memref<1x128xi32, #tpu.memory_space<vmem>>
    %dma_start3A_733 = tpu.memref_squeeze %dma_start3A_732 : memref<1x128xi32, #tpu.memory_space<vmem>> -> memref<128xi32, #tpu.memory_space<vmem>>
    %dma_start3A_734 = arith.constant 0 : i32
    %dma_start3A_735 = arith.constant 0 : i32
    %dma_start3A_736 = tpu.memref_slice %arg8[%dma_start3A_734, %dma_start3A_735] : memref<7x128xf32, #tpu.memory_space<hbm>> -> memref<7x128xf32, #tpu.memory_space<hbm>>
    tpu.enqueue_indirect_dma source(%dma_start3A_736 : memref<7x128xf32, #tpu.memory_space<hbm>>) target(%arg37 : memref<128x128xf32, #tpu.memory_space<vmem>>) offsets(%dma_start3A_733 : memref<128xi32, #tpu.memory_space<vmem>>) semaphore(%arg38 : memref<!tpu.dma_semaphore, #tpu.memory_space<semaphore_mem>>)
    %dma_wait3A_737 = arith.constant 0 : i32
    %dma_wait3A_738 = arith.constant 256 : i32
    %dma_wait3A_739 = tpu.memref_slice %arg31[%dma_wait3A_737, %dma_wait3A_738] : memref<14x512xi32, #tpu.memory_space<vmem>> -> memref<1x128xi32, #tpu.memory_space<vmem>>
    %dma_wait3A_740 = tpu.memref_squeeze %dma_wait3A_739 : memref<1x128xi32, #tpu.memory_space<vmem>> -> memref<128xi32, #tpu.memory_space<vmem>>
    %dma_wait3A_741 = arith.constant 0 : i32
    %dma_wait3A_742 = arith.constant 0 : i32
    %dma_wait3A_743 = tpu.memref_slice %arg3[%dma_wait3A_741, %dma_wait3A_742] : memref<100x256xf32, #tpu.memory_space<hbm>> -> memref<100x256xf32, #tpu.memory_space<hbm>>
    tpu.wait_indirect_dma semaphore(%arg38 : memref<!tpu.dma_semaphore, #tpu.memory_space<semaphore_mem>>) src(%dma_wait3A_743 : memref<100x256xf32, #tpu.memory_space<hbm>>) dst(%arg32 : memref<128x256xf32, #tpu.memory_space<vmem>>)
    %dma_start3A_744 = arith.constant 0 : i32
    %dma_start3A_745 = tpu.memref_slice %arg17[%add3A_654, %dma_start3A_744] : memref<16384x256xf32, #tpu.memory_space<hbm>> -> memref<128x256xf32, #tpu.memory_space<hbm>>
    %dma_start3A_746 = arith.constant 0 : i32
    %dma_start3A_747 = tpu.memref_slice %arg17[%add3A_654, %dma_start3A_746] : memref<16384x256xf32, #tpu.memory_space<hbm>> -> memref<128x256xf32, #tpu.memory_space<hbm>>
    tpu.enqueue_dma source(%arg32 : memref<128x256xf32, #tpu.memory_space<vmem>>) target(%dma_start3A_747 : memref<128x256xf32, #tpu.memory_space<hbm>>) target_semaphore(%arg44 : memref<!tpu.dma_semaphore, #tpu.memory_space<semaphore_mem>>)
    %dma_wait3A_748 = arith.constant 1 : i32
    %dma_wait3A_749 = arith.constant 256 : i32
    %dma_wait3A_750 = tpu.memref_slice %arg31[%dma_wait3A_748, %dma_wait3A_749] : memref<14x512xi32, #tpu.memory_space<vmem>> -> memref<1x128xi32, #tpu.memory_space<vmem>>
    %dma_wait3A_751 = tpu.memref_squeeze %dma_wait3A_750 : memref<1x128xi32, #tpu.memory_space<vmem>> -> memref<128xi32, #tpu.memory_space<vmem>>
    %dma_wait3A_752 = arith.constant 0 : i32
    %dma_wait3A_753 = arith.constant 0 : i32
    %dma_wait3A_754 = tpu.memref_slice %arg4[%dma_wait3A_752, %dma_wait3A_753] : memref<3x128xf32, #tpu.memory_space<hbm>> -> memref<3x128xf32, #tpu.memory_space<hbm>>
    tpu.wait_indirect_dma semaphore(%arg38 : memref<!tpu.dma_semaphore, #tpu.memory_space<semaphore_mem>>) src(%dma_wait3A_754 : memref<3x128xf32, #tpu.memory_space<hbm>>) dst(%arg33 : memref<128x128xf32, #tpu.memory_space<vmem>>)
    %dma_start3A_755 = arith.constant 0 : i32
    %dma_start3A_756 = tpu.memref_slice %arg18[%add3A_654, %dma_start3A_755] : memref<16384x128xf32, #tpu.memory_space<hbm>> -> memref<128x128xf32, #tpu.memory_space<hbm>>
    %dma_start3A_757 = arith.constant 0 : i32
    %dma_start3A_758 = tpu.memref_slice %arg18[%add3A_654, %dma_start3A_757] : memref<16384x128xf32, #tpu.memory_space<hbm>> -> memref<128x128xf32, #tpu.memory_space<hbm>>
    tpu.enqueue_dma source(%arg33 : memref<128x128xf32, #tpu.memory_space<vmem>>) target(%dma_start3A_758 : memref<128x128xf32, #tpu.memory_space<hbm>>) target_semaphore(%arg39 : memref<!tpu.dma_semaphore, #tpu.memory_space<semaphore_mem>>)
    %dma_wait3A_759 = arith.constant 2 : i32
    %dma_wait3A_760 = arith.constant 256 : i32
    %dma_wait3A_761 = tpu.memref_slice %arg31[%dma_wait3A_759, %dma_wait3A_760] : memref<14x512xi32, #tpu.memory_space<vmem>> -> memref<1x128xi32, #tpu.memory_space<vmem>>
    %dma_wait3A_762 = tpu.memref_squeeze %dma_wait3A_761 : memref<1x128xi32, #tpu.memory_space<vmem>> -> memref<128xi32, #tpu.memory_space<vmem>>
    %dma_wait3A_763 = arith.constant 0 : i32
    %dma_wait3A_764 = arith.constant 0 : i32
    %dma_wait3A_765 = tpu.memref_slice %arg5[%dma_wait3A_763, %dma_wait3A_764] : memref<12x128xf32, #tpu.memory_space<hbm>> -> memref<12x128xf32, #tpu.memory_space<hbm>>
    tpu.wait_indirect_dma semaphore(%arg38 : memref<!tpu.dma_semaphore, #tpu.memory_space<semaphore_mem>>) src(%dma_wait3A_765 : memref<12x128xf32, #tpu.memory_space<hbm>>) dst(%arg34 : memref<128x128xf32, #tpu.memory_space<vmem>>)
    %dma_start3A_766 = arith.constant 0 : i32
    %dma_start3A_767 = tpu.memref_slice %arg19[%add3A_654, %dma_start3A_766] : memref<16384x128xf32, #tpu.memory_space<hbm>> -> memref<128x128xf32, #tpu.memory_space<hbm>>
    %dma_start3A_768 = arith.constant 0 : i32
    %dma_start3A_769 = tpu.memref_slice %arg19[%add3A_654, %dma_start3A_768] : memref<16384x128xf32, #tpu.memory_space<hbm>> -> memref<128x128xf32, #tpu.memory_space<hbm>>
    tpu.enqueue_dma source(%arg34 : memref<128x128xf32, #tpu.memory_space<vmem>>) target(%dma_start3A_769 : memref<128x128xf32, #tpu.memory_space<hbm>>) target_semaphore(%arg40 : memref<!tpu.dma_semaphore, #tpu.memory_space<semaphore_mem>>)
    %dma_wait3A_770 = arith.constant 3 : i32
    %dma_wait3A_771 = arith.constant 256 : i32
    %dma_wait3A_772 = tpu.memref_slice %arg31[%dma_wait3A_770, %dma_wait3A_771] : memref<14x512xi32, #tpu.memory_space<vmem>> -> memref<1x128xi32, #tpu.memory_space<vmem>>
    %dma_wait3A_773 = tpu.memref_squeeze %dma_wait3A_772 : memref<1x128xi32, #tpu.memory_space<vmem>> -> memref<128xi32, #tpu.memory_space<vmem>>
    %dma_wait3A_774 = arith.constant 0 : i32
    %dma_wait3A_775 = arith.constant 0 : i32
    %dma_wait3A_776 = tpu.memref_slice %arg6[%dma_wait3A_774, %dma_wait3A_775] : memref<31x128xf32, #tpu.memory_space<hbm>> -> memref<31x128xf32, #tpu.memory_space<hbm>>
    tpu.wait_indirect_dma semaphore(%arg38 : memref<!tpu.dma_semaphore, #tpu.memory_space<semaphore_mem>>) src(%dma_wait3A_776 : memref<31x128xf32, #tpu.memory_space<hbm>>) dst(%arg35 : memref<128x128xf32, #tpu.memory_space<vmem>>)
    %dma_start3A_777 = arith.constant 0 : i32
    %dma_start3A_778 = tpu.memref_slice %arg20[%add3A_654, %dma_start3A_777] : memref<16384x128xf32, #tpu.memory_space<hbm>> -> memref<128x128xf32, #tpu.memory_space<hbm>>
    %dma_start3A_779 = arith.constant 0 : i32
    %dma_start3A_780 = tpu.memref_slice %arg20[%add3A_654, %dma_start3A_779] : memref<16384x128xf32, #tpu.memory_space<hbm>> -> memref<128x128xf32, #tpu.memory_space<hbm>>
    tpu.enqueue_dma source(%arg35 : memref<128x128xf32, #tpu.memory_space<vmem>>) target(%dma_start3A_780 : memref<128x128xf32, #tpu.memory_space<hbm>>) target_semaphore(%arg41 : memref<!tpu.dma_semaphore, #tpu.memory_space<semaphore_mem>>)
    %dma_wait3A_781 = arith.constant 4 : i32
    %dma_wait3A_782 = arith.constant 256 : i32
    %dma_wait3A_783 = tpu.memref_slice %arg31[%dma_wait3A_781, %dma_wait3A_782] : memref<14x512xi32, #tpu.memory_space<vmem>> -> memref<1x128xi32, #tpu.memory_space<vmem>>
    %dma_wait3A_784 = tpu.memref_squeeze %dma_wait3A_783 : memref<1x128xi32, #tpu.memory_space<vmem>> -> memref<128xi32, #tpu.memory_space<vmem>>
    %dma_wait3A_785 = arith.constant 0 : i32
    %dma_wait3A_786 = arith.constant 0 : i32
    %dma_wait3A_787 = tpu.memref_slice %arg7[%dma_wait3A_785, %dma_wait3A_786] : memref<24x128xf32, #tpu.memory_space<hbm>> -> memref<24x128xf32, #tpu.memory_space<hbm>>
    tpu.wait_indirect_dma semaphore(%arg38 : memref<!tpu.dma_semaphore, #tpu.memory_space<semaphore_mem>>) src(%dma_wait3A_787 : memref<24x128xf32, #tpu.memory_space<hbm>>) dst(%arg36 : memref<128x128xf32, #tpu.memory_space<vmem>>)
    %dma_start3A_788 = arith.constant 0 : i32
    %dma_start3A_789 = tpu.memref_slice %arg21[%add3A_654, %dma_start3A_788] : memref<16384x128xf32, #tpu.memory_space<hbm>> -> memref<128x128xf32, #tpu.memory_space<hbm>>
    %dma_start3A_790 = arith.constant 0 : i32
    %dma_start3A_791 = tpu.memref_slice %arg21[%add3A_654, %dma_start3A_790] : memref<16384x128xf32, #tpu.memory_space<hbm>> -> memref<128x128xf32, #tpu.memory_space<hbm>>
    tpu.enqueue_dma source(%arg36 : memref<128x128xf32, #tpu.memory_space<vmem>>) target(%dma_start3A_791 : memref<128x128xf32, #tpu.memory_space<hbm>>) target_semaphore(%arg42 : memref<!tpu.dma_semaphore, #tpu.memory_space<semaphore_mem>>)
    %dma_wait3A_792 = arith.constant 5 : i32
    %dma_wait3A_793 = arith.constant 256 : i32
    %dma_wait3A_794 = tpu.memref_slice %arg31[%dma_wait3A_792, %dma_wait3A_793] : memref<14x512xi32, #tpu.memory_space<vmem>> -> memref<1x128xi32, #tpu.memory_space<vmem>>
    %dma_wait3A_795 = tpu.memref_squeeze %dma_wait3A_794 : memref<1x128xi32, #tpu.memory_space<vmem>> -> memref<128xi32, #tpu.memory_space<vmem>>
    %dma_wait3A_796 = arith.constant 0 : i32
    %dma_wait3A_797 = arith.constant 0 : i32
    %dma_wait3A_798 = tpu.memref_slice %arg8[%dma_wait3A_796, %dma_wait3A_797] : memref<7x128xf32, #tpu.memory_space<hbm>> -> memref<7x128xf32, #tpu.memory_space<hbm>>
    tpu.wait_indirect_dma semaphore(%arg38 : memref<!tpu.dma_semaphore, #tpu.memory_space<semaphore_mem>>) src(%dma_wait3A_798 : memref<7x128xf32, #tpu.memory_space<hbm>>) dst(%arg37 : memref<128x128xf32, #tpu.memory_space<vmem>>)
    %dma_start3A_799 = arith.constant 0 : i32
    %dma_start3A_800 = tpu.memref_slice %arg22[%add3A_654, %dma_start3A_799] : memref<16384x128xf32, #tpu.memory_space<hbm>> -> memref<128x128xf32, #tpu.memory_space<hbm>>
    %dma_start3A_801 = arith.constant 0 : i32
    %dma_start3A_802 = tpu.memref_slice %arg22[%add3A_654, %dma_start3A_801] : memref<16384x128xf32, #tpu.memory_space<hbm>> -> memref<128x128xf32, #tpu.memory_space<hbm>>
    tpu.enqueue_dma source(%arg37 : memref<128x128xf32, #tpu.memory_space<vmem>>) target(%dma_start3A_802 : memref<128x128xf32, #tpu.memory_space<hbm>>) target_semaphore(%arg43 : memref<!tpu.dma_semaphore, #tpu.memory_space<semaphore_mem>>)
    %dma_wait3A_803 = arith.constant 0 : i32
    %dma_wait3A_804 = tpu.memref_slice %arg18[%add3A_654, %dma_wait3A_803] : memref<16384x128xf32, #tpu.memory_space<hbm>> -> memref<128x128xf32, #tpu.memory_space<hbm>>
    %dma_wait3A_805 = arith.constant 0 : i32
    %dma_wait3A_806 = tpu.memref_slice %arg18[%add3A_654, %dma_wait3A_805] : memref<16384x128xf32, #tpu.memory_space<hbm>> -> memref<128x128xf32, #tpu.memory_space<hbm>>
    tpu.wait_dma2 semaphore(%arg39 : memref<!tpu.dma_semaphore, #tpu.memory_space<semaphore_mem>>) src(%arg33 : memref<128x128xf32, #tpu.memory_space<vmem>>) dst(%dma_wait3A_806 : memref<128x128xf32, #tpu.memory_space<hbm>>)
    %dma_wait3A_807 = arith.constant 0 : i32
    %dma_wait3A_808 = tpu.memref_slice %arg19[%add3A_654, %dma_wait3A_807] : memref<16384x128xf32, #tpu.memory_space<hbm>> -> memref<128x128xf32, #tpu.memory_space<hbm>>
    %dma_wait3A_809 = arith.constant 0 : i32
    %dma_wait3A_810 = tpu.memref_slice %arg19[%add3A_654, %dma_wait3A_809] : memref<16384x128xf32, #tpu.memory_space<hbm>> -> memref<128x128xf32, #tpu.memory_space<hbm>>
    tpu.wait_dma2 semaphore(%arg40 : memref<!tpu.dma_semaphore, #tpu.memory_space<semaphore_mem>>) src(%arg34 : memref<128x128xf32, #tpu.memory_space<vmem>>) dst(%dma_wait3A_810 : memref<128x128xf32, #tpu.memory_space<hbm>>)
    %dma_wait3A_811 = arith.constant 0 : i32
    %dma_wait3A_812 = tpu.memref_slice %arg20[%add3A_654, %dma_wait3A_811] : memref<16384x128xf32, #tpu.memory_space<hbm>> -> memref<128x128xf32, #tpu.memory_space<hbm>>
    %dma_wait3A_813 = arith.constant 0 : i32
    %dma_wait3A_814 = tpu.memref_slice %arg20[%add3A_654, %dma_wait3A_813] : memref<16384x128xf32, #tpu.memory_space<hbm>> -> memref<128x128xf32, #tpu.memory_space<hbm>>
    tpu.wait_dma2 semaphore(%arg41 : memref<!tpu.dma_semaphore, #tpu.memory_space<semaphore_mem>>) src(%arg35 : memref<128x128xf32, #tpu.memory_space<vmem>>) dst(%dma_wait3A_814 : memref<128x128xf32, #tpu.memory_space<hbm>>)
    %dma_wait3A_815 = arith.constant 0 : i32
    %dma_wait3A_816 = tpu.memref_slice %arg21[%add3A_654, %dma_wait3A_815] : memref<16384x128xf32, #tpu.memory_space<hbm>> -> memref<128x128xf32, #tpu.memory_space<hbm>>
    %dma_wait3A_817 = arith.constant 0 : i32
    %dma_wait3A_818 = tpu.memref_slice %arg21[%add3A_654, %dma_wait3A_817] : memref<16384x128xf32, #tpu.memory_space<hbm>> -> memref<128x128xf32, #tpu.memory_space<hbm>>
    tpu.wait_dma2 semaphore(%arg42 : memref<!tpu.dma_semaphore, #tpu.memory_space<semaphore_mem>>) src(%arg36 : memref<128x128xf32, #tpu.memory_space<vmem>>) dst(%dma_wait3A_818 : memref<128x128xf32, #tpu.memory_space<hbm>>)
    %dma_wait3A_819 = arith.constant 0 : i32
    %dma_wait3A_820 = tpu.memref_slice %arg22[%add3A_654, %dma_wait3A_819] : memref<16384x128xf32, #tpu.memory_space<hbm>> -> memref<128x128xf32, #tpu.memory_space<hbm>>
    %dma_wait3A_821 = arith.constant 0 : i32
    %dma_wait3A_822 = tpu.memref_slice %arg22[%add3A_654, %dma_wait3A_821] : memref<16384x128xf32, #tpu.memory_space<hbm>> -> memref<128x128xf32, #tpu.memory_space<hbm>>
    tpu.wait_dma2 semaphore(%arg43 : memref<!tpu.dma_semaphore, #tpu.memory_space<semaphore_mem>>) src(%arg37 : memref<128x128xf32, #tpu.memory_space<vmem>>) dst(%dma_wait3A_822 : memref<128x128xf32, #tpu.memory_space<hbm>>)
    %dma_wait3A_823 = arith.constant 0 : i32
    %dma_wait3A_824 = tpu.memref_slice %arg17[%add3A_654, %dma_wait3A_823] : memref<16384x256xf32, #tpu.memory_space<hbm>> -> memref<128x256xf32, #tpu.memory_space<hbm>>
    %dma_wait3A_825 = arith.constant 0 : i32
    %dma_wait3A_826 = tpu.memref_slice %arg17[%add3A_654, %dma_wait3A_825] : memref<16384x256xf32, #tpu.memory_space<hbm>> -> memref<128x256xf32, #tpu.memory_space<hbm>>
    tpu.wait_dma2 semaphore(%arg44 : memref<!tpu.dma_semaphore, #tpu.memory_space<semaphore_mem>>) src(%arg32 : memref<128x256xf32, #tpu.memory_space<vmem>>) dst(%dma_wait3A_826 : memref<128x256xf32, #tpu.memory_space<hbm>>)
    %dma_start3A_827 = arith.constant 6 : i32
    %dma_start3A_828 = arith.constant 256 : i32
    %dma_start3A_829 = tpu.memref_slice %arg31[%dma_start3A_827, %dma_start3A_828] : memref<14x512xi32, #tpu.memory_space<vmem>> -> memref<1x128xi32, #tpu.memory_space<vmem>>
    %dma_start3A_830 = tpu.memref_squeeze %dma_start3A_829 : memref<1x128xi32, #tpu.memory_space<vmem>> -> memref<128xi32, #tpu.memory_space<vmem>>
    %dma_start3A_831 = arith.constant 0 : i32
    %dma_start3A_832 = arith.constant 0 : i32
    %dma_start3A_833 = tpu.memref_slice %arg9[%dma_start3A_831, %dma_start3A_832] : memref<281x128xf32, #tpu.memory_space<hbm>> -> memref<281x128xf32, #tpu.memory_space<hbm>>
    tpu.enqueue_indirect_dma source(%dma_start3A_833 : memref<281x128xf32, #tpu.memory_space<hbm>>) target(%arg33 : memref<128x128xf32, #tpu.memory_space<vmem>>) offsets(%dma_start3A_830 : memref<128xi32, #tpu.memory_space<vmem>>) semaphore(%arg38 : memref<!tpu.dma_semaphore, #tpu.memory_space<semaphore_mem>>)
    %dma_start3A_834 = arith.constant 7 : i32
    %dma_start3A_835 = arith.constant 256 : i32
    %dma_start3A_836 = tpu.memref_slice %arg31[%dma_start3A_834, %dma_start3A_835] : memref<14x512xi32, #tpu.memory_space<vmem>> -> memref<1x128xi32, #tpu.memory_space<vmem>>
    %dma_start3A_837 = tpu.memref_squeeze %dma_start3A_836 : memref<1x128xi32, #tpu.memory_space<vmem>> -> memref<128xi32, #tpu.memory_space<vmem>>
    %dma_start3A_838 = arith.constant 0 : i32
    %dma_start3A_839 = arith.constant 0 : i32
    %dma_start3A_840 = tpu.memref_slice %arg10[%dma_start3A_838, %dma_start3A_839] : memref<81x128xf32, #tpu.memory_space<hbm>> -> memref<81x128xf32, #tpu.memory_space<hbm>>
    tpu.enqueue_indirect_dma source(%dma_start3A_840 : memref<81x128xf32, #tpu.memory_space<hbm>>) target(%arg34 : memref<128x128xf32, #tpu.memory_space<vmem>>) offsets(%dma_start3A_837 : memref<128xi32, #tpu.memory_space<vmem>>) semaphore(%arg38 : memref<!tpu.dma_semaphore, #tpu.memory_space<semaphore_mem>>)
    %dma_start3A_841 = arith.constant 8 : i32
    %dma_start3A_842 = arith.constant 256 : i32
    %dma_start3A_843 = tpu.memref_slice %arg31[%dma_start3A_841, %dma_start3A_842] : memref<14x512xi32, #tpu.memory_space<vmem>> -> memref<1x128xi32, #tpu.memory_space<vmem>>
    %dma_start3A_844 = tpu.memref_squeeze %dma_start3A_843 : memref<1x128xi32, #tpu.memory_space<vmem>> -> memref<128xi32, #tpu.memory_space<vmem>>
    %dma_start3A_845 = arith.constant 0 : i32
    %dma_start3A_846 = arith.constant 0 : i32
    %dma_start3A_847 = tpu.memref_slice %arg11[%dma_start3A_845, %dma_start3A_846] : memref<46x128xf32, #tpu.memory_space<hbm>> -> memref<46x128xf32, #tpu.memory_space<hbm>>
    tpu.enqueue_indirect_dma source(%dma_start3A_847 : memref<46x128xf32, #tpu.memory_space<hbm>>) target(%arg35 : memref<128x128xf32, #tpu.memory_space<vmem>>) offsets(%dma_start3A_844 : memref<128xi32, #tpu.memory_space<vmem>>) semaphore(%arg38 : memref<!tpu.dma_semaphore, #tpu.memory_space<semaphore_mem>>)
    %dma_start3A_848 = arith.constant 9 : i32
    %dma_start3A_849 = arith.constant 256 : i32
    %dma_start3A_850 = tpu.memref_slice %arg31[%dma_start3A_848, %dma_start3A_849] : memref<14x512xi32, #tpu.memory_space<vmem>> -> memref<1x128xi32, #tpu.memory_space<vmem>>
    %dma_start3A_851 = tpu.memref_squeeze %dma_start3A_850 : memref<1x128xi32, #tpu.memory_space<vmem>> -> memref<128xi32, #tpu.memory_space<vmem>>
    %dma_start3A_852 = arith.constant 0 : i32
    %dma_start3A_853 = arith.constant 0 : i32
    %dma_start3A_854 = tpu.memref_slice %arg12[%dma_start3A_852, %dma_start3A_853] : memref<13x128xf32, #tpu.memory_space<hbm>> -> memref<13x128xf32, #tpu.memory_space<hbm>>
    tpu.enqueue_indirect_dma source(%dma_start3A_854 : memref<13x128xf32, #tpu.memory_space<hbm>>) target(%arg36 : memref<128x128xf32, #tpu.memory_space<vmem>>) offsets(%dma_start3A_851 : memref<128xi32, #tpu.memory_space<vmem>>) semaphore(%arg38 : memref<!tpu.dma_semaphore, #tpu.memory_space<semaphore_mem>>)
    %dma_start3A_855 = arith.constant 10 : i32
    %dma_start3A_856 = arith.constant 256 : i32
    %dma_start3A_857 = tpu.memref_slice %arg31[%dma_start3A_855, %dma_start3A_856] : memref<14x512xi32, #tpu.memory_space<vmem>> -> memref<1x128xi32, #tpu.memory_space<vmem>>
    %dma_start3A_858 = tpu.memref_squeeze %dma_start3A_857 : memref<1x128xi32, #tpu.memory_space<vmem>> -> memref<128xi32, #tpu.memory_space<vmem>>
    %dma_start3A_859 = arith.constant 0 : i32
    %dma_start3A_860 = arith.constant 0 : i32
    %dma_start3A_861 = tpu.memref_slice %arg13[%dma_start3A_859, %dma_start3A_860] : memref<9x128xf32, #tpu.memory_space<hbm>> -> memref<9x128xf32, #tpu.memory_space<hbm>>
    tpu.enqueue_indirect_dma source(%dma_start3A_861 : memref<9x128xf32, #tpu.memory_space<hbm>>) target(%arg37 : memref<128x128xf32, #tpu.memory_space<vmem>>) offsets(%dma_start3A_858 : memref<128xi32, #tpu.memory_space<vmem>>) semaphore(%arg38 : memref<!tpu.dma_semaphore, #tpu.memory_space<semaphore_mem>>)
    %dma_start3A_862 = arith.constant 11 : i32
    %dma_start3A_863 = arith.constant 0 : i32
    %dma_start3A_864 = arith.constant 0 : i32
    %dma_start3A_865 = tpu.memref_slice %arg32[%dma_start3A_863, %dma_start3A_864] : memref<128x256xf32, #tpu.memory_space<vmem>> -> memref<128x128xf32, #tpu.memory_space<vmem>>
    %dma_start3A_866 = arith.constant 256 : i32
    %dma_start3A_867 = tpu.memref_slice %arg31[%dma_start3A_862, %dma_start3A_866] : memref<14x512xi32, #tpu.memory_space<vmem>> -> memref<1x128xi32, #tpu.memory_space<vmem>>
    %dma_start3A_868 = tpu.memref_squeeze %dma_start3A_867 : memref<1x128xi32, #tpu.memory_space<vmem>> -> memref<128xi32, #tpu.memory_space<vmem>>
    %dma_start3A_869 = arith.constant 0 : i32
    %dma_start3A_870 = arith.constant 0 : i32
    %dma_start3A_871 = tpu.memref_slice %arg14[%dma_start3A_869, %dma_start3A_870] : memref<10x128xf32, #tpu.memory_space<hbm>> -> memref<10x128xf32, #tpu.memory_space<hbm>>
    tpu.enqueue_indirect_dma source(%dma_start3A_871 : memref<10x128xf32, #tpu.memory_space<hbm>>) target(%dma_start3A_865 : memref<128x128xf32, #tpu.memory_space<vmem>>) offsets(%dma_start3A_868 : memref<128xi32, #tpu.memory_space<vmem>>) semaphore(%arg38 : memref<!tpu.dma_semaphore, #tpu.memory_space<semaphore_mem>>)
    %dma_start3A_872 = arith.constant 12 : i32
    %dma_start3A_873 = arith.constant 0 : i32
    %dma_start3A_874 = arith.constant 128 : i32
    %dma_start3A_875 = tpu.memref_slice %arg32[%dma_start3A_873, %dma_start3A_874] : memref<128x256xf32, #tpu.memory_space<vmem>> -> memref<128x128xf32, #tpu.memory_space<vmem>>
    %dma_start3A_876 = arith.constant 256 : i32
    %dma_start3A_877 = tpu.memref_slice %arg31[%dma_start3A_872, %dma_start3A_876] : memref<14x512xi32, #tpu.memory_space<vmem>> -> memref<1x128xi32, #tpu.memory_space<vmem>>
    %dma_start3A_878 = tpu.memref_squeeze %dma_start3A_877 : memref<1x128xi32, #tpu.memory_space<vmem>> -> memref<128xi32, #tpu.memory_space<vmem>>
    %dma_start3A_879 = arith.constant 0 : i32
    %dma_start3A_880 = arith.constant 0 : i32
    %dma_start3A_881 = tpu.memref_slice %arg15[%dma_start3A_879, %dma_start3A_880] : memref<10x128xf32, #tpu.memory_space<hbm>> -> memref<10x128xf32, #tpu.memory_space<hbm>>
    tpu.enqueue_indirect_dma source(%dma_start3A_881 : memref<10x128xf32, #tpu.memory_space<hbm>>) target(%dma_start3A_875 : memref<128x128xf32, #tpu.memory_space<vmem>>) offsets(%dma_start3A_878 : memref<128xi32, #tpu.memory_space<vmem>>) semaphore(%arg38 : memref<!tpu.dma_semaphore, #tpu.memory_space<semaphore_mem>>)
    %dma_wait3A_882 = arith.constant 6 : i32
    %dma_wait3A_883 = arith.constant 256 : i32
    %dma_wait3A_884 = tpu.memref_slice %arg31[%dma_wait3A_882, %dma_wait3A_883] : memref<14x512xi32, #tpu.memory_space<vmem>> -> memref<1x128xi32, #tpu.memory_space<vmem>>
    %dma_wait3A_885 = tpu.memref_squeeze %dma_wait3A_884 : memref<1x128xi32, #tpu.memory_space<vmem>> -> memref<128xi32, #tpu.memory_space<vmem>>
    %dma_wait3A_886 = arith.constant 0 : i32
    %dma_wait3A_887 = arith.constant 0 : i32
    %dma_wait3A_888 = tpu.memref_slice %arg9[%dma_wait3A_886, %dma_wait3A_887] : memref<281x128xf32, #tpu.memory_space<hbm>> -> memref<281x128xf32, #tpu.memory_space<hbm>>
    tpu.wait_indirect_dma semaphore(%arg38 : memref<!tpu.dma_semaphore, #tpu.memory_space<semaphore_mem>>) src(%dma_wait3A_888 : memref<281x128xf32, #tpu.memory_space<hbm>>) dst(%arg33 : memref<128x128xf32, #tpu.memory_space<vmem>>)
    %dma_start3A_889 = arith.constant 0 : i32
    %dma_start3A_890 = tpu.memref_slice %arg23[%add3A_654, %dma_start3A_889] : memref<16384x128xf32, #tpu.memory_space<hbm>> -> memref<128x128xf32, #tpu.memory_space<hbm>>
    %dma_start3A_891 = arith.constant 0 : i32
    %dma_start3A_892 = tpu.memref_slice %arg23[%add3A_654, %dma_start3A_891] : memref<16384x128xf32, #tpu.memory_space<hbm>> -> memref<128x128xf32, #tpu.memory_space<hbm>>
    tpu.enqueue_dma source(%arg33 : memref<128x128xf32, #tpu.memory_space<vmem>>) target(%dma_start3A_892 : memref<128x128xf32, #tpu.memory_space<hbm>>) target_semaphore(%arg39 : memref<!tpu.dma_semaphore, #tpu.memory_space<semaphore_mem>>)
    %dma_wait3A_893 = arith.constant 7 : i32
    %dma_wait3A_894 = arith.constant 256 : i32
    %dma_wait3A_895 = tpu.memref_slice %arg31[%dma_wait3A_893, %dma_wait3A_894] : memref<14x512xi32, #tpu.memory_space<vmem>> -> memref<1x128xi32, #tpu.memory_space<vmem>>
    %dma_wait3A_896 = tpu.memref_squeeze %dma_wait3A_895 : memref<1x128xi32, #tpu.memory_space<vmem>> -> memref<128xi32, #tpu.memory_space<vmem>>
    %dma_wait3A_897 = arith.constant 0 : i32
    %dma_wait3A_898 = arith.constant 0 : i32
    %dma_wait3A_899 = tpu.memref_slice %arg10[%dma_wait3A_897, %dma_wait3A_898] : memref<81x128xf32, #tpu.memory_space<hbm>> -> memref<81x128xf32, #tpu.memory_space<hbm>>
    tpu.wait_indirect_dma semaphore(%arg38 : memref<!tpu.dma_semaphore, #tpu.memory_space<semaphore_mem>>) src(%dma_wait3A_899 : memref<81x128xf32, #tpu.memory_space<hbm>>) dst(%arg34 : memref<128x128xf32, #tpu.memory_space<vmem>>)
    %dma_start3A_900 = arith.constant 0 : i32
    %dma_start3A_901 = tpu.memref_slice %arg24[%add3A_654, %dma_start3A_900] : memref<16384x128xf32, #tpu.memory_space<hbm>> -> memref<128x128xf32, #tpu.memory_space<hbm>>
    %dma_start3A_902 = arith.constant 0 : i32
    %dma_start3A_903 = tpu.memref_slice %arg24[%add3A_654, %dma_start3A_902] : memref<16384x128xf32, #tpu.memory_space<hbm>> -> memref<128x128xf32, #tpu.memory_space<hbm>>
    tpu.enqueue_dma source(%arg34 : memref<128x128xf32, #tpu.memory_space<vmem>>) target(%dma_start3A_903 : memref<128x128xf32, #tpu.memory_space<hbm>>) target_semaphore(%arg40 : memref<!tpu.dma_semaphore, #tpu.memory_space<semaphore_mem>>)
    %dma_wait3A_904 = arith.constant 8 : i32
    %dma_wait3A_905 = arith.constant 256 : i32
    %dma_wait3A_906 = tpu.memref_slice %arg31[%dma_wait3A_904, %dma_wait3A_905] : memref<14x512xi32, #tpu.memory_space<vmem>> -> memref<1x128xi32, #tpu.memory_space<vmem>>
    %dma_wait3A_907 = tpu.memref_squeeze %dma_wait3A_906 : memref<1x128xi32, #tpu.memory_space<vmem>> -> memref<128xi32, #tpu.memory_space<vmem>>
    %dma_wait3A_908 = arith.constant 0 : i32
    %dma_wait3A_909 = arith.constant 0 : i32
    %dma_wait3A_910 = tpu.memref_slice %arg11[%dma_wait3A_908, %dma_wait3A_909] : memref<46x128xf32, #tpu.memory_space<hbm>> -> memref<46x128xf32, #tpu.memory_space<hbm>>
    tpu.wait_indirect_dma semaphore(%arg38 : memref<!tpu.dma_semaphore, #tpu.memory_space<semaphore_mem>>) src(%dma_wait3A_910 : memref<46x128xf32, #tpu.memory_space<hbm>>) dst(%arg35 : memref<128x128xf32, #tpu.memory_space<vmem>>)
    %dma_start3A_911 = arith.constant 0 : i32
    %dma_start3A_912 = tpu.memref_slice %arg25[%add3A_654, %dma_start3A_911] : memref<16384x128xf32, #tpu.memory_space<hbm>> -> memref<128x128xf32, #tpu.memory_space<hbm>>
    %dma_start3A_913 = arith.constant 0 : i32
    %dma_start3A_914 = tpu.memref_slice %arg25[%add3A_654, %dma_start3A_913] : memref<16384x128xf32, #tpu.memory_space<hbm>> -> memref<128x128xf32, #tpu.memory_space<hbm>>
    tpu.enqueue_dma source(%arg35 : memref<128x128xf32, #tpu.memory_space<vmem>>) target(%dma_start3A_914 : memref<128x128xf32, #tpu.memory_space<hbm>>) target_semaphore(%arg41 : memref<!tpu.dma_semaphore, #tpu.memory_space<semaphore_mem>>)
    %dma_wait3A_915 = arith.constant 9 : i32
    %dma_wait3A_916 = arith.constant 256 : i32
    %dma_wait3A_917 = tpu.memref_slice %arg31[%dma_wait3A_915, %dma_wait3A_916] : memref<14x512xi32, #tpu.memory_space<vmem>> -> memref<1x128xi32, #tpu.memory_space<vmem>>
    %dma_wait3A_918 = tpu.memref_squeeze %dma_wait3A_917 : memref<1x128xi32, #tpu.memory_space<vmem>> -> memref<128xi32, #tpu.memory_space<vmem>>
    %dma_wait3A_919 = arith.constant 0 : i32
    %dma_wait3A_920 = arith.constant 0 : i32
    %dma_wait3A_921 = tpu.memref_slice %arg12[%dma_wait3A_919, %dma_wait3A_920] : memref<13x128xf32, #tpu.memory_space<hbm>> -> memref<13x128xf32, #tpu.memory_space<hbm>>
    tpu.wait_indirect_dma semaphore(%arg38 : memref<!tpu.dma_semaphore, #tpu.memory_space<semaphore_mem>>) src(%dma_wait3A_921 : memref<13x128xf32, #tpu.memory_space<hbm>>) dst(%arg36 : memref<128x128xf32, #tpu.memory_space<vmem>>)
    %dma_start3A_922 = arith.constant 0 : i32
    %dma_start3A_923 = tpu.memref_slice %arg26[%add3A_654, %dma_start3A_922] : memref<16384x128xf32, #tpu.memory_space<hbm>> -> memref<128x128xf32, #tpu.memory_space<hbm>>
    %dma_start3A_924 = arith.constant 0 : i32
    %dma_start3A_925 = tpu.memref_slice %arg26[%add3A_654, %dma_start3A_924] : memref<16384x128xf32, #tpu.memory_space<hbm>> -> memref<128x128xf32, #tpu.memory_space<hbm>>
    tpu.enqueue_dma source(%arg36 : memref<128x128xf32, #tpu.memory_space<vmem>>) target(%dma_start3A_925 : memref<128x128xf32, #tpu.memory_space<hbm>>) target_semaphore(%arg42 : memref<!tpu.dma_semaphore, #tpu.memory_space<semaphore_mem>>)
    %dma_wait3A_926 = arith.constant 10 : i32
    %dma_wait3A_927 = arith.constant 256 : i32
    %dma_wait3A_928 = tpu.memref_slice %arg31[%dma_wait3A_926, %dma_wait3A_927] : memref<14x512xi32, #tpu.memory_space<vmem>> -> memref<1x128xi32, #tpu.memory_space<vmem>>
    %dma_wait3A_929 = tpu.memref_squeeze %dma_wait3A_928 : memref<1x128xi32, #tpu.memory_space<vmem>> -> memref<128xi32, #tpu.memory_space<vmem>>
    %dma_wait3A_930 = arith.constant 0 : i32
    %dma_wait3A_931 = arith.constant 0 : i32
    %dma_wait3A_932 = tpu.memref_slice %arg13[%dma_wait3A_930, %dma_wait3A_931] : memref<9x128xf32, #tpu.memory_space<hbm>> -> memref<9x128xf32, #tpu.memory_space<hbm>>
    tpu.wait_indirect_dma semaphore(%arg38 : memref<!tpu.dma_semaphore, #tpu.memory_space<semaphore_mem>>) src(%dma_wait3A_932 : memref<9x128xf32, #tpu.memory_space<hbm>>) dst(%arg37 : memref<128x128xf32, #tpu.memory_space<vmem>>)
    %dma_start3A_933 = arith.constant 0 : i32
    %dma_start3A_934 = tpu.memref_slice %arg27[%add3A_654, %dma_start3A_933] : memref<16384x128xf32, #tpu.memory_space<hbm>> -> memref<128x128xf32, #tpu.memory_space<hbm>>
    %dma_start3A_935 = arith.constant 0 : i32
    %dma_start3A_936 = tpu.memref_slice %arg27[%add3A_654, %dma_start3A_935] : memref<16384x128xf32, #tpu.memory_space<hbm>> -> memref<128x128xf32, #tpu.memory_space<hbm>>
    tpu.enqueue_dma source(%arg37 : memref<128x128xf32, #tpu.memory_space<vmem>>) target(%dma_start3A_936 : memref<128x128xf32, #tpu.memory_space<hbm>>) target_semaphore(%arg43 : memref<!tpu.dma_semaphore, #tpu.memory_space<semaphore_mem>>)
    %dma_wait3A_937 = arith.constant 11 : i32
    %dma_wait3A_938 = arith.constant 0 : i32
    %dma_wait3A_939 = arith.constant 0 : i32
    %dma_wait3A_940 = tpu.memref_slice %arg32[%dma_wait3A_938, %dma_wait3A_939] : memref<128x256xf32, #tpu.memory_space<vmem>> -> memref<128x128xf32, #tpu.memory_space<vmem>>
    %dma_wait3A_941 = arith.constant 256 : i32
    %dma_wait3A_942 = tpu.memref_slice %arg31[%dma_wait3A_937, %dma_wait3A_941] : memref<14x512xi32, #tpu.memory_space<vmem>> -> memref<1x128xi32, #tpu.memory_space<vmem>>
    %dma_wait3A_943 = tpu.memref_squeeze %dma_wait3A_942 : memref<1x128xi32, #tpu.memory_space<vmem>> -> memref<128xi32, #tpu.memory_space<vmem>>
    %dma_wait3A_944 = arith.constant 0 : i32
    %dma_wait3A_945 = arith.constant 0 : i32
    %dma_wait3A_946 = tpu.memref_slice %arg14[%dma_wait3A_944, %dma_wait3A_945] : memref<10x128xf32, #tpu.memory_space<hbm>> -> memref<10x128xf32, #tpu.memory_space<hbm>>
    tpu.wait_indirect_dma semaphore(%arg38 : memref<!tpu.dma_semaphore, #tpu.memory_space<semaphore_mem>>) src(%dma_wait3A_946 : memref<10x128xf32, #tpu.memory_space<hbm>>) dst(%dma_wait3A_940 : memref<128x128xf32, #tpu.memory_space<vmem>>)
    %dma_start3A_947 = arith.constant 0 : i32
    %dma_start3A_948 = arith.constant 0 : i32
    %dma_start3A_949 = tpu.memref_slice %arg32[%dma_start3A_947, %dma_start3A_948] : memref<128x256xf32, #tpu.memory_space<vmem>> -> memref<128x128xf32, #tpu.memory_space<vmem>>
    %dma_start3A_950 = arith.constant 0 : i32
    %dma_start3A_951 = tpu.memref_slice %arg28[%add3A_654, %dma_start3A_950] : memref<16384x128xf32, #tpu.memory_space<hbm>> -> memref<128x128xf32, #tpu.memory_space<hbm>>
    %dma_start3A_952 = arith.constant 0 : i32
    %dma_start3A_953 = tpu.memref_slice %arg28[%add3A_654, %dma_start3A_952] : memref<16384x128xf32, #tpu.memory_space<hbm>> -> memref<128x128xf32, #tpu.memory_space<hbm>>
    %dma_start3A_954 = arith.constant 0 : i32
    %dma_start3A_955 = arith.constant 0 : i32
    %dma_start3A_956 = tpu.memref_slice %arg32[%dma_start3A_954, %dma_start3A_955] : memref<128x256xf32, #tpu.memory_space<vmem>> -> memref<128x128xf32, #tpu.memory_space<vmem>>
    tpu.enqueue_dma source(%dma_start3A_956 : memref<128x128xf32, #tpu.memory_space<vmem>>) target(%dma_start3A_953 : memref<128x128xf32, #tpu.memory_space<hbm>>) target_semaphore(%arg44 : memref<!tpu.dma_semaphore, #tpu.memory_space<semaphore_mem>>)
    %dma_wait3A_957 = arith.constant 12 : i32
    %dma_wait3A_958 = arith.constant 0 : i32
    %dma_wait3A_959 = arith.constant 128 : i32
    %dma_wait3A_960 = tpu.memref_slice %arg32[%dma_wait3A_958, %dma_wait3A_959] : memref<128x256xf32, #tpu.memory_space<vmem>> -> memref<128x128xf32, #tpu.memory_space<vmem>>
    %dma_wait3A_961 = arith.constant 256 : i32
    %dma_wait3A_962 = tpu.memref_slice %arg31[%dma_wait3A_957, %dma_wait3A_961] : memref<14x512xi32, #tpu.memory_space<vmem>> -> memref<1x128xi32, #tpu.memory_space<vmem>>
    %dma_wait3A_963 = tpu.memref_squeeze %dma_wait3A_962 : memref<1x128xi32, #tpu.memory_space<vmem>> -> memref<128xi32, #tpu.memory_space<vmem>>
    %dma_wait3A_964 = arith.constant 0 : i32
    %dma_wait3A_965 = arith.constant 0 : i32
    %dma_wait3A_966 = tpu.memref_slice %arg15[%dma_wait3A_964, %dma_wait3A_965] : memref<10x128xf32, #tpu.memory_space<hbm>> -> memref<10x128xf32, #tpu.memory_space<hbm>>
    tpu.wait_indirect_dma semaphore(%arg38 : memref<!tpu.dma_semaphore, #tpu.memory_space<semaphore_mem>>) src(%dma_wait3A_966 : memref<10x128xf32, #tpu.memory_space<hbm>>) dst(%dma_wait3A_960 : memref<128x128xf32, #tpu.memory_space<vmem>>)
    %dma_start3A_967 = arith.constant 0 : i32
    %dma_start3A_968 = arith.constant 128 : i32
    %dma_start3A_969 = tpu.memref_slice %arg32[%dma_start3A_967, %dma_start3A_968] : memref<128x256xf32, #tpu.memory_space<vmem>> -> memref<128x128xf32, #tpu.memory_space<vmem>>
    %dma_start3A_970 = arith.constant 0 : i32
    %dma_start3A_971 = tpu.memref_slice %arg29[%add3A_654, %dma_start3A_970] : memref<16384x128xf32, #tpu.memory_space<hbm>> -> memref<128x128xf32, #tpu.memory_space<hbm>>
    %dma_start3A_972 = arith.constant 0 : i32
    %dma_start3A_973 = tpu.memref_slice %arg29[%add3A_654, %dma_start3A_972] : memref<16384x128xf32, #tpu.memory_space<hbm>> -> memref<128x128xf32, #tpu.memory_space<hbm>>
    %dma_start3A_974 = arith.constant 0 : i32
    %dma_start3A_975 = arith.constant 128 : i32
    %dma_start3A_976 = tpu.memref_slice %arg32[%dma_start3A_974, %dma_start3A_975] : memref<128x256xf32, #tpu.memory_space<vmem>> -> memref<128x128xf32, #tpu.memory_space<vmem>>
    tpu.enqueue_dma source(%dma_start3A_976 : memref<128x128xf32, #tpu.memory_space<vmem>>) target(%dma_start3A_973 : memref<128x128xf32, #tpu.memory_space<hbm>>) target_semaphore(%arg44 : memref<!tpu.dma_semaphore, #tpu.memory_space<semaphore_mem>>)
    %dma_wait3A_977 = arith.constant 0 : i32
    %dma_wait3A_978 = tpu.memref_slice %arg23[%add3A_654, %dma_wait3A_977] : memref<16384x128xf32, #tpu.memory_space<hbm>> -> memref<128x128xf32, #tpu.memory_space<hbm>>
    %dma_wait3A_979 = arith.constant 0 : i32
    %dma_wait3A_980 = tpu.memref_slice %arg23[%add3A_654, %dma_wait3A_979] : memref<16384x128xf32, #tpu.memory_space<hbm>> -> memref<128x128xf32, #tpu.memory_space<hbm>>
    tpu.wait_dma2 semaphore(%arg39 : memref<!tpu.dma_semaphore, #tpu.memory_space<semaphore_mem>>) src(%arg33 : memref<128x128xf32, #tpu.memory_space<vmem>>) dst(%dma_wait3A_980 : memref<128x128xf32, #tpu.memory_space<hbm>>)
    %dma_start3A_981 = arith.constant 13 : i32
    %dma_start3A_982 = arith.constant 256 : i32
    %dma_start3A_983 = tpu.memref_slice %arg31[%dma_start3A_981, %dma_start3A_982] : memref<14x512xi32, #tpu.memory_space<vmem>> -> memref<1x128xi32, #tpu.memory_space<vmem>>
    %dma_start3A_984 = tpu.memref_squeeze %dma_start3A_983 : memref<1x128xi32, #tpu.memory_space<vmem>> -> memref<128xi32, #tpu.memory_space<vmem>>
    %dma_start3A_985 = arith.constant 0 : i32
    %dma_start3A_986 = arith.constant 0 : i32
    %dma_start3A_987 = tpu.memref_slice %arg16[%dma_start3A_985, %dma_start3A_986] : memref<8x128xf32, #tpu.memory_space<hbm>> -> memref<8x128xf32, #tpu.memory_space<hbm>>
    tpu.enqueue_indirect_dma source(%dma_start3A_987 : memref<8x128xf32, #tpu.memory_space<hbm>>) target(%arg33 : memref<128x128xf32, #tpu.memory_space<vmem>>) offsets(%dma_start3A_984 : memref<128xi32, #tpu.memory_space<vmem>>) semaphore(%arg38 : memref<!tpu.dma_semaphore, #tpu.memory_space<semaphore_mem>>)
    %dma_wait3A_988 = arith.constant 13 : i32
    %dma_wait3A_989 = arith.constant 256 : i32
    %dma_wait3A_990 = tpu.memref_slice %arg31[%dma_wait3A_988, %dma_wait3A_989] : memref<14x512xi32, #tpu.memory_space<vmem>> -> memref<1x128xi32, #tpu.memory_space<vmem>>
    %dma_wait3A_991 = tpu.memref_squeeze %dma_wait3A_990 : memref<1x128xi32, #tpu.memory_space<vmem>> -> memref<128xi32, #tpu.memory_space<vmem>>
    %dma_wait3A_992 = arith.constant 0 : i32
    %dma_wait3A_993 = arith.constant 0 : i32
    %dma_wait3A_994 = tpu.memref_slice %arg16[%dma_wait3A_992, %dma_wait3A_993] : memref<8x128xf32, #tpu.memory_space<hbm>> -> memref<8x128xf32, #tpu.memory_space<hbm>>
    tpu.wait_indirect_dma semaphore(%arg38 : memref<!tpu.dma_semaphore, #tpu.memory_space<semaphore_mem>>) src(%dma_wait3A_994 : memref<8x128xf32, #tpu.memory_space<hbm>>) dst(%arg33 : memref<128x128xf32, #tpu.memory_space<vmem>>)
    %dma_start3A_995 = arith.constant 0 : i32
    %dma_start3A_996 = tpu.memref_slice %arg30[%add3A_654, %dma_start3A_995] : memref<16384x128xf32, #tpu.memory_space<hbm>> -> memref<128x128xf32, #tpu.memory_space<hbm>>
    %dma_start3A_997 = arith.constant 0 : i32
    %dma_start3A_998 = tpu.memref_slice %arg30[%add3A_654, %dma_start3A_997] : memref<16384x128xf32, #tpu.memory_space<hbm>> -> memref<128x128xf32, #tpu.memory_space<hbm>>
    tpu.enqueue_dma source(%arg33 : memref<128x128xf32, #tpu.memory_space<vmem>>) target(%dma_start3A_998 : memref<128x128xf32, #tpu.memory_space<hbm>>) target_semaphore(%arg39 : memref<!tpu.dma_semaphore, #tpu.memory_space<semaphore_mem>>)
    %add3A_999 = arith.constant 384 : i32
    %add3A_1000 = arith.addi %mul3A_2, %add3A_999 : i32
    %dma_wait3A_1001 = arith.constant 0 : i32
    %dma_wait3A_1002 = arith.constant 0 : i32
    %dma_wait3A_1003 = tpu.memref_slice %arg32[%dma_wait3A_1001, %dma_wait3A_1002] : memref<128x256xf32, #tpu.memory_space<vmem>> -> memref<128x128xf32, #tpu.memory_space<vmem>>
    %dma_wait3A_1004 = arith.constant 0 : i32
    %dma_wait3A_1005 = tpu.memref_slice %arg28[%add3A_654, %dma_wait3A_1004] : memref<16384x128xf32, #tpu.memory_space<hbm>> -> memref<128x128xf32, #tpu.memory_space<hbm>>
    %dma_wait3A_1006 = arith.constant 0 : i32
    %dma_wait3A_1007 = tpu.memref_slice %arg28[%add3A_654, %dma_wait3A_1006] : memref<16384x128xf32, #tpu.memory_space<hbm>> -> memref<128x128xf32, #tpu.memory_space<hbm>>
    %dma_wait3A_1008 = arith.constant 0 : i32
    %dma_wait3A_1009 = arith.constant 0 : i32
    %dma_wait3A_1010 = tpu.memref_slice %arg32[%dma_wait3A_1008, %dma_wait3A_1009] : memref<128x256xf32, #tpu.memory_space<vmem>> -> memref<128x128xf32, #tpu.memory_space<vmem>>
    tpu.wait_dma2 semaphore(%arg44 : memref<!tpu.dma_semaphore, #tpu.memory_space<semaphore_mem>>) src(%dma_wait3A_1010 : memref<128x128xf32, #tpu.memory_space<vmem>>) dst(%dma_wait3A_1007 : memref<128x128xf32, #tpu.memory_space<hbm>>)
    %dma_wait3A_1011 = arith.constant 0 : i32
    %dma_wait3A_1012 = arith.constant 128 : i32
    %dma_wait3A_1013 = tpu.memref_slice %arg32[%dma_wait3A_1011, %dma_wait3A_1012] : memref<128x256xf32, #tpu.memory_space<vmem>> -> memref<128x128xf32, #tpu.memory_space<vmem>>
    %dma_wait3A_1014 = arith.constant 0 : i32
    %dma_wait3A_1015 = tpu.memref_slice %arg29[%add3A_654, %dma_wait3A_1014] : memref<16384x128xf32, #tpu.memory_space<hbm>> -> memref<128x128xf32, #tpu.memory_space<hbm>>
    %dma_wait3A_1016 = arith.constant 0 : i32
    %dma_wait3A_1017 = tpu.memref_slice %arg29[%add3A_654, %dma_wait3A_1016] : memref<16384x128xf32, #tpu.memory_space<hbm>> -> memref<128x128xf32, #tpu.memory_space<hbm>>
    %dma_wait3A_1018 = arith.constant 0 : i32
    %dma_wait3A_1019 = arith.constant 128 : i32
    %dma_wait3A_1020 = tpu.memref_slice %arg32[%dma_wait3A_1018, %dma_wait3A_1019] : memref<128x256xf32, #tpu.memory_space<vmem>> -> memref<128x128xf32, #tpu.memory_space<vmem>>
    tpu.wait_dma2 semaphore(%arg44 : memref<!tpu.dma_semaphore, #tpu.memory_space<semaphore_mem>>) src(%dma_wait3A_1020 : memref<128x128xf32, #tpu.memory_space<vmem>>) dst(%dma_wait3A_1017 : memref<128x128xf32, #tpu.memory_space<hbm>>)
    %dma_wait3A_1021 = arith.constant 0 : i32
    %dma_wait3A_1022 = tpu.memref_slice %arg30[%add3A_654, %dma_wait3A_1021] : memref<16384x128xf32, #tpu.memory_space<hbm>> -> memref<128x128xf32, #tpu.memory_space<hbm>>
    %dma_wait3A_1023 = arith.constant 0 : i32
    %dma_wait3A_1024 = tpu.memref_slice %arg30[%add3A_654, %dma_wait3A_1023] : memref<16384x128xf32, #tpu.memory_space<hbm>> -> memref<128x128xf32, #tpu.memory_space<hbm>>
    tpu.wait_dma2 semaphore(%arg39 : memref<!tpu.dma_semaphore, #tpu.memory_space<semaphore_mem>>) src(%arg33 : memref<128x128xf32, #tpu.memory_space<vmem>>) dst(%dma_wait3A_1024 : memref<128x128xf32, #tpu.memory_space<hbm>>)
    %dma_wait3A_1025 = arith.constant 0 : i32
    %dma_wait3A_1026 = tpu.memref_slice %arg24[%add3A_654, %dma_wait3A_1025] : memref<16384x128xf32, #tpu.memory_space<hbm>> -> memref<128x128xf32, #tpu.memory_space<hbm>>
    %dma_wait3A_1027 = arith.constant 0 : i32
    %dma_wait3A_1028 = tpu.memref_slice %arg24[%add3A_654, %dma_wait3A_1027] : memref<16384x128xf32, #tpu.memory_space<hbm>> -> memref<128x128xf32, #tpu.memory_space<hbm>>
    tpu.wait_dma2 semaphore(%arg40 : memref<!tpu.dma_semaphore, #tpu.memory_space<semaphore_mem>>) src(%arg34 : memref<128x128xf32, #tpu.memory_space<vmem>>) dst(%dma_wait3A_1028 : memref<128x128xf32, #tpu.memory_space<hbm>>)
    %dma_wait3A_1029 = arith.constant 0 : i32
    %dma_wait3A_1030 = tpu.memref_slice %arg25[%add3A_654, %dma_wait3A_1029] : memref<16384x128xf32, #tpu.memory_space<hbm>> -> memref<128x128xf32, #tpu.memory_space<hbm>>
    %dma_wait3A_1031 = arith.constant 0 : i32
    %dma_wait3A_1032 = tpu.memref_slice %arg25[%add3A_654, %dma_wait3A_1031] : memref<16384x128xf32, #tpu.memory_space<hbm>> -> memref<128x128xf32, #tpu.memory_space<hbm>>
    tpu.wait_dma2 semaphore(%arg41 : memref<!tpu.dma_semaphore, #tpu.memory_space<semaphore_mem>>) src(%arg35 : memref<128x128xf32, #tpu.memory_space<vmem>>) dst(%dma_wait3A_1032 : memref<128x128xf32, #tpu.memory_space<hbm>>)
    %dma_wait3A_1033 = arith.constant 0 : i32
    %dma_wait3A_1034 = tpu.memref_slice %arg26[%add3A_654, %dma_wait3A_1033] : memref<16384x128xf32, #tpu.memory_space<hbm>> -> memref<128x128xf32, #tpu.memory_space<hbm>>
    %dma_wait3A_1035 = arith.constant 0 : i32
    %dma_wait3A_1036 = tpu.memref_slice %arg26[%add3A_654, %dma_wait3A_1035] : memref<16384x128xf32, #tpu.memory_space<hbm>> -> memref<128x128xf32, #tpu.memory_space<hbm>>
    tpu.wait_dma2 semaphore(%arg42 : memref<!tpu.dma_semaphore, #tpu.memory_space<semaphore_mem>>) src(%arg36 : memref<128x128xf32, #tpu.memory_space<vmem>>) dst(%dma_wait3A_1036 : memref<128x128xf32, #tpu.memory_space<hbm>>)
    %dma_wait3A_1037 = arith.constant 0 : i32
    %dma_wait3A_1038 = tpu.memref_slice %arg27[%add3A_654, %dma_wait3A_1037] : memref<16384x128xf32, #tpu.memory_space<hbm>> -> memref<128x128xf32, #tpu.memory_space<hbm>>
    %dma_wait3A_1039 = arith.constant 0 : i32
    %dma_wait3A_1040 = tpu.memref_slice %arg27[%add3A_654, %dma_wait3A_1039] : memref<16384x128xf32, #tpu.memory_space<hbm>> -> memref<128x128xf32, #tpu.memory_space<hbm>>
    tpu.wait_dma2 semaphore(%arg43 : memref<!tpu.dma_semaphore, #tpu.memory_space<semaphore_mem>>) src(%arg37 : memref<128x128xf32, #tpu.memory_space<vmem>>) dst(%dma_wait3A_1040 : memref<128x128xf32, #tpu.memory_space<hbm>>)
    %dma_start3A_1041 = arith.constant 0 : i32
    %dma_start3A_1042 = arith.constant 384 : i32
    %dma_start3A_1043 = tpu.memref_slice %arg31[%dma_start3A_1041, %dma_start3A_1042] : memref<14x512xi32, #tpu.memory_space<vmem>> -> memref<1x128xi32, #tpu.memory_space<vmem>>
    %dma_start3A_1044 = tpu.memref_squeeze %dma_start3A_1043 : memref<1x128xi32, #tpu.memory_space<vmem>> -> memref<128xi32, #tpu.memory_space<vmem>>
    %dma_start3A_1045 = arith.constant 0 : i32
    %dma_start3A_1046 = arith.constant 0 : i32
    %dma_start3A_1047 = tpu.memref_slice %arg3[%dma_start3A_1045, %dma_start3A_1046] : memref<100x256xf32, #tpu.memory_space<hbm>> -> memref<100x256xf32, #tpu.memory_space<hbm>>
    tpu.enqueue_indirect_dma source(%dma_start3A_1047 : memref<100x256xf32, #tpu.memory_space<hbm>>) target(%arg32 : memref<128x256xf32, #tpu.memory_space<vmem>>) offsets(%dma_start3A_1044 : memref<128xi32, #tpu.memory_space<vmem>>) semaphore(%arg38 : memref<!tpu.dma_semaphore, #tpu.memory_space<semaphore_mem>>)
    %dma_start3A_1048 = arith.constant 1 : i32
    %dma_start3A_1049 = arith.constant 384 : i32
    %dma_start3A_1050 = tpu.memref_slice %arg31[%dma_start3A_1048, %dma_start3A_1049] : memref<14x512xi32, #tpu.memory_space<vmem>> -> memref<1x128xi32, #tpu.memory_space<vmem>>
    %dma_start3A_1051 = tpu.memref_squeeze %dma_start3A_1050 : memref<1x128xi32, #tpu.memory_space<vmem>> -> memref<128xi32, #tpu.memory_space<vmem>>
    %dma_start3A_1052 = arith.constant 0 : i32
    %dma_start3A_1053 = arith.constant 0 : i32
    %dma_start3A_1054 = tpu.memref_slice %arg4[%dma_start3A_1052, %dma_start3A_1053] : memref<3x128xf32, #tpu.memory_space<hbm>> -> memref<3x128xf32, #tpu.memory_space<hbm>>
    tpu.enqueue_indirect_dma source(%dma_start3A_1054 : memref<3x128xf32, #tpu.memory_space<hbm>>) target(%arg33 : memref<128x128xf32, #tpu.memory_space<vmem>>) offsets(%dma_start3A_1051 : memref<128xi32, #tpu.memory_space<vmem>>) semaphore(%arg38 : memref<!tpu.dma_semaphore, #tpu.memory_space<semaphore_mem>>)
    %dma_start3A_1055 = arith.constant 2 : i32
    %dma_start3A_1056 = arith.constant 384 : i32
    %dma_start3A_1057 = tpu.memref_slice %arg31[%dma_start3A_1055, %dma_start3A_1056] : memref<14x512xi32, #tpu.memory_space<vmem>> -> memref<1x128xi32, #tpu.memory_space<vmem>>
    %dma_start3A_1058 = tpu.memref_squeeze %dma_start3A_1057 : memref<1x128xi32, #tpu.memory_space<vmem>> -> memref<128xi32, #tpu.memory_space<vmem>>
    %dma_start3A_1059 = arith.constant 0 : i32
    %dma_start3A_1060 = arith.constant 0 : i32
    %dma_start3A_1061 = tpu.memref_slice %arg5[%dma_start3A_1059, %dma_start3A_1060] : memref<12x128xf32, #tpu.memory_space<hbm>> -> memref<12x128xf32, #tpu.memory_space<hbm>>
    tpu.enqueue_indirect_dma source(%dma_start3A_1061 : memref<12x128xf32, #tpu.memory_space<hbm>>) target(%arg34 : memref<128x128xf32, #tpu.memory_space<vmem>>) offsets(%dma_start3A_1058 : memref<128xi32, #tpu.memory_space<vmem>>) semaphore(%arg38 : memref<!tpu.dma_semaphore, #tpu.memory_space<semaphore_mem>>)
    %dma_start3A_1062 = arith.constant 3 : i32
    %dma_start3A_1063 = arith.constant 384 : i32
    %dma_start3A_1064 = tpu.memref_slice %arg31[%dma_start3A_1062, %dma_start3A_1063] : memref<14x512xi32, #tpu.memory_space<vmem>> -> memref<1x128xi32, #tpu.memory_space<vmem>>
    %dma_start3A_1065 = tpu.memref_squeeze %dma_start3A_1064 : memref<1x128xi32, #tpu.memory_space<vmem>> -> memref<128xi32, #tpu.memory_space<vmem>>
    %dma_start3A_1066 = arith.constant 0 : i32
    %dma_start3A_1067 = arith.constant 0 : i32
    %dma_start3A_1068 = tpu.memref_slice %arg6[%dma_start3A_1066, %dma_start3A_1067] : memref<31x128xf32, #tpu.memory_space<hbm>> -> memref<31x128xf32, #tpu.memory_space<hbm>>
    tpu.enqueue_indirect_dma source(%dma_start3A_1068 : memref<31x128xf32, #tpu.memory_space<hbm>>) target(%arg35 : memref<128x128xf32, #tpu.memory_space<vmem>>) offsets(%dma_start3A_1065 : memref<128xi32, #tpu.memory_space<vmem>>) semaphore(%arg38 : memref<!tpu.dma_semaphore, #tpu.memory_space<semaphore_mem>>)
    %dma_start3A_1069 = arith.constant 4 : i32
    %dma_start3A_1070 = arith.constant 384 : i32
    %dma_start3A_1071 = tpu.memref_slice %arg31[%dma_start3A_1069, %dma_start3A_1070] : memref<14x512xi32, #tpu.memory_space<vmem>> -> memref<1x128xi32, #tpu.memory_space<vmem>>
    %dma_start3A_1072 = tpu.memref_squeeze %dma_start3A_1071 : memref<1x128xi32, #tpu.memory_space<vmem>> -> memref<128xi32, #tpu.memory_space<vmem>>
    %dma_start3A_1073 = arith.constant 0 : i32
    %dma_start3A_1074 = arith.constant 0 : i32
    %dma_start3A_1075 = tpu.memref_slice %arg7[%dma_start3A_1073, %dma_start3A_1074] : memref<24x128xf32, #tpu.memory_space<hbm>> -> memref<24x128xf32, #tpu.memory_space<hbm>>
    tpu.enqueue_indirect_dma source(%dma_start3A_1075 : memref<24x128xf32, #tpu.memory_space<hbm>>) target(%arg36 : memref<128x128xf32, #tpu.memory_space<vmem>>) offsets(%dma_start3A_1072 : memref<128xi32, #tpu.memory_space<vmem>>) semaphore(%arg38 : memref<!tpu.dma_semaphore, #tpu.memory_space<semaphore_mem>>)
    %dma_start3A_1076 = arith.constant 5 : i32
    %dma_start3A_1077 = arith.constant 384 : i32
    %dma_start3A_1078 = tpu.memref_slice %arg31[%dma_start3A_1076, %dma_start3A_1077] : memref<14x512xi32, #tpu.memory_space<vmem>> -> memref<1x128xi32, #tpu.memory_space<vmem>>
    %dma_start3A_1079 = tpu.memref_squeeze %dma_start3A_1078 : memref<1x128xi32, #tpu.memory_space<vmem>> -> memref<128xi32, #tpu.memory_space<vmem>>
    %dma_start3A_1080 = arith.constant 0 : i32
    %dma_start3A_1081 = arith.constant 0 : i32
    %dma_start3A_1082 = tpu.memref_slice %arg8[%dma_start3A_1080, %dma_start3A_1081] : memref<7x128xf32, #tpu.memory_space<hbm>> -> memref<7x128xf32, #tpu.memory_space<hbm>>
    tpu.enqueue_indirect_dma source(%dma_start3A_1082 : memref<7x128xf32, #tpu.memory_space<hbm>>) target(%arg37 : memref<128x128xf32, #tpu.memory_space<vmem>>) offsets(%dma_start3A_1079 : memref<128xi32, #tpu.memory_space<vmem>>) semaphore(%arg38 : memref<!tpu.dma_semaphore, #tpu.memory_space<semaphore_mem>>)
    %dma_wait3A_1083 = arith.constant 0 : i32
    %dma_wait3A_1084 = arith.constant 384 : i32
    %dma_wait3A_1085 = tpu.memref_slice %arg31[%dma_wait3A_1083, %dma_wait3A_1084] : memref<14x512xi32, #tpu.memory_space<vmem>> -> memref<1x128xi32, #tpu.memory_space<vmem>>
    %dma_wait3A_1086 = tpu.memref_squeeze %dma_wait3A_1085 : memref<1x128xi32, #tpu.memory_space<vmem>> -> memref<128xi32, #tpu.memory_space<vmem>>
    %dma_wait3A_1087 = arith.constant 0 : i32
    %dma_wait3A_1088 = arith.constant 0 : i32
    %dma_wait3A_1089 = tpu.memref_slice %arg3[%dma_wait3A_1087, %dma_wait3A_1088] : memref<100x256xf32, #tpu.memory_space<hbm>> -> memref<100x256xf32, #tpu.memory_space<hbm>>
    tpu.wait_indirect_dma semaphore(%arg38 : memref<!tpu.dma_semaphore, #tpu.memory_space<semaphore_mem>>) src(%dma_wait3A_1089 : memref<100x256xf32, #tpu.memory_space<hbm>>) dst(%arg32 : memref<128x256xf32, #tpu.memory_space<vmem>>)
    %dma_start3A_1090 = arith.constant 0 : i32
    %dma_start3A_1091 = tpu.memref_slice %arg17[%add3A_1000, %dma_start3A_1090] : memref<16384x256xf32, #tpu.memory_space<hbm>> -> memref<128x256xf32, #tpu.memory_space<hbm>>
    %dma_start3A_1092 = arith.constant 0 : i32
    %dma_start3A_1093 = tpu.memref_slice %arg17[%add3A_1000, %dma_start3A_1092] : memref<16384x256xf32, #tpu.memory_space<hbm>> -> memref<128x256xf32, #tpu.memory_space<hbm>>
    tpu.enqueue_dma source(%arg32 : memref<128x256xf32, #tpu.memory_space<vmem>>) target(%dma_start3A_1093 : memref<128x256xf32, #tpu.memory_space<hbm>>) target_semaphore(%arg44 : memref<!tpu.dma_semaphore, #tpu.memory_space<semaphore_mem>>)
    %dma_wait3A_1094 = arith.constant 1 : i32
    %dma_wait3A_1095 = arith.constant 384 : i32
    %dma_wait3A_1096 = tpu.memref_slice %arg31[%dma_wait3A_1094, %dma_wait3A_1095] : memref<14x512xi32, #tpu.memory_space<vmem>> -> memref<1x128xi32, #tpu.memory_space<vmem>>
    %dma_wait3A_1097 = tpu.memref_squeeze %dma_wait3A_1096 : memref<1x128xi32, #tpu.memory_space<vmem>> -> memref<128xi32, #tpu.memory_space<vmem>>
    %dma_wait3A_1098 = arith.constant 0 : i32
    %dma_wait3A_1099 = arith.constant 0 : i32
    %dma_wait3A_1100 = tpu.memref_slice %arg4[%dma_wait3A_1098, %dma_wait3A_1099] : memref<3x128xf32, #tpu.memory_space<hbm>> -> memref<3x128xf32, #tpu.memory_space<hbm>>
    tpu.wait_indirect_dma semaphore(%arg38 : memref<!tpu.dma_semaphore, #tpu.memory_space<semaphore_mem>>) src(%dma_wait3A_1100 : memref<3x128xf32, #tpu.memory_space<hbm>>) dst(%arg33 : memref<128x128xf32, #tpu.memory_space<vmem>>)
    %dma_start3A_1101 = arith.constant 0 : i32
    %dma_start3A_1102 = tpu.memref_slice %arg18[%add3A_1000, %dma_start3A_1101] : memref<16384x128xf32, #tpu.memory_space<hbm>> -> memref<128x128xf32, #tpu.memory_space<hbm>>
    %dma_start3A_1103 = arith.constant 0 : i32
    %dma_start3A_1104 = tpu.memref_slice %arg18[%add3A_1000, %dma_start3A_1103] : memref<16384x128xf32, #tpu.memory_space<hbm>> -> memref<128x128xf32, #tpu.memory_space<hbm>>
    tpu.enqueue_dma source(%arg33 : memref<128x128xf32, #tpu.memory_space<vmem>>) target(%dma_start3A_1104 : memref<128x128xf32, #tpu.memory_space<hbm>>) target_semaphore(%arg39 : memref<!tpu.dma_semaphore, #tpu.memory_space<semaphore_mem>>)
    %dma_wait3A_1105 = arith.constant 2 : i32
    %dma_wait3A_1106 = arith.constant 384 : i32
    %dma_wait3A_1107 = tpu.memref_slice %arg31[%dma_wait3A_1105, %dma_wait3A_1106] : memref<14x512xi32, #tpu.memory_space<vmem>> -> memref<1x128xi32, #tpu.memory_space<vmem>>
    %dma_wait3A_1108 = tpu.memref_squeeze %dma_wait3A_1107 : memref<1x128xi32, #tpu.memory_space<vmem>> -> memref<128xi32, #tpu.memory_space<vmem>>
    %dma_wait3A_1109 = arith.constant 0 : i32
    %dma_wait3A_1110 = arith.constant 0 : i32
    %dma_wait3A_1111 = tpu.memref_slice %arg5[%dma_wait3A_1109, %dma_wait3A_1110] : memref<12x128xf32, #tpu.memory_space<hbm>> -> memref<12x128xf32, #tpu.memory_space<hbm>>
    tpu.wait_indirect_dma semaphore(%arg38 : memref<!tpu.dma_semaphore, #tpu.memory_space<semaphore_mem>>) src(%dma_wait3A_1111 : memref<12x128xf32, #tpu.memory_space<hbm>>) dst(%arg34 : memref<128x128xf32, #tpu.memory_space<vmem>>)
    %dma_start3A_1112 = arith.constant 0 : i32
    %dma_start3A_1113 = tpu.memref_slice %arg19[%add3A_1000, %dma_start3A_1112] : memref<16384x128xf32, #tpu.memory_space<hbm>> -> memref<128x128xf32, #tpu.memory_space<hbm>>
    %dma_start3A_1114 = arith.constant 0 : i32
    %dma_start3A_1115 = tpu.memref_slice %arg19[%add3A_1000, %dma_start3A_1114] : memref<16384x128xf32, #tpu.memory_space<hbm>> -> memref<128x128xf32, #tpu.memory_space<hbm>>
    tpu.enqueue_dma source(%arg34 : memref<128x128xf32, #tpu.memory_space<vmem>>) target(%dma_start3A_1115 : memref<128x128xf32, #tpu.memory_space<hbm>>) target_semaphore(%arg40 : memref<!tpu.dma_semaphore, #tpu.memory_space<semaphore_mem>>)
    %dma_wait3A_1116 = arith.constant 3 : i32
    %dma_wait3A_1117 = arith.constant 384 : i32
    %dma_wait3A_1118 = tpu.memref_slice %arg31[%dma_wait3A_1116, %dma_wait3A_1117] : memref<14x512xi32, #tpu.memory_space<vmem>> -> memref<1x128xi32, #tpu.memory_space<vmem>>
    %dma_wait3A_1119 = tpu.memref_squeeze %dma_wait3A_1118 : memref<1x128xi32, #tpu.memory_space<vmem>> -> memref<128xi32, #tpu.memory_space<vmem>>
    %dma_wait3A_1120 = arith.constant 0 : i32
    %dma_wait3A_1121 = arith.constant 0 : i32
    %dma_wait3A_1122 = tpu.memref_slice %arg6[%dma_wait3A_1120, %dma_wait3A_1121] : memref<31x128xf32, #tpu.memory_space<hbm>> -> memref<31x128xf32, #tpu.memory_space<hbm>>
    tpu.wait_indirect_dma semaphore(%arg38 : memref<!tpu.dma_semaphore, #tpu.memory_space<semaphore_mem>>) src(%dma_wait3A_1122 : memref<31x128xf32, #tpu.memory_space<hbm>>) dst(%arg35 : memref<128x128xf32, #tpu.memory_space<vmem>>)
    %dma_start3A_1123 = arith.constant 0 : i32
    %dma_start3A_1124 = tpu.memref_slice %arg20[%add3A_1000, %dma_start3A_1123] : memref<16384x128xf32, #tpu.memory_space<hbm>> -> memref<128x128xf32, #tpu.memory_space<hbm>>
    %dma_start3A_1125 = arith.constant 0 : i32
    %dma_start3A_1126 = tpu.memref_slice %arg20[%add3A_1000, %dma_start3A_1125] : memref<16384x128xf32, #tpu.memory_space<hbm>> -> memref<128x128xf32, #tpu.memory_space<hbm>>
    tpu.enqueue_dma source(%arg35 : memref<128x128xf32, #tpu.memory_space<vmem>>) target(%dma_start3A_1126 : memref<128x128xf32, #tpu.memory_space<hbm>>) target_semaphore(%arg41 : memref<!tpu.dma_semaphore, #tpu.memory_space<semaphore_mem>>)
    %dma_wait3A_1127 = arith.constant 4 : i32
    %dma_wait3A_1128 = arith.constant 384 : i32
    %dma_wait3A_1129 = tpu.memref_slice %arg31[%dma_wait3A_1127, %dma_wait3A_1128] : memref<14x512xi32, #tpu.memory_space<vmem>> -> memref<1x128xi32, #tpu.memory_space<vmem>>
    %dma_wait3A_1130 = tpu.memref_squeeze %dma_wait3A_1129 : memref<1x128xi32, #tpu.memory_space<vmem>> -> memref<128xi32, #tpu.memory_space<vmem>>
    %dma_wait3A_1131 = arith.constant 0 : i32
    %dma_wait3A_1132 = arith.constant 0 : i32
    %dma_wait3A_1133 = tpu.memref_slice %arg7[%dma_wait3A_1131, %dma_wait3A_1132] : memref<24x128xf32, #tpu.memory_space<hbm>> -> memref<24x128xf32, #tpu.memory_space<hbm>>
    tpu.wait_indirect_dma semaphore(%arg38 : memref<!tpu.dma_semaphore, #tpu.memory_space<semaphore_mem>>) src(%dma_wait3A_1133 : memref<24x128xf32, #tpu.memory_space<hbm>>) dst(%arg36 : memref<128x128xf32, #tpu.memory_space<vmem>>)
    %dma_start3A_1134 = arith.constant 0 : i32
    %dma_start3A_1135 = tpu.memref_slice %arg21[%add3A_1000, %dma_start3A_1134] : memref<16384x128xf32, #tpu.memory_space<hbm>> -> memref<128x128xf32, #tpu.memory_space<hbm>>
    %dma_start3A_1136 = arith.constant 0 : i32
    %dma_start3A_1137 = tpu.memref_slice %arg21[%add3A_1000, %dma_start3A_1136] : memref<16384x128xf32, #tpu.memory_space<hbm>> -> memref<128x128xf32, #tpu.memory_space<hbm>>
    tpu.enqueue_dma source(%arg36 : memref<128x128xf32, #tpu.memory_space<vmem>>) target(%dma_start3A_1137 : memref<128x128xf32, #tpu.memory_space<hbm>>) target_semaphore(%arg42 : memref<!tpu.dma_semaphore, #tpu.memory_space<semaphore_mem>>)
    %dma_wait3A_1138 = arith.constant 5 : i32
    %dma_wait3A_1139 = arith.constant 384 : i32
    %dma_wait3A_1140 = tpu.memref_slice %arg31[%dma_wait3A_1138, %dma_wait3A_1139] : memref<14x512xi32, #tpu.memory_space<vmem>> -> memref<1x128xi32, #tpu.memory_space<vmem>>
    %dma_wait3A_1141 = tpu.memref_squeeze %dma_wait3A_1140 : memref<1x128xi32, #tpu.memory_space<vmem>> -> memref<128xi32, #tpu.memory_space<vmem>>
    %dma_wait3A_1142 = arith.constant 0 : i32
    %dma_wait3A_1143 = arith.constant 0 : i32
    %dma_wait3A_1144 = tpu.memref_slice %arg8[%dma_wait3A_1142, %dma_wait3A_1143] : memref<7x128xf32, #tpu.memory_space<hbm>> -> memref<7x128xf32, #tpu.memory_space<hbm>>
    tpu.wait_indirect_dma semaphore(%arg38 : memref<!tpu.dma_semaphore, #tpu.memory_space<semaphore_mem>>) src(%dma_wait3A_1144 : memref<7x128xf32, #tpu.memory_space<hbm>>) dst(%arg37 : memref<128x128xf32, #tpu.memory_space<vmem>>)
    %dma_start3A_1145 = arith.constant 0 : i32
    %dma_start3A_1146 = tpu.memref_slice %arg22[%add3A_1000, %dma_start3A_1145] : memref<16384x128xf32, #tpu.memory_space<hbm>> -> memref<128x128xf32, #tpu.memory_space<hbm>>
    %dma_start3A_1147 = arith.constant 0 : i32
    %dma_start3A_1148 = tpu.memref_slice %arg22[%add3A_1000, %dma_start3A_1147] : memref<16384x128xf32, #tpu.memory_space<hbm>> -> memref<128x128xf32, #tpu.memory_space<hbm>>
    tpu.enqueue_dma source(%arg37 : memref<128x128xf32, #tpu.memory_space<vmem>>) target(%dma_start3A_1148 : memref<128x128xf32, #tpu.memory_space<hbm>>) target_semaphore(%arg43 : memref<!tpu.dma_semaphore, #tpu.memory_space<semaphore_mem>>)
    %dma_wait3A_1149 = arith.constant 0 : i32
    %dma_wait3A_1150 = tpu.memref_slice %arg18[%add3A_1000, %dma_wait3A_1149] : memref<16384x128xf32, #tpu.memory_space<hbm>> -> memref<128x128xf32, #tpu.memory_space<hbm>>
    %dma_wait3A_1151 = arith.constant 0 : i32
    %dma_wait3A_1152 = tpu.memref_slice %arg18[%add3A_1000, %dma_wait3A_1151] : memref<16384x128xf32, #tpu.memory_space<hbm>> -> memref<128x128xf32, #tpu.memory_space<hbm>>
    tpu.wait_dma2 semaphore(%arg39 : memref<!tpu.dma_semaphore, #tpu.memory_space<semaphore_mem>>) src(%arg33 : memref<128x128xf32, #tpu.memory_space<vmem>>) dst(%dma_wait3A_1152 : memref<128x128xf32, #tpu.memory_space<hbm>>)
    %dma_wait3A_1153 = arith.constant 0 : i32
    %dma_wait3A_1154 = tpu.memref_slice %arg19[%add3A_1000, %dma_wait3A_1153] : memref<16384x128xf32, #tpu.memory_space<hbm>> -> memref<128x128xf32, #tpu.memory_space<hbm>>
    %dma_wait3A_1155 = arith.constant 0 : i32
    %dma_wait3A_1156 = tpu.memref_slice %arg19[%add3A_1000, %dma_wait3A_1155] : memref<16384x128xf32, #tpu.memory_space<hbm>> -> memref<128x128xf32, #tpu.memory_space<hbm>>
    tpu.wait_dma2 semaphore(%arg40 : memref<!tpu.dma_semaphore, #tpu.memory_space<semaphore_mem>>) src(%arg34 : memref<128x128xf32, #tpu.memory_space<vmem>>) dst(%dma_wait3A_1156 : memref<128x128xf32, #tpu.memory_space<hbm>>)
    %dma_wait3A_1157 = arith.constant 0 : i32
    %dma_wait3A_1158 = tpu.memref_slice %arg20[%add3A_1000, %dma_wait3A_1157] : memref<16384x128xf32, #tpu.memory_space<hbm>> -> memref<128x128xf32, #tpu.memory_space<hbm>>
    %dma_wait3A_1159 = arith.constant 0 : i32
    %dma_wait3A_1160 = tpu.memref_slice %arg20[%add3A_1000, %dma_wait3A_1159] : memref<16384x128xf32, #tpu.memory_space<hbm>> -> memref<128x128xf32, #tpu.memory_space<hbm>>
    tpu.wait_dma2 semaphore(%arg41 : memref<!tpu.dma_semaphore, #tpu.memory_space<semaphore_mem>>) src(%arg35 : memref<128x128xf32, #tpu.memory_space<vmem>>) dst(%dma_wait3A_1160 : memref<128x128xf32, #tpu.memory_space<hbm>>)
    %dma_wait3A_1161 = arith.constant 0 : i32
    %dma_wait3A_1162 = tpu.memref_slice %arg21[%add3A_1000, %dma_wait3A_1161] : memref<16384x128xf32, #tpu.memory_space<hbm>> -> memref<128x128xf32, #tpu.memory_space<hbm>>
    %dma_wait3A_1163 = arith.constant 0 : i32
    %dma_wait3A_1164 = tpu.memref_slice %arg21[%add3A_1000, %dma_wait3A_1163] : memref<16384x128xf32, #tpu.memory_space<hbm>> -> memref<128x128xf32, #tpu.memory_space<hbm>>
    tpu.wait_dma2 semaphore(%arg42 : memref<!tpu.dma_semaphore, #tpu.memory_space<semaphore_mem>>) src(%arg36 : memref<128x128xf32, #tpu.memory_space<vmem>>) dst(%dma_wait3A_1164 : memref<128x128xf32, #tpu.memory_space<hbm>>)
    %dma_wait3A_1165 = arith.constant 0 : i32
    %dma_wait3A_1166 = tpu.memref_slice %arg22[%add3A_1000, %dma_wait3A_1165] : memref<16384x128xf32, #tpu.memory_space<hbm>> -> memref<128x128xf32, #tpu.memory_space<hbm>>
    %dma_wait3A_1167 = arith.constant 0 : i32
    %dma_wait3A_1168 = tpu.memref_slice %arg22[%add3A_1000, %dma_wait3A_1167] : memref<16384x128xf32, #tpu.memory_space<hbm>> -> memref<128x128xf32, #tpu.memory_space<hbm>>
    tpu.wait_dma2 semaphore(%arg43 : memref<!tpu.dma_semaphore, #tpu.memory_space<semaphore_mem>>) src(%arg37 : memref<128x128xf32, #tpu.memory_space<vmem>>) dst(%dma_wait3A_1168 : memref<128x128xf32, #tpu.memory_space<hbm>>)
    %dma_wait3A_1169 = arith.constant 0 : i32
    %dma_wait3A_1170 = tpu.memref_slice %arg17[%add3A_1000, %dma_wait3A_1169] : memref<16384x256xf32, #tpu.memory_space<hbm>> -> memref<128x256xf32, #tpu.memory_space<hbm>>
    %dma_wait3A_1171 = arith.constant 0 : i32
    %dma_wait3A_1172 = tpu.memref_slice %arg17[%add3A_1000, %dma_wait3A_1171] : memref<16384x256xf32, #tpu.memory_space<hbm>> -> memref<128x256xf32, #tpu.memory_space<hbm>>
    tpu.wait_dma2 semaphore(%arg44 : memref<!tpu.dma_semaphore, #tpu.memory_space<semaphore_mem>>) src(%arg32 : memref<128x256xf32, #tpu.memory_space<vmem>>) dst(%dma_wait3A_1172 : memref<128x256xf32, #tpu.memory_space<hbm>>)
    %dma_start3A_1173 = arith.constant 6 : i32
    %dma_start3A_1174 = arith.constant 384 : i32
    %dma_start3A_1175 = tpu.memref_slice %arg31[%dma_start3A_1173, %dma_start3A_1174] : memref<14x512xi32, #tpu.memory_space<vmem>> -> memref<1x128xi32, #tpu.memory_space<vmem>>
    %dma_start3A_1176 = tpu.memref_squeeze %dma_start3A_1175 : memref<1x128xi32, #tpu.memory_space<vmem>> -> memref<128xi32, #tpu.memory_space<vmem>>
    %dma_start3A_1177 = arith.constant 0 : i32
    %dma_start3A_1178 = arith.constant 0 : i32
    %dma_start3A_1179 = tpu.memref_slice %arg9[%dma_start3A_1177, %dma_start3A_1178] : memref<281x128xf32, #tpu.memory_space<hbm>> -> memref<281x128xf32, #tpu.memory_space<hbm>>
    tpu.enqueue_indirect_dma source(%dma_start3A_1179 : memref<281x128xf32, #tpu.memory_space<hbm>>) target(%arg33 : memref<128x128xf32, #tpu.memory_space<vmem>>) offsets(%dma_start3A_1176 : memref<128xi32, #tpu.memory_space<vmem>>) semaphore(%arg38 : memref<!tpu.dma_semaphore, #tpu.memory_space<semaphore_mem>>)
    %dma_start3A_1180 = arith.constant 7 : i32
    %dma_start3A_1181 = arith.constant 384 : i32
    %dma_start3A_1182 = tpu.memref_slice %arg31[%dma_start3A_1180, %dma_start3A_1181] : memref<14x512xi32, #tpu.memory_space<vmem>> -> memref<1x128xi32, #tpu.memory_space<vmem>>
    %dma_start3A_1183 = tpu.memref_squeeze %dma_start3A_1182 : memref<1x128xi32, #tpu.memory_space<vmem>> -> memref<128xi32, #tpu.memory_space<vmem>>
    %dma_start3A_1184 = arith.constant 0 : i32
    %dma_start3A_1185 = arith.constant 0 : i32
    %dma_start3A_1186 = tpu.memref_slice %arg10[%dma_start3A_1184, %dma_start3A_1185] : memref<81x128xf32, #tpu.memory_space<hbm>> -> memref<81x128xf32, #tpu.memory_space<hbm>>
    tpu.enqueue_indirect_dma source(%dma_start3A_1186 : memref<81x128xf32, #tpu.memory_space<hbm>>) target(%arg34 : memref<128x128xf32, #tpu.memory_space<vmem>>) offsets(%dma_start3A_1183 : memref<128xi32, #tpu.memory_space<vmem>>) semaphore(%arg38 : memref<!tpu.dma_semaphore, #tpu.memory_space<semaphore_mem>>)
    %dma_start3A_1187 = arith.constant 8 : i32
    %dma_start3A_1188 = arith.constant 384 : i32
    %dma_start3A_1189 = tpu.memref_slice %arg31[%dma_start3A_1187, %dma_start3A_1188] : memref<14x512xi32, #tpu.memory_space<vmem>> -> memref<1x128xi32, #tpu.memory_space<vmem>>
    %dma_start3A_1190 = tpu.memref_squeeze %dma_start3A_1189 : memref<1x128xi32, #tpu.memory_space<vmem>> -> memref<128xi32, #tpu.memory_space<vmem>>
    %dma_start3A_1191 = arith.constant 0 : i32
    %dma_start3A_1192 = arith.constant 0 : i32
    %dma_start3A_1193 = tpu.memref_slice %arg11[%dma_start3A_1191, %dma_start3A_1192] : memref<46x128xf32, #tpu.memory_space<hbm>> -> memref<46x128xf32, #tpu.memory_space<hbm>>
    tpu.enqueue_indirect_dma source(%dma_start3A_1193 : memref<46x128xf32, #tpu.memory_space<hbm>>) target(%arg35 : memref<128x128xf32, #tpu.memory_space<vmem>>) offsets(%dma_start3A_1190 : memref<128xi32, #tpu.memory_space<vmem>>) semaphore(%arg38 : memref<!tpu.dma_semaphore, #tpu.memory_space<semaphore_mem>>)
    %dma_start3A_1194 = arith.constant 9 : i32
    %dma_start3A_1195 = arith.constant 384 : i32
    %dma_start3A_1196 = tpu.memref_slice %arg31[%dma_start3A_1194, %dma_start3A_1195] : memref<14x512xi32, #tpu.memory_space<vmem>> -> memref<1x128xi32, #tpu.memory_space<vmem>>
    %dma_start3A_1197 = tpu.memref_squeeze %dma_start3A_1196 : memref<1x128xi32, #tpu.memory_space<vmem>> -> memref<128xi32, #tpu.memory_space<vmem>>
    %dma_start3A_1198 = arith.constant 0 : i32
    %dma_start3A_1199 = arith.constant 0 : i32
    %dma_start3A_1200 = tpu.memref_slice %arg12[%dma_start3A_1198, %dma_start3A_1199] : memref<13x128xf32, #tpu.memory_space<hbm>> -> memref<13x128xf32, #tpu.memory_space<hbm>>
    tpu.enqueue_indirect_dma source(%dma_start3A_1200 : memref<13x128xf32, #tpu.memory_space<hbm>>) target(%arg36 : memref<128x128xf32, #tpu.memory_space<vmem>>) offsets(%dma_start3A_1197 : memref<128xi32, #tpu.memory_space<vmem>>) semaphore(%arg38 : memref<!tpu.dma_semaphore, #tpu.memory_space<semaphore_mem>>)
    %dma_start3A_1201 = arith.constant 10 : i32
    %dma_start3A_1202 = arith.constant 384 : i32
    %dma_start3A_1203 = tpu.memref_slice %arg31[%dma_start3A_1201, %dma_start3A_1202] : memref<14x512xi32, #tpu.memory_space<vmem>> -> memref<1x128xi32, #tpu.memory_space<vmem>>
    %dma_start3A_1204 = tpu.memref_squeeze %dma_start3A_1203 : memref<1x128xi32, #tpu.memory_space<vmem>> -> memref<128xi32, #tpu.memory_space<vmem>>
    %dma_start3A_1205 = arith.constant 0 : i32
    %dma_start3A_1206 = arith.constant 0 : i32
    %dma_start3A_1207 = tpu.memref_slice %arg13[%dma_start3A_1205, %dma_start3A_1206] : memref<9x128xf32, #tpu.memory_space<hbm>> -> memref<9x128xf32, #tpu.memory_space<hbm>>
    tpu.enqueue_indirect_dma source(%dma_start3A_1207 : memref<9x128xf32, #tpu.memory_space<hbm>>) target(%arg37 : memref<128x128xf32, #tpu.memory_space<vmem>>) offsets(%dma_start3A_1204 : memref<128xi32, #tpu.memory_space<vmem>>) semaphore(%arg38 : memref<!tpu.dma_semaphore, #tpu.memory_space<semaphore_mem>>)
    %dma_start3A_1208 = arith.constant 11 : i32
    %dma_start3A_1209 = arith.constant 0 : i32
    %dma_start3A_1210 = arith.constant 0 : i32
    %dma_start3A_1211 = tpu.memref_slice %arg32[%dma_start3A_1209, %dma_start3A_1210] : memref<128x256xf32, #tpu.memory_space<vmem>> -> memref<128x128xf32, #tpu.memory_space<vmem>>
    %dma_start3A_1212 = arith.constant 384 : i32
    %dma_start3A_1213 = tpu.memref_slice %arg31[%dma_start3A_1208, %dma_start3A_1212] : memref<14x512xi32, #tpu.memory_space<vmem>> -> memref<1x128xi32, #tpu.memory_space<vmem>>
    %dma_start3A_1214 = tpu.memref_squeeze %dma_start3A_1213 : memref<1x128xi32, #tpu.memory_space<vmem>> -> memref<128xi32, #tpu.memory_space<vmem>>
    %dma_start3A_1215 = arith.constant 0 : i32
    %dma_start3A_1216 = arith.constant 0 : i32
    %dma_start3A_1217 = tpu.memref_slice %arg14[%dma_start3A_1215, %dma_start3A_1216] : memref<10x128xf32, #tpu.memory_space<hbm>> -> memref<10x128xf32, #tpu.memory_space<hbm>>
    tpu.enqueue_indirect_dma source(%dma_start3A_1217 : memref<10x128xf32, #tpu.memory_space<hbm>>) target(%dma_start3A_1211 : memref<128x128xf32, #tpu.memory_space<vmem>>) offsets(%dma_start3A_1214 : memref<128xi32, #tpu.memory_space<vmem>>) semaphore(%arg38 : memref<!tpu.dma_semaphore, #tpu.memory_space<semaphore_mem>>)
    %dma_start3A_1218 = arith.constant 12 : i32
    %dma_start3A_1219 = arith.constant 0 : i32
    %dma_start3A_1220 = arith.constant 128 : i32
    %dma_start3A_1221 = tpu.memref_slice %arg32[%dma_start3A_1219, %dma_start3A_1220] : memref<128x256xf32, #tpu.memory_space<vmem>> -> memref<128x128xf32, #tpu.memory_space<vmem>>
    %dma_start3A_1222 = arith.constant 384 : i32
    %dma_start3A_1223 = tpu.memref_slice %arg31[%dma_start3A_1218, %dma_start3A_1222] : memref<14x512xi32, #tpu.memory_space<vmem>> -> memref<1x128xi32, #tpu.memory_space<vmem>>
    %dma_start3A_1224 = tpu.memref_squeeze %dma_start3A_1223 : memref<1x128xi32, #tpu.memory_space<vmem>> -> memref<128xi32, #tpu.memory_space<vmem>>
    %dma_start3A_1225 = arith.constant 0 : i32
    %dma_start3A_1226 = arith.constant 0 : i32
    %dma_start3A_1227 = tpu.memref_slice %arg15[%dma_start3A_1225, %dma_start3A_1226] : memref<10x128xf32, #tpu.memory_space<hbm>> -> memref<10x128xf32, #tpu.memory_space<hbm>>
    tpu.enqueue_indirect_dma source(%dma_start3A_1227 : memref<10x128xf32, #tpu.memory_space<hbm>>) target(%dma_start3A_1221 : memref<128x128xf32, #tpu.memory_space<vmem>>) offsets(%dma_start3A_1224 : memref<128xi32, #tpu.memory_space<vmem>>) semaphore(%arg38 : memref<!tpu.dma_semaphore, #tpu.memory_space<semaphore_mem>>)
    %dma_wait3A_1228 = arith.constant 6 : i32
    %dma_wait3A_1229 = arith.constant 384 : i32
    %dma_wait3A_1230 = tpu.memref_slice %arg31[%dma_wait3A_1228, %dma_wait3A_1229] : memref<14x512xi32, #tpu.memory_space<vmem>> -> memref<1x128xi32, #tpu.memory_space<vmem>>
    %dma_wait3A_1231 = tpu.memref_squeeze %dma_wait3A_1230 : memref<1x128xi32, #tpu.memory_space<vmem>> -> memref<128xi32, #tpu.memory_space<vmem>>
    %dma_wait3A_1232 = arith.constant 0 : i32
    %dma_wait3A_1233 = arith.constant 0 : i32
    %dma_wait3A_1234 = tpu.memref_slice %arg9[%dma_wait3A_1232, %dma_wait3A_1233] : memref<281x128xf32, #tpu.memory_space<hbm>> -> memref<281x128xf32, #tpu.memory_space<hbm>>
    tpu.wait_indirect_dma semaphore(%arg38 : memref<!tpu.dma_semaphore, #tpu.memory_space<semaphore_mem>>) src(%dma_wait3A_1234 : memref<281x128xf32, #tpu.memory_space<hbm>>) dst(%arg33 : memref<128x128xf32, #tpu.memory_space<vmem>>)
    %dma_start3A_1235 = arith.constant 0 : i32
    %dma_start3A_1236 = tpu.memref_slice %arg23[%add3A_1000, %dma_start3A_1235] : memref<16384x128xf32, #tpu.memory_space<hbm>> -> memref<128x128xf32, #tpu.memory_space<hbm>>
    %dma_start3A_1237 = arith.constant 0 : i32
    %dma_start3A_1238 = tpu.memref_slice %arg23[%add3A_1000, %dma_start3A_1237] : memref<16384x128xf32, #tpu.memory_space<hbm>> -> memref<128x128xf32, #tpu.memory_space<hbm>>
    tpu.enqueue_dma source(%arg33 : memref<128x128xf32, #tpu.memory_space<vmem>>) target(%dma_start3A_1238 : memref<128x128xf32, #tpu.memory_space<hbm>>) target_semaphore(%arg39 : memref<!tpu.dma_semaphore, #tpu.memory_space<semaphore_mem>>)
    %dma_wait3A_1239 = arith.constant 7 : i32
    %dma_wait3A_1240 = arith.constant 384 : i32
    %dma_wait3A_1241 = tpu.memref_slice %arg31[%dma_wait3A_1239, %dma_wait3A_1240] : memref<14x512xi32, #tpu.memory_space<vmem>> -> memref<1x128xi32, #tpu.memory_space<vmem>>
    %dma_wait3A_1242 = tpu.memref_squeeze %dma_wait3A_1241 : memref<1x128xi32, #tpu.memory_space<vmem>> -> memref<128xi32, #tpu.memory_space<vmem>>
    %dma_wait3A_1243 = arith.constant 0 : i32
    %dma_wait3A_1244 = arith.constant 0 : i32
    %dma_wait3A_1245 = tpu.memref_slice %arg10[%dma_wait3A_1243, %dma_wait3A_1244] : memref<81x128xf32, #tpu.memory_space<hbm>> -> memref<81x128xf32, #tpu.memory_space<hbm>>
    tpu.wait_indirect_dma semaphore(%arg38 : memref<!tpu.dma_semaphore, #tpu.memory_space<semaphore_mem>>) src(%dma_wait3A_1245 : memref<81x128xf32, #tpu.memory_space<hbm>>) dst(%arg34 : memref<128x128xf32, #tpu.memory_space<vmem>>)
    %dma_start3A_1246 = arith.constant 0 : i32
    %dma_start3A_1247 = tpu.memref_slice %arg24[%add3A_1000, %dma_start3A_1246] : memref<16384x128xf32, #tpu.memory_space<hbm>> -> memref<128x128xf32, #tpu.memory_space<hbm>>
    %dma_start3A_1248 = arith.constant 0 : i32
    %dma_start3A_1249 = tpu.memref_slice %arg24[%add3A_1000, %dma_start3A_1248] : memref<16384x128xf32, #tpu.memory_space<hbm>> -> memref<128x128xf32, #tpu.memory_space<hbm>>
    tpu.enqueue_dma source(%arg34 : memref<128x128xf32, #tpu.memory_space<vmem>>) target(%dma_start3A_1249 : memref<128x128xf32, #tpu.memory_space<hbm>>) target_semaphore(%arg40 : memref<!tpu.dma_semaphore, #tpu.memory_space<semaphore_mem>>)
    %dma_wait3A_1250 = arith.constant 8 : i32
    %dma_wait3A_1251 = arith.constant 384 : i32
    %dma_wait3A_1252 = tpu.memref_slice %arg31[%dma_wait3A_1250, %dma_wait3A_1251] : memref<14x512xi32, #tpu.memory_space<vmem>> -> memref<1x128xi32, #tpu.memory_space<vmem>>
    %dma_wait3A_1253 = tpu.memref_squeeze %dma_wait3A_1252 : memref<1x128xi32, #tpu.memory_space<vmem>> -> memref<128xi32, #tpu.memory_space<vmem>>
    %dma_wait3A_1254 = arith.constant 0 : i32
    %dma_wait3A_1255 = arith.constant 0 : i32
    %dma_wait3A_1256 = tpu.memref_slice %arg11[%dma_wait3A_1254, %dma_wait3A_1255] : memref<46x128xf32, #tpu.memory_space<hbm>> -> memref<46x128xf32, #tpu.memory_space<hbm>>
    tpu.wait_indirect_dma semaphore(%arg38 : memref<!tpu.dma_semaphore, #tpu.memory_space<semaphore_mem>>) src(%dma_wait3A_1256 : memref<46x128xf32, #tpu.memory_space<hbm>>) dst(%arg35 : memref<128x128xf32, #tpu.memory_space<vmem>>)
    %dma_start3A_1257 = arith.constant 0 : i32
    %dma_start3A_1258 = tpu.memref_slice %arg25[%add3A_1000, %dma_start3A_1257] : memref<16384x128xf32, #tpu.memory_space<hbm>> -> memref<128x128xf32, #tpu.memory_space<hbm>>
    %dma_start3A_1259 = arith.constant 0 : i32
    %dma_start3A_1260 = tpu.memref_slice %arg25[%add3A_1000, %dma_start3A_1259] : memref<16384x128xf32, #tpu.memory_space<hbm>> -> memref<128x128xf32, #tpu.memory_space<hbm>>
    tpu.enqueue_dma source(%arg35 : memref<128x128xf32, #tpu.memory_space<vmem>>) target(%dma_start3A_1260 : memref<128x128xf32, #tpu.memory_space<hbm>>) target_semaphore(%arg41 : memref<!tpu.dma_semaphore, #tpu.memory_space<semaphore_mem>>)
    %dma_wait3A_1261 = arith.constant 9 : i32
    %dma_wait3A_1262 = arith.constant 384 : i32
    %dma_wait3A_1263 = tpu.memref_slice %arg31[%dma_wait3A_1261, %dma_wait3A_1262] : memref<14x512xi32, #tpu.memory_space<vmem>> -> memref<1x128xi32, #tpu.memory_space<vmem>>
    %dma_wait3A_1264 = tpu.memref_squeeze %dma_wait3A_1263 : memref<1x128xi32, #tpu.memory_space<vmem>> -> memref<128xi32, #tpu.memory_space<vmem>>
    %dma_wait3A_1265 = arith.constant 0 : i32
    %dma_wait3A_1266 = arith.constant 0 : i32
    %dma_wait3A_1267 = tpu.memref_slice %arg12[%dma_wait3A_1265, %dma_wait3A_1266] : memref<13x128xf32, #tpu.memory_space<hbm>> -> memref<13x128xf32, #tpu.memory_space<hbm>>
    tpu.wait_indirect_dma semaphore(%arg38 : memref<!tpu.dma_semaphore, #tpu.memory_space<semaphore_mem>>) src(%dma_wait3A_1267 : memref<13x128xf32, #tpu.memory_space<hbm>>) dst(%arg36 : memref<128x128xf32, #tpu.memory_space<vmem>>)
    %dma_start3A_1268 = arith.constant 0 : i32
    %dma_start3A_1269 = tpu.memref_slice %arg26[%add3A_1000, %dma_start3A_1268] : memref<16384x128xf32, #tpu.memory_space<hbm>> -> memref<128x128xf32, #tpu.memory_space<hbm>>
    %dma_start3A_1270 = arith.constant 0 : i32
    %dma_start3A_1271 = tpu.memref_slice %arg26[%add3A_1000, %dma_start3A_1270] : memref<16384x128xf32, #tpu.memory_space<hbm>> -> memref<128x128xf32, #tpu.memory_space<hbm>>
    tpu.enqueue_dma source(%arg36 : memref<128x128xf32, #tpu.memory_space<vmem>>) target(%dma_start3A_1271 : memref<128x128xf32, #tpu.memory_space<hbm>>) target_semaphore(%arg42 : memref<!tpu.dma_semaphore, #tpu.memory_space<semaphore_mem>>)
    %dma_wait3A_1272 = arith.constant 10 : i32
    %dma_wait3A_1273 = arith.constant 384 : i32
    %dma_wait3A_1274 = tpu.memref_slice %arg31[%dma_wait3A_1272, %dma_wait3A_1273] : memref<14x512xi32, #tpu.memory_space<vmem>> -> memref<1x128xi32, #tpu.memory_space<vmem>>
    %dma_wait3A_1275 = tpu.memref_squeeze %dma_wait3A_1274 : memref<1x128xi32, #tpu.memory_space<vmem>> -> memref<128xi32, #tpu.memory_space<vmem>>
    %dma_wait3A_1276 = arith.constant 0 : i32
    %dma_wait3A_1277 = arith.constant 0 : i32
    %dma_wait3A_1278 = tpu.memref_slice %arg13[%dma_wait3A_1276, %dma_wait3A_1277] : memref<9x128xf32, #tpu.memory_space<hbm>> -> memref<9x128xf32, #tpu.memory_space<hbm>>
    tpu.wait_indirect_dma semaphore(%arg38 : memref<!tpu.dma_semaphore, #tpu.memory_space<semaphore_mem>>) src(%dma_wait3A_1278 : memref<9x128xf32, #tpu.memory_space<hbm>>) dst(%arg37 : memref<128x128xf32, #tpu.memory_space<vmem>>)
    %dma_start3A_1279 = arith.constant 0 : i32
    %dma_start3A_1280 = tpu.memref_slice %arg27[%add3A_1000, %dma_start3A_1279] : memref<16384x128xf32, #tpu.memory_space<hbm>> -> memref<128x128xf32, #tpu.memory_space<hbm>>
    %dma_start3A_1281 = arith.constant 0 : i32
    %dma_start3A_1282 = tpu.memref_slice %arg27[%add3A_1000, %dma_start3A_1281] : memref<16384x128xf32, #tpu.memory_space<hbm>> -> memref<128x128xf32, #tpu.memory_space<hbm>>
    tpu.enqueue_dma source(%arg37 : memref<128x128xf32, #tpu.memory_space<vmem>>) target(%dma_start3A_1282 : memref<128x128xf32, #tpu.memory_space<hbm>>) target_semaphore(%arg43 : memref<!tpu.dma_semaphore, #tpu.memory_space<semaphore_mem>>)
    %dma_wait3A_1283 = arith.constant 11 : i32
    %dma_wait3A_1284 = arith.constant 0 : i32
    %dma_wait3A_1285 = arith.constant 0 : i32
    %dma_wait3A_1286 = tpu.memref_slice %arg32[%dma_wait3A_1284, %dma_wait3A_1285] : memref<128x256xf32, #tpu.memory_space<vmem>> -> memref<128x128xf32, #tpu.memory_space<vmem>>
    %dma_wait3A_1287 = arith.constant 384 : i32
    %dma_wait3A_1288 = tpu.memref_slice %arg31[%dma_wait3A_1283, %dma_wait3A_1287] : memref<14x512xi32, #tpu.memory_space<vmem>> -> memref<1x128xi32, #tpu.memory_space<vmem>>
    %dma_wait3A_1289 = tpu.memref_squeeze %dma_wait3A_1288 : memref<1x128xi32, #tpu.memory_space<vmem>> -> memref<128xi32, #tpu.memory_space<vmem>>
    %dma_wait3A_1290 = arith.constant 0 : i32
    %dma_wait3A_1291 = arith.constant 0 : i32
    %dma_wait3A_1292 = tpu.memref_slice %arg14[%dma_wait3A_1290, %dma_wait3A_1291] : memref<10x128xf32, #tpu.memory_space<hbm>> -> memref<10x128xf32, #tpu.memory_space<hbm>>
    tpu.wait_indirect_dma semaphore(%arg38 : memref<!tpu.dma_semaphore, #tpu.memory_space<semaphore_mem>>) src(%dma_wait3A_1292 : memref<10x128xf32, #tpu.memory_space<hbm>>) dst(%dma_wait3A_1286 : memref<128x128xf32, #tpu.memory_space<vmem>>)
    %dma_start3A_1293 = arith.constant 0 : i32
    %dma_start3A_1294 = arith.constant 0 : i32
    %dma_start3A_1295 = tpu.memref_slice %arg32[%dma_start3A_1293, %dma_start3A_1294] : memref<128x256xf32, #tpu.memory_space<vmem>> -> memref<128x128xf32, #tpu.memory_space<vmem>>
    %dma_start3A_1296 = arith.constant 0 : i32
    %dma_start3A_1297 = tpu.memref_slice %arg28[%add3A_1000, %dma_start3A_1296] : memref<16384x128xf32, #tpu.memory_space<hbm>> -> memref<128x128xf32, #tpu.memory_space<hbm>>
    %dma_start3A_1298 = arith.constant 0 : i32
    %dma_start3A_1299 = tpu.memref_slice %arg28[%add3A_1000, %dma_start3A_1298] : memref<16384x128xf32, #tpu.memory_space<hbm>> -> memref<128x128xf32, #tpu.memory_space<hbm>>
    %dma_start3A_1300 = arith.constant 0 : i32
    %dma_start3A_1301 = arith.constant 0 : i32
    %dma_start3A_1302 = tpu.memref_slice %arg32[%dma_start3A_1300, %dma_start3A_1301] : memref<128x256xf32, #tpu.memory_space<vmem>> -> memref<128x128xf32, #tpu.memory_space<vmem>>
    tpu.enqueue_dma source(%dma_start3A_1302 : memref<128x128xf32, #tpu.memory_space<vmem>>) target(%dma_start3A_1299 : memref<128x128xf32, #tpu.memory_space<hbm>>) target_semaphore(%arg44 : memref<!tpu.dma_semaphore, #tpu.memory_space<semaphore_mem>>)
    %dma_wait3A_1303 = arith.constant 12 : i32
    %dma_wait3A_1304 = arith.constant 0 : i32
    %dma_wait3A_1305 = arith.constant 128 : i32
    %dma_wait3A_1306 = tpu.memref_slice %arg32[%dma_wait3A_1304, %dma_wait3A_1305] : memref<128x256xf32, #tpu.memory_space<vmem>> -> memref<128x128xf32, #tpu.memory_space<vmem>>
    %dma_wait3A_1307 = arith.constant 384 : i32
    %dma_wait3A_1308 = tpu.memref_slice %arg31[%dma_wait3A_1303, %dma_wait3A_1307] : memref<14x512xi32, #tpu.memory_space<vmem>> -> memref<1x128xi32, #tpu.memory_space<vmem>>
    %dma_wait3A_1309 = tpu.memref_squeeze %dma_wait3A_1308 : memref<1x128xi32, #tpu.memory_space<vmem>> -> memref<128xi32, #tpu.memory_space<vmem>>
    %dma_wait3A_1310 = arith.constant 0 : i32
    %dma_wait3A_1311 = arith.constant 0 : i32
    %dma_wait3A_1312 = tpu.memref_slice %arg15[%dma_wait3A_1310, %dma_wait3A_1311] : memref<10x128xf32, #tpu.memory_space<hbm>> -> memref<10x128xf32, #tpu.memory_space<hbm>>
    tpu.wait_indirect_dma semaphore(%arg38 : memref<!tpu.dma_semaphore, #tpu.memory_space<semaphore_mem>>) src(%dma_wait3A_1312 : memref<10x128xf32, #tpu.memory_space<hbm>>) dst(%dma_wait3A_1306 : memref<128x128xf32, #tpu.memory_space<vmem>>)
    %dma_start3A_1313 = arith.constant 0 : i32
    %dma_start3A_1314 = arith.constant 128 : i32
    %dma_start3A_1315 = tpu.memref_slice %arg32[%dma_start3A_1313, %dma_start3A_1314] : memref<128x256xf32, #tpu.memory_space<vmem>> -> memref<128x128xf32, #tpu.memory_space<vmem>>
    %dma_start3A_1316 = arith.constant 0 : i32
    %dma_start3A_1317 = tpu.memref_slice %arg29[%add3A_1000, %dma_start3A_1316] : memref<16384x128xf32, #tpu.memory_space<hbm>> -> memref<128x128xf32, #tpu.memory_space<hbm>>
    %dma_start3A_1318 = arith.constant 0 : i32
    %dma_start3A_1319 = tpu.memref_slice %arg29[%add3A_1000, %dma_start3A_1318] : memref<16384x128xf32, #tpu.memory_space<hbm>> -> memref<128x128xf32, #tpu.memory_space<hbm>>
    %dma_start3A_1320 = arith.constant 0 : i32
    %dma_start3A_1321 = arith.constant 128 : i32
    %dma_start3A_1322 = tpu.memref_slice %arg32[%dma_start3A_1320, %dma_start3A_1321] : memref<128x256xf32, #tpu.memory_space<vmem>> -> memref<128x128xf32, #tpu.memory_space<vmem>>
    tpu.enqueue_dma source(%dma_start3A_1322 : memref<128x128xf32, #tpu.memory_space<vmem>>) target(%dma_start3A_1319 : memref<128x128xf32, #tpu.memory_space<hbm>>) target_semaphore(%arg44 : memref<!tpu.dma_semaphore, #tpu.memory_space<semaphore_mem>>)
    %dma_wait3A_1323 = arith.constant 0 : i32
    %dma_wait3A_1324 = tpu.memref_slice %arg23[%add3A_1000, %dma_wait3A_1323] : memref<16384x128xf32, #tpu.memory_space<hbm>> -> memref<128x128xf32, #tpu.memory_space<hbm>>
    %dma_wait3A_1325 = arith.constant 0 : i32
    %dma_wait3A_1326 = tpu.memref_slice %arg23[%add3A_1000, %dma_wait3A_1325] : memref<16384x128xf32, #tpu.memory_space<hbm>> -> memref<128x128xf32, #tpu.memory_space<hbm>>
    tpu.wait_dma2 semaphore(%arg39 : memref<!tpu.dma_semaphore, #tpu.memory_space<semaphore_mem>>) src(%arg33 : memref<128x128xf32, #tpu.memory_space<vmem>>) dst(%dma_wait3A_1326 : memref<128x128xf32, #tpu.memory_space<hbm>>)
    %dma_start3A_1327 = arith.constant 13 : i32
    %dma_start3A_1328 = arith.constant 384 : i32
    %dma_start3A_1329 = tpu.memref_slice %arg31[%dma_start3A_1327, %dma_start3A_1328] : memref<14x512xi32, #tpu.memory_space<vmem>> -> memref<1x128xi32, #tpu.memory_space<vmem>>
    %dma_start3A_1330 = tpu.memref_squeeze %dma_start3A_1329 : memref<1x128xi32, #tpu.memory_space<vmem>> -> memref<128xi32, #tpu.memory_space<vmem>>
    %dma_start3A_1331 = arith.constant 0 : i32
    %dma_start3A_1332 = arith.constant 0 : i32
    %dma_start3A_1333 = tpu.memref_slice %arg16[%dma_start3A_1331, %dma_start3A_1332] : memref<8x128xf32, #tpu.memory_space<hbm>> -> memref<8x128xf32, #tpu.memory_space<hbm>>
    tpu.enqueue_indirect_dma source(%dma_start3A_1333 : memref<8x128xf32, #tpu.memory_space<hbm>>) target(%arg33 : memref<128x128xf32, #tpu.memory_space<vmem>>) offsets(%dma_start3A_1330 : memref<128xi32, #tpu.memory_space<vmem>>) semaphore(%arg38 : memref<!tpu.dma_semaphore, #tpu.memory_space<semaphore_mem>>)
    %dma_wait3A_1334 = arith.constant 13 : i32
    %dma_wait3A_1335 = arith.constant 384 : i32
    %dma_wait3A_1336 = tpu.memref_slice %arg31[%dma_wait3A_1334, %dma_wait3A_1335] : memref<14x512xi32, #tpu.memory_space<vmem>> -> memref<1x128xi32, #tpu.memory_space<vmem>>
    %dma_wait3A_1337 = tpu.memref_squeeze %dma_wait3A_1336 : memref<1x128xi32, #tpu.memory_space<vmem>> -> memref<128xi32, #tpu.memory_space<vmem>>
    %dma_wait3A_1338 = arith.constant 0 : i32
    %dma_wait3A_1339 = arith.constant 0 : i32
    %dma_wait3A_1340 = tpu.memref_slice %arg16[%dma_wait3A_1338, %dma_wait3A_1339] : memref<8x128xf32, #tpu.memory_space<hbm>> -> memref<8x128xf32, #tpu.memory_space<hbm>>
    tpu.wait_indirect_dma semaphore(%arg38 : memref<!tpu.dma_semaphore, #tpu.memory_space<semaphore_mem>>) src(%dma_wait3A_1340 : memref<8x128xf32, #tpu.memory_space<hbm>>) dst(%arg33 : memref<128x128xf32, #tpu.memory_space<vmem>>)
    %dma_start3A_1341 = arith.constant 0 : i32
    %dma_start3A_1342 = tpu.memref_slice %arg30[%add3A_1000, %dma_start3A_1341] : memref<16384x128xf32, #tpu.memory_space<hbm>> -> memref<128x128xf32, #tpu.memory_space<hbm>>
    %dma_start3A_1343 = arith.constant 0 : i32
    %dma_start3A_1344 = tpu.memref_slice %arg30[%add3A_1000, %dma_start3A_1343] : memref<16384x128xf32, #tpu.memory_space<hbm>> -> memref<128x128xf32, #tpu.memory_space<hbm>>
    tpu.enqueue_dma source(%arg33 : memref<128x128xf32, #tpu.memory_space<vmem>>) target(%dma_start3A_1344 : memref<128x128xf32, #tpu.memory_space<hbm>>) target_semaphore(%arg39 : memref<!tpu.dma_semaphore, #tpu.memory_space<semaphore_mem>>)
    %dma_wait3A_1345 = arith.constant 0 : i32
    %dma_wait3A_1346 = tpu.memref_slice %arg24[%add3A_1000, %dma_wait3A_1345] : memref<16384x128xf32, #tpu.memory_space<hbm>> -> memref<128x128xf32, #tpu.memory_space<hbm>>
    %dma_wait3A_1347 = arith.constant 0 : i32
    %dma_wait3A_1348 = tpu.memref_slice %arg24[%add3A_1000, %dma_wait3A_1347] : memref<16384x128xf32, #tpu.memory_space<hbm>> -> memref<128x128xf32, #tpu.memory_space<hbm>>
    tpu.wait_dma2 semaphore(%arg40 : memref<!tpu.dma_semaphore, #tpu.memory_space<semaphore_mem>>) src(%arg34 : memref<128x128xf32, #tpu.memory_space<vmem>>) dst(%dma_wait3A_1348 : memref<128x128xf32, #tpu.memory_space<hbm>>)
    %dma_wait3A_1349 = arith.constant 0 : i32
    %dma_wait3A_1350 = tpu.memref_slice %arg25[%add3A_1000, %dma_wait3A_1349] : memref<16384x128xf32, #tpu.memory_space<hbm>> -> memref<128x128xf32, #tpu.memory_space<hbm>>
    %dma_wait3A_1351 = arith.constant 0 : i32
    %dma_wait3A_1352 = tpu.memref_slice %arg25[%add3A_1000, %dma_wait3A_1351] : memref<16384x128xf32, #tpu.memory_space<hbm>> -> memref<128x128xf32, #tpu.memory_space<hbm>>
    tpu.wait_dma2 semaphore(%arg41 : memref<!tpu.dma_semaphore, #tpu.memory_space<semaphore_mem>>) src(%arg35 : memref<128x128xf32, #tpu.memory_space<vmem>>) dst(%dma_wait3A_1352 : memref<128x128xf32, #tpu.memory_space<hbm>>)
    %dma_wait3A_1353 = arith.constant 0 : i32
    %dma_wait3A_1354 = tpu.memref_slice %arg26[%add3A_1000, %dma_wait3A_1353] : memref<16384x128xf32, #tpu.memory_space<hbm>> -> memref<128x128xf32, #tpu.memory_space<hbm>>
    %dma_wait3A_1355 = arith.constant 0 : i32
    %dma_wait3A_1356 = tpu.memref_slice %arg26[%add3A_1000, %dma_wait3A_1355] : memref<16384x128xf32, #tpu.memory_space<hbm>> -> memref<128x128xf32, #tpu.memory_space<hbm>>
    tpu.wait_dma2 semaphore(%arg42 : memref<!tpu.dma_semaphore, #tpu.memory_space<semaphore_mem>>) src(%arg36 : memref<128x128xf32, #tpu.memory_space<vmem>>) dst(%dma_wait3A_1356 : memref<128x128xf32, #tpu.memory_space<hbm>>)
    %dma_wait3A_1357 = arith.constant 0 : i32
    %dma_wait3A_1358 = tpu.memref_slice %arg27[%add3A_1000, %dma_wait3A_1357] : memref<16384x128xf32, #tpu.memory_space<hbm>> -> memref<128x128xf32, #tpu.memory_space<hbm>>
    %dma_wait3A_1359 = arith.constant 0 : i32
    %dma_wait3A_1360 = tpu.memref_slice %arg27[%add3A_1000, %dma_wait3A_1359] : memref<16384x128xf32, #tpu.memory_space<hbm>> -> memref<128x128xf32, #tpu.memory_space<hbm>>
    tpu.wait_dma2 semaphore(%arg43 : memref<!tpu.dma_semaphore, #tpu.memory_space<semaphore_mem>>) src(%arg37 : memref<128x128xf32, #tpu.memory_space<vmem>>) dst(%dma_wait3A_1360 : memref<128x128xf32, #tpu.memory_space<hbm>>)
    %dma_wait3A_1361 = arith.constant 0 : i32
    %dma_wait3A_1362 = arith.constant 0 : i32
    %dma_wait3A_1363 = tpu.memref_slice %arg32[%dma_wait3A_1361, %dma_wait3A_1362] : memref<128x256xf32, #tpu.memory_space<vmem>> -> memref<128x128xf32, #tpu.memory_space<vmem>>
    %dma_wait3A_1364 = arith.constant 0 : i32
    %dma_wait3A_1365 = tpu.memref_slice %arg28[%add3A_1000, %dma_wait3A_1364] : memref<16384x128xf32, #tpu.memory_space<hbm>> -> memref<128x128xf32, #tpu.memory_space<hbm>>
    %dma_wait3A_1366 = arith.constant 0 : i32
    %dma_wait3A_1367 = tpu.memref_slice %arg28[%add3A_1000, %dma_wait3A_1366] : memref<16384x128xf32, #tpu.memory_space<hbm>> -> memref<128x128xf32, #tpu.memory_space<hbm>>
    %dma_wait3A_1368 = arith.constant 0 : i32
    %dma_wait3A_1369 = arith.constant 0 : i32
    %dma_wait3A_1370 = tpu.memref_slice %arg32[%dma_wait3A_1368, %dma_wait3A_1369] : memref<128x256xf32, #tpu.memory_space<vmem>> -> memref<128x128xf32, #tpu.memory_space<vmem>>
    tpu.wait_dma2 semaphore(%arg44 : memref<!tpu.dma_semaphore, #tpu.memory_space<semaphore_mem>>) src(%dma_wait3A_1370 : memref<128x128xf32, #tpu.memory_space<vmem>>) dst(%dma_wait3A_1367 : memref<128x128xf32, #tpu.memory_space<hbm>>)
    %dma_wait3A_1371 = arith.constant 0 : i32
    %dma_wait3A_1372 = arith.constant 128 : i32
    %dma_wait3A_1373 = tpu.memref_slice %arg32[%dma_wait3A_1371, %dma_wait3A_1372] : memref<128x256xf32, #tpu.memory_space<vmem>> -> memref<128x128xf32, #tpu.memory_space<vmem>>
    %dma_wait3A_1374 = arith.constant 0 : i32
    %dma_wait3A_1375 = tpu.memref_slice %arg29[%add3A_1000, %dma_wait3A_1374] : memref<16384x128xf32, #tpu.memory_space<hbm>> -> memref<128x128xf32, #tpu.memory_space<hbm>>
    %dma_wait3A_1376 = arith.constant 0 : i32
    %dma_wait3A_1377 = tpu.memref_slice %arg29[%add3A_1000, %dma_wait3A_1376] : memref<16384x128xf32, #tpu.memory_space<hbm>> -> memref<128x128xf32, #tpu.memory_space<hbm>>
    %dma_wait3A_1378 = arith.constant 0 : i32
    %dma_wait3A_1379 = arith.constant 128 : i32
    %dma_wait3A_1380 = tpu.memref_slice %arg32[%dma_wait3A_1378, %dma_wait3A_1379] : memref<128x256xf32, #tpu.memory_space<vmem>> -> memref<128x128xf32, #tpu.memory_space<vmem>>
    tpu.wait_dma2 semaphore(%arg44 : memref<!tpu.dma_semaphore, #tpu.memory_space<semaphore_mem>>) src(%dma_wait3A_1380 : memref<128x128xf32, #tpu.memory_space<vmem>>) dst(%dma_wait3A_1377 : memref<128x128xf32, #tpu.memory_space<hbm>>)
    %dma_wait3A_1381 = arith.constant 0 : i32
    %dma_wait3A_1382 = tpu.memref_slice %arg30[%add3A_1000, %dma_wait3A_1381] : memref<16384x128xf32, #tpu.memory_space<hbm>> -> memref<128x128xf32, #tpu.memory_space<hbm>>
    %dma_wait3A_1383 = arith.constant 0 : i32
    %dma_wait3A_1384 = tpu.memref_slice %arg30[%add3A_1000, %dma_wait3A_1383] : memref<16384x128xf32, #tpu.memory_space<hbm>> -> memref<128x128xf32, #tpu.memory_space<hbm>>
    tpu.wait_dma2 semaphore(%arg39 : memref<!tpu.dma_semaphore, #tpu.memory_space<semaphore_mem>>) src(%arg33 : memref<128x128xf32, #tpu.memory_space<vmem>>) dst(%dma_wait3A_1384 : memref<128x128xf32, #tpu.memory_space<hbm>>)
    return
  }
}

module attributes {stable_mosaic.version = 14 : i64} {
  func.func @_mlp_body(%arg0: i32, %arg1: memref<512x256xf32, #tpu.memory_space<vmem>>, %arg2: memref<512x128xf32, #tpu.memory_space<vmem>>, %arg3: memref<512x128xf32, #tpu.memory_space<vmem>>, %arg4: memref<512x128xf32, #tpu.memory_space<vmem>>, %arg5: memref<512x128xf32, #tpu.memory_space<vmem>>, %arg6: memref<512x128xf32, #tpu.memory_space<vmem>>, %arg7: memref<512x128xf32, #tpu.memory_space<vmem>>, %arg8: memref<512x128xf32, #tpu.memory_space<vmem>>, %arg9: memref<512x128xf32, #tpu.memory_space<vmem>>, %arg10: memref<512x128xf32, #tpu.memory_space<vmem>>, %arg11: memref<512x128xf32, #tpu.memory_space<vmem>>, %arg12: memref<512x128xf32, #tpu.memory_space<vmem>>, %arg13: memref<512x128xf32, #tpu.memory_space<vmem>>, %arg14: memref<512x128xf32, #tpu.memory_space<vmem>>, %arg15: memref<768x2048xbf16, #tpu.memory_space<vmem>>, %arg16: memref<1x2048xf32, #tpu.memory_space<vmem>>, %arg17: memref<2048x1024xbf16, #tpu.memory_space<vmem>>, %arg18: memref<1x1024xf32, #tpu.memory_space<vmem>>, %arg19: memref<1x1024xf32, #tpu.memory_space<vmem>>, %arg20: memref<1xf32, #tpu.memory_space<smem>>, %arg21: memref<512xf32, #tpu.memory_space<vmem>>) attributes {dimension_semantics = [#tpu.dimension_semantics<arbitrary>], iteration_bounds = array<i64: 32>, scalar_prefetch = 0 : i64, scratch_operands = 0 : i64, tpu.core_type = #tpu.core_type<tc>, window_params = [{transform_indices = @transform_0, window_bounds = array<i64: 512, 256>}, {transform_indices = @transform_1, window_bounds = array<i64: 512, 128>}, {transform_indices = @transform_2, window_bounds = array<i64: 512, 128>}, {transform_indices = @transform_3, window_bounds = array<i64: 512, 128>}, {transform_indices = @transform_4, window_bounds = array<i64: 512, 128>}, {transform_indices = @transform_5, window_bounds = array<i64: 512, 128>}, {transform_indices = @transform_6, window_bounds = array<i64: 512, 128>}, {transform_indices = @transform_7, window_bounds = array<i64: 512, 128>}, {transform_indices = @transform_8, window_bounds = array<i64: 512, 128>}, {transform_indices = @transform_9, window_bounds = array<i64: 512, 128>}, {transform_indices = @transform_10, window_bounds = array<i64: 512, 128>}, {transform_indices = @transform_11, window_bounds = array<i64: 512, 128>}, {transform_indices = @transform_12, window_bounds = array<i64: 512, 128>}, {transform_indices = @transform_13, window_bounds = array<i64: 512, 128>}, {pipeline_mode = #tpu.pipeline_mode<synchronous>, transform_indices = @transform_14, window_bounds = array<i64: 768, 2048>}, {pipeline_mode = #tpu.pipeline_mode<synchronous>, transform_indices = @transform_15, window_bounds = array<i64: 1, 2048>}, {pipeline_mode = #tpu.pipeline_mode<synchronous>, transform_indices = @transform_16, window_bounds = array<i64: 2048, 1024>}, {pipeline_mode = #tpu.pipeline_mode<synchronous>, transform_indices = @transform_17, window_bounds = array<i64: 1, 1024>}, {pipeline_mode = #tpu.pipeline_mode<synchronous>, transform_indices = @transform_18, window_bounds = array<i64: 1, 1024>}, {transform_indices = @transform_19, window_bounds = array<i64: 1>}, {transform_indices = @transform_20, window_bounds = array<i64: 512>}]} {
    %get3A = arith.constant 0 : index
    %get3A_0 = arith.constant 0 : index
    %get3A_1 = vector.load %arg1[%get3A, %get3A_0] : memref<512x256xf32, #tpu.memory_space<vmem>>, vector<512x160xf32>
    %get3A_2 = arith.constant 0 : index
    %get3A_3 = arith.constant 0 : index
    %get3A_4 = vector.load %arg2[%get3A_2, %get3A_3] : memref<512x128xf32, #tpu.memory_space<vmem>>, vector<512x16xf32>
    %get3A_5 = arith.constant 0 : index
    %get3A_6 = arith.constant 0 : index
    %get3A_7 = vector.load %arg3[%get3A_5, %get3A_6] : memref<512x128xf32, #tpu.memory_space<vmem>>, vector<512x16xf32>
    %get3A_8 = arith.constant 0 : index
    %get3A_9 = arith.constant 0 : index
    %get3A_10 = vector.load %arg4[%get3A_8, %get3A_9] : memref<512x128xf32, #tpu.memory_space<vmem>>, vector<512x48xf32>
    %get3A_11 = arith.constant 0 : index
    %get3A_12 = arith.constant 0 : index
    %get3A_13 = vector.load %arg5[%get3A_11, %get3A_12] : memref<512x128xf32, #tpu.memory_space<vmem>>, vector<512x32xf32>
    %get3A_14 = arith.constant 0 : index
    %get3A_15 = arith.constant 0 : index
    %get3A_16 = vector.load %arg6[%get3A_14, %get3A_15] : memref<512x128xf32, #tpu.memory_space<vmem>>, vector<512x16xf32>
    %get3A_17 = arith.constant 0 : index
    %get3A_18 = arith.constant 0 : index
    %get3A_19 = vector.load %arg7[%get3A_17, %get3A_18] : memref<512x128xf32, #tpu.memory_space<vmem>>, vector<512x112xf32>
    %get3A_20 = arith.constant 0 : index
    %get3A_21 = arith.constant 0 : index
    %get3A_22 = vector.load %arg8[%get3A_20, %get3A_21] : memref<512x128xf32, #tpu.memory_space<vmem>>, vector<512x112xf32>
    %get3A_23 = arith.constant 0 : index
    %get3A_24 = arith.constant 0 : index
    %get3A_25 = vector.load %arg9[%get3A_23, %get3A_24] : memref<512x128xf32, #tpu.memory_space<vmem>>, vector<512x112xf32>
    %get3A_26 = arith.constant 0 : index
    %get3A_27 = arith.constant 0 : index
    %get3A_28 = vector.load %arg10[%get3A_26, %get3A_27] : memref<512x128xf32, #tpu.memory_space<vmem>>, vector<512x16xf32>
    %get3A_29 = arith.constant 0 : index
    %get3A_30 = arith.constant 0 : index
    %get3A_31 = vector.load %arg11[%get3A_29, %get3A_30] : memref<512x128xf32, #tpu.memory_space<vmem>>, vector<512x16xf32>
    %get3A_32 = arith.constant 0 : index
    %get3A_33 = arith.constant 0 : index
    %get3A_34 = vector.load %arg12[%get3A_32, %get3A_33] : memref<512x128xf32, #tpu.memory_space<vmem>>, vector<512x16xf32>
    %get3A_35 = arith.constant 0 : index
    %get3A_36 = arith.constant 0 : index
    %get3A_37 = vector.load %arg13[%get3A_35, %get3A_36] : memref<512x128xf32, #tpu.memory_space<vmem>>, vector<512x16xf32>
    %get3A_38 = arith.constant 0 : index
    %get3A_39 = arith.constant 0 : index
    %get3A_40 = vector.load %arg14[%get3A_38, %get3A_39] : memref<512x128xf32, #tpu.memory_space<vmem>>, vector<512x80xf32>
    %concatenate3A = tpu.concatenate %get3A_1, %get3A_4, %get3A_7, %get3A_10, %get3A_13, %get3A_16, %get3A_19, %get3A_22, %get3A_25, %get3A_28, %get3A_31, %get3A_34, %get3A_37, %get3A_40 in 1 : vector<512x160xf32>, vector<512x16xf32>, vector<512x16xf32>, vector<512x48xf32>, vector<512x32xf32>, vector<512x16xf32>, vector<512x112xf32>, vector<512x112xf32>, vector<512x112xf32>, vector<512x16xf32>, vector<512x16xf32>, vector<512x16xf32>, vector<512x16xf32>, vector<512x80xf32> -> vector<512x768xf32>
    %max3A = arith.constant 0.000000e+00 : f32
    %max3A_41 = vector.broadcast %max3A : f32 to vector<512x768xf32>
    %max3A_42 = arith.maximumf %concatenate3A, %max3A_41 : vector<512x768xf32>
    %convert_element_type3A = arith.truncf %max3A_42 : vector<512x768xf32> to vector<512x768xbf16>
    %get3A_43 = arith.constant 0 : index
    %get3A_44 = arith.constant 0 : index
    %get3A_45 = vector.load %arg15[%get3A_43, %get3A_44] : memref<768x2048xbf16, #tpu.memory_space<vmem>>, vector<768x2048xbf16>
    %dot_general3A = arith.constant dense<0.000000e+00> : vector<512x2048xf32>
    %dot_general3A_46 = tpu.matmul %convert_element_type3A, %get3A_45, %dot_general3A {dimension_numbers = #tpu.dot_dimension_numbers<[1], [0], [0], [1], [0, 0, 1, 1], [], []>, transpose_lhs_hint = false} : vector<512x768xbf16>, vector<768x2048xbf16>, vector<512x2048xf32> -> vector<512x2048xf32>
    %get3A_47 = arith.constant 0 : index
    %get3A_48 = arith.constant 0 : index
    %get3A_49 = vector.load %arg16[%get3A_47, %get3A_48] : memref<1x2048xf32, #tpu.memory_space<vmem>>, vector<1x2048xf32>
    %add3A = vector.broadcast %get3A_49 : vector<1x2048xf32> to vector<512x2048xf32>
    %add3A_50 = arith.addf %dot_general3A_46, %add3A : vector<512x2048xf32>
    %max3A_51 = arith.constant 0.000000e+00 : f32
    %max3A_52 = vector.broadcast %max3A_51 : f32 to vector<512x2048xf32>
    %max3A_53 = arith.maximumf %add3A_50, %max3A_52 : vector<512x2048xf32>
    %convert_element_type3A_54 = arith.truncf %max3A_53 : vector<512x2048xf32> to vector<512x2048xbf16>
    %get3A_55 = arith.constant 0 : index
    %get3A_56 = arith.constant 0 : index
    %get3A_57 = vector.load %arg17[%get3A_55, %get3A_56] : memref<2048x1024xbf16, #tpu.memory_space<vmem>>, vector<2048x1024xbf16>
    %dot_general3A_58 = arith.constant dense<0.000000e+00> : vector<512x1024xf32>
    %dot_general3A_59 = tpu.matmul %convert_element_type3A_54, %get3A_57, %dot_general3A_58 {dimension_numbers = #tpu.dot_dimension_numbers<[1], [0], [0], [1], [0, 0, 1, 1], [], []>, transpose_lhs_hint = false} : vector<512x2048xbf16>, vector<2048x1024xbf16>, vector<512x1024xf32> -> vector<512x1024xf32>
    %get3A_60 = arith.constant 0 : index
    %get3A_61 = arith.constant 0 : index
    %get3A_62 = vector.load %arg18[%get3A_60, %get3A_61] : memref<1x1024xf32, #tpu.memory_space<vmem>>, vector<1x1024xf32>
    %add3A_63 = vector.broadcast %get3A_62 : vector<1x1024xf32> to vector<512x1024xf32>
    %add3A_64 = arith.addf %dot_general3A_59, %add3A_63 : vector<512x1024xf32>
    %max3A_65 = arith.constant 0.000000e+00 : f32
    %max3A_66 = vector.broadcast %max3A_65 : f32 to vector<512x1024xf32>
    %max3A_67 = arith.maximumf %add3A_64, %max3A_66 : vector<512x1024xf32>
    %get3A_68 = arith.constant 0 : index
    %get3A_69 = arith.constant 0 : index
    %get3A_70 = vector.load %arg19[%get3A_68, %get3A_69] : memref<1x1024xf32, #tpu.memory_space<vmem>>, vector<1x1024xf32>
    %mul3A = vector.broadcast %get3A_70 : vector<1x1024xf32> to vector<512x1024xf32>
    %mul3A_71 = arith.mulf %max3A_67, %mul3A : vector<512x1024xf32>
    %reduce_sum3A = arith.constant dense<0.000000e+00> : vector<512xf32>
    %reduce_sum3A_72 = vector.multi_reduction <add>, %mul3A_71, %reduce_sum3A [1] : vector<512x1024xf32> to vector<512xf32>
    %get3A_73 = arith.constant 0 : index
    %get3A_74 = memref.load %arg20[%get3A_73] : memref<1xf32, #tpu.memory_space<smem>>
    %add3A_75 = vector.broadcast %get3A_74 : f32 to vector<512xf32>
    %add3A_76 = arith.addf %reduce_sum3A_72, %add3A_75 : vector<512xf32>
    %swap3A = arith.constant 0 : index
    %swap3A_77 = vector.load %arg21[%swap3A] : memref<512xf32, #tpu.memory_space<vmem>>, vector<512xf32>
    tpu.vector_store %arg21[%swap3A], %add3A_76 {strides = array<i32>} : memref<512xf32, #tpu.memory_space<vmem>>, vector<512xf32>,
    return
  }
  func.func @transform_0(%arg0: i32) -> (i32, i32) {
    %c0_i32 = arith.constant 0 : i32
    %c0_i32_0 = arith.constant 0 : i32
    return %arg0, %c0_i32 : i32, i32
  }
  func.func @transform_1(%arg0: i32) -> (i32, i32) {
    %c0_i32 = arith.constant 0 : i32
    %c0_i32_0 = arith.constant 0 : i32
    return %arg0, %c0_i32 : i32, i32
  }
  func.func @transform_2(%arg0: i32) -> (i32, i32) {
    %c0_i32 = arith.constant 0 : i32
    %c0_i32_0 = arith.constant 0 : i32
    return %arg0, %c0_i32 : i32, i32
  }
  func.func @transform_3(%arg0: i32) -> (i32, i32) {
    %c0_i32 = arith.constant 0 : i32
    %c0_i32_0 = arith.constant 0 : i32
    return %arg0, %c0_i32 : i32, i32
  }
  func.func @transform_4(%arg0: i32) -> (i32, i32) {
    %c0_i32 = arith.constant 0 : i32
    %c0_i32_0 = arith.constant 0 : i32
    return %arg0, %c0_i32 : i32, i32
  }
  func.func @transform_5(%arg0: i32) -> (i32, i32) {
    %c0_i32 = arith.constant 0 : i32
    %c0_i32_0 = arith.constant 0 : i32
    return %arg0, %c0_i32 : i32, i32
  }
  func.func @transform_6(%arg0: i32) -> (i32, i32) {
    %c0_i32 = arith.constant 0 : i32
    %c0_i32_0 = arith.constant 0 : i32
    return %arg0, %c0_i32 : i32, i32
  }
  func.func @transform_7(%arg0: i32) -> (i32, i32) {
    %c0_i32 = arith.constant 0 : i32
    %c0_i32_0 = arith.constant 0 : i32
    return %arg0, %c0_i32 : i32, i32
  }
  func.func @transform_8(%arg0: i32) -> (i32, i32) {
    %c0_i32 = arith.constant 0 : i32
    %c0_i32_0 = arith.constant 0 : i32
    return %arg0, %c0_i32 : i32, i32
  }
  func.func @transform_9(%arg0: i32) -> (i32, i32) {
    %c0_i32 = arith.constant 0 : i32
    %c0_i32_0 = arith.constant 0 : i32
    return %arg0, %c0_i32 : i32, i32
  }
  func.func @transform_10(%arg0: i32) -> (i32, i32) {
    %c0_i32 = arith.constant 0 : i32
    %c0_i32_0 = arith.constant 0 : i32
    return %arg0, %c0_i32 : i32, i32
  }
  func.func @transform_11(%arg0: i32) -> (i32, i32) {
    %c0_i32 = arith.constant 0 : i32
    %c0_i32_0 = arith.constant 0 : i32
    return %arg0, %c0_i32 : i32, i32
  }
  func.func @transform_12(%arg0: i32) -> (i32, i32) {
    %c0_i32 = arith.constant 0 : i32
    %c0_i32_0 = arith.constant 0 : i32
    return %arg0, %c0_i32 : i32, i32
  }
  func.func @transform_13(%arg0: i32) -> (i32, i32) {
    %c0_i32 = arith.constant 0 : i32
    %c0_i32_0 = arith.constant 0 : i32
    return %arg0, %c0_i32 : i32, i32
  }
  func.func @transform_14(%arg0: i32) -> (i32, i32) {
    %c0_i32 = arith.constant 0 : i32
    %c0_i32_0 = arith.constant 0 : i32
    %c0_i32_1 = arith.constant 0 : i32
    return %c0_i32, %c0_i32_0 : i32, i32
  }
  func.func @transform_15(%arg0: i32) -> (i32, i32) {
    %c0_i32 = arith.constant 0 : i32
    %c0_i32_0 = arith.constant 0 : i32
    %c0_i32_1 = arith.constant 0 : i32
    return %c0_i32, %c0_i32_0 : i32, i32
  }
  func.func @transform_16(%arg0: i32) -> (i32, i32) {
    %c0_i32 = arith.constant 0 : i32
    %c0_i32_0 = arith.constant 0 : i32
    %c0_i32_1 = arith.constant 0 : i32
    return %c0_i32, %c0_i32_0 : i32, i32
  }
  func.func @transform_17(%arg0: i32) -> (i32, i32) {
    %c0_i32 = arith.constant 0 : i32
    %c0_i32_0 = arith.constant 0 : i32
    %c0_i32_1 = arith.constant 0 : i32
    return %c0_i32, %c0_i32_0 : i32, i32
  }
  func.func @transform_18(%arg0: i32) -> (i32, i32) {
    %c0_i32 = arith.constant 0 : i32
    %c0_i32_0 = arith.constant 0 : i32
    %c0_i32_1 = arith.constant 0 : i32
    return %c0_i32, %c0_i32_0 : i32, i32
  }
  func.func @transform_19(%arg0: i32) -> i32 {
    %c0_i32 = arith.constant 0 : i32
    %c0_i32_0 = arith.constant 0 : i32
    return %c0_i32 : i32
  }
  func.func @transform_20(%arg0: i32) -> i32 {
    %c0_i32 = arith.constant 0 : i32
    return %arg0 : i32
  }
}

</mosaic_0001>

<sc_bundles>
// kernel: kernel.4.cloned.1.call-start
scs
__scs_entry_jumppad:
0x0: {  	(pc) =	sbr.rel $0x88, $3  }
0x1: {  	(tag) =	ssettag $0x0;
	lr =	simm.s32 $0x1  }
0x2: {  	[smem:$0x3F8C] =	sst lr;
	_ =	strace $0xD0000000  }
0x3: {  	_ = 	snop  }
0x4: {  	_ = 	snop  }
0x5: {  	_ = 	snop  }
0x6: {  	_ = 	snop  }
0x7: {  	_ = 	snop  }
__scs_overlays_trampoline_lowered:
0x8: {  	[smem:$0x3F9B] =	sst s0  }
0x9: {  	[smem:$0x3F9C] =	sst s1  }
0xa: {  	[smem:$0x3F9D] =	sst s2  }
0xb: {  	[smem:$0x3F9E] =	sst s3  }
0xc: {  	[smem:$0x3F9F] =	sst s4  }
0xd: {  	[smem:$0x3FA0] =	sst s5  }
0xe: {  	[smem:$0x3FA1] =	sst s6  }
0xf: {  	[smem:$0x3FA2] =	sst s7  }
0x10: {  	[smem:$0x3FA3] =	sst s8  }
0x11: {  	[smem:$0x3FA4] =	sst s9;
	s0 =	simm.s32 @!p0 $0x0  }
0x12: {  	s1 =	sld [smem:$0x3F8A];
	s0 =	simm.s32 @p0 $0x1  }
0x13: {  	[smem:$0x3FA5] =	sst s0;
	s0 =	simm.s32 @!p1 $0x0  }
0x14: {  	s2 =	sld [smem:$0x3F89];
	s0 =	simm.s32 @p1 $0x1  }
0x15: {  	[smem:$0x3FA6] =	sst s0;
	s0 =	simm.s32 @!p2 $0x0  }
0x16: {  	s3 =	sld [smem:$0x3FDB];
	s0 =	simm.s32 @p2 $0x1  }
0x17: {  	s4 =	simm.s32 $0x1BF5;
	[smem:$0x3FA8] =	sst s0  }
0x18: {  	s0 =	sld [smem:$0x3F8B];
	_ =	swait.ge [sflag:s4], $0x0  }
0x19: {  	s7 =	sld [smem:$0x3F8C]  }
0x1a: {  	s8 =	sadd.s32 $0xFFFFE003, lr  }
0x1b: {  	s9 =	sadd.s32 $0xFFFFFEF7, lr;
	s5 =	simm.s32 $0xFFFFFFFF;
	p2 =	slt.u32 s8, $0xFFFFF086  }
0x1c: {  	p1 =	slt.u32 s9, $0xF7A;
	s5 =	simm.s32 @!p2 $0x0  }
0x1d: {  	s5 =	simm.s32 @p1 $0x1;
	p0 =	seq.s32 s7, s2  }
0x1e: {  	s7 =	smul.u32 @!p0 $0xF7A, s2;
	p2 =	seq.s32 @!p0 s5, $0x0  }
0x1f: {  	s9 =	smul.u32 $0xF7A, s1;
	s8 =	simm.s32 @!p0 $0x1BF5;
	p2 =	por !p2, p0  }
0x20: {  	[sflag:s8] =	ssyncset.s32 @!p0 $0xFFFFF086;
	s6 =	sadd.s32 @!p0 s3, s7;
	s7 =	simm.s32 @!p0 $0x108  }
0x21: {  	s3 =	sadd.s32 s3, s9;
	s6 =	sadd.s32 @!p0 $0x88, s6;
	s7 =	simm.s32 @p2 $0x1082  }
0x22: {  	[simem:s7], [sflag:s8] =	dma.local @!p0 [hbm:s6], $0xF7A  }
0x23: {  	s9 =	sor.u32 $0xD0000000, s2;
	s6 =	simm.s32 $0x108;
	_ =	swait.ge @!p0 [sflag:s8], $0x0  }
0x24: {  	s3 =	sadd.s32 $0x88, s3;
	s6 =	simm.s32 @!p1 $0x1082;
	[sflag:s4] =	ssyncset.s32 $0xFFFFF086  }
0x25: {  	[simem:s6], [sflag:s4] =	dma.local [hbm:s3], $0xF7A  }
0x26: {  	[smem:$0x3F8C] =	sst s1;
	(tag) =	ssettag s2;
	_ =	strace s9  }
0x27: {  	s1 =	sld [smem:$0x3F9C]  }
0x28: {  	s2 =	sld [smem:$0x3F9D]  }
0x29: {  	s4 =	sld [smem:$0x3F9F]  }
0x2a: {  	p0 =	seq.s32 s5, $0x0;
	s5 =	sld [smem:$0x3FA0]  }
0x2b: {  	s6 =	sld [smem:$0x3FA1]  }
0x2c: {  	s7 =	sld [smem:$0x3FA2]  }
0x2d: {  	s3 =	simm.s32 $0x108;
	s8 =	sld [smem:$0x3FA3]  }
0x2e: {  	s3 =	simm.s32 @!p0 $0x1082;
	s9 =	sld [smem:$0x3FA4]  }
0x2f: {  	lr =	sadd.s32 s0, s3;
	s0 =	sld [smem:$0x3F9B]  }
0x30: {  	s3 =	sld [smem:$0x3F9E]  }
0x31: {  	[smem:$0x3FA7] =	sst s10  }
0x32: {  	s10 =	sld [smem:$0x3FA5];
	_ =	sdelay $0x3  }
0x33: {  	p0 =	seq.s32 s10, $0x1;
	s10 =	sld [smem:$0x3FA7];
	_ =	sdelay $0x3  }
0x34: {  	[smem:$0x3FA7] =	sst s10  }
0x35: {  	s10 =	sld [smem:$0x3FA6];
	_ =	sdelay $0x3  }
0x36: {  	p1 =	seq.s32 s10, $0x1;
	s10 =	sld [smem:$0x3FA7];
	_ =	sdelay $0x3  }
0x37: {  	[smem:$0x3FA7] =	sst s10  }
0x38: {  	s10 =	sld [smem:$0x3FA8]  }
0x39: {  	_ = 	snop;
	(pc) =	sbr.ind lr, $3  }
0x3a: {  	_ = 	snop  }
0x3b: {  	_ = 	snop  }
0x3c: {  	p2 =	seq.s32 s10, $0x1;
	s10 =	sld [smem:$0x3FA7]  }
0x3d: {  	_ =	shalt  }
0x3e: {  	_ =	shalt  }
0x3f: {  	_ =	shalt  }
0x40: {  	_ =	shalt  }
0x41: {  	_ =	shalt  }
0x42: {  	_ =	shalt  }
0x43: {  	_ =	shalt  }
0x44: {  	_ =	shalt  }
0x45: {  	_ =	shalt  }
0x46: {  	_ =	shalt  }
0x47: {  	_ =	shalt  }
0x48: {  	_ =	shalt  }
0x49: {  	_ =	shalt  }
0x4a: {  	_ =	shalt  }
0x4b: {  	_ =	shalt  }
0x4c: {  	_ =	shalt  }
0x4d: {  	_ =	shalt  }
0x4e: {  	_ =	shalt  }
0x4f: {  	_ =	shalt  }
0x50: {  	_ =	shalt  }
0x51: {  	_ =	shalt  }
0x52: {  	_ =	shalt  }
0x53: {  	_ =	shalt  }
0x54: {  	_ =	shalt  }
0x55: {  	_ =	shalt  }
0x56: {  	_ =	shalt  }
0x57: {  	_ =	shalt  }
0x58: {  	_ =	shalt  }
0x59: {  	_ =	shalt  }
0x5a: {  	_ =	shalt  }
0x5b: {  	_ =	shalt  }
0x5c: {  	_ =	shalt  }
0x5d: {  	_ =	shalt  }
0x5e: {  	_ =	shalt  }
0x5f: {  	_ =	shalt  }
0x60: {  	_ =	shalt  }
0x61: {  	_ =	shalt  }
0x62: {  	_ =	shalt  }
0x63: {  	_ =	shalt  }
0x64: {  	_ =	shalt  }
0x65: {  	_ =	shalt  }
0x66: {  	_ =	shalt  }
0x67: {  	_ =	shalt  }
0x68: {  	_ =	shalt  }
0x69: {  	_ =	shalt  }
0x6a: {  	_ =	shalt  }
0x6b: {  	_ =	shalt  }
0x6c: {  	_ =	shalt  }
0x6d: {  	_ =	shalt  }
0x6e: {  	_ =	shalt  }
0x6f: {  	_ =	shalt  }
0x70: {  	_ =	shalt  }
0x71: {  	_ =	shalt  }
0x72: {  	_ =	shalt  }
0x73: {  	_ =	shalt  }
0x74: {  	_ =	shalt  }
0x75: {  	_ =	shalt  }
0x76: {  	_ =	shalt  }
0x77: {  	_ =	shalt  }
0x78: {  	_ =	shalt  }
0x79: {  	_ =	shalt  }
0x7a: {  	_ =	shalt  }
0x7b: {  	_ =	shalt  }
0x7c: {  	_ =	shalt  }
0x7d: {  	_ =	shalt  }
0x7e: {  	_ =	shalt  }
0x7f: {  	_ =	shalt  }
0x80: {  	_ =	shalt  }
0x81: {  	_ =	shalt  }
0x82: {  	_ =	shalt  }
0x83: {  	_ =	shalt  }
0x84: {  	_ =	shalt  }
0x85: {  	_ =	shalt  }
0x86: {  	_ =	shalt  }
0x87: {  	_ =	shalt  }
.Lfunc_end0:
.L_simem_size_0:
called_computation_lowered:
.L_overlay_start_0:
0x88: {  	s2 =	sld [smem:$0x3FD9]  }
0x89: {  	s3 =	sld [smem:$0x3FFE];
	_ =	sdelay $0x1  }
0x8a: {  	s1 =	srdreg.scid  }
0x8b: {  	s0 =	sand.u32 $0x1, s1  }
0x8c: {  	s17 =	sshll.u32 s0, $0xA;
	s2 =	sadd.s32 s3, s2  }
0x8d: {  	s2 =	sadd.s32 s2, s17  }
0x8e: {  	[smem:$0x3FB3] =	sst s2  }
0x8f: {  	_ = 	snop  }
0x90: {  	s2 =	sld [smem:$0x3FC9]  }
0x91: {  	s18 =	sld [smem:$0x3FD0];
	(tm) =	ssettm $0x1  }
0x92: {  	s4 =	sld [smem:$0x3FFB];
	_ =	sdelay $0x3  }
0x93: {  	_ =	strace s4  }
0x94: {  	s4 =	sld [smem:$0x3FFC];
	_ =	sdelay $0x3  }
0x95: {  	_ =	strace s4  }
0x96: {  	s4 =	sld [smem:$0x3FFD];
	_ =	sdelay $0x3  }
0x97: {  	_ =	strace s4  }
0x98: {  	_ =	strace $0x8FFFFFFF  }
0x99: {  	s19 =	sld [smem:$0x3FDB];
	_ =	sdelay $0x1  }
0x9a: {  	s5 =	simm.s32 $_scs_section_size  }
0x9b: {  	s6 =	simm.s32 $_size__tile_overlayer_lowered;
	s7 =	simm.s32 $_tile_overlayer_lowered  }
0x9c: {  	s22 =	simm.s32 $0x1BFF;
	s21 =	sshll.u32 s7, $0x1;
	s4 =	sadd.s32 s5, s19  }
0x9d: {  	s8 =	simm.s32 $0x0;
	s20 =	sshll.u32 s6, $0x1;
	s6 =	sadd.s32 s21, s4  }
0x9e: {  	[timem:s8], [sflag:s22] =	dma.local [hbm:s6], s20  }
0x9f: {  	_ =	swait.ge [sflag:s22], s20  }
0xa0: {  	s5 =	ssub.s32 $0x0, s20;
	[sflag:s22] =	ssyncset.done $0x0  }
0xa1: {  	[sflag:s22] =	ssyncadd.s32 s5;
	_ =	sdelay $0x1  }
0xa2: {  	s23 =	simm.s32 $0x1B8B  }
0xa3: {  	_ =	swait.ge [sflag:s23], $0x1  }
0xa4: {  	[sflag:s23] =	ssyncset.done $0x0  }
0xa5: {  	s25 =	simm.s32 $0x1B8E;
	s24 =	sld [smem:$0x3FFE];
	[sflag:s23] =	ssyncadd.s32 $0xFFFFFFFF  }
0xa6: {  	s26 =	simm.s32 $execute0_lowered;
	[smem:$0x3FD2] =	sst s25  }
0xa7: {  	s6 =	sshll.u32 s26, $0x1;
	_ =	strace $0x80000046;
	[dreg:$0x1] =	wrdreg $0xFFFFFFFF  }
0xa8: {  	s28 =	simm.s32 $_size_execute0_lowered;
	s4 =	sadd.s32 s4, s6;
	[dreg:$0x0] =	wrdreg $0x0  }
0xa9: {  	s6 =	sshll.u32 s28, $0x1;
	[dreg:$0x2] =	wrdreg s4  }
0xaa: {  	[dreg:$0x3] =	wrdreg s6  }
0xab: {  	[dreg:$0x4] =	wrdreg $0xC0  }
0xac: {  	_ =	task [dreg:s8], $0x5FFFF  }
0xad: {  	[dreg:$0x1] =	wrdreg $0xFFFFFFFF  }
0xae: {  	[dreg:$0x0] =	wrdreg $0x60  }
0xaf: {  	[dreg:$0x2] =	wrdreg s2  }
0xb0: {  	[dreg:$0x3] =	wrdreg s24  }
0xb1: {  	[dreg:$0x4] =	wrdreg s18  }
0xb2: {  	[dreg:$0x5] =	wrdreg $0x9  }
0xb3: {  	_ =	task.clear_ibuf [dreg:s8], $0x6FFFF;
	_ =	strace $0x90000046  }
0xb4: {  	s29 =	simm.s32 $0x9;
	_ =	strace $0x80000048  }
0xb5: {  	_ =	swait.ge [sflag:s29], $0x1  }
0xb6: {  	[sflag:s29] =	ssyncadd.s32 $0xFFFFFFFF  }
0xb7: {  	_ =	strace $0x90000048  }
0xb8: {  	_ =	sfence  }
0xb9: {  	s30 =	sld [smem:$0x0];
	_ =	sdelay $0x2  }
0xba: {  	s31 =	sshll.u32 s1, $0xD;
	s1 =	sshrl.u32 s1, $0x2  }
0xbb: {  	s3 =	sand.u32 $0x4000, s31;
	s1 =	sadd.s32 s1, s30  }
0xbc: {  	s0 =	sor.u32 s3, s0;
	s1 =	sshll.u32 s1, $0x11  }
0xbd: {  	s0 =	sor.u32 s1, s0  }
0xbe: {  	s0 =	sadd.s32 $0x8F2B, s0  }
0xbf: {  	[sflag:s0] =	ssyncadd.remote.s32 $0x1  }
0xc0: {  	_ =	sfence.sel $0xFFFF  }
0xc1: {  	[dreg:$0x0] =	wrdreg $0xFFFFFFFF;
	(pc) =	sbr.abs _section_cstart, $3  }
0xc2: {  	[dreg:$0x1] =	wrdreg $0xFFFFFFFF  }
0xc3: {  	_ =	task.clear_ibuf [dreg:s8], $0x2FFFF;
	_ =	strace $0x9FFFFFFF  }
0xc4: {  	(tm) =	ssettm $0x7FFFFFFF  }
0xc5: {  	_ =	shalt  }
tec
execute0_lowered:
.L_overlay_start_1:
0x0: {  	(tag) =	ssettag $0x1  }
0x1: {  	s2 =	rddreg [dreg:$0x0]  }
0x2: {  	s0 =	rddreg [dreg:$0x1]  }
0x3: {  	s3 =	simm.s32 $0x0;
	s1 =	srdreg.scid;
	s4 =	stileid.u32  }
0x4: {  	[smem:$0x7FF] =	sst s3;
	s1 =	sand.u32 $0x1, s1;
	s7 =	sadd.s32 $0x45200, s0  }
0x5: {  	s5 =	sshll.u32 s4, $0xA;
	s9 =	sadd.s32 $0x5200, s0;
	s6 =	sshll.u32 s1, $0x9  }
0x6: {  	s4 =	sadd.s32 $0xC5200, s0;
	s8 =	sadd.s32 $0x105200, s0;
	s5 =	sor.u32 s6, s5  }
0x7: {  	_ =	strace $0x80000047;
	s2 =	sadd.s32 s2, s5;
	s6 =	sshll.u32 s5, $0x5  }
0x8: {  	[dreg:$0x4] =	wrdreg s2;
	s6 =	sadd.s32 s7, s6;
	s2 =	sshll.u32 s5, $0x4  }
0x9: {  	s10 =	sadd.s32 $0x145200, s0;
	[dreg:$0x5] =	wrdreg s6;
	s19 =	sadd.s32 s9, s2  }
0xa: {  	s11 =	sadd.s32 $0x185200, s0;
	s20 =	sadd.s32 s4, s2;
	[dreg:$0x6] =	wrdreg s19  }
0xb: {  	s12 =	sadd.s32 $0x1C5200, s0;
	s21 =	sadd.s32 s8, s2;
	[dreg:$0x7] =	wrdreg s20  }
0xc: {  	s13 =	sadd.s32 $0x205200, s0;
	s22 =	sadd.s32 s10, s2;
	[dreg:$0x8] =	wrdreg s21  }
0xd: {  	s14 =	sadd.s32 $0x245200, s0;
	s23 =	sadd.s32 s11, s2;
	[dreg:$0x9] =	wrdreg s22  }
0xe: {  	s15 =	sadd.s32 $0x285200, s0;
	s24 =	sadd.s32 s12, s2;
	[dreg:$0xa] =	wrdreg s23  }
0xf: {  	s16 =	sadd.s32 $0x2C5200, s0;
	s25 =	sadd.s32 s13, s2;
	[dreg:$0xb] =	wrdreg s24  }
0x10: {  	s17 =	sadd.s32 $0x385200, s0;
	s26 =	sadd.s32 s14, s2;
	[dreg:$0xc] =	wrdreg s25  }
0x11: {  	s18 =	sshrl.u32 s5, $0x3;
	s28 =	sadd.s32 s15, s2;
	[dreg:$0xd] =	wrdreg s26  }
0x12: {  	s30 =	sor.u32 $0x10, s18;
	s29 =	sadd.s32 s16, s2;
	[dreg:$0xe] =	wrdreg s28  }
0x13: {  	s31 =	sadd.s32 s17, s2;
	s5 =	sshll.u32 s30, $0x7;
	[dreg:$0xf] =	wrdreg s29  }
0x14: {  	[dreg:$0x10] =	wrdreg s31;
	s6 =	sadd.s32 s9, s5  }
0x15: {  	s20 =	sadd.s32 s4, s5;
	[dreg:$0x12] =	wrdreg s6  }
0x16: {  	s21 =	sadd.s32 s8, s5;
	[dreg:$0x13] =	wrdreg s20  }
0x17: {  	s22 =	sadd.s32 s10, s5;
	[dreg:$0x14] =	wrdreg s21  }
0x18: {  	s23 =	sadd.s32 s11, s5;
	[dreg:$0x15] =	wrdreg s22  }
0x19: {  	s24 =	sadd.s32 s12, s5;
	[dreg:$0x16] =	wrdreg s23  }
0x1a: {  	s25 =	sadd.s32 s13, s5;
	[dreg:$0x17] =	wrdreg s24  }
0x1b: {  	s26 =	sadd.s32 s14, s5;
	[dreg:$0x18] =	wrdreg s25  }
0x1c: {  	s28 =	sadd.s32 s15, s5;
	[dreg:$0x19] =	wrdreg s26  }
0x1d: {  	s19 =	sshll.u32 s30, $0x8;
	s29 =	sadd.s32 s16, s5;
	[dreg:$0x1a] =	wrdreg s28  }
0x1e: {  	s30 =	sor.u32 $0x20, s18;
	s31 =	sadd.s32 s17, s5;
	[dreg:$0x1b] =	wrdreg s29  }
0x1f: {  	s19 =	sadd.s32 s7, s19;
	s20 =	sshll.u32 s30, $0x8;
	[dreg:$0x1c] =	wrdreg s31  }
0x20: {  	s21 =	sshll.u32 s30, $0x7;
	[dreg:$0x11] =	wrdreg s19;
	s20 =	sadd.s32 s7, s20  }
0x21: {  	s19 =	sadd.s32 s9, s21;
	[dreg:$0x1d] =	wrdreg s20  }
0x22: {  	s22 =	sadd.s32 s8, s21;
	[dreg:$0x1e] =	wrdreg s19  }
0x23: {  	s23 =	sadd.s32 s10, s21;
	[smem:$0x7AC] =	sst s22  }
0x24: {  	s24 =	sadd.s32 s11, s21;
	[smem:$0x7AD] =	sst s23  }
0x25: {  	s25 =	sadd.s32 s12, s21;
	[smem:$0x7AE] =	sst s24  }
0x26: {  	s26 =	sadd.s32 s13, s21;
	[smem:$0x7AF] =	sst s25  }
0x27: {  	s28 =	sadd.s32 s14, s21;
	[smem:$0x7B0] =	sst s26  }
0x28: {  	s29 =	sadd.s32 s15, s21;
	[smem:$0x7B1] =	sst s28  }
0x29: {  	s30 =	sadd.s32 s16, s21;
	[smem:$0x7B2] =	sst s29  }
0x2a: {  	s18 =	sor.u32 $0x30, s18;
	s31 =	sadd.s32 s17, s21;
	[smem:$0x7B3] =	sst s30  }
0x2b: {  	s6 =	sshll.u32 s18, $0x8;
	s20 =	sadd.s32 s4, s21;
	[smem:$0x7B4] =	sst s31  }
0x2c: {  	s22 =	sadd.s32 s7, s6;
	[dreg:$0x1f] =	wrdreg s20  }
0x2d: {  	s6 =	sshll.u32 s18, $0x7;
	s18 =	simm.s32 $0x480;
	[smem:$0x7B5] =	sst s22  }
0x2e: {  	s19 =	simm.s32 $0x500;
	[smem:$0x7CB] =	sst s18  }
0x2f: {  	s9 =	sadd.s32 s9, s6;
	[smem:$0x7CC] =	sst s19  }
0x30: {  	s4 =	sadd.s32 s4, s6;
	[smem:$0x7B6] =	sst s9  }
0x31: {  	s23 =	sadd.s32 s8, s6;
	[smem:$0x7B7] =	sst s4  }
0x32: {  	s24 =	sadd.s32 s10, s6;
	[smem:$0x7B8] =	sst s23  }
0x33: {  	s25 =	sadd.s32 s11, s6;
	[smem:$0x7B9] =	sst s24  }
0x34: {  	s26 =	sadd.s32 s12, s6;
	[smem:$0x7BA] =	sst s25  }
0x35: {  	s28 =	sadd.s32 s13, s6;
	[smem:$0x7BB] =	sst s26  }
0x36: {  	s29 =	sadd.s32 s14, s6;
	[smem:$0x7BC] =	sst s28  }
0x37: {  	s30 =	sadd.s32 s15, s6;
	[smem:$0x7BD] =	sst s29  }
0x38: {  	s31 =	sadd.s32 s16, s6;
	[smem:$0x7BE] =	sst s30  }
0x39: {  	s7 =	sadd.s32 s17, s6;
	[smem:$0x7BF] =	sst s31  }
0x3a: {  	s8 =	simm.s32 $0x20000;
	[smem:$0x7C0] =	sst s7  }
0x3b: {  	s10 =	simm.s32 $0x180;
	[smem:$0x7C1] =	sst s8  }
0x3c: {  	s11 =	simm.s32 $0x200;
	[smem:$0x7C3] =	sst s10  }
0x3d: {  	s12 =	simm.s32 $0x280;
	[smem:$0x7C4] =	sst s11  }
0x3e: {  	s13 =	simm.s32 $0x300;
	[smem:$0x7C5] =	sst s12  }
0x3f: {  	s14 =	simm.s32 $0x380;
	[smem:$0x7C6] =	sst s13  }
0x40: {  	s15 =	simm.s32 $0x1080;
	[smem:$0x7C7] =	sst s14  }
0x41: {  	s16 =	simm.s32 $0x1100;
	[smem:$0x7C8] =	sst s15  }
0x42: {  	s17 =	simm.s32 $0x1280;
	[smem:$0x7C9] =	sst s16  }
0x43: {  	s20 =	simm.s32 $0x580;
	[smem:$0x7CA] =	sst s17  }
0x44: {  	s22 =	simm.s32 $0x600;
	[smem:$0x7CD] =	sst s20  }
0x45: {  	s19 =	sadd.s32 $0x3A00, s0;
	[smem:$0x7CE] =	sst s22  }
0x46: {  	s18 =	simm.s32 $0xA80;
	[smem:$0x7E0] =	sst s19  }
0x47: {  	s9 =	simm.s32 $0x100;
	[smem:$0x7E1] =	sst s18  }
0x48: {  	s23 =	simm.s32 $0x680;
	[smem:$0x7C2] =	sst s9  }
0x49: {  	s24 =	simm.s32 $0x700;
	[smem:$0x7CF] =	sst s23  }
0x4a: {  	s25 =	simm.s32 $0x780;
	[smem:$0x7D0] =	sst s24  }
0x4b: {  	s26 =	simm.s32 $0x1400;
	[smem:$0x7D1] =	sst s25  }
0x4c: {  	s28 =	simm.s32 $0x1480;
	[smem:$0x7D2] =	sst s26  }
0x4d: {  	s30 =	sadd.s32 $0x4E00, s0;
	[smem:$0x7D3] =	sst s28  }
0x4e: {  	s29 =	simm.s32 $0x1500;
	[smem:$0x7D4] =	sst s30  }
0x4f: {  	s7 =	sadd.s32 $0x4A00, s0;
	[smem:$0x7D5] =	sst s29  }
0x50: {  	s31 =	simm.s32 $0x1680;
	[smem:$0x7D6] =	sst s7  }
0x51: {  	s11 =	sadd.s32 $0x3E00, s0;
	[smem:$0x7D7] =	sst s31  }
0x52: {  	s10 =	simm.s32 $0x880;
	[smem:$0x7D8] =	sst s11  }
0x53: {  	s13 =	sadd.s32 $0x4000, s0;
	[smem:$0x7D9] =	sst s10  }
0x54: {  	s12 =	simm.s32 $0x900;
	[smem:$0x7DA] =	sst s13  }
0x55: {  	s15 =	sadd.s32 $0x4C00, s0;
	[smem:$0x7DB] =	sst s12  }
0x56: {  	s14 =	simm.s32 $0x980;
	[smem:$0x7DC] =	sst s15  }
0x57: {  	s17 =	sadd.s32 $0x2800, s0;
	[smem:$0x7DD] =	sst s14  }
0x58: {  	s16 =	simm.s32 $0xA00;
	[smem:$0x7DE] =	sst s17  }
0x59: {  	s22 =	sadd.s32 $0x4200, s0;
	[smem:$0x7DF] =	sst s16  }
0x5a: {  	s20 =	simm.s32 $0xB00;
	[smem:$0x7E2] =	sst s22  }
0x5b: {  	s18 =	simm.s32 $0xE80;
	[smem:$0x7E3] =	sst s20  }
0x5c: {  	s24 =	sadd.s32 $0x4400, s0;
	[smem:$0x7F2] =	sst s18  }
0x5d: {  	s23 =	simm.s32 $0xB80;
	[smem:$0x7E4] =	sst s24  }
0x5e: {  	s25 =	simm.s32 $0x1800;
	[smem:$0x7E5] =	sst s23  }
0x5f: {  	s28 =	simm.s32 $0x1880;
	[smem:$0x7E6] =	sst s25  }
0x60: {  	s29 =	simm.s32 $0x1900;
	[smem:$0x7E7] =	sst s28  }
0x61: {  	s30 =	simm.s32 $0x1A80;
	[smem:$0x7E8] =	sst s29  }
0x62: {  	s7 =	simm.s32 $0xC80;
	[smem:$0x7E9] =	sst s30  }
0x63: {  	s12 =	simm.s32 $0xD00;
	[smem:$0x7EA] =	sst s7  }
0x64: {  	s14 =	simm.s32 $0xD80;
	[smem:$0x7EC] =	sst s12  }
0x65: {  	s16 =	simm.s32 $0xE00;
	[smem:$0x7EE] =	sst s14  }
0x66: {  	s26 =	sadd.s32 $0x305200, s0;
	s20 =	simm.s32 $0xF00;
	[smem:$0x7F0] =	sst s16  }
0x67: {  	s10 =	sadd.s32 $0x345200, s0;
	s13 =	sadd.s32 s26, s2;
	[smem:$0x7F4] =	sst s20  }
0x68: {  	s15 =	sadd.s32 s10, s2;
	[smem:$0x7EB] =	sst s13  }
0x69: {  	s17 =	sadd.s32 s26, s5;
	[smem:$0x7ED] =	sst s15  }
0x6a: {  	s19 =	sadd.s32 s10, s5;
	[smem:$0x7EF] =	sst s17  }
0x6b: {  	s22 =	sadd.s32 s26, s21;
	[smem:$0x7F1] =	sst s19  }
0x6c: {  	s24 =	sadd.s32 s10, s21;
	[smem:$0x7F3] =	sst s22  }
0x6d: {  	s23 =	simm.s32 $0xF80;
	[smem:$0x7F5] =	sst s24  }
0x6e: {  	s26 =	sadd.s32 s26, s6;
	[smem:$0x7F6] =	sst s23  }
0x6f: {  	s1 =	ssub.s32 $0x2, s1;
	s25 =	simm.s32 $0x1C00;
	[smem:$0x7F7] =	sst s26  }
0x70: {  	s4 =	sadd.s32 $0x1A00, s0;
	s29 =	sadd.s32 s10, s6;
	[smem:$0x7F8] =	sst s25  }
0x71: {  	s8 =	simm.s32 $0x7;
	s28 =	simm.s32 $0x1C80;
	[smem:$0x7F9] =	sst s29  }
0x72: {  	s31 =	sshrl.u32 s1, $0x1;
	s30 =	simm.s32 $0x1D00;
	[smem:$0x7FA] =	sst s28  }
0x73: {  	s11 =	ssub.s32 s1, s31;
	s31 =	simm.s32 $0x1E80;
	[smem:$0x7FB] =	sst s30  }
0x74: {  	v2 =	vlaneseq.u32;
	s16 =	simm.s32 $0x2;
	s22 =	sadd.s32 $0x4600, s0;
	[smem:$0x7FC] =	sst s31  }
0x75: {  	vm0 =	vmmov $0xffff;
	vm1 =	vmmov $0xff;
	v1 =	vshrl.u32 v2, $0x3;
	s23 =	sadd.s32 $0x4800, s0;
	s0 =	sadd.s32 $0x5000, s0;
	s9 =	smax.u32 s11, $0x1  }
0x76: {  	v0 =	vand.u32 $0x7, v2;
	v2 =	vor.u32 $0x8, v2;
	v1 =	vmul.u32 $0x8, v1;
	s13 =	simm.s32 $0x80;
	s26 =	simm.s32 $0x1;
	[smem:$0x7FD] =	sst s0  }
.LBB2_1:
0x77: {  	s10 =	sld [smem:$0x7C1]  }
0x78: {  	[smem:$0x7AB] =	sst s9  }
0x79: {  	s2 =	rddreg [dreg:$0x4];
	s15 =	simm.s32 $0x1000;
	s5 =	simm.s32 $0x8  }
0x7a: {  	[tilespmem:s3], [sflag:$0x8] =	stream.strided.gather [hbm4b:s2+s15], $0x2000, s10, s15, $0x38;
	[tilespmem:$0x1E000] =	vst v63  }
0x7b: {  	_ =	swait.ge [sflag:s5], $0x2000  }
0x7c: {  	[sflag:s5] =	ssyncset.done $0x0  }
0x7d: {  	[sflag:s5] =	ssyncadd.s32 $0xFFFFE000  }
0x7e: {  	v3 =	vld [tilespmem:$0x0];
	_ =	sdelay $0x4  }
0x7f: {  	v4 =	vshll.u32 v3, $0x1  }
0x80: {  	v3 =	vand.u32 $0x7, v3;
	v4 =	vand.u32 $0xFFFFFFF0, v4  }
0x81: {  	v3 =	vor.u32 v3, v4  }
0x82: {  	v4 =	vperm.xlane v3, v0;
	_ =	sdelay $0x1  }
0x83: {  	v3 =	vperm.xlane v3, v2;
	v4 =	vadd.s32 v1, v4;
	_ =	sdelay $0x1  }
0x84: {  	v3 =	vadd.s32 v1, v3;
	_ =	sdelay $0x1  }
0x85: {  	s0 =	simm.s32 $0x2000  }
0x86: {  	[tilespmem:s0], [sflag:$0x1] =	stream.indirect_vreg.gather [hbm4b:s4+s3], $0x80, v4, vm0, $0xb8;
	[tilespmem:$0x1E000] =	vst v63  }
0x87: {  	s6 =	simm.s32 $0x2800  }
0x88: {  	[tilespmem:s6], [sflag:$0x1] =	stream.indirect_vreg.gather [hbm4b:s4+s3], $0x80, v3, vm0, $0xb8;
	[tilespmem:$0x1E000] =	vst v63  }
0x89: {  	v3 =	vld [tilespmem:$0x10];
	_ =	sdelay $0x4  }
0x8a: {  	v25 =	vshll.u32 v3, $0x1  }
0x8b: {  	v3 =	vand.u32 $0x7, v3;
	v4 =	vand.u32 $0xFFFFFFF0, v25  }
0x8c: {  	v3 =	vor.u32 v3, v4  }
0x8d: {  	v4 =	vperm.xlane v3, v0;
	_ =	sdelay $0x1  }
0x8e: {  	v3 =	vperm.xlane v3, v2;
	v4 =	vadd.s32 v1, v4;
	_ =	sdelay $0x1  }
0x8f: {  	v3 =	vadd.s32 v1, v3;
	_ =	sdelay $0x1  }
0x90: {  	s7 =	simm.s32 $0x3000  }
0x91: {  	[tilespmem:s7], [sflag:$0x1] =	stream.indirect_vreg.gather [hbm4b:s4+s3], $0x80, v4, vm0, $0xb8;
	[tilespmem:$0x1E000] =	vst v63  }
0x92: {  	s10 =	simm.s32 $0x3800  }
0x93: {  	[tilespmem:s10], [sflag:$0x1] =	stream.indirect_vreg.gather [hbm4b:s4+s3], $0x80, v3, vm0, $0xb8;
	[tilespmem:$0x1E000] =	vst v63  }
0x94: {  	v3 =	vld [tilespmem:$0x20];
	_ =	sdelay $0x4  }
0x95: {  	v26 =	vshll.u32 v3, $0x1  }
0x96: {  	v3 =	vand.u32 $0x7, v3;
	v4 =	vand.u32 $0xFFFFFFF0, v26  }
0x97: {  	v3 =	vor.u32 v3, v4  }
0x98: {  	v4 =	vperm.xlane v3, v0;
	_ =	sdelay $0x1  }
0x99: {  	v3 =	vperm.xlane v3, v2;
	v4 =	vadd.s32 v1, v4;
	_ =	sdelay $0x1  }
0x9a: {  	v3 =	vadd.s32 v1, v3;
	_ =	sdelay $0x1  }
0x9b: {  	s12 =	simm.s32 $0x4000  }
0x9c: {  	[tilespmem:s12], [sflag:$0x1] =	stream.indirect_vreg.gather [hbm4b:s4+s3], $0x80, v4, vm0, $0xb8;
	[tilespmem:$0x1E000] =	vst v63  }
0x9d: {  	s17 =	simm.s32 $0x4800  }
0x9e: {  	[tilespmem:s17], [sflag:$0x1] =	stream.indirect_vreg.gather [hbm4b:s4+s3], $0x80, v3, vm0, $0xb8;
	[tilespmem:$0x1E000] =	vst v63  }
0x9f: {  	v3 =	vld [tilespmem:$0x30];
	_ =	sdelay $0x4  }
0xa0: {  	v27 =	vshll.u32 v3, $0x1  }
0xa1: {  	v3 =	vand.u32 $0x7, v3;
	v4 =	vand.u32 $0xFFFFFFF0, v27  }
0xa2: {  	v3 =	vor.u32 v3, v4  }
0xa3: {  	v4 =	vperm.xlane v3, v0;
	_ =	sdelay $0x1  }
0xa4: {  	v3 =	vperm.xlane v3, v2;
	v4 =	vadd.s32 v1, v4;
	_ =	sdelay $0x1  }
0xa5: {  	v3 =	vadd.s32 v1, v3;
	_ =	sdelay $0x1  }
0xa6: {  	s18 =	simm.s32 $0x5000  }
0xa7: {  	[tilespmem:s18], [sflag:$0x1] =	stream.indirect_vreg.gather [hbm4b:s4+s3], $0x80, v4, vm0, $0xb8;
	[tilespmem:$0x1E000] =	vst v63  }
0xa8: {  	s20 =	simm.s32 $0x5800  }
0xa9: {  	[tilespmem:s20], [sflag:$0x1] =	stream.indirect_vreg.gather [hbm4b:s4+s3], $0x80, v3, vm0, $0xb8;
	[tilespmem:$0x1E000] =	vst v63  }
0xaa: {  	v3 =	vld [tilespmem:$0x40];
	_ =	sdelay $0x4  }
0xab: {  	v28 =	vshll.u32 v3, $0x1  }
0xac: {  	v3 =	vand.u32 $0x7, v3;
	v4 =	vand.u32 $0xFFFFFFF0, v28  }
0xad: {  	v3 =	vor.u32 v3, v4  }
0xae: {  	v4 =	vperm.xlane v3, v0;
	_ =	sdelay $0x1  }
0xaf: {  	v3 =	vperm.xlane v3, v2;
	v4 =	vadd.s32 v1, v4;
	_ =	sdelay $0x1  }
0xb0: {  	v3 =	vadd.s32 v1, v3;
	_ =	sdelay $0x1  }
0xb1: {  	s24 =	simm.s32 $0x6000  }
0xb2: {  	[tilespmem:s24], [sflag:$0x1] =	stream.indirect_vreg.gather [hbm4b:s4+s3], $0x80, v4, vm0, $0xb8;
	[tilespmem:$0x1E000] =	vst v63  }
0xb3: {  	s25 =	simm.s32 $0x6800  }
0xb4: {  	[tilespmem:s25], [sflag:$0x1] =	stream.indirect_vreg.gather [hbm4b:s4+s3], $0x80, v3, vm0, $0xb8;
	[tilespmem:$0x1E000] =	vst v63  }
0xb5: {  	v3 =	vld [tilespmem:$0x50];
	_ =	sdelay $0x4  }
0xb6: {  	v29 =	vshll.u32 v3, $0x1  }
0xb7: {  	v3 =	vand.u32 $0x7, v3;
	v4 =	vand.u32 $0xFFFFFFF0, v29  }
0xb8: {  	v3 =	vor.u32 v3, v4  }
0xb9: {  	v4 =	vperm.xlane v3, v0;
	_ =	sdelay $0x1  }
0xba: {  	v3 =	vperm.xlane v3, v2;
	v4 =	vadd.s32 v1, v4;
	_ =	sdelay $0x1  }
0xbb: {  	v3 =	vadd.s32 v1, v3;
	_ =	sdelay $0x1  }
0xbc: {  	s28 =	simm.s32 $0x7000  }
0xbd: {  	[tilespmem:s28], [sflag:$0x1] =	stream.indirect_vreg.gather [hbm4b:s4+s3], $0x80, v4, vm0, $0xb8;
	[tilespmem:$0x1E000] =	vst v63  }
0xbe: {  	s29 =	simm.s32 $0x7800  }
0xbf: {  	[tilespmem:s29], [sflag:$0x1] =	stream.indirect_vreg.gather [hbm4b:s4+s3], $0x80, v3, vm0, $0xb8;
	[tilespmem:$0x1E000] =	vst v63  }
0xc0: {  	v3 =	vld [tilespmem:$0x60];
	_ =	sdelay $0x4  }
0xc1: {  	v30 =	vshll.u32 v3, $0x1  }
0xc2: {  	v3 =	vand.u32 $0x7, v3;
	v4 =	vand.u32 $0xFFFFFFF0, v30  }
0xc3: {  	v3 =	vor.u32 v3, v4  }
0xc4: {  	v4 =	vperm.xlane v3, v0;
	_ =	sdelay $0x1  }
0xc5: {  	v3 =	vperm.xlane v3, v2;
	v4 =	vadd.s32 v1, v4;
	_ =	sdelay $0x1  }
0xc6: {  	v3 =	vadd.s32 v1, v3;
	_ =	sdelay $0x1  }
0xc7: {  	s30 =	simm.s32 $0x8000  }
0xc8: {  	[tilespmem:s30], [sflag:$0x1] =	stream.indirect_vreg.gather [hbm4b:s4+s3], $0x80, v4, vm0, $0xb8;
	[tilespmem:$0x1E000] =	vst v63  }
0xc9: {  	s31 =	simm.s32 $0x8800  }
0xca: {  	[tilespmem:s31], [sflag:$0x1] =	stream.indirect_vreg.gather [hbm4b:s4+s3], $0x80, v3, vm0, $0xb8;
	[tilespmem:$0x1E000] =	vst v63  }
0xcb: {  	v3 =	vld [tilespmem:$0x70];
	_ =	sdelay $0x4  }
0xcc: {  	v31 =	vshll.u32 v3, $0x1  }
0xcd: {  	v3 =	vand.u32 $0x7, v3;
	v4 =	vand.u32 $0xFFFFFFF0, v31  }
0xce: {  	v3 =	vor.u32 v3, v4  }
0xcf: {  	v4 =	vperm.xlane v3, v0;
	_ =	sdelay $0x1  }
0xd0: {  	v3 =	vperm.xlane v3, v2;
	v4 =	vadd.s32 v1, v4  }
0xd1: {  	s5 =	sld [smem:$0x7C2]  }
0xd2: {  	s12 =	sld [smem:$0x7C3];
	v3 =	vadd.s32 v1, v3  }
0xd3: {  	s20 =	sld [smem:$0x7D6]  }
0xd4: {  	s1 =	simm.s32 $0x9000;
	s25 =	sld [smem:$0x7C4]  }
0xd5: {  	[tilespmem:s1], [sflag:$0x1] =	stream.indirect_vreg.gather [hbm4b:s4+s3], $0x80, v4, vm0, $0xb8;
	[tilespmem:$0x1E000] =	vst v63  }
0xd6: {  	s2 =	simm.s32 $0x9800;
	s1 =	sld [smem:$0x7D4]  }
0xd7: {  	[tilespmem:s2], [sflag:$0x1] =	stream.indirect_vreg.gather [hbm4b:s4+s3], $0x80, v3, vm0, $0xb8;
	[tilespmem:$0x1E000] =	vst v63  }
0xd8: {  	s10 =	simm.s32 $0xA000;
	s28 =	sld [smem:$0x7D8]  }
0xd9: {  	[tilespmem:s10], [sflag:$0x1] =	stream.indirect.gather [hbm4b:s1+s13], $0x80, s13, s13, $0xb8;
	[tilespmem:$0x1E000] =	vst v63  }
0xda: {  	s24 =	simm.s32 $0xE000;
	s30 =	sld [smem:$0x7C5]  }
0xdb: {  	[tilespmem:s24], [sflag:$0x1] =	stream.indirect.gather [hbm4b:s20+s13], $0x80, s5, s13, $0xb8;
	[tilespmem:$0x1E000] =	vst v63  }
0xdc: {  	s29 =	simm.s32 $0x12000;
	s5 =	sld [smem:$0x7DA]  }
0xdd: {  	[tilespmem:s29], [sflag:$0x1] =	stream.indirect.gather [hbm4b:s28+s13], $0x80, s12, s13, $0xb8;
	[tilespmem:$0x1E000] =	vst v63  }
0xde: {  	s20 =	sld [smem:$0x7DC];
	s12 =	simm.s32 $0x16000  }
0xdf: {  	[tilespmem:s12], [sflag:$0x1] =	stream.indirect.gather [hbm4b:s5+s13], $0x80, s25, s13, $0xb8;
	[tilespmem:$0x1E000] =	vst v63  }
0xe0: {  	s24 =	simm.s32 $0x1A000  }
0xe1: {  	[tilespmem:s24], [sflag:$0x1] =	stream.indirect.gather [hbm4b:s20+s13], $0x80, s30, s13, $0xb8;
	[tilespmem:$0x1E000] =	vst v63  }
0xe2: {  	_ =	swait.ge [sflag:s26], $0x8000  }
0xe3: {  	[sflag:s26] =	ssyncset.done $0x0  }
0xe4: {  	s11 =	simm.s32 $0x2000;
	s25 =	rddreg [dreg:$0x5];
	[sflag:s26] =	ssyncadd.s32 $0xFFFF8000  }
0xe5: {  	[hbm4b:s25+s3] =	stream.linear.scatter [tilespmem:s11], [sflag:$0x7], $0x8000, $0x38;
	[tilespmem:$0x1E000] =	vst v63  }
0xe6: {  	_ =	swait.ge [sflag:s26], $0x4000  }
0xe7: {  	[sflag:s26] =	ssyncset.done $0x0  }
0xe8: {  	s17 =	simm.s32 $0xA000;
	s28 =	rddreg [dreg:$0x6];
	[sflag:s26] =	ssyncadd.s32 $0xFFFFC000  }
0xe9: {  	[hbm4b:s28+s3] =	stream.linear.scatter [tilespmem:s17], [sflag:$0x2], $0x4000, $0x38;
	[tilespmem:$0x1E000] =	vst v63  }
0xea: {  	_ =	swait.ge [sflag:s26], $0x4000  }
0xeb: {  	[sflag:s26] =	ssyncset.done $0x0  }
0xec: {  	s31 =	simm.s32 $0xE000;
	s29 =	rddreg [dreg:$0x7];
	[sflag:s26] =	ssyncadd.s32 $0xFFFFC000  }
0xed: {  	[hbm4b:s29+s3] =	stream.linear.scatter [tilespmem:s31], [sflag:$0x3], $0x4000, $0x38;
	[tilespmem:$0x1E000] =	vst v63  }
0xee: {  	_ =	swait.ge [sflag:s26], $0x4000  }
0xef: {  	[sflag:s26] =	ssyncset.done $0x0  }
0xf0: {  	s2 =	simm.s32 $0x12000;
	s30 =	rddreg [dreg:$0x8];
	[sflag:s26] =	ssyncadd.s32 $0xFFFFC000  }
0xf1: {  	[hbm4b:s30+s3] =	stream.linear.scatter [tilespmem:s2], [sflag:$0x4], $0x4000, $0x38;
	[tilespmem:$0x1E000] =	vst v63  }
0xf2: {  	_ =	swait.ge [sflag:s26], $0x4000  }
0xf3: {  	[sflag:s26] =	ssyncset.done $0x0  }
0xf4: {  	s11 =	simm.s32 $0x16000;
	s31 =	rddreg [dreg:$0x9];
	[sflag:s26] =	ssyncadd.s32 $0xFFFFC000  }
0xf5: {  	[hbm4b:s31+s3] =	stream.linear.scatter [tilespmem:s11], [sflag:$0x5], $0x4000, $0x38;
	[tilespmem:$0x1E000] =	vst v63  }
0xf6: {  	_ =	swait.ge [sflag:s26], $0x4000  }
0xf7: {  	[sflag:s26] =	ssyncset.done $0x0  }
0xf8: {  	s12 =	simm.s32 $0x1A000;
	s1 =	rddreg [dreg:$0xa];
	[sflag:s26] =	ssyncadd.s32 $0xFFFFC000  }
0xf9: {  	[hbm4b:s1+s3] =	stream.linear.scatter [tilespmem:s12], [sflag:$0x6], $0x4000, $0x38;
	[tilespmem:$0x1E000] =	vst v63  }
0xfa: {  	_ =	swait.ge [sflag:s16], $0x4000  }
0xfb: {  	[sflag:s16] =	ssyncset.done $0x0  }
0xfc: {  	s2 =	simm.s32 $0x3;
	[sflag:s16] =	ssyncadd.s32 $0xFFFFC000  }
0xfd: {  	_ =	swait.ge [sflag:s2], $0x4000  }
0xfe: {  	[sflag:s2] =	ssyncset.done $0x0  }
0xff: {  	s5 =	simm.s32 $0x4;
	[sflag:s2] =	ssyncadd.s32 $0xFFFFC000  }
0x100: {  	_ =	swait.ge [sflag:s5], $0x4000  }
0x101: {  	[sflag:s5] =	ssyncset.done $0x0  }
0x102: {  	s9 =	simm.s32 $0x5;
	[sflag:s5] =	ssyncadd.s32 $0xFFFFC000  }
0x103: {  	_ =	swait.ge [sflag:s9], $0x4000  }
0x104: {  	[sflag:s9] =	ssyncset.done $0x0  }
0x105: {  	s5 =	simm.s32 $0x6;
	[sflag:s9] =	ssyncadd.s32 $0xFFFFC000  }
0x106: {  	_ =	swait.ge [sflag:s5], $0x4000  }
0x107: {  	[sflag:s5] =	ssyncset.done $0x0  }
0x108: {  	[sflag:s5] =	ssyncadd.s32 $0xFFFFC000  }
0x109: {  	_ =	swait.ge [sflag:s8], $0x8000  }
0x10a: {  	s10 =	sld [smem:$0x7C6]  }
0x10b: {  	s24 =	sld [smem:$0x7C7]  }
0x10c: {  	s25 =	sld [smem:$0x7DE]  }
0x10d: {  	s30 =	sld [smem:$0x7C8]  }
0x10e: {  	[sflag:s8] =	ssyncset.done $0x0;
	s31 =	sld [smem:$0x7E0]  }
0x10f: {  	s2 =	sld [smem:$0x7C9];
	[sflag:s8] =	ssyncadd.s32 $0xFFFF8000  }
0x110: {  	[tilespmem:s17], [sflag:$0x1] =	stream.indirect.gather [hbm4b:s25+s13], $0x80, s10, s13, $0xb8;
	[tilespmem:$0x1E000] =	vst v63  }
0x111: {  	s20 =	simm.s32 $0xE000;
	s28 =	rddreg [dreg:$0x2]  }
0x112: {  	[tilespmem:s20], [sflag:$0x1] =	stream.indirect.gather [hbm4b:s28+s13], $0x80, s24, s13, $0xb8;
	[tilespmem:$0x1E000] =	vst v63  }
0x113: {  	s29 =	simm.s32 $0x12000;
	s5 =	sld [smem:$0x7E2]  }
0x114: {  	[tilespmem:s29], [sflag:$0x1] =	stream.indirect.gather [hbm4b:s31+s13], $0x80, s15, s13, $0xb8;
	[tilespmem:$0x1E000] =	vst v63  }
0x115: {  	s15 =	sld [smem:$0x7E4]  }
0x116: {  	[tilespmem:s11], [sflag:$0x1] =	stream.indirect.gather [hbm4b:s5+s13], $0x80, s30, s13, $0xb8;
	[tilespmem:$0x1E000] =	vst v63  }
0x117: {  	_ = 	snop  }
0x118: {  	[tilespmem:s12], [sflag:$0x1] =	stream.indirect.gather [hbm4b:s15+s13], $0x80, s2, s13, $0xb8;
	[tilespmem:$0x1E000] =	vst v63  }
0x119: {  	v3 =	vld [tilespmem:$0x1180];
	_ =	sdelay $0x4  }
0x11a: {  	v32 =	vperm.xlane v3, v0;
	_ =	sdelay $0x1  }
0x11b: {  	v3 =	vperm.xlane v3, v2;
	v4 =	vadd.s32 v1, v32;
	_ =	sdelay $0x1  }
0x11c: {  	v3 =	vadd.s32 v1, v3;
	_ =	sdelay $0x1  }
0x11d: {  	s0 =	simm.s32 $0x2000  }
0x11e: {  	[tilespmem:s0], [sflag:$0x1] =	stream.indirect_vreg.gather [hbm4b:s22+s3], $0x80, v4, vm1, $0xb8;
	[tilespmem:$0x1E000] =	vst v63  }
0x11f: {  	s14 =	simm.s32 $0x2800  }
0x120: {  	[tilespmem:s14], [sflag:$0x1] =	stream.indirect_vreg.gather [hbm4b:s22+s3], $0x80, v3, vm1, $0xb8;
	[tilespmem:$0x1E000] =	vst v63  }
0x121: {  	v3 =	vld [tilespmem:$0x1190];
	_ =	sdelay $0x4  }
0x122: {  	v33 =	vperm.xlane v3, v0;
	_ =	sdelay $0x1  }
0x123: {  	v3 =	vperm.xlane v3, v2;
	v4 =	vadd.s32 v1, v33;
	_ =	sdelay $0x1  }
0x124: {  	v3 =	vadd.s32 v1, v3;
	_ =	sdelay $0x1  }
0x125: {  	s10 =	simm.s32 $0x3000  }
0x126: {  	[tilespmem:s10], [sflag:$0x1] =	stream.indirect_vreg.gather [hbm4b:s22+s3], $0x80, v4, vm1, $0xb8;
	[tilespmem:$0x1E000] =	vst v63  }
0x127: {  	s21 =	simm.s32 $0x3800  }
0x128: {  	[tilespmem:s21], [sflag:$0x1] =	stream.indirect_vreg.gather [hbm4b:s22+s3], $0x80, v3, vm1, $0xb8;
	[tilespmem:$0x1E000] =	vst v63  }
0x129: {  	v3 =	vld [tilespmem:$0x11A0];
	_ =	sdelay $0x4  }
0x12a: {  	v34 =	vperm.xlane v3, v0;
	_ =	sdelay $0x1  }
0x12b: {  	v3 =	vperm.xlane v3, v2;
	v4 =	vadd.s32 v1, v34;
	_ =	sdelay $0x1  }
0x12c: {  	v3 =	vadd.s32 v1, v3;
	_ =	sdelay $0x1  }
0x12d: {  	s19 =	simm.s32 $0x4000  }
0x12e: {  	[tilespmem:s19], [sflag:$0x1] =	stream.indirect_vreg.gather [hbm4b:s22+s3], $0x80, v4, vm1, $0xb8;
	[tilespmem:$0x1E000] =	vst v63  }
0x12f: {  	s15 =	simm.s32 $0x4800  }
0x130: {  	[tilespmem:s15], [sflag:$0x1] =	stream.indirect_vreg.gather [hbm4b:s22+s3], $0x80, v3, vm1, $0xb8;
	[tilespmem:$0x1E000] =	vst v63  }
0x131: {  	v3 =	vld [tilespmem:$0x11B0];
	_ =	sdelay $0x4  }
0x132: {  	v35 =	vperm.xlane v3, v0;
	_ =	sdelay $0x1  }
0x133: {  	v3 =	vperm.xlane v3, v2;
	v4 =	vadd.s32 v1, v35;
	_ =	sdelay $0x1  }
0x134: {  	v3 =	vadd.s32 v1, v3;
	_ =	sdelay $0x1  }
0x135: {  	s25 =	simm.s32 $0x5000  }
0x136: {  	[tilespmem:s25], [sflag:$0x1] =	stream.indirect_vreg.gather [hbm4b:s22+s3], $0x80, v4, vm1, $0xb8;
	[tilespmem:$0x1E000] =	vst v63  }
0x137: {  	s6 =	simm.s32 $0x5800  }
0x138: {  	[tilespmem:s6], [sflag:$0x1] =	stream.indirect_vreg.gather [hbm4b:s22+s3], $0x80, v3, vm1, $0xb8;
	[tilespmem:$0x1E000] =	vst v63  }
0x139: {  	v3 =	vld [tilespmem:$0x11C0];
	_ =	sdelay $0x4  }
0x13a: {  	v36 =	vperm.xlane v3, v0;
	_ =	sdelay $0x1  }
0x13b: {  	v3 =	vperm.xlane v3, v2;
	v4 =	vadd.s32 v1, v36;
	_ =	sdelay $0x1  }
0x13c: {  	v3 =	vadd.s32 v1, v3;
	_ =	sdelay $0x1  }
0x13d: {  	s28 =	simm.s32 $0x6000  }
0x13e: {  	[tilespmem:s28], [sflag:$0x1] =	stream.indirect_vreg.gather [hbm4b:s22+s3], $0x80, v4, vm1, $0xb8;
	[tilespmem:$0x1E000] =	vst v63  }
0x13f: {  	s14 =	simm.s32 $0x6800  }
0x140: {  	[tilespmem:s14], [sflag:$0x1] =	stream.indirect_vreg.gather [hbm4b:s22+s3], $0x80, v3, vm1, $0xb8;
	[tilespmem:$0x1E000] =	vst v63  }
0x141: {  	v3 =	vld [tilespmem:$0x11D0];
	_ =	sdelay $0x4  }
0x142: {  	v37 =	vperm.xlane v3, v0;
	_ =	sdelay $0x1  }
0x143: {  	v3 =	vperm.xlane v3, v2;
	v4 =	vadd.s32 v1, v37;
	_ =	sdelay $0x1  }
0x144: {  	v3 =	vadd.s32 v1, v3;
	_ =	sdelay $0x1  }
0x145: {  	s2 =	simm.s32 $0x7000  }
0x146: {  	[tilespmem:s2], [sflag:$0x1] =	stream.indirect_vreg.gather [hbm4b:s22+s3], $0x80, v4, vm1, $0xb8;
	[tilespmem:$0x1E000] =	vst v63  }
0x147: {  	s11 =	simm.s32 $0x7800  }
0x148: {  	[tilespmem:s11], [sflag:$0x1] =	stream.indirect_vreg.gather [hbm4b:s22+s3], $0x80, v3, vm1, $0xb8;
	[tilespmem:$0x1E000] =	vst v63  }
0x149: {  	v3 =	vld [tilespmem:$0x11E0];
	_ =	sdelay $0x4  }
0x14a: {  	v38 =	vperm.xlane v3, v0;
	_ =	sdelay $0x1  }
0x14b: {  	v3 =	vperm.xlane v3, v2;
	v4 =	vadd.s32 v1, v38;
	_ =	sdelay $0x1  }
0x14c: {  	v3 =	vadd.s32 v1, v3;
	_ =	sdelay $0x1  }
0x14d: {  	s7 =	simm.s32 $0x8000  }
0x14e: {  	[tilespmem:s7], [sflag:$0x1] =	stream.indirect_vreg.gather [hbm4b:s22+s3], $0x80, v4, vm1, $0xb8;
	[tilespmem:$0x1E000] =	vst v63  }
0x14f: {  	s0 =	simm.s32 $0x8800  }
0x150: {  	[tilespmem:s0], [sflag:$0x1] =	stream.indirect_vreg.gather [hbm4b:s22+s3], $0x80, v3, vm1, $0xb8;
	[tilespmem:$0x1E000] =	vst v63  }
0x151: {  	v3 =	vld [tilespmem:$0x11F0];
	_ =	sdelay $0x4  }
0x152: {  	v39 =	vperm.xlane v3, v0;
	_ =	sdelay $0x1  }
0x153: {  	v3 =	vperm.xlane v3, v2;
	v4 =	vadd.s32 v1, v39;
	_ =	sdelay $0x1  }
0x154: {  	v3 =	vadd.s32 v1, v3;
	_ =	sdelay $0x1  }
0x155: {  	s18 =	simm.s32 $0x9000  }
0x156: {  	[tilespmem:s18], [sflag:$0x1] =	stream.indirect_vreg.gather [hbm4b:s22+s3], $0x80, v4, vm1, $0xb8;
	[tilespmem:$0x1E000] =	vst v63  }
0x157: {  	s24 =	simm.s32 $0x9800  }
0x158: {  	[tilespmem:s24], [sflag:$0x1] =	stream.indirect_vreg.gather [hbm4b:s22+s3], $0x80, v3, vm1, $0xb8;
	[tilespmem:$0x1E000] =	vst v63  }
0x159: {  	v3 =	vld [tilespmem:$0x1200];
	_ =	sdelay $0x4  }
0x15a: {  	v40 =	vperm.xlane v3, v0;
	_ =	sdelay $0x1  }
0x15b: {  	v3 =	vperm.xlane v3, v2;
	v4 =	vadd.s32 v1, v40;
	_ =	sdelay $0x1  }
0x15c: {  	v3 =	vadd.s32 v1, v3;
	_ =	sdelay $0x1  }
0x15d: {  	s21 =	simm.s32 $0x2400  }
0x15e: {  	[tilespmem:s21], [sflag:$0x1] =	stream.indirect_vreg.gather [hbm4b:s23+s3], $0x80, v4, vm1, $0xb8;
	[tilespmem:$0x1E000] =	vst v63  }
0x15f: {  	s30 =	simm.s32 $0x2C00  }
0x160: {  	[tilespmem:s30], [sflag:$0x1] =	stream.indirect_vreg.gather [hbm4b:s23+s3], $0x80, v3, vm1, $0xb8;
	[tilespmem:$0x1E000] =	vst v63  }
0x161: {  	v3 =	vld [tilespmem:$0x1210];
	_ =	sdelay $0x4  }
0x162: {  	v41 =	vperm.xlane v3, v0;
	_ =	sdelay $0x1  }
0x163: {  	v3 =	vperm.xlane v3, v2;
	v4 =	vadd.s32 v1, v41;
	_ =	sdelay $0x1  }
0x164: {  	v3 =	vadd.s32 v1, v3;
	_ =	sdelay $0x1  }
0x165: {  	s31 =	simm.s32 $0x3400  }
0x166: {  	[tilespmem:s31], [sflag:$0x1] =	stream.indirect_vreg.gather [hbm4b:s23+s3], $0x80, v4, vm1, $0xb8;
	[tilespmem:$0x1E000] =	vst v63  }
0x167: {  	s1 =	simm.s32 $0x3C00  }
0x168: {  	[tilespmem:s1], [sflag:$0x1] =	stream.indirect_vreg.gather [hbm4b:s23+s3], $0x80, v3, vm1, $0xb8;
	[tilespmem:$0x1E000] =	vst v63  }
0x169: {  	v3 =	vld [tilespmem:$0x1220];
	_ =	sdelay $0x4  }
0x16a: {  	v42 =	vperm.xlane v3, v0;
	_ =	sdelay $0x1  }
0x16b: {  	v3 =	vperm.xlane v3, v2;
	v4 =	vadd.s32 v1, v42;
	_ =	sdelay $0x1  }
0x16c: {  	v3 =	vadd.s32 v1, v3;
	_ =	sdelay $0x1  }
0x16d: {  	s6 =	simm.s32 $0x4400  }
0x16e: {  	[tilespmem:s6], [sflag:$0x1] =	stream.indirect_vreg.gather [hbm4b:s23+s3], $0x80, v4, vm1, $0xb8;
	[tilespmem:$0x1E000] =	vst v63  }
0x16f: {  	s7 =	simm.s32 $0x4C00  }
0x170: {  	[tilespmem:s7], [sflag:$0x1] =	stream.indirect_vreg.gather [hbm4b:s23+s3], $0x80, v3, vm1, $0xb8;
	[tilespmem:$0x1E000] =	vst v63  }
0x171: {  	v3 =	vld [tilespmem:$0x1230];
	_ =	sdelay $0x4  }
0x172: {  	v43 =	vperm.xlane v3, v0;
	_ =	sdelay $0x1  }
0x173: {  	v3 =	vperm.xlane v3, v2;
	v4 =	vadd.s32 v1, v43;
	_ =	sdelay $0x1  }
0x174: {  	v3 =	vadd.s32 v1, v3;
	_ =	sdelay $0x1  }
0x175: {  	s9 =	simm.s32 $0x5400  }
0x176: {  	[tilespmem:s9], [sflag:$0x1] =	stream.indirect_vreg.gather [hbm4b:s23+s3], $0x80, v4, vm1, $0xb8;
	[tilespmem:$0x1E000] =	vst v63  }
0x177: {  	s18 =	simm.s32 $0x5C00  }
0x178: {  	[tilespmem:s18], [sflag:$0x1] =	stream.indirect_vreg.gather [hbm4b:s23+s3], $0x80, v3, vm1, $0xb8;
	[tilespmem:$0x1E000] =	vst v63  }
0x179: {  	v3 =	vld [tilespmem:$0x1240];
	_ =	sdelay $0x4  }
0x17a: {  	v44 =	vperm.xlane v3, v0;
	_ =	sdelay $0x1  }
0x17b: {  	v3 =	vperm.xlane v3, v2;
	v4 =	vadd.s32 v1, v44;
	_ =	sdelay $0x1  }
0x17c: {  	v3 =	vadd.s32 v1, v3;
	_ =	sdelay $0x1  }
0x17d: {  	s19 =	simm.s32 $0x6400  }
0x17e: {  	[tilespmem:s19], [sflag:$0x1] =	stream.indirect_vreg.gather [hbm4b:s23+s3], $0x80, v4, vm1, $0xb8;
	[tilespmem:$0x1E000] =	vst v63  }
0x17f: {  	s21 =	simm.s32 $0x6C00  }
0x180: {  	[tilespmem:s21], [sflag:$0x1] =	stream.indirect_vreg.gather [hbm4b:s23+s3], $0x80, v3, vm1, $0xb8;
	[tilespmem:$0x1E000] =	vst v63  }
0x181: {  	v3 =	vld [tilespmem:$0x1250];
	_ =	sdelay $0x4  }
0x182: {  	v45 =	vperm.xlane v3, v0;
	_ =	sdelay $0x1  }
0x183: {  	v3 =	vperm.xlane v3, v2;
	v4 =	vadd.s32 v1, v45;
	_ =	sdelay $0x1  }
0x184: {  	v3 =	vadd.s32 v1, v3;
	_ =	sdelay $0x1  }
0x185: {  	s30 =	simm.s32 $0x7400  }
0x186: {  	[tilespmem:s30], [sflag:$0x1] =	stream.indirect_vreg.gather [hbm4b:s23+s3], $0x80, v4, vm1, $0xb8;
	[tilespmem:$0x1E000] =	vst v63  }
0x187: {  	s1 =	simm.s32 $0x7C00  }
0x188: {  	[tilespmem:s1], [sflag:$0x1] =	stream.indirect_vreg.gather [hbm4b:s23+s3], $0x80, v3, vm1, $0xb8;
	[tilespmem:$0x1E000] =	vst v63  }
0x189: {  	v3 =	vld [tilespmem:$0x1260];
	_ =	sdelay $0x4  }
0x18a: {  	v46 =	vperm.xlane v3, v0;
	_ =	sdelay $0x1  }
0x18b: {  	v3 =	vperm.xlane v3, v2;
	v4 =	vadd.s32 v1, v46;
	_ =	sdelay $0x1  }
0x18c: {  	v3 =	vadd.s32 v1, v3;
	_ =	sdelay $0x1  }
0x18d: {  	s5 =	simm.s32 $0x8400  }
0x18e: {  	[tilespmem:s5], [sflag:$0x1] =	stream.indirect_vreg.gather [hbm4b:s23+s3], $0x80, v4, vm1, $0xb8;
	[tilespmem:$0x1E000] =	vst v63  }
0x18f: {  	s6 =	simm.s32 $0x8C00  }
0x190: {  	[tilespmem:s6], [sflag:$0x1] =	stream.indirect_vreg.gather [hbm4b:s23+s3], $0x80, v3, vm1, $0xb8;
	[tilespmem:$0x1E000] =	vst v63  }
0x191: {  	v3 =	vld [tilespmem:$0x1270];
	_ =	sdelay $0x4  }
0x192: {  	v47 =	vperm.xlane v3, v0;
	_ =	sdelay $0x1  }
0x193: {  	v3 =	vperm.xlane v3, v2;
	v4 =	vadd.s32 v1, v47;
	_ =	sdelay $0x1  }
0x194: {  	v3 =	vadd.s32 v1, v3;
	_ =	sdelay $0x1  }
0x195: {  	s9 =	simm.s32 $0x9400  }
0x196: {  	[tilespmem:s9], [sflag:$0x1] =	stream.indirect_vreg.gather [hbm4b:s23+s3], $0x80, v4, vm1, $0xb8;
	[tilespmem:$0x1E000] =	vst v63  }
0x197: {  	s21 =	simm.s32 $0x9C00  }
0x198: {  	[tilespmem:s21], [sflag:$0x1] =	stream.indirect_vreg.gather [hbm4b:s23+s3], $0x80, v3, vm1, $0xb8;
	[tilespmem:$0x1E000] =	vst v63  }
0x199: {  	_ =	swait.ge [sflag:s26], $0x4000  }
0x19a: {  	[sflag:s26] =	ssyncset.done $0x0  }
0x19b: {  	s7 =	rddreg [dreg:$0xb];
	[sflag:s26] =	ssyncadd.s32 $0xFFFFC000  }
0x19c: {  	[hbm4b:s7+s3] =	stream.linear.scatter [tilespmem:s17], [sflag:$0x2], $0x4000, $0x38;
	[tilespmem:$0x1E000] =	vst v63  }
0x19d: {  	_ =	swait.ge [sflag:s26], $0x4000  }
0x19e: {  	[sflag:s26] =	ssyncset.done $0x0  }
0x19f: {  	s7 =	rddreg [dreg:$0xc];
	[sflag:s26] =	ssyncadd.s32 $0xFFFFC000  }
0x1a0: {  	[hbm4b:s7+s3] =	stream.linear.scatter [tilespmem:s20], [sflag:$0x3], $0x4000, $0x38;
	[tilespmem:$0x1E000] =	vst v63  }
0x1a1: {  	_ =	swait.ge [sflag:s26], $0x4000  }
0x1a2: {  	[sflag:s26] =	ssyncset.done $0x0  }
0x1a3: {  	s17 =	rddreg [dreg:$0xd];
	[sflag:s26] =	ssyncadd.s32 $0xFFFFC000  }
0x1a4: {  	[hbm4b:s17+s3] =	stream.linear.scatter [tilespmem:s29], [sflag:$0x4], $0x4000, $0x38;
	[tilespmem:$0x1E000] =	vst v63  }
0x1a5: {  	_ =	swait.ge [sflag:s26], $0x4000  }
0x1a6: {  	[sflag:s26] =	ssyncset.done $0x0  }
0x1a7: {  	s29 =	simm.s32 $0x16000;
	s20 =	rddreg [dreg:$0xe];
	[sflag:s26] =	ssyncadd.s32 $0xFFFFC000  }
0x1a8: {  	[hbm4b:s20+s3] =	stream.linear.scatter [tilespmem:s29], [sflag:$0x5], $0x4000, $0x38;
	[tilespmem:$0x1E000] =	vst v63  }
0x1a9: {  	_ =	swait.ge [sflag:s26], $0x4000  }
0x1aa: {  	[sflag:s26] =	ssyncset.done $0x0  }
0x1ab: {  	s7 =	rddreg [dreg:$0xf];
	[sflag:s26] =	ssyncadd.s32 $0xFFFFC000  }
0x1ac: {  	[hbm4b:s7+s3] =	stream.linear.scatter [tilespmem:s12], [sflag:$0x6], $0x4000, $0x38;
	[tilespmem:$0x1E000] =	vst v63  }
0x1ad: {  	_ =	swait.ge [sflag:s26], $0x4000  }
0x1ae: {  	s7 =	sld [smem:$0x7EB]  }
0x1af: {  	[sflag:s26] =	ssyncset.done $0x0  }
0x1b0: {  	s17 =	simm.s32 $0x2000;
	[sflag:s26] =	ssyncadd.s32 $0xFFFFC000  }
0x1b1: {  	[hbm4b:s7+s3] =	stream.linear.scatter [tilespmem:s17], [sflag:$0x7], $0x400, $0x38;
	[tilespmem:$0x1E000] =	vst v63  }
0x1b2: {  	s12 =	simm.s32 $0x2800;
	s20 =	sadd.s32 $0x80, s7  }
0x1b3: {  	[hbm4b:s20+s3] =	stream.linear.scatter [tilespmem:s12], [sflag:$0x7], $0x400, $0x38;
	[tilespmem:$0x1E000] =	vst v63  }
0x1b4: {  	s29 =	sadd.s32 $0x100, s7  }
0x1b5: {  	[hbm4b:s29+s3] =	stream.linear.scatter [tilespmem:s10], [sflag:$0x7], $0x400, $0x38;
	[tilespmem:$0x1E000] =	vst v63  }
0x1b6: {  	s17 =	sadd.s32 $0x180, s7;
	s29 =	simm.s32 $0x3800  }
0x1b7: {  	[hbm4b:s17+s3] =	stream.linear.scatter [tilespmem:s29], [sflag:$0x7], $0x400, $0x38;
	[tilespmem:$0x1E000] =	vst v63  }
0x1b8: {  	s20 =	sadd.s32 $0x200, s7;
	s10 =	simm.s32 $0x4000  }
0x1b9: {  	[hbm4b:s20+s3] =	stream.linear.scatter [tilespmem:s10], [sflag:$0x7], $0x400, $0x38;
	[tilespmem:$0x1E000] =	vst v63  }
0x1ba: {  	s17 =	sadd.s32 $0x280, s7  }
0x1bb: {  	[hbm4b:s17+s3] =	stream.linear.scatter [tilespmem:s15], [sflag:$0x7], $0x400, $0x38;
	[tilespmem:$0x1E000] =	vst v63  }
0x1bc: {  	s20 =	sadd.s32 $0x300, s7  }
0x1bd: {  	[hbm4b:s20+s3] =	stream.linear.scatter [tilespmem:s25], [sflag:$0x7], $0x400, $0x38;
	[tilespmem:$0x1E000] =	vst v63  }
0x1be: {  	s17 =	sadd.s32 $0x380, s7;
	s20 =	simm.s32 $0x5800  }
0x1bf: {  	[hbm4b:s17+s3] =	stream.linear.scatter [tilespmem:s20], [sflag:$0x7], $0x400, $0x38;
	[tilespmem:$0x1E000] =	vst v63  }
0x1c0: {  	s20 =	sadd.s32 $0x400, s7  }
0x1c1: {  	[hbm4b:s20+s3] =	stream.linear.scatter [tilespmem:s28], [sflag:$0x7], $0x400, $0x38;
	[tilespmem:$0x1E000] =	vst v63  }
0x1c2: {  	s28 =	sadd.s32 $0x480, s7  }
0x1c3: {  	[hbm4b:s28+s3] =	stream.linear.scatter [tilespmem:s14], [sflag:$0x7], $0x400, $0x38;
	[tilespmem:$0x1E000] =	vst v63  }
0x1c4: {  	s14 =	sadd.s32 $0x500, s7  }
0x1c5: {  	[hbm4b:s14+s3] =	stream.linear.scatter [tilespmem:s2], [sflag:$0x7], $0x400, $0x38;
	[tilespmem:$0x1E000] =	vst v63  }
0x1c6: {  	s28 =	sadd.s32 $0x580, s7  }
0x1c7: {  	[hbm4b:s28+s3] =	stream.linear.scatter [tilespmem:s11], [sflag:$0x7], $0x400, $0x38;
	[tilespmem:$0x1E000] =	vst v63  }
0x1c8: {  	s2 =	sadd.s32 $0x600, s7;
	s11 =	simm.s32 $0x8000  }
0x1c9: {  	[hbm4b:s2+s3] =	stream.linear.scatter [tilespmem:s11], [sflag:$0x7], $0x400, $0x38;
	[tilespmem:$0x1E000] =	vst v63  }
0x1ca: {  	s28 =	sadd.s32 $0x680, s7  }
0x1cb: {  	[hbm4b:s28+s3] =	stream.linear.scatter [tilespmem:s0], [sflag:$0x7], $0x400, $0x38;
	[tilespmem:$0x1E000] =	vst v63  }
0x1cc: {  	s2 =	simm.s32 $0x9000;
	s0 =	sadd.s32 $0x700, s7  }
0x1cd: {  	[hbm4b:s0+s3] =	stream.linear.scatter [tilespmem:s2], [sflag:$0x7], $0x400, $0x38;
	[tilespmem:$0x1E000] =	vst v63  }
0x1ce: {  	s7 =	sadd.s32 $0x780, s7  }
0x1cf: {  	[hbm4b:s7+s3] =	stream.linear.scatter [tilespmem:s24], [sflag:$0x7], $0x400, $0x38;
	[tilespmem:$0x1E000] =	vst v63  }
0x1d0: {  	_ =	swait.ge [sflag:s26], $0x4000  }
0x1d1: {  	s0 =	sld [smem:$0x7ED]  }
0x1d2: {  	[sflag:s26] =	ssyncset.done $0x0  }
0x1d3: {  	s9 =	simm.s32 $0x2400;
	[sflag:s26] =	ssyncadd.s32 $0xFFFFC000  }
0x1d4: {  	[hbm4b:s0+s3] =	stream.linear.scatter [tilespmem:s9], [sflag:$0x7], $0x400, $0x38;
	[tilespmem:$0x1E000] =	vst v63  }
0x1d5: {  	s28 =	simm.s32 $0x2C00;
	s24 =	sadd.s32 $0x80, s0  }
0x1d6: {  	[hbm4b:s24+s3] =	stream.linear.scatter [tilespmem:s28], [sflag:$0x7], $0x400, $0x38;
	[tilespmem:$0x1E000] =	vst v63  }
0x1d7: {  	s24 =	sadd.s32 $0x100, s0;
	s28 =	simm.s32 $0x3400  }
0x1d8: {  	[hbm4b:s24+s3] =	stream.linear.scatter [tilespmem:s28], [sflag:$0x7], $0x400, $0x38;
	[tilespmem:$0x1E000] =	vst v63  }
0x1d9: {  	s24 =	sadd.s32 $0x180, s0;
	s28 =	simm.s32 $0x3C00  }
0x1da: {  	[hbm4b:s24+s3] =	stream.linear.scatter [tilespmem:s28], [sflag:$0x7], $0x400, $0x38;
	[tilespmem:$0x1E000] =	vst v63  }
0x1db: {  	s24 =	sadd.s32 $0x200, s0;
	s28 =	simm.s32 $0x4400  }
0x1dc: {  	[hbm4b:s24+s3] =	stream.linear.scatter [tilespmem:s28], [sflag:$0x7], $0x400, $0x38;
	[tilespmem:$0x1E000] =	vst v63  }
0x1dd: {  	s24 =	sadd.s32 $0x280, s0;
	s28 =	simm.s32 $0x4C00  }
0x1de: {  	[hbm4b:s24+s3] =	stream.linear.scatter [tilespmem:s28], [sflag:$0x7], $0x400, $0x38;
	[tilespmem:$0x1E000] =	vst v63  }
0x1df: {  	s24 =	sadd.s32 $0x300, s0;
	s28 =	simm.s32 $0x5400  }
0x1e0: {  	[hbm4b:s24+s3] =	stream.linear.scatter [tilespmem:s28], [sflag:$0x7], $0x400, $0x38;
	[tilespmem:$0x1E000] =	vst v63  }
0x1e1: {  	s24 =	sadd.s32 $0x380, s0;
	s28 =	simm.s32 $0x5C00  }
0x1e2: {  	[hbm4b:s24+s3] =	stream.linear.scatter [tilespmem:s28], [sflag:$0x7], $0x400, $0x38;
	[tilespmem:$0x1E000] =	vst v63  }
0x1e3: {  	s18 =	simm.s32 $0x6400;
	s24 =	sadd.s32 $0x400, s0  }
0x1e4: {  	[hbm4b:s24+s3] =	stream.linear.scatter [tilespmem:s18], [sflag:$0x7], $0x400, $0x38;
	[tilespmem:$0x1E000] =	vst v63  }
0x1e5: {  	s31 =	simm.s32 $0x6C00;
	s28 =	sadd.s32 $0x480, s0  }
0x1e6: {  	[hbm4b:s28+s3] =	stream.linear.scatter [tilespmem:s31], [sflag:$0x7], $0x400, $0x38;
	[tilespmem:$0x1E000] =	vst v63  }
0x1e7: {  	s30 =	simm.s32 $0x7400;
	s7 =	sadd.s32 $0x500, s0  }
0x1e8: {  	[hbm4b:s7+s3] =	stream.linear.scatter [tilespmem:s30], [sflag:$0x7], $0x400, $0x38;
	[tilespmem:$0x1E000] =	vst v63  }
0x1e9: {  	s19 =	simm.s32 $0x7C00;
	s18 =	sadd.s32 $0x580, s0  }
0x1ea: {  	[hbm4b:s18+s3] =	stream.linear.scatter [tilespmem:s19], [sflag:$0x7], $0x400, $0x38;
	[tilespmem:$0x1E000] =	vst v63  }
0x1eb: {  	s5 =	simm.s32 $0x8400;
	s24 =	sadd.s32 $0x600, s0  }
0x1ec: {  	[hbm4b:s24+s3] =	stream.linear.scatter [tilespmem:s5], [sflag:$0x7], $0x400, $0x38;
	[tilespmem:$0x1E000] =	vst v63  }
0x1ed: {  	s6 =	simm.s32 $0x8C00;
	s28 =	sadd.s32 $0x680, s0  }
0x1ee: {  	[hbm4b:s28+s3] =	stream.linear.scatter [tilespmem:s6], [sflag:$0x7], $0x400, $0x38;
	[tilespmem:$0x1E000] =	vst v63  }
0x1ef: {  	s1 =	simm.s32 $0x9400;
	s30 =	sadd.s32 $0x700, s0  }
0x1f0: {  	[hbm4b:s30+s3] =	stream.linear.scatter [tilespmem:s1], [sflag:$0x7], $0x400, $0x38;
	[tilespmem:$0x1E000] =	vst v63  }
0x1f1: {  	s21 =	simm.s32 $0x9C00;
	s31 =	sadd.s32 $0x780, s0  }
0x1f2: {  	[hbm4b:s31+s3] =	stream.linear.scatter [tilespmem:s21], [sflag:$0x7], $0x400, $0x38;
	[tilespmem:$0x1E000] =	vst v63  }
0x1f3: {  	_ =	swait.ge [sflag:s16], $0x4000  }
0x1f4: {  	s0 =	sld [smem:$0x7CA]  }
0x1f5: {  	s1 =	sld [smem:$0x7FD]  }
0x1f6: {  	[sflag:s16] =	ssyncset.done $0x0  }
0x1f7: {  	s5 =	simm.s32 $0xA000;
	[sflag:s16] =	ssyncadd.s32 $0xFFFFC000  }
0x1f8: {  	[tilespmem:s5], [sflag:$0x1] =	stream.indirect.gather [hbm4b:s1+s13], $0x80, s0, s13, $0xb8;
	[tilespmem:$0x1E000] =	vst v63  }
0x1f9: {  	_ =	swait.ge [sflag:s26], $0x4000  }
0x1fa: {  	[sflag:s26] =	ssyncset.done $0x0  }
0x1fb: {  	s6 =	rddreg [dreg:$0x10];
	[sflag:s26] =	ssyncadd.s32 $0xFFFFC000  }
0x1fc: {  	[hbm4b:s6+s3] =	stream.linear.scatter [tilespmem:s5], [sflag:$0x2], $0x4000, $0x38;
	[tilespmem:$0x1E000] =	vst v63  }
0x1fd: {  	_ =	swait.ge [sflag:s8], $0x4000  }
0x1fe: {  	[sflag:s8] =	ssyncset.done $0x0  }
0x1ff: {  	[sflag:s8] =	ssyncadd.s32 $0xFFFFC000  }
0x200: {  	_ =	swait.ge [sflag:s8], $0x4000  }
0x201: {  	[sflag:s8] =	ssyncset.done $0x0  }
0x202: {  	[sflag:s8] =	ssyncadd.s32 $0xFFFFC000  }
0x203: {  	_ =	swait.ge [sflag:s16], $0x4000  }
0x204: {  	[sflag:s16] =	ssyncset.done $0x0  }
0x205: {  	s7 =	simm.s32 $0x3;
	[sflag:s16] =	ssyncadd.s32 $0xFFFFC000  }
0x206: {  	_ =	swait.ge [sflag:s7], $0x4000  }
0x207: {  	[sflag:s7] =	ssyncset.done $0x0  }
0x208: {  	s9 =	simm.s32 $0x4;
	[sflag:s7] =	ssyncadd.s32 $0xFFFFC000  }
0x209: {  	_ =	swait.ge [sflag:s9], $0x4000  }
0x20a: {  	[sflag:s9] =	ssyncset.done $0x0  }
0x20b: {  	s18 =	simm.s32 $0x5;
	[sflag:s9] =	ssyncadd.s32 $0xFFFFC000  }
0x20c: {  	_ =	swait.ge [sflag:s18], $0x4000  }
0x20d: {  	[sflag:s18] =	ssyncset.done $0x0  }
0x20e: {  	s19 =	simm.s32 $0x6;
	[sflag:s18] =	ssyncadd.s32 $0xFFFFC000  }
0x20f: {  	_ =	swait.ge [sflag:s19], $0x4000  }
0x210: {  	[sflag:s19] =	ssyncset.done $0x0  }
0x211: {  	[sflag:s19] =	ssyncadd.s32 $0xFFFFC000  }
0x212: {  	v3 =	vld [tilespmem:$0x400];
	_ =	sdelay $0x4  }
0x213: {  	v48 =	vshll.u32 v3, $0x1  }
0x214: {  	v3 =	vand.u32 $0x7, v3;
	v4 =	vand.u32 $0xFFFFFFF0, v48  }
0x215: {  	v3 =	vor.u32 v3, v4  }
0x216: {  	v4 =	vperm.xlane v3, v0;
	_ =	sdelay $0x1  }
0x217: {  	v3 =	vperm.xlane v3, v2;
	v4 =	vadd.s32 v1, v4;
	_ =	sdelay $0x1  }
0x218: {  	v3 =	vadd.s32 v1, v3;
	_ =	sdelay $0x1  }
0x219: {  	s5 =	simm.s32 $0x2000  }
0x21a: {  	[tilespmem:s5], [sflag:$0x1] =	stream.indirect_vreg.gather [hbm4b:s4+s3], $0x80, v4, vm0, $0xb8;
	[tilespmem:$0x1E000] =	vst v63  }
0x21b: {  	_ = 	snop  }
0x21c: {  	[tilespmem:s12], [sflag:$0x1] =	stream.indirect_vreg.gather [hbm4b:s4+s3], $0x80, v3, vm0, $0xb8;
	[tilespmem:$0x1E000] =	vst v63  }
0x21d: {  	v3 =	vld [tilespmem:$0x410];
	_ =	sdelay $0x4  }
0x21e: {  	v49 =	vshll.u32 v3, $0x1  }
0x21f: {  	v3 =	vand.u32 $0x7, v3;
	v4 =	vand.u32 $0xFFFFFFF0, v49  }
0x220: {  	v3 =	vor.u32 v3, v4  }
0x221: {  	v4 =	vperm.xlane v3, v0;
	_ =	sdelay $0x1  }
0x222: {  	v3 =	vperm.xlane v3, v2;
	v4 =	vadd.s32 v1, v4;
	_ =	sdelay $0x1  }
0x223: {  	v3 =	vadd.s32 v1, v3;
	_ =	sdelay $0x1  }
0x224: {  	s0 =	simm.s32 $0x3000  }
0x225: {  	[tilespmem:s0], [sflag:$0x1] =	stream.indirect_vreg.gather [hbm4b:s4+s3], $0x80, v4, vm0, $0xb8;
	[tilespmem:$0x1E000] =	vst v63  }
0x226: {  	_ = 	snop  }
0x227: {  	[tilespmem:s29], [sflag:$0x1] =	stream.indirect_vreg.gather [hbm4b:s4+s3], $0x80, v3, vm0, $0xb8;
	[tilespmem:$0x1E000] =	vst v63  }
0x228: {  	v3 =	vld [tilespmem:$0x420];
	_ =	sdelay $0x4  }
0x229: {  	v50 =	vshll.u32 v3, $0x1  }
0x22a: {  	v3 =	vand.u32 $0x7, v3;
	v4 =	vand.u32 $0xFFFFFFF0, v50  }
0x22b: {  	v3 =	vor.u32 v3, v4  }
0x22c: {  	v4 =	vperm.xlane v3, v0;
	_ =	sdelay $0x1  }
0x22d: {  	v3 =	vperm.xlane v3, v2;
	v4 =	vadd.s32 v1, v4;
	_ =	sdelay $0x1  }
0x22e: {  	v3 =	vadd.s32 v1, v3;
	_ =	sdelay $0x2  }
0x22f: {  	[tilespmem:s10], [sflag:$0x1] =	stream.indirect_vreg.gather [hbm4b:s4+s3], $0x80, v4, vm0, $0xb8;
	[tilespmem:$0x1E000] =	vst v63  }
0x230: {  	s15 =	simm.s32 $0x4800  }
0x231: {  	[tilespmem:s15], [sflag:$0x1] =	stream.indirect_vreg.gather [hbm4b:s4+s3], $0x80, v3, vm0, $0xb8;
	[tilespmem:$0x1E000] =	vst v63  }
0x232: {  	v3 =	vld [tilespmem:$0x430];
	_ =	sdelay $0x4  }
0x233: {  	v51 =	vshll.u32 v3, $0x1  }
0x234: {  	v3 =	vand.u32 $0x7, v3;
	v4 =	vand.u32 $0xFFFFFFF0, v51  }
0x235: {  	v3 =	vor.u32 v3, v4  }
0x236: {  	v4 =	vperm.xlane v3, v0;
	_ =	sdelay $0x1  }
0x237: {  	v3 =	vperm.xlane v3, v2;
	v4 =	vadd.s32 v1, v4;
	_ =	sdelay $0x1  }
0x238: {  	v3 =	vadd.s32 v1, v3;
	_ =	sdelay $0x1  }
0x239: {  	s25 =	simm.s32 $0x5000  }
0x23a: {  	[tilespmem:s25], [sflag:$0x1] =	stream.indirect_vreg.gather [hbm4b:s4+s3], $0x80, v4, vm0, $0xb8;
	[tilespmem:$0x1E000] =	vst v63  }
0x23b: {  	s6 =	simm.s32 $0x5800  }
0x23c: {  	[tilespmem:s6], [sflag:$0x1] =	stream.indirect_vreg.gather [hbm4b:s4+s3], $0x80, v3, vm0, $0xb8;
	[tilespmem:$0x1E000] =	vst v63  }
0x23d: {  	v3 =	vld [tilespmem:$0x440];
	_ =	sdelay $0x4  }
0x23e: {  	v52 =	vshll.u32 v3, $0x1  }
0x23f: {  	v3 =	vand.u32 $0x7, v3;
	v4 =	vand.u32 $0xFFFFFFF0, v52  }
0x240: {  	v3 =	vor.u32 v3, v4  }
0x241: {  	v4 =	vperm.xlane v3, v0;
	_ =	sdelay $0x1  }
0x242: {  	v3 =	vperm.xlane v3, v2;
	v4 =	vadd.s32 v1, v4;
	_ =	sdelay $0x1  }
0x243: {  	v3 =	vadd.s32 v1, v3;
	_ =	sdelay $0x1  }
0x244: {  	s17 =	simm.s32 $0x6000  }
0x245: {  	[tilespmem:s17], [sflag:$0x1] =	stream.indirect_vreg.gather [hbm4b:s4+s3], $0x80, v4, vm0, $0xb8;
	[tilespmem:$0x1E000] =	vst v63  }
0x246: {  	s20 =	simm.s32 $0x6800  }
0x247: {  	[tilespmem:s20], [sflag:$0x1] =	stream.indirect_vreg.gather [hbm4b:s4+s3], $0x80, v3, vm0, $0xb8;
	[tilespmem:$0x1E000] =	vst v63  }
0x248: {  	v3 =	vld [tilespmem:$0x450];
	_ =	sdelay $0x4  }
0x249: {  	v53 =	vshll.u32 v3, $0x1  }
0x24a: {  	v3 =	vand.u32 $0x7, v3;
	v4 =	vand.u32 $0xFFFFFFF0, v53  }
0x24b: {  	v3 =	vor.u32 v3, v4  }
0x24c: {  	v4 =	vperm.xlane v3, v0;
	_ =	sdelay $0x1  }
0x24d: {  	v3 =	vperm.xlane v3, v2;
	v4 =	vadd.s32 v1, v4;
	_ =	sdelay $0x1  }
0x24e: {  	v3 =	vadd.s32 v1, v3;
	_ =	sdelay $0x1  }
0x24f: {  	s1 =	simm.s32 $0x7000  }
0x250: {  	[tilespmem:s1], [sflag:$0x1] =	stream.indirect_vreg.gather [hbm4b:s4+s3], $0x80, v4, vm0, $0xb8;
	[tilespmem:$0x1E000] =	vst v63  }
0x251: {  	s14 =	simm.s32 $0x7800  }
0x252: {  	[tilespmem:s14], [sflag:$0x1] =	stream.indirect_vreg.gather [hbm4b:s4+s3], $0x80, v3, vm0, $0xb8;
	[tilespmem:$0x1E000] =	vst v63  }
0x253: {  	v3 =	vld [tilespmem:$0x460];
	_ =	sdelay $0x4  }
0x254: {  	v54 =	vshll.u32 v3, $0x1  }
0x255: {  	v3 =	vand.u32 $0x7, v3;
	v4 =	vand.u32 $0xFFFFFFF0, v54  }
0x256: {  	v3 =	vor.u32 v3, v4  }
0x257: {  	v4 =	vperm.xlane v3, v0;
	_ =	sdelay $0x1  }
0x258: {  	v3 =	vperm.xlane v3, v2;
	v4 =	vadd.s32 v1, v4;
	_ =	sdelay $0x1  }
0x259: {  	v3 =	vadd.s32 v1, v3;
	_ =	sdelay $0x1  }
0x25a: {  	s7 =	simm.s32 $0x8000  }
0x25b: {  	[tilespmem:s7], [sflag:$0x1] =	stream.indirect_vreg.gather [hbm4b:s4+s3], $0x80, v4, vm0, $0xb8;
	[tilespmem:$0x1E000] =	vst v63  }
0x25c: {  	s11 =	simm.s32 $0x8800  }
0x25d: {  	[tilespmem:s11], [sflag:$0x1] =	stream.indirect_vreg.gather [hbm4b:s4+s3], $0x80, v3, vm0, $0xb8;
	[tilespmem:$0x1E000] =	vst v63  }
0x25e: {  	v3 =	vld [tilespmem:$0x470];
	_ =	sdelay $0x4  }
0x25f: {  	v55 =	vshll.u32 v3, $0x1  }
0x260: {  	v3 =	vand.u32 $0x7, v3;
	v4 =	vand.u32 $0xFFFFFFF0, v55  }
0x261: {  	v3 =	vor.u32 v3, v4  }
0x262: {  	v4 =	vperm.xlane v3, v0;
	_ =	sdelay $0x1  }
0x263: {  	s24 =	sld [smem:$0x7CC];
	v3 =	vperm.xlane v3, v2;
	v4 =	vadd.s32 v1, v4  }
0x264: {  	s28 =	sld [smem:$0x7D4]  }
0x265: {  	s30 =	sld [smem:$0x7D6];
	v3 =	vadd.s32 v1, v3  }
0x266: {  	s29 =	sld [smem:$0x7CD]  }
0x267: {  	s18 =	simm.s32 $0x9000;
	s20 =	sld [smem:$0x7CB]  }
0x268: {  	[tilespmem:s18], [sflag:$0x1] =	stream.indirect_vreg.gather [hbm4b:s4+s3], $0x80, v4, vm0, $0xb8;
	[tilespmem:$0x1E000] =	vst v63  }
0x269: {  	s2 =	simm.s32 $0x9800;
	s14 =	sld [smem:$0x7D8]  }
0x26a: {  	[tilespmem:s2], [sflag:$0x1] =	stream.indirect_vreg.gather [hbm4b:s4+s3], $0x80, v3, vm0, $0xb8;
	[tilespmem:$0x1E000] =	vst v63  }
0x26b: {  	s31 =	simm.s32 $0xA000;
	s11 =	sld [smem:$0x7CE]  }
0x26c: {  	[tilespmem:s31], [sflag:$0x1] =	stream.indirect.gather [hbm4b:s28+s13], $0x80, s20, s13, $0xb8;
	[tilespmem:$0x1E000] =	vst v63  }
0x26d: {  	s12 =	simm.s32 $0xE000;
	s20 =	sld [smem:$0x7CF]  }
0x26e: {  	[tilespmem:s12], [sflag:$0x1] =	stream.indirect.gather [hbm4b:s30+s13], $0x80, s24, s13, $0xb8;
	[tilespmem:$0x1E000] =	vst v63  }
0x26f: {  	s15 =	simm.s32 $0x12000;
	s24 =	sld [smem:$0x7DA]  }
0x270: {  	[tilespmem:s15], [sflag:$0x1] =	stream.indirect.gather [hbm4b:s14+s13], $0x80, s29, s13, $0xb8;
	[tilespmem:$0x1E000] =	vst v63  }
0x271: {  	s28 =	simm.s32 $0x16000;
	s30 =	sld [smem:$0x7DC]  }
0x272: {  	[tilespmem:s28], [sflag:$0x1] =	stream.indirect.gather [hbm4b:s24+s13], $0x80, s11, s13, $0xb8;
	[tilespmem:$0x1E000] =	vst v63  }
0x273: {  	s29 =	simm.s32 $0x1A000  }
0x274: {  	[tilespmem:s29], [sflag:$0x1] =	stream.indirect.gather [hbm4b:s30+s13], $0x80, s20, s13, $0xb8;
	[tilespmem:$0x1E000] =	vst v63  }
0x275: {  	_ =	swait.ge [sflag:s26], $0x8000  }
0x276: {  	[sflag:s26] =	ssyncset.done $0x0  }
0x277: {  	s2 =	rddreg [dreg:$0x11];
	[sflag:s26] =	ssyncadd.s32 $0xFFFF8000  }
0x278: {  	[hbm4b:s2+s3] =	stream.linear.scatter [tilespmem:s5], [sflag:$0x7], $0x8000, $0x38;
	[tilespmem:$0x1E000] =	vst v63  }
0x279: {  	_ =	swait.ge [sflag:s26], $0x4000  }
0x27a: {  	[sflag:s26] =	ssyncset.done $0x0  }
0x27b: {  	s11 =	rddreg [dreg:$0x12];
	[sflag:s26] =	ssyncadd.s32 $0xFFFFC000  }
0x27c: {  	[hbm4b:s11+s3] =	stream.linear.scatter [tilespmem:s31], [sflag:$0x2], $0x4000, $0x38;
	[tilespmem:$0x1E000] =	vst v63  }
0x27d: {  	_ =	swait.ge [sflag:s26], $0x4000  }
0x27e: {  	[sflag:s26] =	ssyncset.done $0x0  }
0x27f: {  	s17 =	rddreg [dreg:$0x13];
	[sflag:s26] =	ssyncadd.s32 $0xFFFFC000  }
0x280: {  	[hbm4b:s17+s3] =	stream.linear.scatter [tilespmem:s12], [sflag:$0x3], $0x4000, $0x38;
	[tilespmem:$0x1E000] =	vst v63  }
0x281: {  	_ =	swait.ge [sflag:s26], $0x4000  }
0x282: {  	[sflag:s26] =	ssyncset.done $0x0  }
0x283: {  	s20 =	rddreg [dreg:$0x14];
	[sflag:s26] =	ssyncadd.s32 $0xFFFFC000  }
0x284: {  	[hbm4b:s20+s3] =	stream.linear.scatter [tilespmem:s15], [sflag:$0x4], $0x4000, $0x38;
	[tilespmem:$0x1E000] =	vst v63  }
0x285: {  	_ =	swait.ge [sflag:s26], $0x4000  }
0x286: {  	[sflag:s26] =	ssyncset.done $0x0  }
0x287: {  	s24 =	rddreg [dreg:$0x15];
	[sflag:s26] =	ssyncadd.s32 $0xFFFFC000  }
0x288: {  	[hbm4b:s24+s3] =	stream.linear.scatter [tilespmem:s28], [sflag:$0x5], $0x4000, $0x38;
	[tilespmem:$0x1E000] =	vst v63  }
0x289: {  	_ =	swait.ge [sflag:s26], $0x4000  }
0x28a: {  	[sflag:s26] =	ssyncset.done $0x0  }
0x28b: {  	s28 =	rddreg [dreg:$0x16];
	[sflag:s26] =	ssyncadd.s32 $0xFFFFC000  }
0x28c: {  	[hbm4b:s28+s3] =	stream.linear.scatter [tilespmem:s29], [sflag:$0x6], $0x4000, $0x38;
	[tilespmem:$0x1E000] =	vst v63  }
0x28d: {  	_ =	swait.ge [sflag:s16], $0x4000  }
0x28e: {  	[sflag:s16] =	ssyncset.done $0x0  }
0x28f: {  	s29 =	simm.s32 $0x3;
	[sflag:s16] =	ssyncadd.s32 $0xFFFFC000  }
0x290: {  	_ =	swait.ge [sflag:s29], $0x4000  }
0x291: {  	[sflag:s29] =	ssyncset.done $0x0  }
0x292: {  	s30 =	simm.s32 $0x4;
	[sflag:s29] =	ssyncadd.s32 $0xFFFFC000  }
0x293: {  	_ =	swait.ge [sflag:s30], $0x4000  }
0x294: {  	[sflag:s30] =	ssyncset.done $0x0  }
0x295: {  	s2 =	simm.s32 $0x5;
	[sflag:s30] =	ssyncadd.s32 $0xFFFFC000  }
0x296: {  	_ =	swait.ge [sflag:s2], $0x4000  }
0x297: {  	[sflag:s2] =	ssyncset.done $0x0  }
0x298: {  	s10 =	simm.s32 $0x6;
	[sflag:s2] =	ssyncadd.s32 $0xFFFFC000  }
0x299: {  	_ =	swait.ge [sflag:s10], $0x4000  }
0x29a: {  	[sflag:s10] =	ssyncset.done $0x0  }
0x29b: {  	[sflag:s10] =	ssyncadd.s32 $0xFFFFC000  }
0x29c: {  	_ =	swait.ge [sflag:s8], $0x8000  }
0x29d: {  	s17 =	sld [smem:$0x7D0]  }
0x29e: {  	s20 =	sld [smem:$0x7D1]  }
0x29f: {  	s24 =	sld [smem:$0x7DE]  }
0x2a0: {  	[sflag:s8] =	ssyncset.done $0x0;
	s28 =	sld [smem:$0x7D2]  }
0x2a1: {  	s30 =	sld [smem:$0x7D3];
	[sflag:s8] =	ssyncadd.s32 $0xFFFF8000  }
0x2a2: {  	[tilespmem:s31], [sflag:$0x1] =	stream.indirect.gather [hbm4b:s24+s13], $0x80, s17, s13, $0xb8;
	[tilespmem:$0x1E000] =	vst v63  }
0x2a3: {  	s12 =	simm.s32 $0xE000;
	s29 =	rddreg [dreg:$0x2]  }
0x2a4: {  	[tilespmem:s12], [sflag:$0x1] =	stream.indirect.gather [hbm4b:s29+s13], $0x80, s20, s13, $0xb8;
	[tilespmem:$0x1E000] =	vst v63  }
0x2a5: {  	s12 =	sld [smem:$0x7E0]  }
0x2a6: {  	s17 =	sld [smem:$0x7E2]  }
0x2a7: {  	s14 =	simm.s32 $0x12000;
	s20 =	sld [smem:$0x7E4]  }
0x2a8: {  	[tilespmem:s14], [sflag:$0x1] =	stream.indirect.gather [hbm4b:s12+s13], $0x80, s28, s13, $0xb8;
	[tilespmem:$0x1E000] =	vst v63  }
0x2a9: {  	s15 =	simm.s32 $0x16000;
	s14 =	sld [smem:$0x7D5]  }
0x2aa: {  	[tilespmem:s15], [sflag:$0x1] =	stream.indirect.gather [hbm4b:s17+s13], $0x80, s30, s13, $0xb8;
	[tilespmem:$0x1E000] =	vst v63  }
0x2ab: {  	s11 =	simm.s32 $0x1A000  }
0x2ac: {  	[tilespmem:s11], [sflag:$0x1] =	stream.indirect.gather [hbm4b:s20+s13], $0x80, s14, s13, $0xb8;
	[tilespmem:$0x1E000] =	vst v63  }
0x2ad: {  	v3 =	vld [tilespmem:$0x1580];
	_ =	sdelay $0x4  }
0x2ae: {  	v56 =	vperm.xlane v3, v0;
	_ =	sdelay $0x1  }
0x2af: {  	v3 =	vperm.xlane v3, v2;
	v4 =	vadd.s32 v1, v56;
	_ =	sdelay $0x1  }
0x2b0: {  	v3 =	vadd.s32 v1, v3;
	_ =	sdelay $0x1  }
0x2b1: {  	s5 =	simm.s32 $0x2000  }
0x2b2: {  	[tilespmem:s5], [sflag:$0x1] =	stream.indirect_vreg.gather [hbm4b:s22+s3], $0x80, v4, vm1, $0xb8;
	[tilespmem:$0x1E000] =	vst v63  }
0x2b3: {  	s21 =	simm.s32 $0x2800  }
0x2b4: {  	[tilespmem:s21], [sflag:$0x1] =	stream.indirect_vreg.gather [hbm4b:s22+s3], $0x80, v3, vm1, $0xb8;
	[tilespmem:$0x1E000] =	vst v63  }
0x2b5: {  	v3 =	vld [tilespmem:$0x1590];
	_ =	sdelay $0x4  }
0x2b6: {  	v57 =	vperm.xlane v3, v0;
	_ =	sdelay $0x1  }
0x2b7: {  	v3 =	vperm.xlane v3, v2;
	v4 =	vadd.s32 v1, v57;
	_ =	sdelay $0x1  }
0x2b8: {  	v3 =	vadd.s32 v1, v3;
	_ =	sdelay $0x2  }
0x2b9: {  	[tilespmem:s0], [sflag:$0x1] =	stream.indirect_vreg.gather [hbm4b:s22+s3], $0x80, v4, vm1, $0xb8;
	[tilespmem:$0x1E000] =	vst v63  }
0x2ba: {  	s24 =	simm.s32 $0x3800  }
0x2bb: {  	[tilespmem:s24], [sflag:$0x1] =	stream.indirect_vreg.gather [hbm4b:s22+s3], $0x80, v3, vm1, $0xb8;
	[tilespmem:$0x1E000] =	vst v63  }
0x2bc: {  	v3 =	vld [tilespmem:$0x15A0];
	_ =	sdelay $0x4  }
0x2bd: {  	v58 =	vperm.xlane v3, v0;
	_ =	sdelay $0x1  }
0x2be: {  	v3 =	vperm.xlane v3, v2;
	v4 =	vadd.s32 v1, v58;
	_ =	sdelay $0x1  }
0x2bf: {  	v3 =	vadd.s32 v1, v3;
	_ =	sdelay $0x1  }
0x2c0: {  	s28 =	simm.s32 $0x4000  }
0x2c1: {  	[tilespmem:s28], [sflag:$0x1] =	stream.indirect_vreg.gather [hbm4b:s22+s3], $0x80, v4, vm1, $0xb8;
	[tilespmem:$0x1E000] =	vst v63  }
0x2c2: {  	s19 =	simm.s32 $0x4800  }
0x2c3: {  	[tilespmem:s19], [sflag:$0x1] =	stream.indirect_vreg.gather [hbm4b:s22+s3], $0x80, v3, vm1, $0xb8;
	[tilespmem:$0x1E000] =	vst v63  }
0x2c4: {  	v3 =	vld [tilespmem:$0x15B0];
	_ =	sdelay $0x4  }
0x2c5: {  	v59 =	vperm.xlane v3, v0;
	_ =	sdelay $0x1  }
0x2c6: {  	v3 =	vperm.xlane v3, v2;
	v4 =	vadd.s32 v1, v59;
	_ =	sdelay $0x1  }
0x2c7: {  	v3 =	vadd.s32 v1, v3;
	_ =	sdelay $0x1  }
0x2c8: {  	s25 =	simm.s32 $0x5000  }
0x2c9: {  	[tilespmem:s25], [sflag:$0x1] =	stream.indirect_vreg.gather [hbm4b:s22+s3], $0x80, v4, vm1, $0xb8;
	[tilespmem:$0x1E000] =	vst v63  }
0x2ca: {  	_ = 	snop  }
0x2cb: {  	[tilespmem:s6], [sflag:$0x1] =	stream.indirect_vreg.gather [hbm4b:s22+s3], $0x80, v3, vm1, $0xb8;
	[tilespmem:$0x1E000] =	vst v63  }
0x2cc: {  	v3 =	vld [tilespmem:$0x15C0];
	_ =	sdelay $0x4  }
0x2cd: {  	v60 =	vperm.xlane v3, v0;
	_ =	sdelay $0x1  }
0x2ce: {  	v3 =	vperm.xlane v3, v2;
	v4 =	vadd.s32 v1, v60;
	_ =	sdelay $0x1  }
0x2cf: {  	v3 =	vadd.s32 v1, v3;
	_ =	sdelay $0x1  }
0x2d0: {  	s30 =	simm.s32 $0x6000  }
0x2d1: {  	[tilespmem:s30], [sflag:$0x1] =	stream.indirect_vreg.gather [hbm4b:s22+s3], $0x80, v4, vm1, $0xb8;
	[tilespmem:$0x1E000] =	vst v63  }
0x2d2: {  	s29 =	simm.s32 $0x6800  }
0x2d3: {  	[tilespmem:s29], [sflag:$0x1] =	stream.indirect_vreg.gather [hbm4b:s22+s3], $0x80, v3, vm1, $0xb8;
	[tilespmem:$0x1E000] =	vst v63  }
0x2d4: {  	v3 =	vld [tilespmem:$0x15D0];
	_ =	sdelay $0x4  }
0x2d5: {  	v61 =	vperm.xlane v3, v0;
	_ =	sdelay $0x1  }
0x2d6: {  	v3 =	vperm.xlane v3, v2;
	v4 =	vadd.s32 v1, v61;
	_ =	sdelay $0x1  }
0x2d7: {  	v3 =	vadd.s32 v1, v3;
	_ =	sdelay $0x2  }
0x2d8: {  	[tilespmem:s1], [sflag:$0x1] =	stream.indirect_vreg.gather [hbm4b:s22+s3], $0x80, v4, vm1, $0xb8;
	[tilespmem:$0x1E000] =	vst v63  }
0x2d9: {  	s29 =	simm.s32 $0x7800  }
0x2da: {  	[tilespmem:s29], [sflag:$0x1] =	stream.indirect_vreg.gather [hbm4b:s22+s3], $0x80, v3, vm1, $0xb8;
	[tilespmem:$0x1E000] =	vst v63  }
0x2db: {  	v3 =	vld [tilespmem:$0x15E0];
	_ =	sdelay $0x4  }
0x2dc: {  	v62 =	vperm.xlane v3, v0;
	_ =	sdelay $0x1  }
0x2dd: {  	v3 =	vperm.xlane v3, v2;
	v4 =	vadd.s32 v1, v62;
	_ =	sdelay $0x1  }
0x2de: {  	v3 =	vadd.s32 v1, v3;
	_ =	sdelay $0x2  }
0x2df: {  	[tilespmem:s7], [sflag:$0x1] =	stream.indirect_vreg.gather [hbm4b:s22+s3], $0x80, v4, vm1, $0xb8;
	[tilespmem:$0x1E000] =	vst v63  }
0x2e0: {  	s28 =	simm.s32 $0x8800  }
0x2e1: {  	[tilespmem:s28], [sflag:$0x1] =	stream.indirect_vreg.gather [hbm4b:s22+s3], $0x80, v3, vm1, $0xb8;
	[tilespmem:$0x1E000] =	vst v63  }
0x2e2: {  	v3 =	vld [tilespmem:$0x15F0];
	_ =	sdelay $0x4  }
0x2e3: {  	v63 =	vperm.xlane v3, v0;
	_ =	sdelay $0x1  }
0x2e4: {  	v3 =	vperm.xlane v3, v2;
	v4 =	vadd.s32 v1, v63;
	_ =	sdelay $0x1  }
0x2e5: {  	v3 =	vadd.s32 v1, v3;
	_ =	sdelay $0x2  }
0x2e6: {  	[tilespmem:s18], [sflag:$0x1] =	stream.indirect_vreg.gather [hbm4b:s22+s3], $0x80, v4, vm1, $0xb8;
	[tilespmem:$0x1E000] =	vst v63  }
0x2e7: {  	s24 =	simm.s32 $0x9800  }
0x2e8: {  	[tilespmem:s24], [sflag:$0x1] =	stream.indirect_vreg.gather [hbm4b:s22+s3], $0x80, v3, vm1, $0xb8;
	[tilespmem:$0x1E000] =	vst v63  }
0x2e9: {  	v3 =	vld [tilespmem:$0x1600];
	_ =	sdelay $0x4  }
0x2ea: {  	v8 =	vperm.xlane v3, v0;
	_ =	sdelay $0x1  }
0x2eb: {  	v3 =	vperm.xlane v3, v2;
	v4 =	vadd.s32 v1, v8;
	_ =	sdelay $0x1  }
0x2ec: {  	v3 =	vadd.s32 v1, v3;
	_ =	sdelay $0x1  }
0x2ed: {  	s20 =	simm.s32 $0x2400  }
0x2ee: {  	[tilespmem:s20], [sflag:$0x1] =	stream.indirect_vreg.gather [hbm4b:s23+s3], $0x80, v4, vm1, $0xb8;
	[tilespmem:$0x1E000] =	vst v63  }
0x2ef: {  	s21 =	simm.s32 $0x2C00  }
0x2f0: {  	[tilespmem:s21], [sflag:$0x1] =	stream.indirect_vreg.gather [hbm4b:s23+s3], $0x80, v3, vm1, $0xb8;
	[tilespmem:$0x1E000] =	vst v63  }
0x2f1: {  	v3 =	vld [tilespmem:$0x1610];
	_ =	sdelay $0x4  }
0x2f2: {  	v9 =	vperm.xlane v3, v0;
	_ =	sdelay $0x1  }
0x2f3: {  	v3 =	vperm.xlane v3, v2;
	v4 =	vadd.s32 v1, v9;
	_ =	sdelay $0x1  }
0x2f4: {  	v3 =	vadd.s32 v1, v3;
	_ =	sdelay $0x1  }
0x2f5: {  	s15 =	simm.s32 $0x3400  }
0x2f6: {  	[tilespmem:s15], [sflag:$0x1] =	stream.indirect_vreg.gather [hbm4b:s23+s3], $0x80, v4, vm1, $0xb8;
	[tilespmem:$0x1E000] =	vst v63  }
0x2f7: {  	s17 =	simm.s32 $0x3C00  }
0x2f8: {  	[tilespmem:s17], [sflag:$0x1] =	stream.indirect_vreg.gather [hbm4b:s23+s3], $0x80, v3, vm1, $0xb8;
	[tilespmem:$0x1E000] =	vst v63  }
0x2f9: {  	v3 =	vld [tilespmem:$0x1620];
	_ =	sdelay $0x4  }
0x2fa: {  	v10 =	vperm.xlane v3, v0;
	_ =	sdelay $0x1  }
0x2fb: {  	v3 =	vperm.xlane v3, v2;
	v4 =	vadd.s32 v1, v10;
	_ =	sdelay $0x1  }
0x2fc: {  	v3 =	vadd.s32 v1, v3;
	_ =	sdelay $0x1  }
0x2fd: {  	s10 =	simm.s32 $0x4400  }
0x2fe: {  	[tilespmem:s10], [sflag:$0x1] =	stream.indirect_vreg.gather [hbm4b:s23+s3], $0x80, v4, vm1, $0xb8;
	[tilespmem:$0x1E000] =	vst v63  }
0x2ff: {  	s11 =	simm.s32 $0x4C00  }
0x300: {  	[tilespmem:s11], [sflag:$0x1] =	stream.indirect_vreg.gather [hbm4b:s23+s3], $0x80, v3, vm1, $0xb8;
	[tilespmem:$0x1E000] =	vst v63  }
0x301: {  	v3 =	vld [tilespmem:$0x1630];
	_ =	sdelay $0x4  }
0x302: {  	v11 =	vperm.xlane v3, v0;
	_ =	sdelay $0x1  }
0x303: {  	v3 =	vperm.xlane v3, v2;
	v4 =	vadd.s32 v1, v11;
	_ =	sdelay $0x1  }
0x304: {  	v3 =	vadd.s32 v1, v3;
	_ =	sdelay $0x1  }
0x305: {  	s6 =	simm.s32 $0x5400  }
0x306: {  	[tilespmem:s6], [sflag:$0x1] =	stream.indirect_vreg.gather [hbm4b:s23+s3], $0x80, v4, vm1, $0xb8;
	[tilespmem:$0x1E000] =	vst v63  }
0x307: {  	s7 =	simm.s32 $0x5C00  }
0x308: {  	[tilespmem:s7], [sflag:$0x1] =	stream.indirect_vreg.gather [hbm4b:s23+s3], $0x80, v3, vm1, $0xb8;
	[tilespmem:$0x1E000] =	vst v63  }
0x309: {  	v3 =	vld [tilespmem:$0x1640];
	_ =	sdelay $0x4  }
0x30a: {  	v12 =	vperm.xlane v3, v0;
	_ =	sdelay $0x1  }
0x30b: {  	v3 =	vperm.xlane v3, v2;
	v4 =	vadd.s32 v1, v12;
	_ =	sdelay $0x1  }
0x30c: {  	v3 =	vadd.s32 v1, v3;
	_ =	sdelay $0x1  }
0x30d: {  	s5 =	simm.s32 $0x6400  }
0x30e: {  	[tilespmem:s5], [sflag:$0x1] =	stream.indirect_vreg.gather [hbm4b:s23+s3], $0x80, v4, vm1, $0xb8;
	[tilespmem:$0x1E000] =	vst v63  }
0x30f: {  	s19 =	simm.s32 $0x6C00  }
0x310: {  	[tilespmem:s19], [sflag:$0x1] =	stream.indirect_vreg.gather [hbm4b:s23+s3], $0x80, v3, vm1, $0xb8;
	[tilespmem:$0x1E000] =	vst v63  }
0x311: {  	v3 =	vld [tilespmem:$0x1650];
	_ =	sdelay $0x4  }
0x312: {  	v13 =	vperm.xlane v3, v0;
	_ =	sdelay $0x1  }
0x313: {  	v3 =	vperm.xlane v3, v2;
	v4 =	vadd.s32 v1, v13;
	_ =	sdelay $0x1  }
0x314: {  	v3 =	vadd.s32 v1, v3;
	_ =	sdelay $0x1  }
0x315: {  	s25 =	simm.s32 $0x7400  }
0x316: {  	[tilespmem:s25], [sflag:$0x1] =	stream.indirect_vreg.gather [hbm4b:s23+s3], $0x80, v4, vm1, $0xb8;
	[tilespmem:$0x1E000] =	vst v63  }
0x317: {  	s2 =	simm.s32 $0x7C00  }
0x318: {  	[tilespmem:s2], [sflag:$0x1] =	stream.indirect_vreg.gather [hbm4b:s23+s3], $0x80, v3, vm1, $0xb8;
	[tilespmem:$0x1E000] =	vst v63  }
0x319: {  	v3 =	vld [tilespmem:$0x1660];
	_ =	sdelay $0x4  }
0x31a: {  	v14 =	vperm.xlane v3, v0;
	_ =	sdelay $0x1  }
0x31b: {  	v3 =	vperm.xlane v3, v2;
	v4 =	vadd.s32 v1, v14;
	_ =	sdelay $0x1  }
0x31c: {  	v3 =	vadd.s32 v1, v3;
	_ =	sdelay $0x1  }
0x31d: {  	s0 =	simm.s32 $0x8400  }
0x31e: {  	[tilespmem:s0], [sflag:$0x1] =	stream.indirect_vreg.gather [hbm4b:s23+s3], $0x80, v4, vm1, $0xb8;
	[tilespmem:$0x1E000] =	vst v63  }
0x31f: {  	s12 =	simm.s32 $0x8C00  }
0x320: {  	[tilespmem:s12], [sflag:$0x1] =	stream.indirect_vreg.gather [hbm4b:s23+s3], $0x80, v3, vm1, $0xb8;
	[tilespmem:$0x1E000] =	vst v63  }
0x321: {  	v3 =	vld [tilespmem:$0x1670];
	_ =	sdelay $0x4  }
0x322: {  	v15 =	vperm.xlane v3, v0;
	_ =	sdelay $0x1  }
0x323: {  	v3 =	vperm.xlane v3, v2;
	v4 =	vadd.s32 v1, v15;
	_ =	sdelay $0x1  }
0x324: {  	v3 =	vadd.s32 v1, v3;
	_ =	sdelay $0x1  }
0x325: {  	s18 =	simm.s32 $0x9400  }
0x326: {  	[tilespmem:s18], [sflag:$0x1] =	stream.indirect_vreg.gather [hbm4b:s23+s3], $0x80, v4, vm1, $0xb8;
	[tilespmem:$0x1E000] =	vst v63  }
0x327: {  	s14 =	simm.s32 $0x9C00  }
0x328: {  	[tilespmem:s14], [sflag:$0x1] =	stream.indirect_vreg.gather [hbm4b:s23+s3], $0x80, v3, vm1, $0xb8;
	[tilespmem:$0x1E000] =	vst v63  }
0x329: {  	_ =	swait.ge [sflag:s26], $0x4000  }
0x32a: {  	[sflag:s26] =	ssyncset.done $0x0  }
0x32b: {  	s1 =	rddreg [dreg:$0x17];
	[sflag:s26] =	ssyncadd.s32 $0xFFFFC000  }
0x32c: {  	[hbm4b:s1+s3] =	stream.linear.scatter [tilespmem:s31], [sflag:$0x2], $0x4000, $0x38;
	[tilespmem:$0x1E000] =	vst v63  }
0x32d: {  	_ =	swait.ge [sflag:s26], $0x4000  }
0x32e: {  	[sflag:s26] =	ssyncset.done $0x0  }
0x32f: {  	s31 =	simm.s32 $0xE000;
	s1 =	rddreg [dreg:$0x18];
	[sflag:s26] =	ssyncadd.s32 $0xFFFFC000  }
0x330: {  	[hbm4b:s1+s3] =	stream.linear.scatter [tilespmem:s31], [sflag:$0x3], $0x4000, $0x38;
	[tilespmem:$0x1E000] =	vst v63  }
0x331: {  	_ =	swait.ge [sflag:s26], $0x4000  }
0x332: {  	[sflag:s26] =	ssyncset.done $0x0  }
0x333: {  	s31 =	simm.s32 $0x12000;
	s1 =	rddreg [dreg:$0x19];
	[sflag:s26] =	ssyncadd.s32 $0xFFFFC000  }
0x334: {  	[hbm4b:s1+s3] =	stream.linear.scatter [tilespmem:s31], [sflag:$0x4], $0x4000, $0x38;
	[tilespmem:$0x1E000] =	vst v63  }
0x335: {  	_ =	swait.ge [sflag:s26], $0x4000  }
0x336: {  	[sflag:s26] =	ssyncset.done $0x0  }
0x337: {  	s31 =	simm.s32 $0x16000;
	s1 =	rddreg [dreg:$0x1a];
	[sflag:s26] =	ssyncadd.s32 $0xFFFFC000  }
0x338: {  	[hbm4b:s1+s3] =	stream.linear.scatter [tilespmem:s31], [sflag:$0x5], $0x4000, $0x38;
	[tilespmem:$0x1E000] =	vst v63  }
0x339: {  	_ =	swait.ge [sflag:s26], $0x4000  }
0x33a: {  	[sflag:s26] =	ssyncset.done $0x0  }
0x33b: {  	s31 =	simm.s32 $0x1A000;
	s1 =	rddreg [dreg:$0x1b];
	[sflag:s26] =	ssyncadd.s32 $0xFFFFC000  }
0x33c: {  	[hbm4b:s1+s3] =	stream.linear.scatter [tilespmem:s31], [sflag:$0x6], $0x4000, $0x38;
	[tilespmem:$0x1E000] =	vst v63  }
0x33d: {  	_ =	swait.ge [sflag:s26], $0x4000  }
0x33e: {  	[sflag:s26] =	ssyncset.done $0x0  }
0x33f: {  	s1 =	sld [smem:$0x7EF];
	_ =	sdelay $0x1  }
0x340: {  	s31 =	simm.s32 $0x2000;
	[sflag:s26] =	ssyncadd.s32 $0xFFFFC000  }
0x341: {  	[hbm4b:s1+s3] =	stream.linear.scatter [tilespmem:s31], [sflag:$0x7], $0x400, $0x38;
	[tilespmem:$0x1E000] =	vst v63  }
0x342: {  	s9 =	sadd.s32 $0x80, s1;
	s31 =	simm.s32 $0x2800  }
0x343: {  	[hbm4b:s9+s3] =	stream.linear.scatter [tilespmem:s31], [sflag:$0x7], $0x400, $0x38;
	[tilespmem:$0x1E000] =	vst v63  }
0x344: {  	s9 =	sadd.s32 $0x100, s1;
	s31 =	simm.s32 $0x3000  }
0x345: {  	[hbm4b:s9+s3] =	stream.linear.scatter [tilespmem:s31], [sflag:$0x7], $0x400, $0x38;
	[tilespmem:$0x1E000] =	vst v63  }
0x346: {  	s9 =	sadd.s32 $0x180, s1;
	s31 =	simm.s32 $0x3800  }
0x347: {  	[hbm4b:s9+s3] =	stream.linear.scatter [tilespmem:s31], [sflag:$0x7], $0x400, $0x38;
	[tilespmem:$0x1E000] =	vst v63  }
0x348: {  	s9 =	sadd.s32 $0x200, s1;
	s31 =	simm.s32 $0x4000  }
0x349: {  	[hbm4b:s9+s3] =	stream.linear.scatter [tilespmem:s31], [sflag:$0x7], $0x400, $0x38;
	[tilespmem:$0x1E000] =	vst v63  }
0x34a: {  	s9 =	sadd.s32 $0x280, s1;
	s31 =	simm.s32 $0x4800  }
0x34b: {  	[hbm4b:s9+s3] =	stream.linear.scatter [tilespmem:s31], [sflag:$0x7], $0x400, $0x38;
	[tilespmem:$0x1E000] =	vst v63  }
0x34c: {  	s9 =	sadd.s32 $0x300, s1;
	s31 =	simm.s32 $0x5000  }
0x34d: {  	[hbm4b:s9+s3] =	stream.linear.scatter [tilespmem:s31], [sflag:$0x7], $0x400, $0x38;
	[tilespmem:$0x1E000] =	vst v63  }
0x34e: {  	s9 =	sadd.s32 $0x380, s1;
	s31 =	simm.s32 $0x5800  }
0x34f: {  	[hbm4b:s9+s3] =	stream.linear.scatter [tilespmem:s31], [sflag:$0x7], $0x400, $0x38;
	[tilespmem:$0x1E000] =	vst v63  }
0x350: {  	s9 =	sadd.s32 $0x400, s1  }
0x351: {  	[hbm4b:s9+s3] =	stream.linear.scatter [tilespmem:s30], [sflag:$0x7], $0x400, $0x38;
	[tilespmem:$0x1E000] =	vst v63  }
0x352: {  	s9 =	sadd.s32 $0x480, s1;
	s30 =	simm.s32 $0x6800  }
0x353: {  	[hbm4b:s9+s3] =	stream.linear.scatter [tilespmem:s30], [sflag:$0x7], $0x400, $0x38;
	[tilespmem:$0x1E000] =	vst v63  }
0x354: {  	s9 =	sadd.s32 $0x500, s1;
	s30 =	simm.s32 $0x7000  }
0x355: {  	[hbm4b:s9+s3] =	stream.linear.scatter [tilespmem:s30], [sflag:$0x7], $0x400, $0x38;
	[tilespmem:$0x1E000] =	vst v63  }
0x356: {  	s30 =	sadd.s32 $0x580, s1  }
0x357: {  	[hbm4b:s30+s3] =	stream.linear.scatter [tilespmem:s29], [sflag:$0x7], $0x400, $0x38;
	[tilespmem:$0x1E000] =	vst v63  }
0x358: {  	s9 =	sadd.s32 $0x600, s1;
	s29 =	simm.s32 $0x8000  }
0x359: {  	[hbm4b:s9+s3] =	stream.linear.scatter [tilespmem:s29], [sflag:$0x7], $0x400, $0x38;
	[tilespmem:$0x1E000] =	vst v63  }
0x35a: {  	s9 =	sadd.s32 $0x680, s1  }
0x35b: {  	[hbm4b:s9+s3] =	stream.linear.scatter [tilespmem:s28], [sflag:$0x7], $0x400, $0x38;
	[tilespmem:$0x1E000] =	vst v63  }
0x35c: {  	s9 =	sadd.s32 $0x700, s1;
	s28 =	simm.s32 $0x9000  }
0x35d: {  	[hbm4b:s9+s3] =	stream.linear.scatter [tilespmem:s28], [sflag:$0x7], $0x400, $0x38;
	[tilespmem:$0x1E000] =	vst v63  }
0x35e: {  	s1 =	sadd.s32 $0x780, s1  }
0x35f: {  	[hbm4b:s1+s3] =	stream.linear.scatter [tilespmem:s24], [sflag:$0x7], $0x400, $0x38;
	[tilespmem:$0x1E000] =	vst v63  }
0x360: {  	_ =	swait.ge [sflag:s26], $0x4000  }
0x361: {  	s1 =	sld [smem:$0x7F1]  }
0x362: {  	[sflag:s26] =	ssyncset.done $0x0  }
0x363: {  	[sflag:s26] =	ssyncadd.s32 $0xFFFFC000  }
0x364: {  	[hbm4b:s1+s3] =	stream.linear.scatter [tilespmem:s20], [sflag:$0x7], $0x400, $0x38;
	[tilespmem:$0x1E000] =	vst v63  }
0x365: {  	s20 =	sadd.s32 $0x80, s1  }
0x366: {  	[hbm4b:s20+s3] =	stream.linear.scatter [tilespmem:s21], [sflag:$0x7], $0x400, $0x38;
	[tilespmem:$0x1E000] =	vst v63  }
0x367: {  	s28 =	sadd.s32 $0x100, s1  }
0x368: {  	[hbm4b:s28+s3] =	stream.linear.scatter [tilespmem:s15], [sflag:$0x7], $0x400, $0x38;
	[tilespmem:$0x1E000] =	vst v63  }
0x369: {  	s15 =	sadd.s32 $0x180, s1  }
0x36a: {  	[hbm4b:s15+s3] =	stream.linear.scatter [tilespmem:s17], [sflag:$0x7], $0x400, $0x38;
	[tilespmem:$0x1E000] =	vst v63  }
0x36b: {  	s20 =	sadd.s32 $0x200, s1  }
0x36c: {  	[hbm4b:s20+s3] =	stream.linear.scatter [tilespmem:s10], [sflag:$0x7], $0x400, $0x38;
	[tilespmem:$0x1E000] =	vst v63  }
0x36d: {  	s21 =	sadd.s32 $0x280, s1  }
0x36e: {  	[hbm4b:s21+s3] =	stream.linear.scatter [tilespmem:s11], [sflag:$0x7], $0x400, $0x38;
	[tilespmem:$0x1E000] =	vst v63  }
0x36f: {  	s28 =	sadd.s32 $0x300, s1  }
0x370: {  	[hbm4b:s28+s3] =	stream.linear.scatter [tilespmem:s6], [sflag:$0x7], $0x400, $0x38;
	[tilespmem:$0x1E000] =	vst v63  }
0x371: {  	s6 =	sadd.s32 $0x380, s1  }
0x372: {  	[hbm4b:s6+s3] =	stream.linear.scatter [tilespmem:s7], [sflag:$0x7], $0x400, $0x38;
	[tilespmem:$0x1E000] =	vst v63  }
0x373: {  	s7 =	sadd.s32 $0x400, s1  }
0x374: {  	[hbm4b:s7+s3] =	stream.linear.scatter [tilespmem:s5], [sflag:$0x7], $0x400, $0x38;
	[tilespmem:$0x1E000] =	vst v63  }
0x375: {  	s10 =	sadd.s32 $0x480, s1  }
0x376: {  	[hbm4b:s10+s3] =	stream.linear.scatter [tilespmem:s19], [sflag:$0x7], $0x400, $0x38;
	[tilespmem:$0x1E000] =	vst v63  }
0x377: {  	s11 =	sadd.s32 $0x500, s1  }
0x378: {  	[hbm4b:s11+s3] =	stream.linear.scatter [tilespmem:s25], [sflag:$0x7], $0x400, $0x38;
	[tilespmem:$0x1E000] =	vst v63  }
0x379: {  	s15 =	sadd.s32 $0x580, s1  }
0x37a: {  	[hbm4b:s15+s3] =	stream.linear.scatter [tilespmem:s2], [sflag:$0x7], $0x400, $0x38;
	[tilespmem:$0x1E000] =	vst v63  }
0x37b: {  	s17 =	sadd.s32 $0x600, s1  }
0x37c: {  	[hbm4b:s17+s3] =	stream.linear.scatter [tilespmem:s0], [sflag:$0x7], $0x400, $0x38;
	[tilespmem:$0x1E000] =	vst v63  }
0x37d: {  	s19 =	sadd.s32 $0x680, s1  }
0x37e: {  	[hbm4b:s19+s3] =	stream.linear.scatter [tilespmem:s12], [sflag:$0x7], $0x400, $0x38;
	[tilespmem:$0x1E000] =	vst v63  }
0x37f: {  	s20 =	sadd.s32 $0x700, s1  }
0x380: {  	[hbm4b:s20+s3] =	stream.linear.scatter [tilespmem:s18], [sflag:$0x7], $0x400, $0x38;
	[tilespmem:$0x1E000] =	vst v63  }
0x381: {  	s21 =	sadd.s32 $0x780, s1  }
0x382: {  	[hbm4b:s21+s3] =	stream.linear.scatter [tilespmem:s14], [sflag:$0x7], $0x400, $0x38;
	[tilespmem:$0x1E000] =	vst v63  }
0x383: {  	_ =	swait.ge [sflag:s16], $0x4000  }
0x384: {  	s25 =	sld [smem:$0x7D7]  }
0x385: {  	s2 =	sld [smem:$0x7FD]  }
0x386: {  	[sflag:s16] =	ssyncset.done $0x0  }
0x387: {  	s28 =	simm.s32 $0xA000;
	[sflag:s16] =	ssyncadd.s32 $0xFFFFC000  }
0x388: {  	[tilespmem:s28], [sflag:$0x1] =	stream.indirect.gather [hbm4b:s2+s13], $0x80, s25, s13, $0xb8;
	[tilespmem:$0x1E000] =	vst v63  }
0x389: {  	_ =	swait.ge [sflag:s26], $0x4000  }
0x38a: {  	[sflag:s26] =	ssyncset.done $0x0  }
0x38b: {  	s5 =	rddreg [dreg:$0x1c];
	[sflag:s26] =	ssyncadd.s32 $0xFFFFC000  }
0x38c: {  	[hbm4b:s5+s3] =	stream.linear.scatter [tilespmem:s28], [sflag:$0x2], $0x4000, $0x38;
	[tilespmem:$0x1E000] =	vst v63  }
0x38d: {  	_ =	swait.ge [sflag:s8], $0x4000  }
0x38e: {  	[sflag:s8] =	ssyncset.done $0x0  }
0x38f: {  	[sflag:s8] =	ssyncadd.s32 $0xFFFFC000  }
0x390: {  	_ =	swait.ge [sflag:s8], $0x4000  }
0x391: {  	[sflag:s8] =	ssyncset.done $0x0  }
0x392: {  	[sflag:s8] =	ssyncadd.s32 $0xFFFFC000  }
0x393: {  	_ =	swait.ge [sflag:s16], $0x4000  }
0x394: {  	[sflag:s16] =	ssyncset.done $0x0  }
0x395: {  	s6 =	simm.s32 $0x3;
	[sflag:s16] =	ssyncadd.s32 $0xFFFFC000  }
0x396: {  	_ =	swait.ge [sflag:s6], $0x4000  }
0x397: {  	[sflag:s6] =	ssyncset.done $0x0  }
0x398: {  	s7 =	simm.s32 $0x4;
	[sflag:s6] =	ssyncadd.s32 $0xFFFFC000  }
0x399: {  	_ =	swait.ge [sflag:s7], $0x4000  }
0x39a: {  	[sflag:s7] =	ssyncset.done $0x0  }
0x39b: {  	s9 =	simm.s32 $0x5;
	[sflag:s7] =	ssyncadd.s32 $0xFFFFC000  }
0x39c: {  	_ =	swait.ge [sflag:s9], $0x4000  }
0x39d: {  	[sflag:s9] =	ssyncset.done $0x0  }
0x39e: {  	s10 =	simm.s32 $0x6;
	[sflag:s9] =	ssyncadd.s32 $0xFFFFC000  }
0x39f: {  	_ =	swait.ge [sflag:s10], $0x4000  }
0x3a0: {  	[sflag:s10] =	ssyncset.done $0x0  }
0x3a1: {  	[sflag:s10] =	ssyncadd.s32 $0xFFFFC000  }
0x3a2: {  	v3 =	vld [tilespmem:$0x800];
	_ =	sdelay $0x4  }
0x3a3: {  	v16 =	vshll.u32 v3, $0x1  }
0x3a4: {  	v3 =	vand.u32 $0x7, v3;
	v4 =	vand.u32 $0xFFFFFFF0, v16  }
0x3a5: {  	v3 =	vor.u32 v3, v4  }
0x3a6: {  	v4 =	vperm.xlane v3, v0;
	_ =	sdelay $0x1  }
0x3a7: {  	v3 =	vperm.xlane v3, v2;
	v4 =	vadd.s32 v1, v4;
	_ =	sdelay $0x1  }
0x3a8: {  	v3 =	vadd.s32 v1, v3;
	_ =	sdelay $0x1  }
0x3a9: {  	s11 =	simm.s32 $0x2000  }
0x3aa: {  	[tilespmem:s11], [sflag:$0x1] =	stream.indirect_vreg.gather [hbm4b:s4+s3], $0x80, v4, vm0, $0xb8;
	[tilespmem:$0x1E000] =	vst v63  }
0x3ab: {  	s12 =	simm.s32 $0x2800  }
0x3ac: {  	[tilespmem:s12], [sflag:$0x1] =	stream.indirect_vreg.gather [hbm4b:s4+s3], $0x80, v3, vm0, $0xb8;
	[tilespmem:$0x1E000] =	vst v63  }
0x3ad: {  	v3 =	vld [tilespmem:$0x810];
	_ =	sdelay $0x4  }
0x3ae: {  	v17 =	vshll.u32 v3, $0x1  }
0x3af: {  	v3 =	vand.u32 $0x7, v3;
	v4 =	vand.u32 $0xFFFFFFF0, v17  }
0x3b0: {  	v3 =	vor.u32 v3, v4  }
0x3b1: {  	v4 =	vperm.xlane v3, v0;
	_ =	sdelay $0x1  }
0x3b2: {  	v3 =	vperm.xlane v3, v2;
	v4 =	vadd.s32 v1, v4;
	_ =	sdelay $0x1  }
0x3b3: {  	v3 =	vadd.s32 v1, v3;
	_ =	sdelay $0x1  }
0x3b4: {  	s14 =	simm.s32 $0x3000  }
0x3b5: {  	[tilespmem:s14], [sflag:$0x1] =	stream.indirect_vreg.gather [hbm4b:s4+s3], $0x80, v4, vm0, $0xb8;
	[tilespmem:$0x1E000] =	vst v63  }
0x3b6: {  	s15 =	simm.s32 $0x3800  }
0x3b7: {  	[tilespmem:s15], [sflag:$0x1] =	stream.indirect_vreg.gather [hbm4b:s4+s3], $0x80, v3, vm0, $0xb8;
	[tilespmem:$0x1E000] =	vst v63  }
0x3b8: {  	v3 =	vld [tilespmem:$0x820];
	_ =	sdelay $0x4  }
0x3b9: {  	v18 =	vshll.u32 v3, $0x1  }
0x3ba: {  	v3 =	vand.u32 $0x7, v3;
	v4 =	vand.u32 $0xFFFFFFF0, v18  }
0x3bb: {  	v3 =	vor.u32 v3, v4  }
0x3bc: {  	v4 =	vperm.xlane v3, v0;
	_ =	sdelay $0x1  }
0x3bd: {  	v3 =	vperm.xlane v3, v2;
	v4 =	vadd.s32 v1, v4;
	_ =	sdelay $0x1  }
0x3be: {  	v3 =	vadd.s32 v1, v3;
	_ =	sdelay $0x1  }
0x3bf: {  	s17 =	simm.s32 $0x4000  }
0x3c0: {  	[tilespmem:s17], [sflag:$0x1] =	stream.indirect_vreg.gather [hbm4b:s4+s3], $0x80, v4, vm0, $0xb8;
	[tilespmem:$0x1E000] =	vst v63  }
0x3c1: {  	s18 =	simm.s32 $0x4800  }
0x3c2: {  	[tilespmem:s18], [sflag:$0x1] =	stream.indirect_vreg.gather [hbm4b:s4+s3], $0x80, v3, vm0, $0xb8;
	[tilespmem:$0x1E000] =	vst v63  }
0x3c3: {  	v3 =	vld [tilespmem:$0x830];
	_ =	sdelay $0x4  }
0x3c4: {  	v19 =	vshll.u32 v3, $0x1  }
0x3c5: {  	v3 =	vand.u32 $0x7, v3;
	v4 =	vand.u32 $0xFFFFFFF0, v19  }
0x3c6: {  	v3 =	vor.u32 v3, v4  }
0x3c7: {  	v4 =	vperm.xlane v3, v0;
	_ =	sdelay $0x1  }
0x3c8: {  	v3 =	vperm.xlane v3, v2;
	v4 =	vadd.s32 v1, v4;
	_ =	sdelay $0x1  }
0x3c9: {  	v3 =	vadd.s32 v1, v3;
	_ =	sdelay $0x1  }
0x3ca: {  	s19 =	simm.s32 $0x5000  }
0x3cb: {  	[tilespmem:s19], [sflag:$0x1] =	stream.indirect_vreg.gather [hbm4b:s4+s3], $0x80, v4, vm0, $0xb8;
	[tilespmem:$0x1E000] =	vst v63  }
0x3cc: {  	_ = 	snop  }
0x3cd: {  	[tilespmem:s31], [sflag:$0x1] =	stream.indirect_vreg.gather [hbm4b:s4+s3], $0x80, v3, vm0, $0xb8;
	[tilespmem:$0x1E000] =	vst v63  }
0x3ce: {  	v3 =	vld [tilespmem:$0x840];
	_ =	sdelay $0x4  }
0x3cf: {  	v20 =	vshll.u32 v3, $0x1  }
0x3d0: {  	v3 =	vand.u32 $0x7, v3;
	v4 =	vand.u32 $0xFFFFFFF0, v20  }
0x3d1: {  	v3 =	vor.u32 v3, v4  }
0x3d2: {  	v4 =	vperm.xlane v3, v0;
	_ =	sdelay $0x1  }
0x3d3: {  	v3 =	vperm.xlane v3, v2;
	v4 =	vadd.s32 v1, v4;
	_ =	sdelay $0x1  }
0x3d4: {  	v3 =	vadd.s32 v1, v3;
	_ =	sdelay $0x1  }
0x3d5: {  	s20 =	simm.s32 $0x6000  }
0x3d6: {  	[tilespmem:s20], [sflag:$0x1] =	stream.indirect_vreg.gather [hbm4b:s4+s3], $0x80, v4, vm0, $0xb8;
	[tilespmem:$0x1E000] =	vst v63  }
0x3d7: {  	s21 =	simm.s32 $0x6800  }
0x3d8: {  	[tilespmem:s21], [sflag:$0x1] =	stream.indirect_vreg.gather [hbm4b:s4+s3], $0x80, v3, vm0, $0xb8;
	[tilespmem:$0x1E000] =	vst v63  }
0x3d9: {  	v3 =	vld [tilespmem:$0x850];
	_ =	sdelay $0x4  }
0x3da: {  	v21 =	vshll.u32 v3, $0x1  }
0x3db: {  	v3 =	vand.u32 $0x7, v3;
	v4 =	vand.u32 $0xFFFFFFF0, v21  }
0x3dc: {  	v3 =	vor.u32 v3, v4  }
0x3dd: {  	v4 =	vperm.xlane v3, v0;
	_ =	sdelay $0x1  }
0x3de: {  	v3 =	vperm.xlane v3, v2;
	v4 =	vadd.s32 v1, v4;
	_ =	sdelay $0x1  }
0x3df: {  	v3 =	vadd.s32 v1, v3;
	_ =	sdelay $0x1  }
0x3e0: {  	s14 =	simm.s32 $0x7000  }
0x3e1: {  	[tilespmem:s14], [sflag:$0x1] =	stream.indirect_vreg.gather [hbm4b:s4+s3], $0x80, v4, vm0, $0xb8;
	[tilespmem:$0x1E000] =	vst v63  }
0x3e2: {  	s30 =	simm.s32 $0x7800  }
0x3e3: {  	[tilespmem:s30], [sflag:$0x1] =	stream.indirect_vreg.gather [hbm4b:s4+s3], $0x80, v3, vm0, $0xb8;
	[tilespmem:$0x1E000] =	vst v63  }
0x3e4: {  	v3 =	vld [tilespmem:$0x860];
	_ =	sdelay $0x4  }
0x3e5: {  	v22 =	vshll.u32 v3, $0x1  }
0x3e6: {  	v3 =	vand.u32 $0x7, v3;
	v4 =	vand.u32 $0xFFFFFFF0, v22  }
0x3e7: {  	v3 =	vor.u32 v3, v4  }
0x3e8: {  	v4 =	vperm.xlane v3, v0;
	_ =	sdelay $0x1  }
0x3e9: {  	v3 =	vperm.xlane v3, v2;
	v4 =	vadd.s32 v1, v4;
	_ =	sdelay $0x1  }
0x3ea: {  	v3 =	vadd.s32 v1, v3;
	_ =	sdelay $0x2  }
0x3eb: {  	[tilespmem:s29], [sflag:$0x1] =	stream.indirect_vreg.gather [hbm4b:s4+s3], $0x80, v4, vm0, $0xb8;
	[tilespmem:$0x1E000] =	vst v63  }
0x3ec: {  	s25 =	simm.s32 $0x8800  }
0x3ed: {  	[tilespmem:s25], [sflag:$0x1] =	stream.indirect_vreg.gather [hbm4b:s4+s3], $0x80, v3, vm0, $0xb8;
	[tilespmem:$0x1E000] =	vst v63  }
0x3ee: {  	v3 =	vld [tilespmem:$0x870];
	_ =	sdelay $0x4  }
0x3ef: {  	v23 =	vshll.u32 v3, $0x1  }
0x3f0: {  	v3 =	vand.u32 $0x7, v3;
	v4 =	vand.u32 $0xFFFFFFF0, v23  }
0x3f1: {  	v3 =	vor.u32 v3, v4  }
0x3f2: {  	v4 =	vperm.xlane v3, v0;
	_ =	sdelay $0x1  }
0x3f3: {  	s28 =	sld [smem:$0x7D9];
	v3 =	vperm.xlane v3, v2;
	v4 =	vadd.s32 v1, v4  }
0x3f4: {  	s6 =	sld [smem:$0x7DD]  }
0x3f5: {  	s12 =	sld [smem:$0x7D6];
	v3 =	vadd.s32 v1, v3  }
0x3f6: {  	s17 =	sld [smem:$0x7DF]  }
0x3f7: {  	s1 =	simm.s32 $0x9000;
	s19 =	sld [smem:$0x7D8]  }
0x3f8: {  	[tilespmem:s1], [sflag:$0x1] =	stream.indirect_vreg.gather [hbm4b:s4+s3], $0x80, v4, vm0, $0xb8;
	[tilespmem:$0x1E000] =	vst v63  }
0x3f9: {  	s24 =	simm.s32 $0x9800;
	s30 =	sld [smem:$0x7D4]  }
0x3fa: {  	[tilespmem:s24], [sflag:$0x1] =	stream.indirect_vreg.gather [hbm4b:s4+s3], $0x80, v3, vm0, $0xb8;
	[tilespmem:$0x1E000] =	vst v63  }
0x3fb: {  	s31 =	simm.s32 $0xA000;
	s29 =	sld [smem:$0x7DB]  }
0x3fc: {  	[tilespmem:s31], [sflag:$0x1] =	stream.indirect.gather [hbm4b:s30+s13], $0x80, s28, s13, $0xb8;
	[tilespmem:$0x1E000] =	vst v63  }
0x3fd: {  	s7 =	simm.s32 $0xE000;
	s20 =	sld [smem:$0x7E1]  }
0x3fe: {  	[tilespmem:s7], [sflag:$0x1] =	stream.indirect.gather [hbm4b:s12+s13], $0x80, s29, s13, $0xb8;
	[tilespmem:$0x1E000] =	vst v63  }
0x3ff: {  	s18 =	simm.s32 $0x12000;
	s24 =	sld [smem:$0x7DA]  }
0x400: {  	[tilespmem:s18], [sflag:$0x1] =	stream.indirect.gather [hbm4b:s19+s13], $0x80, s6, s13, $0xb8;
	[tilespmem:$0x1E000] =	vst v63  }
0x401: {  	s21 =	simm.s32 $0x16000;
	s28 =	sld [smem:$0x7DC]  }
0x402: {  	[tilespmem:s21], [sflag:$0x1] =	stream.indirect.gather [hbm4b:s24+s13], $0x80, s17, s13, $0xb8;
	[tilespmem:$0x1E000] =	vst v63  }
0x403: {  	s25 =	simm.s32 $0x1A000  }
0x404: {  	[tilespmem:s25], [sflag:$0x1] =	stream.indirect.gather [hbm4b:s28+s13], $0x80, s20, s13, $0xb8;
	[tilespmem:$0x1E000] =	vst v63  }
0x405: {  	_ =	swait.ge [sflag:s26], $0x8000  }
0x406: {  	[sflag:s26] =	ssyncset.done $0x0  }
0x407: {  	s29 =	rddreg [dreg:$0x1d];
	[sflag:s26] =	ssyncadd.s32 $0xFFFF8000  }
0x408: {  	[hbm4b:s29+s3] =	stream.linear.scatter [tilespmem:s11], [sflag:$0x7], $0x8000, $0x38;
	[tilespmem:$0x1E000] =	vst v63  }
0x409: {  	_ =	swait.ge [sflag:s26], $0x4000  }
0x40a: {  	[sflag:s26] =	ssyncset.done $0x0  }
0x40b: {  	s30 =	rddreg [dreg:$0x1e];
	[sflag:s26] =	ssyncadd.s32 $0xFFFFC000  }
0x40c: {  	[hbm4b:s30+s3] =	stream.linear.scatter [tilespmem:s31], [sflag:$0x2], $0x4000, $0x38;
	[tilespmem:$0x1E000] =	vst v63  }
0x40d: {  	_ =	swait.ge [sflag:s26], $0x4000  }
0x40e: {  	[sflag:s26] =	ssyncset.done $0x0  }
0x40f: {  	s5 =	rddreg [dreg:$0x1f];
	[sflag:s26] =	ssyncadd.s32 $0xFFFFC000  }
0x410: {  	[hbm4b:s5+s3] =	stream.linear.scatter [tilespmem:s7], [sflag:$0x3], $0x4000, $0x38;
	[tilespmem:$0x1E000] =	vst v63  }
0x411: {  	_ =	swait.ge [sflag:s26], $0x4000  }
0x412: {  	s6 =	sld [smem:$0x7AC]  }
0x413: {  	[sflag:s26] =	ssyncset.done $0x0  }
0x414: {  	[sflag:s26] =	ssyncadd.s32 $0xFFFFC000  }
0x415: {  	[hbm4b:s6+s3] =	stream.linear.scatter [tilespmem:s18], [sflag:$0x4], $0x4000, $0x38;
	[tilespmem:$0x1E000] =	vst v63  }
0x416: {  	_ =	swait.ge [sflag:s26], $0x4000  }
0x417: {  	s7 =	sld [smem:$0x7AD]  }
0x418: {  	[sflag:s26] =	ssyncset.done $0x0  }
0x419: {  	[sflag:s26] =	ssyncadd.s32 $0xFFFFC000  }
0x41a: {  	[hbm4b:s7+s3] =	stream.linear.scatter [tilespmem:s21], [sflag:$0x5], $0x4000, $0x38;
	[tilespmem:$0x1E000] =	vst v63  }
0x41b: {  	_ =	swait.ge [sflag:s26], $0x4000  }
0x41c: {  	s10 =	sld [smem:$0x7AE]  }
0x41d: {  	[sflag:s26] =	ssyncset.done $0x0  }
0x41e: {  	[sflag:s26] =	ssyncadd.s32 $0xFFFFC000  }
0x41f: {  	[hbm4b:s10+s3] =	stream.linear.scatter [tilespmem:s25], [sflag:$0x6], $0x4000, $0x38;
	[tilespmem:$0x1E000] =	vst v63  }
0x420: {  	_ =	swait.ge [sflag:s16], $0x4000  }
0x421: {  	[sflag:s16] =	ssyncset.done $0x0  }
0x422: {  	s12 =	simm.s32 $0x3;
	[sflag:s16] =	ssyncadd.s32 $0xFFFFC000  }
0x423: {  	_ =	swait.ge [sflag:s12], $0x4000  }
0x424: {  	[sflag:s12] =	ssyncset.done $0x0  }
0x425: {  	s17 =	simm.s32 $0x4;
	[sflag:s12] =	ssyncadd.s32 $0xFFFFC000  }
0x426: {  	_ =	swait.ge [sflag:s17], $0x4000  }
0x427: {  	[sflag:s17] =	ssyncset.done $0x0  }
0x428: {  	s18 =	simm.s32 $0x5;
	[sflag:s17] =	ssyncadd.s32 $0xFFFFC000  }
0x429: {  	_ =	swait.ge [sflag:s18], $0x4000  }
0x42a: {  	[sflag:s18] =	ssyncset.done $0x0  }
0x42b: {  	s20 =	simm.s32 $0x6;
	[sflag:s18] =	ssyncadd.s32 $0xFFFFC000  }
0x42c: {  	_ =	swait.ge [sflag:s20], $0x4000  }
0x42d: {  	[sflag:s20] =	ssyncset.done $0x0  }
0x42e: {  	[sflag:s20] =	ssyncadd.s32 $0xFFFFC000  }
0x42f: {  	_ =	swait.ge [sflag:s8], $0x8000  }
0x430: {  	s21 =	sld [smem:$0x7E3]  }
0x431: {  	s24 =	sld [smem:$0x7E5]  }
0x432: {  	s25 =	sld [smem:$0x7DE]  }
0x433: {  	s28 =	sld [smem:$0x7E6]  }
0x434: {  	[sflag:s8] =	ssyncset.done $0x0;
	s30 =	sld [smem:$0x7E7]  }
0x435: {  	s11 =	sld [smem:$0x7E8];
	[sflag:s8] =	ssyncadd.s32 $0xFFFF8000  }
0x436: {  	s31 =	simm.s32 $0xA000;
	s29 =	rddreg [dreg:$0x2]  }
0x437: {  	[tilespmem:s31], [sflag:$0x1] =	stream.indirect.gather [hbm4b:s25+s13], $0x80, s21, s13, $0xb8;
	[tilespmem:$0x1E000] =	vst v63  }
0x438: {  	s19 =	simm.s32 $0xE000;
	s31 =	sld [smem:$0x7E0]  }
0x439: {  	[tilespmem:s19], [sflag:$0x1] =	stream.indirect.gather [hbm4b:s29+s13], $0x80, s24, s13, $0xb8;
	[tilespmem:$0x1E000] =	vst v63  }
0x43a: {  	s6 =	simm.s32 $0x12000;
	s12 =	sld [smem:$0x7E2]  }
0x43b: {  	[tilespmem:s6], [sflag:$0x1] =	stream.indirect.gather [hbm4b:s31+s13], $0x80, s28, s13, $0xb8;
	[tilespmem:$0x1E000] =	vst v63  }
0x43c: {  	s7 =	simm.s32 $0x16000;
	s17 =	sld [smem:$0x7E4]  }
0x43d: {  	[tilespmem:s7], [sflag:$0x1] =	stream.indirect.gather [hbm4b:s12+s13], $0x80, s30, s13, $0xb8;
	[tilespmem:$0x1E000] =	vst v63  }
0x43e: {  	s5 =	simm.s32 $0x1A000  }
0x43f: {  	[tilespmem:s5], [sflag:$0x1] =	stream.indirect.gather [hbm4b:s17+s13], $0x80, s11, s13, $0xb8;
	[tilespmem:$0x1E000] =	vst v63  }
0x440: {  	v3 =	vld [tilespmem:$0x1980];
	_ =	sdelay $0x4  }
0x441: {  	v24 =	vperm.xlane v3, v0;
	_ =	sdelay $0x1  }
0x442: {  	v3 =	vperm.xlane v3, v2;
	v4 =	vadd.s32 v1, v24;
	_ =	sdelay $0x1  }
0x443: {  	v3 =	vadd.s32 v1, v3;
	_ =	sdelay $0x1  }
0x444: {  	s2 =	simm.s32 $0x2000  }
0x445: {  	[tilespmem:s2], [sflag:$0x1] =	stream.indirect_vreg.gather [hbm4b:s22+s3], $0x80, v4, vm1, $0xb8;
	[tilespmem:$0x1E000] =	vst v63  }
0x446: {  	s18 =	simm.s32 $0x2800  }
0x447: {  	[tilespmem:s18], [sflag:$0x1] =	stream.indirect_vreg.gather [hbm4b:s22+s3], $0x80, v3, vm1, $0xb8;
	[tilespmem:$0x1E000] =	vst v63  }
0x448: {  	v3 =	vld [tilespmem:$0x1990];
	_ =	sdelay $0x4  }
0x449: {  	v25 =	vperm.xlane v3, v0;
	_ =	sdelay $0x1  }
0x44a: {  	v3 =	vperm.xlane v3, v2;
	v4 =	vadd.s32 v1, v25;
	_ =	sdelay $0x1  }
0x44b: {  	v3 =	vadd.s32 v1, v3;
	_ =	sdelay $0x1  }
0x44c: {  	s20 =	simm.s32 $0x3000  }
0x44d: {  	[tilespmem:s20], [sflag:$0x1] =	stream.indirect_vreg.gather [hbm4b:s22+s3], $0x80, v4, vm1, $0xb8;
	[tilespmem:$0x1E000] =	vst v63  }
0x44e: {  	s15 =	simm.s32 $0x3800  }
0x44f: {  	[tilespmem:s15], [sflag:$0x1] =	stream.indirect_vreg.gather [hbm4b:s22+s3], $0x80, v3, vm1, $0xb8;
	[tilespmem:$0x1E000] =	vst v63  }
0x450: {  	v3 =	vld [tilespmem:$0x19A0];
	_ =	sdelay $0x4  }
0x451: {  	v26 =	vperm.xlane v3, v0;
	_ =	sdelay $0x1  }
0x452: {  	v3 =	vperm.xlane v3, v2;
	v4 =	vadd.s32 v1, v26;
	_ =	sdelay $0x1  }
0x453: {  	v3 =	vadd.s32 v1, v3;
	_ =	sdelay $0x1  }
0x454: {  	s21 =	simm.s32 $0x4000  }
0x455: {  	[tilespmem:s21], [sflag:$0x1] =	stream.indirect_vreg.gather [hbm4b:s22+s3], $0x80, v4, vm1, $0xb8;
	[tilespmem:$0x1E000] =	vst v63  }
0x456: {  	s24 =	simm.s32 $0x4800  }
0x457: {  	[tilespmem:s24], [sflag:$0x1] =	stream.indirect_vreg.gather [hbm4b:s22+s3], $0x80, v3, vm1, $0xb8;
	[tilespmem:$0x1E000] =	vst v63  }
0x458: {  	v3 =	vld [tilespmem:$0x19B0];
	_ =	sdelay $0x4  }
0x459: {  	v27 =	vperm.xlane v3, v0;
	_ =	sdelay $0x1  }
0x45a: {  	v3 =	vperm.xlane v3, v2;
	v4 =	vadd.s32 v1, v27;
	_ =	sdelay $0x1  }
0x45b: {  	v3 =	vadd.s32 v1, v3;
	_ =	sdelay $0x1  }
0x45c: {  	s25 =	simm.s32 $0x5000  }
0x45d: {  	[tilespmem:s25], [sflag:$0x1] =	stream.indirect_vreg.gather [hbm4b:s22+s3], $0x80, v4, vm1, $0xb8;
	[tilespmem:$0x1E000] =	vst v63  }
0x45e: {  	s28 =	simm.s32 $0x5800  }
0x45f: {  	[tilespmem:s28], [sflag:$0x1] =	stream.indirect_vreg.gather [hbm4b:s22+s3], $0x80, v3, vm1, $0xb8;
	[tilespmem:$0x1E000] =	vst v63  }
0x460: {  	v3 =	vld [tilespmem:$0x19C0];
	_ =	sdelay $0x4  }
0x461: {  	v28 =	vperm.xlane v3, v0;
	_ =	sdelay $0x1  }
0x462: {  	v3 =	vperm.xlane v3, v2;
	v4 =	vadd.s32 v1, v28;
	_ =	sdelay $0x1  }
0x463: {  	v3 =	vadd.s32 v1, v3;
	_ =	sdelay $0x1  }
0x464: {  	s29 =	simm.s32 $0x6000  }
0x465: {  	[tilespmem:s29], [sflag:$0x1] =	stream.indirect_vreg.gather [hbm4b:s22+s3], $0x80, v4, vm1, $0xb8;
	[tilespmem:$0x1E000] =	vst v63  }
0x466: {  	s30 =	simm.s32 $0x6800  }
0x467: {  	[tilespmem:s30], [sflag:$0x1] =	stream.indirect_vreg.gather [hbm4b:s22+s3], $0x80, v3, vm1, $0xb8;
	[tilespmem:$0x1E000] =	vst v63  }
0x468: {  	v3 =	vld [tilespmem:$0x19D0];
	_ =	sdelay $0x4  }
0x469: {  	v29 =	vperm.xlane v3, v0;
	_ =	sdelay $0x1  }
0x46a: {  	v3 =	vperm.xlane v3, v2;
	v4 =	vadd.s32 v1, v29;
	_ =	sdelay $0x1  }
0x46b: {  	v3 =	vadd.s32 v1, v3;
	_ =	sdelay $0x2  }
0x46c: {  	[tilespmem:s14], [sflag:$0x1] =	stream.indirect_vreg.gather [hbm4b:s22+s3], $0x80, v4, vm1, $0xb8;
	[tilespmem:$0x1E000] =	vst v63  }
0x46d: {  	s29 =	simm.s32 $0x7800  }
0x46e: {  	[tilespmem:s29], [sflag:$0x1] =	stream.indirect_vreg.gather [hbm4b:s22+s3], $0x80, v3, vm1, $0xb8;
	[tilespmem:$0x1E000] =	vst v63  }
0x46f: {  	v3 =	vld [tilespmem:$0x19E0];
	_ =	sdelay $0x4  }
0x470: {  	v30 =	vperm.xlane v3, v0;
	_ =	sdelay $0x1  }
0x471: {  	v3 =	vperm.xlane v3, v2;
	v4 =	vadd.s32 v1, v30;
	_ =	sdelay $0x1  }
0x472: {  	v3 =	vadd.s32 v1, v3;
	_ =	sdelay $0x1  }
0x473: {  	s0 =	simm.s32 $0x8000  }
0x474: {  	[tilespmem:s0], [sflag:$0x1] =	stream.indirect_vreg.gather [hbm4b:s22+s3], $0x80, v4, vm1, $0xb8;
	[tilespmem:$0x1E000] =	vst v63  }
0x475: {  	s12 =	simm.s32 $0x8800  }
0x476: {  	[tilespmem:s12], [sflag:$0x1] =	stream.indirect_vreg.gather [hbm4b:s22+s3], $0x80, v3, vm1, $0xb8;
	[tilespmem:$0x1E000] =	vst v63  }
0x477: {  	v3 =	vld [tilespmem:$0x19F0];
	_ =	sdelay $0x4  }
0x478: {  	v31 =	vperm.xlane v3, v0;
	_ =	sdelay $0x1  }
0x479: {  	v3 =	vperm.xlane v3, v2;
	v4 =	vadd.s32 v1, v31;
	_ =	sdelay $0x1  }
0x47a: {  	v3 =	vadd.s32 v1, v3;
	_ =	sdelay $0x2  }
0x47b: {  	[tilespmem:s1], [sflag:$0x1] =	stream.indirect_vreg.gather [hbm4b:s22+s3], $0x80, v4, vm1, $0xb8;
	[tilespmem:$0x1E000] =	vst v63  }
0x47c: {  	s18 =	simm.s32 $0x9800  }
0x47d: {  	[tilespmem:s18], [sflag:$0x1] =	stream.indirect_vreg.gather [hbm4b:s22+s3], $0x80, v3, vm1, $0xb8;
	[tilespmem:$0x1E000] =	vst v63  }
0x47e: {  	v3 =	vld [tilespmem:$0x1A00];
	_ =	sdelay $0x4  }
0x47f: {  	v32 =	vperm.xlane v3, v0;
	_ =	sdelay $0x1  }
0x480: {  	v3 =	vperm.xlane v3, v2;
	v4 =	vadd.s32 v1, v32;
	_ =	sdelay $0x1  }
0x481: {  	v3 =	vadd.s32 v1, v3;
	_ =	sdelay $0x1  }
0x482: {  	s10 =	simm.s32 $0x2400  }
0x483: {  	[tilespmem:s10], [sflag:$0x1] =	stream.indirect_vreg.gather [hbm4b:s23+s3], $0x80, v4, vm1, $0xb8;
	[tilespmem:$0x1E000] =	vst v63  }
0x484: {  	s11 =	simm.s32 $0x2C00  }
0x485: {  	[tilespmem:s11], [sflag:$0x1] =	stream.indirect_vreg.gather [hbm4b:s23+s3], $0x80, v3, vm1, $0xb8;
	[tilespmem:$0x1E000] =	vst v63  }
0x486: {  	v3 =	vld [tilespmem:$0x1A10];
	_ =	sdelay $0x4  }
0x487: {  	v33 =	vperm.xlane v3, v0;
	_ =	sdelay $0x1  }
0x488: {  	v3 =	vperm.xlane v3, v2;
	v4 =	vadd.s32 v1, v33;
	_ =	sdelay $0x1  }
0x489: {  	v3 =	vadd.s32 v1, v3;
	_ =	sdelay $0x1  }
0x48a: {  	s14 =	simm.s32 $0x3400  }
0x48b: {  	[tilespmem:s14], [sflag:$0x1] =	stream.indirect_vreg.gather [hbm4b:s23+s3], $0x80, v4, vm1, $0xb8;
	[tilespmem:$0x1E000] =	vst v63  }
0x48c: {  	s30 =	simm.s32 $0x3C00  }
0x48d: {  	[tilespmem:s30], [sflag:$0x1] =	stream.indirect_vreg.gather [hbm4b:s23+s3], $0x80, v3, vm1, $0xb8;
	[tilespmem:$0x1E000] =	vst v63  }
0x48e: {  	v3 =	vld [tilespmem:$0x1A20];
	_ =	sdelay $0x4  }
0x48f: {  	v34 =	vperm.xlane v3, v0;
	_ =	sdelay $0x1  }
0x490: {  	v3 =	vperm.xlane v3, v2;
	v4 =	vadd.s32 v1, v34;
	_ =	sdelay $0x1  }
0x491: {  	v3 =	vadd.s32 v1, v3;
	_ =	sdelay $0x1  }
0x492: {  	s5 =	simm.s32 $0x4400  }
0x493: {  	[tilespmem:s5], [sflag:$0x1] =	stream.indirect_vreg.gather [hbm4b:s23+s3], $0x80, v4, vm1, $0xb8;
	[tilespmem:$0x1E000] =	vst v63  }
0x494: {  	s20 =	simm.s32 $0x4C00  }
0x495: {  	[tilespmem:s20], [sflag:$0x1] =	stream.indirect_vreg.gather [hbm4b:s23+s3], $0x80, v3, vm1, $0xb8;
	[tilespmem:$0x1E000] =	vst v63  }
0x496: {  	v3 =	vld [tilespmem:$0x1A30];
	_ =	sdelay $0x4  }
0x497: {  	v35 =	vperm.xlane v3, v0;
	_ =	sdelay $0x1  }
0x498: {  	v3 =	vperm.xlane v3, v2;
	v4 =	vadd.s32 v1, v35;
	_ =	sdelay $0x1  }
0x499: {  	v3 =	vadd.s32 v1, v3;
	_ =	sdelay $0x1  }
0x49a: {  	s6 =	simm.s32 $0x5400  }
0x49b: {  	[tilespmem:s6], [sflag:$0x1] =	stream.indirect_vreg.gather [hbm4b:s23+s3], $0x80, v4, vm1, $0xb8;
	[tilespmem:$0x1E000] =	vst v63  }
0x49c: {  	s28 =	simm.s32 $0x5C00  }
0x49d: {  	[tilespmem:s28], [sflag:$0x1] =	stream.indirect_vreg.gather [hbm4b:s23+s3], $0x80, v3, vm1, $0xb8;
	[tilespmem:$0x1E000] =	vst v63  }
0x49e: {  	v3 =	vld [tilespmem:$0x1A40];
	_ =	sdelay $0x4  }
0x49f: {  	v36 =	vperm.xlane v3, v0;
	_ =	sdelay $0x1  }
0x4a0: {  	v3 =	vperm.xlane v3, v2;
	v4 =	vadd.s32 v1, v36;
	_ =	sdelay $0x1  }
0x4a1: {  	v3 =	vadd.s32 v1, v3;
	_ =	sdelay $0x1  }
0x4a2: {  	s7 =	simm.s32 $0x6400  }
0x4a3: {  	[tilespmem:s7], [sflag:$0x1] =	stream.indirect_vreg.gather [hbm4b:s23+s3], $0x80, v4, vm1, $0xb8;
	[tilespmem:$0x1E000] =	vst v63  }
0x4a4: {  	s2 =	simm.s32 $0x6C00  }
0x4a5: {  	[tilespmem:s2], [sflag:$0x1] =	stream.indirect_vreg.gather [hbm4b:s23+s3], $0x80, v3, vm1, $0xb8;
	[tilespmem:$0x1E000] =	vst v63  }
0x4a6: {  	v3 =	vld [tilespmem:$0x1A50];
	_ =	sdelay $0x4  }
0x4a7: {  	v37 =	vperm.xlane v3, v0;
	_ =	sdelay $0x1  }
0x4a8: {  	v3 =	vperm.xlane v3, v2;
	v4 =	vadd.s32 v1, v37;
	_ =	sdelay $0x1  }
0x4a9: {  	v3 =	vadd.s32 v1, v3;
	_ =	sdelay $0x1  }
0x4aa: {  	s1 =	simm.s32 $0x7400  }
0x4ab: {  	[tilespmem:s1], [sflag:$0x1] =	stream.indirect_vreg.gather [hbm4b:s23+s3], $0x80, v4, vm1, $0xb8;
	[tilespmem:$0x1E000] =	vst v63  }
0x4ac: {  	s15 =	simm.s32 $0x7C00  }
0x4ad: {  	[tilespmem:s15], [sflag:$0x1] =	stream.indirect_vreg.gather [hbm4b:s23+s3], $0x80, v3, vm1, $0xb8;
	[tilespmem:$0x1E000] =	vst v63  }
0x4ae: {  	v3 =	vld [tilespmem:$0x1A60];
	_ =	sdelay $0x4  }
0x4af: {  	v38 =	vperm.xlane v3, v0;
	_ =	sdelay $0x1  }
0x4b0: {  	v3 =	vperm.xlane v3, v2;
	v4 =	vadd.s32 v1, v38;
	_ =	sdelay $0x1  }
0x4b1: {  	v3 =	vadd.s32 v1, v3;
	_ =	sdelay $0x1  }
0x4b2: {  	s21 =	simm.s32 $0x8400  }
0x4b3: {  	[tilespmem:s21], [sflag:$0x1] =	stream.indirect_vreg.gather [hbm4b:s23+s3], $0x80, v4, vm1, $0xb8;
	[tilespmem:$0x1E000] =	vst v63  }
0x4b4: {  	s25 =	simm.s32 $0x8C00  }
0x4b5: {  	[tilespmem:s25], [sflag:$0x1] =	stream.indirect_vreg.gather [hbm4b:s23+s3], $0x80, v3, vm1, $0xb8;
	[tilespmem:$0x1E000] =	vst v63  }
0x4b6: {  	v3 =	vld [tilespmem:$0x1A70];
	_ =	sdelay $0x4  }
0x4b7: {  	v39 =	vperm.xlane v3, v0;
	_ =	sdelay $0x1  }
0x4b8: {  	v3 =	vperm.xlane v3, v2;
	v4 =	vadd.s32 v1, v39;
	_ =	sdelay $0x1  }
0x4b9: {  	v3 =	vadd.s32 v1, v3;
	_ =	sdelay $0x1  }
0x4ba: {  	s17 =	simm.s32 $0x9400  }
0x4bb: {  	[tilespmem:s17], [sflag:$0x1] =	stream.indirect_vreg.gather [hbm4b:s23+s3], $0x80, v4, vm1, $0xb8;
	[tilespmem:$0x1E000] =	vst v63  }
0x4bc: {  	s24 =	simm.s32 $0x9C00  }
0x4bd: {  	[tilespmem:s24], [sflag:$0x1] =	stream.indirect_vreg.gather [hbm4b:s23+s3], $0x80, v3, vm1, $0xb8;
	[tilespmem:$0x1E000] =	vst v63  }
0x4be: {  	_ =	swait.ge [sflag:s26], $0x4000  }
0x4bf: {  	s9 =	sld [smem:$0x7AF]  }
0x4c0: {  	[sflag:s26] =	ssyncset.done $0x0  }
0x4c1: {  	s31 =	simm.s32 $0xA000;
	[sflag:s26] =	ssyncadd.s32 $0xFFFFC000  }
0x4c2: {  	[hbm4b:s9+s3] =	stream.linear.scatter [tilespmem:s31], [sflag:$0x2], $0x4000, $0x38;
	[tilespmem:$0x1E000] =	vst v63  }
0x4c3: {  	_ =	swait.ge [sflag:s26], $0x4000  }
0x4c4: {  	s31 =	sld [smem:$0x7B0]  }
0x4c5: {  	[sflag:s26] =	ssyncset.done $0x0  }
0x4c6: {  	[sflag:s26] =	ssyncadd.s32 $0xFFFFC000  }
0x4c7: {  	[hbm4b:s31+s3] =	stream.linear.scatter [tilespmem:s19], [sflag:$0x3], $0x4000, $0x38;
	[tilespmem:$0x1E000] =	vst v63  }
0x4c8: {  	_ =	swait.ge [sflag:s26], $0x4000  }
0x4c9: {  	s19 =	sld [smem:$0x7B1]  }
0x4ca: {  	[sflag:s26] =	ssyncset.done $0x0  }
0x4cb: {  	s31 =	simm.s32 $0x12000;
	[sflag:s26] =	ssyncadd.s32 $0xFFFFC000  }
0x4cc: {  	[hbm4b:s19+s3] =	stream.linear.scatter [tilespmem:s31], [sflag:$0x4], $0x4000, $0x38;
	[tilespmem:$0x1E000] =	vst v63  }
0x4cd: {  	_ =	swait.ge [sflag:s26], $0x4000  }
0x4ce: {  	s19 =	sld [smem:$0x7B2]  }
0x4cf: {  	[sflag:s26] =	ssyncset.done $0x0  }
0x4d0: {  	s31 =	simm.s32 $0x16000;
	[sflag:s26] =	ssyncadd.s32 $0xFFFFC000  }
0x4d1: {  	[hbm4b:s19+s3] =	stream.linear.scatter [tilespmem:s31], [sflag:$0x5], $0x4000, $0x38;
	[tilespmem:$0x1E000] =	vst v63  }
0x4d2: {  	_ =	swait.ge [sflag:s26], $0x4000  }
0x4d3: {  	s19 =	sld [smem:$0x7B3]  }
0x4d4: {  	[sflag:s26] =	ssyncset.done $0x0  }
0x4d5: {  	s31 =	simm.s32 $0x1A000;
	[sflag:s26] =	ssyncadd.s32 $0xFFFFC000  }
0x4d6: {  	[hbm4b:s19+s3] =	stream.linear.scatter [tilespmem:s31], [sflag:$0x6], $0x4000, $0x38;
	[tilespmem:$0x1E000] =	vst v63  }
0x4d7: {  	_ =	swait.ge [sflag:s26], $0x4000  }
0x4d8: {  	s19 =	sld [smem:$0x7F3]  }
0x4d9: {  	[sflag:s26] =	ssyncset.done $0x0  }
0x4da: {  	s31 =	simm.s32 $0x2000;
	[sflag:s26] =	ssyncadd.s32 $0xFFFFC000  }
0x4db: {  	[hbm4b:s19+s3] =	stream.linear.scatter [tilespmem:s31], [sflag:$0x7], $0x400, $0x38;
	[tilespmem:$0x1E000] =	vst v63  }
0x4dc: {  	s9 =	sadd.s32 $0x80, s19;
	s31 =	simm.s32 $0x2800  }
0x4dd: {  	[hbm4b:s9+s3] =	stream.linear.scatter [tilespmem:s31], [sflag:$0x7], $0x400, $0x38;
	[tilespmem:$0x1E000] =	vst v63  }
0x4de: {  	s9 =	sadd.s32 $0x100, s19;
	s31 =	simm.s32 $0x3000  }
0x4df: {  	[hbm4b:s9+s3] =	stream.linear.scatter [tilespmem:s31], [sflag:$0x7], $0x400, $0x38;
	[tilespmem:$0x1E000] =	vst v63  }
0x4e0: {  	s9 =	sadd.s32 $0x180, s19;
	s31 =	simm.s32 $0x3800  }
0x4e1: {  	[hbm4b:s9+s3] =	stream.linear.scatter [tilespmem:s31], [sflag:$0x7], $0x400, $0x38;
	[tilespmem:$0x1E000] =	vst v63  }
0x4e2: {  	s9 =	sadd.s32 $0x200, s19;
	s31 =	simm.s32 $0x4000  }
0x4e3: {  	[hbm4b:s9+s3] =	stream.linear.scatter [tilespmem:s31], [sflag:$0x7], $0x400, $0x38;
	[tilespmem:$0x1E000] =	vst v63  }
0x4e4: {  	s9 =	sadd.s32 $0x280, s19;
	s31 =	simm.s32 $0x4800  }
0x4e5: {  	[hbm4b:s9+s3] =	stream.linear.scatter [tilespmem:s31], [sflag:$0x7], $0x400, $0x38;
	[tilespmem:$0x1E000] =	vst v63  }
0x4e6: {  	s9 =	sadd.s32 $0x300, s19;
	s31 =	simm.s32 $0x5000  }
0x4e7: {  	[hbm4b:s9+s3] =	stream.linear.scatter [tilespmem:s31], [sflag:$0x7], $0x400, $0x38;
	[tilespmem:$0x1E000] =	vst v63  }
0x4e8: {  	s9 =	sadd.s32 $0x380, s19;
	s31 =	simm.s32 $0x5800  }
0x4e9: {  	[hbm4b:s9+s3] =	stream.linear.scatter [tilespmem:s31], [sflag:$0x7], $0x400, $0x38;
	[tilespmem:$0x1E000] =	vst v63  }
0x4ea: {  	s9 =	sadd.s32 $0x400, s19;
	s31 =	simm.s32 $0x6000  }
0x4eb: {  	[hbm4b:s9+s3] =	stream.linear.scatter [tilespmem:s31], [sflag:$0x7], $0x400, $0x38;
	[tilespmem:$0x1E000] =	vst v63  }
0x4ec: {  	s9 =	sadd.s32 $0x480, s19;
	s31 =	simm.s32 $0x6800  }
0x4ed: {  	[hbm4b:s9+s3] =	stream.linear.scatter [tilespmem:s31], [sflag:$0x7], $0x400, $0x38;
	[tilespmem:$0x1E000] =	vst v63  }
0x4ee: {  	s9 =	sadd.s32 $0x500, s19;
	s31 =	simm.s32 $0x7000  }
0x4ef: {  	[hbm4b:s9+s3] =	stream.linear.scatter [tilespmem:s31], [sflag:$0x7], $0x400, $0x38;
	[tilespmem:$0x1E000] =	vst v63  }
0x4f0: {  	s31 =	sadd.s32 $0x580, s19  }
0x4f1: {  	[hbm4b:s31+s3] =	stream.linear.scatter [tilespmem:s29], [sflag:$0x7], $0x400, $0x38;
	[tilespmem:$0x1E000] =	vst v63  }
0x4f2: {  	s29 =	sadd.s32 $0x600, s19  }
0x4f3: {  	[hbm4b:s29+s3] =	stream.linear.scatter [tilespmem:s0], [sflag:$0x7], $0x400, $0x38;
	[tilespmem:$0x1E000] =	vst v63  }
0x4f4: {  	s31 =	sadd.s32 $0x680, s19  }
0x4f5: {  	[hbm4b:s31+s3] =	stream.linear.scatter [tilespmem:s12], [sflag:$0x7], $0x400, $0x38;
	[tilespmem:$0x1E000] =	vst v63  }
0x4f6: {  	s0 =	sadd.s32 $0x700, s19;
	s12 =	simm.s32 $0x9000  }
0x4f7: {  	[hbm4b:s0+s3] =	stream.linear.scatter [tilespmem:s12], [sflag:$0x7], $0x400, $0x38;
	[tilespmem:$0x1E000] =	vst v63  }
0x4f8: {  	s29 =	sadd.s32 $0x780, s19  }
0x4f9: {  	[hbm4b:s29+s3] =	stream.linear.scatter [tilespmem:s18], [sflag:$0x7], $0x400, $0x38;
	[tilespmem:$0x1E000] =	vst v63  }
0x4fa: {  	_ =	swait.ge [sflag:s26], $0x4000  }
0x4fb: {  	s0 =	sld [smem:$0x7F5]  }
0x4fc: {  	[sflag:s26] =	ssyncset.done $0x0  }
0x4fd: {  	[sflag:s26] =	ssyncadd.s32 $0xFFFFC000  }
0x4fe: {  	[hbm4b:s0+s3] =	stream.linear.scatter [tilespmem:s10], [sflag:$0x7], $0x400, $0x38;
	[tilespmem:$0x1E000] =	vst v63  }
0x4ff: {  	s31 =	sadd.s32 $0x80, s0  }
0x500: {  	[hbm4b:s31+s3] =	stream.linear.scatter [tilespmem:s11], [sflag:$0x7], $0x400, $0x38;
	[tilespmem:$0x1E000] =	vst v63  }
0x501: {  	s10 =	sadd.s32 $0x100, s0  }
0x502: {  	[hbm4b:s10+s3] =	stream.linear.scatter [tilespmem:s14], [sflag:$0x7], $0x400, $0x38;
	[tilespmem:$0x1E000] =	vst v63  }
0x503: {  	s11 =	sadd.s32 $0x180, s0  }
0x504: {  	[hbm4b:s11+s3] =	stream.linear.scatter [tilespmem:s30], [sflag:$0x7], $0x400, $0x38;
	[tilespmem:$0x1E000] =	vst v63  }
0x505: {  	s12 =	sadd.s32 $0x200, s0  }
0x506: {  	[hbm4b:s12+s3] =	stream.linear.scatter [tilespmem:s5], [sflag:$0x7], $0x400, $0x38;
	[tilespmem:$0x1E000] =	vst v63  }
0x507: {  	s14 =	sadd.s32 $0x280, s0  }
0x508: {  	[hbm4b:s14+s3] =	stream.linear.scatter [tilespmem:s20], [sflag:$0x7], $0x400, $0x38;
	[tilespmem:$0x1E000] =	vst v63  }
0x509: {  	s18 =	sadd.s32 $0x300, s0  }
0x50a: {  	[hbm4b:s18+s3] =	stream.linear.scatter [tilespmem:s6], [sflag:$0x7], $0x400, $0x38;
	[tilespmem:$0x1E000] =	vst v63  }
0x50b: {  	s19 =	sadd.s32 $0x380, s0  }
0x50c: {  	[hbm4b:s19+s3] =	stream.linear.scatter [tilespmem:s28], [sflag:$0x7], $0x400, $0x38;
	[tilespmem:$0x1E000] =	vst v63  }
0x50d: {  	s20 =	sadd.s32 $0x400, s0  }
0x50e: {  	[hbm4b:s20+s3] =	stream.linear.scatter [tilespmem:s7], [sflag:$0x7], $0x400, $0x38;
	[tilespmem:$0x1E000] =	vst v63  }
0x50f: {  	s28 =	sadd.s32 $0x480, s0  }
0x510: {  	[hbm4b:s28+s3] =	stream.linear.scatter [tilespmem:s2], [sflag:$0x7], $0x400, $0x38;
	[tilespmem:$0x1E000] =	vst v63  }
0x511: {  	s30 =	sadd.s32 $0x500, s0  }
0x512: {  	[hbm4b:s30+s3] =	stream.linear.scatter [tilespmem:s1], [sflag:$0x7], $0x400, $0x38;
	[tilespmem:$0x1E000] =	vst v63  }
0x513: {  	s31 =	sadd.s32 $0x580, s0  }
0x514: {  	[hbm4b:s31+s3] =	stream.linear.scatter [tilespmem:s15], [sflag:$0x7], $0x400, $0x38;
	[tilespmem:$0x1E000] =	vst v63  }
0x515: {  	s1 =	sadd.s32 $0x600, s0  }
0x516: {  	[hbm4b:s1+s3] =	stream.linear.scatter [tilespmem:s21], [sflag:$0x7], $0x400, $0x38;
	[tilespmem:$0x1E000] =	vst v63  }
0x517: {  	s2 =	sadd.s32 $0x680, s0  }
0x518: {  	[hbm4b:s2+s3] =	stream.linear.scatter [tilespmem:s25], [sflag:$0x7], $0x400, $0x38;
	[tilespmem:$0x1E000] =	vst v63  }
0x519: {  	s5 =	sadd.s32 $0x700, s0  }
0x51a: {  	[hbm4b:s5+s3] =	stream.linear.scatter [tilespmem:s17], [sflag:$0x7], $0x400, $0x38;
	[tilespmem:$0x1E000] =	vst v63  }
0x51b: {  	s6 =	sadd.s32 $0x780, s0  }
0x51c: {  	[hbm4b:s6+s3] =	stream.linear.scatter [tilespmem:s24], [sflag:$0x7], $0x400, $0x38;
	[tilespmem:$0x1E000] =	vst v63  }
0x51d: {  	_ =	swait.ge [sflag:s16], $0x4000  }
0x51e: {  	s7 =	sld [smem:$0x7E9]  }
0x51f: {  	s11 =	sld [smem:$0x7FD]  }
0x520: {  	[sflag:s16] =	ssyncset.done $0x0  }
0x521: {  	s10 =	simm.s32 $0xA000;
	[sflag:s16] =	ssyncadd.s32 $0xFFFFC000  }
0x522: {  	[tilespmem:s10], [sflag:$0x1] =	stream.indirect.gather [hbm4b:s11+s13], $0x80, s7, s13, $0xb8;
	[tilespmem:$0x1E000] =	vst v63  }
0x523: {  	_ =	swait.ge [sflag:s26], $0x4000  }
0x524: {  	s12 =	sld [smem:$0x7B4]  }
0x525: {  	[sflag:s26] =	ssyncset.done $0x0  }
0x526: {  	[sflag:s26] =	ssyncadd.s32 $0xFFFFC000  }
0x527: {  	[hbm4b:s12+s3] =	stream.linear.scatter [tilespmem:s10], [sflag:$0x2], $0x4000, $0x38;
	[tilespmem:$0x1E000] =	vst v63  }
0x528: {  	_ =	swait.ge [sflag:s8], $0x4000  }
0x529: {  	[sflag:s8] =	ssyncset.done $0x0  }
0x52a: {  	[sflag:s8] =	ssyncadd.s32 $0xFFFFC000  }
0x52b: {  	_ =	swait.ge [sflag:s8], $0x4000  }
0x52c: {  	[sflag:s8] =	ssyncset.done $0x0  }
0x52d: {  	[sflag:s8] =	ssyncadd.s32 $0xFFFFC000  }
0x52e: {  	_ =	swait.ge [sflag:s16], $0x4000  }
0x52f: {  	[sflag:s16] =	ssyncset.done $0x0  }
0x530: {  	s14 =	simm.s32 $0x3;
	[sflag:s16] =	ssyncadd.s32 $0xFFFFC000  }
0x531: {  	_ =	swait.ge [sflag:s14], $0x4000  }
0x532: {  	[sflag:s14] =	ssyncset.done $0x0  }
0x533: {  	s15 =	simm.s32 $0x4;
	[sflag:s14] =	ssyncadd.s32 $0xFFFFC000  }
0x534: {  	_ =	swait.ge [sflag:s15], $0x4000  }
0x535: {  	[sflag:s15] =	ssyncset.done $0x0  }
0x536: {  	s17 =	simm.s32 $0x5;
	[sflag:s15] =	ssyncadd.s32 $0xFFFFC000  }
0x537: {  	_ =	swait.ge [sflag:s17], $0x4000  }
0x538: {  	[sflag:s17] =	ssyncset.done $0x0  }
0x539: {  	s18 =	simm.s32 $0x6;
	[sflag:s17] =	ssyncadd.s32 $0xFFFFC000  }
0x53a: {  	_ =	swait.ge [sflag:s18], $0x4000  }
0x53b: {  	[sflag:s18] =	ssyncset.done $0x0  }
0x53c: {  	[sflag:s18] =	ssyncadd.s32 $0xFFFFC000  }
0x53d: {  	v3 =	vld [tilespmem:$0xC00];
	_ =	sdelay $0x4  }
0x53e: {  	v40 =	vshll.u32 v3, $0x1  }
0x53f: {  	v3 =	vand.u32 $0x7, v3;
	v4 =	vand.u32 $0xFFFFFFF0, v40  }
0x540: {  	v3 =	vor.u32 v3, v4  }
0x541: {  	v4 =	vperm.xlane v3, v0;
	_ =	sdelay $0x1  }
0x542: {  	v3 =	vperm.xlane v3, v2;
	v4 =	vadd.s32 v1, v4;
	_ =	sdelay $0x1  }
0x543: {  	v3 =	vadd.s32 v1, v3;
	_ =	sdelay $0x1  }
0x544: {  	s2 =	simm.s32 $0x2000  }
0x545: {  	[tilespmem:s2], [sflag:$0x1] =	stream.indirect_vreg.gather [hbm4b:s4+s3], $0x80, v4, vm0, $0xb8;
	[tilespmem:$0x1E000] =	vst v63  }
0x546: {  	s12 =	simm.s32 $0x2800  }
0x547: {  	[tilespmem:s12], [sflag:$0x1] =	stream.indirect_vreg.gather [hbm4b:s4+s3], $0x80, v3, vm0, $0xb8;
	[tilespmem:$0x1E000] =	vst v63  }
0x548: {  	v3 =	vld [tilespmem:$0xC10];
	_ =	sdelay $0x4  }
0x549: {  	v41 =	vshll.u32 v3, $0x1  }
0x54a: {  	v3 =	vand.u32 $0x7, v3;
	v4 =	vand.u32 $0xFFFFFFF0, v41  }
0x54b: {  	v3 =	vor.u32 v3, v4  }
0x54c: {  	v4 =	vperm.xlane v3, v0;
	_ =	sdelay $0x1  }
0x54d: {  	v3 =	vperm.xlane v3, v2;
	v4 =	vadd.s32 v1, v4;
	_ =	sdelay $0x1  }
0x54e: {  	v3 =	vadd.s32 v1, v3;
	_ =	sdelay $0x1  }
0x54f: {  	s14 =	simm.s32 $0x3000  }
0x550: {  	[tilespmem:s14], [sflag:$0x1] =	stream.indirect_vreg.gather [hbm4b:s4+s3], $0x80, v4, vm0, $0xb8;
	[tilespmem:$0x1E000] =	vst v63  }
0x551: {  	s30 =	simm.s32 $0x3800  }
0x552: {  	[tilespmem:s30], [sflag:$0x1] =	stream.indirect_vreg.gather [hbm4b:s4+s3], $0x80, v3, vm0, $0xb8;
	[tilespmem:$0x1E000] =	vst v63  }
0x553: {  	v3 =	vld [tilespmem:$0xC20];
	_ =	sdelay $0x4  }
0x554: {  	v42 =	vshll.u32 v3, $0x1  }
0x555: {  	v3 =	vand.u32 $0x7, v3;
	v4 =	vand.u32 $0xFFFFFFF0, v42  }
0x556: {  	v3 =	vor.u32 v3, v4  }
0x557: {  	v4 =	vperm.xlane v3, v0;
	_ =	sdelay $0x1  }
0x558: {  	v3 =	vperm.xlane v3, v2;
	v4 =	vadd.s32 v1, v4;
	_ =	sdelay $0x1  }
0x559: {  	v3 =	vadd.s32 v1, v3;
	_ =	sdelay $0x1  }
0x55a: {  	s11 =	simm.s32 $0x4000  }
0x55b: {  	[tilespmem:s11], [sflag:$0x1] =	stream.indirect_vreg.gather [hbm4b:s4+s3], $0x80, v4, vm0, $0xb8;
	[tilespmem:$0x1E000] =	vst v63  }
0x55c: {  	s19 =	simm.s32 $0x4800  }
0x55d: {  	[tilespmem:s19], [sflag:$0x1] =	stream.indirect_vreg.gather [hbm4b:s4+s3], $0x80, v3, vm0, $0xb8;
	[tilespmem:$0x1E000] =	vst v63  }
0x55e: {  	v3 =	vld [tilespmem:$0xC30];
	_ =	sdelay $0x4  }
0x55f: {  	v43 =	vshll.u32 v3, $0x1  }
0x560: {  	v3 =	vand.u32 $0x7, v3;
	v4 =	vand.u32 $0xFFFFFFF0, v43  }
0x561: {  	v3 =	vor.u32 v3, v4  }
0x562: {  	v4 =	vperm.xlane v3, v0;
	_ =	sdelay $0x1  }
0x563: {  	v3 =	vperm.xlane v3, v2;
	v4 =	vadd.s32 v1, v4;
	_ =	sdelay $0x1  }
0x564: {  	v3 =	vadd.s32 v1, v3;
	_ =	sdelay $0x1  }
0x565: {  	s18 =	simm.s32 $0x5000  }
0x566: {  	[tilespmem:s18], [sflag:$0x1] =	stream.indirect_vreg.gather [hbm4b:s4+s3], $0x80, v4, vm0, $0xb8;
	[tilespmem:$0x1E000] =	vst v63  }
0x567: {  	s21 =	simm.s32 $0x5800  }
0x568: {  	[tilespmem:s21], [sflag:$0x1] =	stream.indirect_vreg.gather [hbm4b:s4+s3], $0x80, v3, vm0, $0xb8;
	[tilespmem:$0x1E000] =	vst v63  }
0x569: {  	v3 =	vld [tilespmem:$0xC40];
	_ =	sdelay $0x4  }
0x56a: {  	v44 =	vshll.u32 v3, $0x1  }
0x56b: {  	v3 =	vand.u32 $0x7, v3;
	v4 =	vand.u32 $0xFFFFFFF0, v44  }
0x56c: {  	v3 =	vor.u32 v3, v4  }
0x56d: {  	v4 =	vperm.xlane v3, v0;
	_ =	sdelay $0x1  }
0x56e: {  	v3 =	vperm.xlane v3, v2;
	v4 =	vadd.s32 v1, v4;
	_ =	sdelay $0x1  }
0x56f: {  	v3 =	vadd.s32 v1, v3;
	_ =	sdelay $0x1  }
0x570: {  	s20 =	simm.s32 $0x6000  }
0x571: {  	[tilespmem:s20], [sflag:$0x1] =	stream.indirect_vreg.gather [hbm4b:s4+s3], $0x80, v4, vm0, $0xb8;
	[tilespmem:$0x1E000] =	vst v63  }
0x572: {  	s24 =	simm.s32 $0x6800  }
0x573: {  	[tilespmem:s24], [sflag:$0x1] =	stream.indirect_vreg.gather [hbm4b:s4+s3], $0x80, v3, vm0, $0xb8;
	[tilespmem:$0x1E000] =	vst v63  }
0x574: {  	v3 =	vld [tilespmem:$0xC50];
	_ =	sdelay $0x4  }
0x575: {  	v45 =	vshll.u32 v3, $0x1  }
0x576: {  	v3 =	vand.u32 $0x7, v3;
	v4 =	vand.u32 $0xFFFFFFF0, v45  }
0x577: {  	v3 =	vor.u32 v3, v4  }
0x578: {  	v4 =	vperm.xlane v3, v0;
	_ =	sdelay $0x1  }
0x579: {  	v3 =	vperm.xlane v3, v2;
	v4 =	vadd.s32 v1, v4;
	_ =	sdelay $0x1  }
0x57a: {  	v3 =	vadd.s32 v1, v3;
	_ =	sdelay $0x1  }
0x57b: {  	s17 =	simm.s32 $0x7000  }
0x57c: {  	[tilespmem:s17], [sflag:$0x1] =	stream.indirect_vreg.gather [hbm4b:s4+s3], $0x80, v4, vm0, $0xb8;
	[tilespmem:$0x1E000] =	vst v63  }
0x57d: {  	s7 =	simm.s32 $0x7800  }
0x57e: {  	[tilespmem:s7], [sflag:$0x1] =	stream.indirect_vreg.gather [hbm4b:s4+s3], $0x80, v3, vm0, $0xb8;
	[tilespmem:$0x1E000] =	vst v63  }
0x57f: {  	v3 =	vld [tilespmem:$0xC60];
	_ =	sdelay $0x4  }
0x580: {  	v46 =	vshll.u32 v3, $0x1  }
0x581: {  	v3 =	vand.u32 $0x7, v3;
	v4 =	vand.u32 $0xFFFFFFF0, v46  }
0x582: {  	v3 =	vor.u32 v3, v4  }
0x583: {  	v4 =	vperm.xlane v3, v0;
	_ =	sdelay $0x1  }
0x584: {  	v3 =	vperm.xlane v3, v2;
	v4 =	vadd.s32 v1, v4;
	_ =	sdelay $0x1  }
0x585: {  	v3 =	vadd.s32 v1, v3;
	_ =	sdelay $0x1  }
0x586: {  	s5 =	simm.s32 $0x8000  }
0x587: {  	[tilespmem:s5], [sflag:$0x1] =	stream.indirect_vreg.gather [hbm4b:s4+s3], $0x80, v4, vm0, $0xb8;
	[tilespmem:$0x1E000] =	vst v63  }
0x588: {  	s15 =	simm.s32 $0x8800  }
0x589: {  	[tilespmem:s15], [sflag:$0x1] =	stream.indirect_vreg.gather [hbm4b:s4+s3], $0x80, v3, vm0, $0xb8;
	[tilespmem:$0x1E000] =	vst v63  }
0x58a: {  	v3 =	vld [tilespmem:$0xC70];
	_ =	sdelay $0x4  }
0x58b: {  	v47 =	vshll.u32 v3, $0x1  }
0x58c: {  	v3 =	vand.u32 $0x7, v3;
	v4 =	vand.u32 $0xFFFFFFF0, v47  }
0x58d: {  	v3 =	vor.u32 v3, v4  }
0x58e: {  	v4 =	vperm.xlane v3, v0;
	_ =	sdelay $0x1  }
0x58f: {  	v3 =	vperm.xlane v3, v2;
	v4 =	vadd.s32 v1, v4;
	_ =	sdelay $0x1  }
0x590: {  	s25 =	sld [smem:$0x7EA];
	v3 =	vadd.s32 v1, v3  }
0x591: {  	s31 =	sld [smem:$0x7EC]  }
0x592: {  	s1 =	sld [smem:$0x7D4];
	s20 =	simm.s32 $0x9000  }
0x593: {  	[tilespmem:s20], [sflag:$0x1] =	stream.indirect_vreg.gather [hbm4b:s4+s3], $0x80, v4, vm0, $0xb8;
	[tilespmem:$0x1E000] =	vst v63  }
0x594: {  	s29 =	simm.s32 $0x9800;
	s6 =	sld [smem:$0x7EE]  }
0x595: {  	[tilespmem:s29], [sflag:$0x1] =	stream.indirect_vreg.gather [hbm4b:s4+s3], $0x80, v3, vm0, $0xb8;
	[tilespmem:$0x1E000] =	vst v63  }
0x596: {  	s28 =	simm.s32 $0xA000;
	s24 =	sld [smem:$0x7D6]  }
0x597: {  	[tilespmem:s28], [sflag:$0x1] =	stream.indirect.gather [hbm4b:s1+s13], $0x80, s25, s13, $0xb8;
	[tilespmem:$0x1E000] =	vst v63  }
0x598: {  	s25 =	sld [smem:$0x7F0]  }
0x599: {  	s29 =	simm.s32 $0xE000;
	s1 =	sld [smem:$0x7D8]  }
0x59a: {  	[tilespmem:s29], [sflag:$0x1] =	stream.indirect.gather [hbm4b:s24+s13], $0x80, s31, s13, $0xb8;
	[tilespmem:$0x1E000] =	vst v63  }
0x59b: {  	s31 =	simm.s32 $0x12000;
	s24 =	sld [smem:$0x7DA]  }
0x59c: {  	[tilespmem:s31], [sflag:$0x1] =	stream.indirect.gather [hbm4b:s1+s13], $0x80, s6, s13, $0xb8;
	[tilespmem:$0x1E000] =	vst v63  }
0x59d: {  	s0 =	simm.s32 $0x16000;
	s6 =	sld [smem:$0x7F2]  }
0x59e: {  	[tilespmem:s0], [sflag:$0x1] =	stream.indirect.gather [hbm4b:s24+s13], $0x80, s25, s13, $0xb8;
	[tilespmem:$0x1E000] =	vst v63  }
0x59f: {  	s25 =	sld [smem:$0x7DC];
	_ =	sdelay $0x1  }
0x5a0: {  	s10 =	simm.s32 $0x1A000  }
0x5a1: {  	[tilespmem:s10], [sflag:$0x1] =	stream.indirect.gather [hbm4b:s25+s13], $0x80, s6, s13, $0xb8;
	[tilespmem:$0x1E000] =	vst v63  }
0x5a2: {  	_ =	swait.ge [sflag:s26], $0x8000  }
0x5a3: {  	s1 =	sld [smem:$0x7B5]  }
0x5a4: {  	[sflag:s26] =	ssyncset.done $0x0  }
0x5a5: {  	[sflag:s26] =	ssyncadd.s32 $0xFFFF8000  }
0x5a6: {  	[hbm4b:s1+s3] =	stream.linear.scatter [tilespmem:s2], [sflag:$0x7], $0x8000, $0x38;
	[tilespmem:$0x1E000] =	vst v63  }
0x5a7: {  	_ =	swait.ge [sflag:s26], $0x4000  }
0x5a8: {  	s6 =	sld [smem:$0x7B6]  }
0x5a9: {  	[sflag:s26] =	ssyncset.done $0x0  }
0x5aa: {  	[sflag:s26] =	ssyncadd.s32 $0xFFFFC000  }
0x5ab: {  	[hbm4b:s6+s3] =	stream.linear.scatter [tilespmem:s28], [sflag:$0x2], $0x4000, $0x38;
	[tilespmem:$0x1E000] =	vst v63  }
0x5ac: {  	_ =	swait.ge [sflag:s26], $0x4000  }
0x5ad: {  	s25 =	sld [smem:$0x7B7]  }
0x5ae: {  	[sflag:s26] =	ssyncset.done $0x0  }
0x5af: {  	[sflag:s26] =	ssyncadd.s32 $0xFFFFC000  }
0x5b0: {  	[hbm4b:s25+s3] =	stream.linear.scatter [tilespmem:s29], [sflag:$0x3], $0x4000, $0x38;
	[tilespmem:$0x1E000] =	vst v63  }
0x5b1: {  	_ =	swait.ge [sflag:s26], $0x4000  }
0x5b2: {  	s29 =	sld [smem:$0x7B8]  }
0x5b3: {  	[sflag:s26] =	ssyncset.done $0x0  }
0x5b4: {  	[sflag:s26] =	ssyncadd.s32 $0xFFFFC000  }
0x5b5: {  	[hbm4b:s29+s3] =	stream.linear.scatter [tilespmem:s31], [sflag:$0x4], $0x4000, $0x38;
	[tilespmem:$0x1E000] =	vst v63  }
0x5b6: {  	_ =	swait.ge [sflag:s26], $0x4000  }
0x5b7: {  	s1 =	sld [smem:$0x7B9]  }
0x5b8: {  	[sflag:s26] =	ssyncset.done $0x0  }
0x5b9: {  	[sflag:s26] =	ssyncadd.s32 $0xFFFFC000  }
0x5ba: {  	[hbm4b:s1+s3] =	stream.linear.scatter [tilespmem:s0], [sflag:$0x5], $0x4000, $0x38;
	[tilespmem:$0x1E000] =	vst v63  }
0x5bb: {  	_ =	swait.ge [sflag:s26], $0x4000  }
0x5bc: {  	s2 =	sld [smem:$0x7BA]  }
0x5bd: {  	[sflag:s26] =	ssyncset.done $0x0  }
0x5be: {  	[sflag:s26] =	ssyncadd.s32 $0xFFFFC000  }
0x5bf: {  	[hbm4b:s2+s3] =	stream.linear.scatter [tilespmem:s10], [sflag:$0x6], $0x4000, $0x38;
	[tilespmem:$0x1E000] =	vst v63  }
0x5c0: {  	_ =	swait.ge [sflag:s16], $0x4000  }
0x5c1: {  	[sflag:s16] =	ssyncset.done $0x0  }
0x5c2: {  	s6 =	simm.s32 $0x3;
	[sflag:s16] =	ssyncadd.s32 $0xFFFFC000  }
0x5c3: {  	_ =	swait.ge [sflag:s6], $0x4000  }
0x5c4: {  	[sflag:s6] =	ssyncset.done $0x0  }
0x5c5: {  	s9 =	simm.s32 $0x4;
	[sflag:s6] =	ssyncadd.s32 $0xFFFFC000  }
0x5c6: {  	_ =	swait.ge [sflag:s9], $0x4000  }
0x5c7: {  	[sflag:s9] =	ssyncset.done $0x0  }
0x5c8: {  	s10 =	simm.s32 $0x5;
	[sflag:s9] =	ssyncadd.s32 $0xFFFFC000  }
0x5c9: {  	_ =	swait.ge [sflag:s10], $0x4000  }
0x5ca: {  	[sflag:s10] =	ssyncset.done $0x0  }
0x5cb: {  	s1 =	simm.s32 $0x6;
	[sflag:s10] =	ssyncadd.s32 $0xFFFFC000  }
0x5cc: {  	_ =	swait.ge [sflag:s1], $0x4000  }
0x5cd: {  	[sflag:s1] =	ssyncset.done $0x0  }
0x5ce: {  	[sflag:s1] =	ssyncadd.s32 $0xFFFFC000  }
0x5cf: {  	_ =	swait.ge [sflag:s8], $0x8000  }
0x5d0: {  	s2 =	sld [smem:$0x7F4]  }
0x5d1: {  	s6 =	sld [smem:$0x7DE]  }
0x5d2: {  	[sflag:s8] =	ssyncset.done $0x0  }
0x5d3: {  	s10 =	sld [smem:$0x7F6];
	[sflag:s8] =	ssyncadd.s32 $0xFFFF8000  }
0x5d4: {  	[tilespmem:s28], [sflag:$0x1] =	stream.indirect.gather [hbm4b:s6+s13], $0x80, s2, s13, $0xb8;
	[tilespmem:$0x1E000] =	vst v63  }
0x5d5: {  	s2 =	sld [smem:$0x7F8]  }
0x5d6: {  	s25 =	simm.s32 $0xE000;
	s6 =	rddreg [dreg:$0x2]  }
0x5d7: {  	[tilespmem:s25], [sflag:$0x1] =	stream.indirect.gather [hbm4b:s6+s13], $0x80, s10, s13, $0xb8;
	[tilespmem:$0x1E000] =	vst v63  }
0x5d8: {  	s25 =	sld [smem:$0x7E0]  }
0x5d9: {  	s10 =	sld [smem:$0x7FA]  }
0x5da: {  	s31 =	simm.s32 $0x12000;
	s6 =	sld [smem:$0x7E2]  }
0x5db: {  	[tilespmem:s31], [sflag:$0x1] =	stream.indirect.gather [hbm4b:s25+s13], $0x80, s2, s13, $0xb8;
	[tilespmem:$0x1E000] =	vst v63  }
0x5dc: {  	s2 =	sld [smem:$0x7FB]  }
0x5dd: {  	s0 =	simm.s32 $0x16000;
	s25 =	sld [smem:$0x7E4]  }
0x5de: {  	[tilespmem:s0], [sflag:$0x1] =	stream.indirect.gather [hbm4b:s6+s13], $0x80, s10, s13, $0xb8;
	[tilespmem:$0x1E000] =	vst v63  }
0x5df: {  	s29 =	simm.s32 $0x1A000  }
0x5e0: {  	[tilespmem:s29], [sflag:$0x1] =	stream.indirect.gather [hbm4b:s25+s13], $0x80, s2, s13, $0xb8;
	[tilespmem:$0x1E000] =	vst v63  }
0x5e1: {  	v3 =	vld [tilespmem:$0x1D80];
	_ =	sdelay $0x4  }
0x5e2: {  	v48 =	vperm.xlane v3, v0;
	_ =	sdelay $0x1  }
0x5e3: {  	v3 =	vperm.xlane v3, v2;
	v4 =	vadd.s32 v1, v48;
	_ =	sdelay $0x1  }
0x5e4: {  	v3 =	vadd.s32 v1, v3;
	_ =	sdelay $0x1  }
0x5e5: {  	s24 =	simm.s32 $0x2000  }
0x5e6: {  	[tilespmem:s24], [sflag:$0x1] =	stream.indirect_vreg.gather [hbm4b:s22+s3], $0x80, v4, vm1, $0xb8;
	[tilespmem:$0x1E000] =	vst v63  }
0x5e7: {  	_ = 	snop  }
0x5e8: {  	[tilespmem:s12], [sflag:$0x1] =	stream.indirect_vreg.gather [hbm4b:s22+s3], $0x80, v3, vm1, $0xb8;
	[tilespmem:$0x1E000] =	vst v63  }
0x5e9: {  	v3 =	vld [tilespmem:$0x1D90];
	_ =	sdelay $0x4  }
0x5ea: {  	v49 =	vperm.xlane v3, v0;
	_ =	sdelay $0x1  }
0x5eb: {  	v3 =	vperm.xlane v3, v2;
	v4 =	vadd.s32 v1, v49;
	_ =	sdelay $0x1  }
0x5ec: {  	v3 =	vadd.s32 v1, v3;
	_ =	sdelay $0x2  }
0x5ed: {  	[tilespmem:s14], [sflag:$0x1] =	stream.indirect_vreg.gather [hbm4b:s22+s3], $0x80, v4, vm1, $0xb8;
	[tilespmem:$0x1E000] =	vst v63  }
0x5ee: {  	_ = 	snop  }
0x5ef: {  	[tilespmem:s30], [sflag:$0x1] =	stream.indirect_vreg.gather [hbm4b:s22+s3], $0x80, v3, vm1, $0xb8;
	[tilespmem:$0x1E000] =	vst v63  }
0x5f0: {  	v3 =	vld [tilespmem:$0x1DA0];
	_ =	sdelay $0x4  }
0x5f1: {  	v50 =	vperm.xlane v3, v0;
	_ =	sdelay $0x1  }
0x5f2: {  	v3 =	vperm.xlane v3, v2;
	v4 =	vadd.s32 v1, v50;
	_ =	sdelay $0x1  }
0x5f3: {  	v3 =	vadd.s32 v1, v3;
	_ =	sdelay $0x2  }
0x5f4: {  	[tilespmem:s11], [sflag:$0x1] =	stream.indirect_vreg.gather [hbm4b:s22+s3], $0x80, v4, vm1, $0xb8;
	[tilespmem:$0x1E000] =	vst v63  }
0x5f5: {  	s25 =	simm.s32 $0x4800  }
0x5f6: {  	[tilespmem:s25], [sflag:$0x1] =	stream.indirect_vreg.gather [hbm4b:s22+s3], $0x80, v3, vm1, $0xb8;
	[tilespmem:$0x1E000] =	vst v63  }
0x5f7: {  	v3 =	vld [tilespmem:$0x1DB0];
	_ =	sdelay $0x4  }
0x5f8: {  	v51 =	vperm.xlane v3, v0;
	_ =	sdelay $0x1  }
0x5f9: {  	v3 =	vperm.xlane v3, v2;
	v4 =	vadd.s32 v1, v51;
	_ =	sdelay $0x1  }
0x5fa: {  	v3 =	vadd.s32 v1, v3;
	_ =	sdelay $0x2  }
0x5fb: {  	[tilespmem:s18], [sflag:$0x1] =	stream.indirect_vreg.gather [hbm4b:s22+s3], $0x80, v4, vm1, $0xb8;
	[tilespmem:$0x1E000] =	vst v63  }
0x5fc: {  	_ = 	snop  }
0x5fd: {  	[tilespmem:s21], [sflag:$0x1] =	stream.indirect_vreg.gather [hbm4b:s22+s3], $0x80, v3, vm1, $0xb8;
	[tilespmem:$0x1E000] =	vst v63  }
0x5fe: {  	v3 =	vld [tilespmem:$0x1DC0];
	_ =	sdelay $0x4  }
0x5ff: {  	v52 =	vperm.xlane v3, v0;
	_ =	sdelay $0x1  }
0x600: {  	v3 =	vperm.xlane v3, v2;
	v4 =	vadd.s32 v1, v52;
	_ =	sdelay $0x1  }
0x601: {  	v3 =	vadd.s32 v1, v3;
	_ =	sdelay $0x1  }
0x602: {  	s24 =	simm.s32 $0x6000  }
0x603: {  	[tilespmem:s24], [sflag:$0x1] =	stream.indirect_vreg.gather [hbm4b:s22+s3], $0x80, v4, vm1, $0xb8;
	[tilespmem:$0x1E000] =	vst v63  }
0x604: {  	s30 =	simm.s32 $0x6800  }
0x605: {  	[tilespmem:s30], [sflag:$0x1] =	stream.indirect_vreg.gather [hbm4b:s22+s3], $0x80, v3, vm1, $0xb8;
	[tilespmem:$0x1E000] =	vst v63  }
0x606: {  	v3 =	vld [tilespmem:$0x1DD0];
	_ =	sdelay $0x4  }
0x607: {  	v53 =	vperm.xlane v3, v0;
	_ =	sdelay $0x1  }
0x608: {  	v3 =	vperm.xlane v3, v2;
	v4 =	vadd.s32 v1, v53;
	_ =	sdelay $0x1  }
0x609: {  	v3 =	vadd.s32 v1, v3;
	_ =	sdelay $0x2  }
0x60a: {  	[tilespmem:s17], [sflag:$0x1] =	stream.indirect_vreg.gather [hbm4b:s22+s3], $0x80, v4, vm1, $0xb8;
	[tilespmem:$0x1E000] =	vst v63  }
0x60b: {  	_ = 	snop  }
0x60c: {  	[tilespmem:s7], [sflag:$0x1] =	stream.indirect_vreg.gather [hbm4b:s22+s3], $0x80, v3, vm1, $0xb8;
	[tilespmem:$0x1E000] =	vst v63  }
0x60d: {  	v3 =	vld [tilespmem:$0x1DE0];
	_ =	sdelay $0x4  }
0x60e: {  	v54 =	vperm.xlane v3, v0;
	_ =	sdelay $0x1  }
0x60f: {  	v3 =	vperm.xlane v3, v2;
	v4 =	vadd.s32 v1, v54;
	_ =	sdelay $0x1  }
0x610: {  	v3 =	vadd.s32 v1, v3;
	_ =	sdelay $0x2  }
0x611: {  	[tilespmem:s5], [sflag:$0x1] =	stream.indirect_vreg.gather [hbm4b:s22+s3], $0x80, v4, vm1, $0xb8;
	[tilespmem:$0x1E000] =	vst v63  }
0x612: {  	_ = 	snop  }
0x613: {  	[tilespmem:s15], [sflag:$0x1] =	stream.indirect_vreg.gather [hbm4b:s22+s3], $0x80, v3, vm1, $0xb8;
	[tilespmem:$0x1E000] =	vst v63  }
0x614: {  	v3 =	vld [tilespmem:$0x1DF0];
	_ =	sdelay $0x4  }
0x615: {  	v55 =	vperm.xlane v3, v0;
	_ =	sdelay $0x1  }
0x616: {  	v3 =	vperm.xlane v3, v2;
	v4 =	vadd.s32 v1, v55;
	_ =	sdelay $0x1  }
0x617: {  	v3 =	vadd.s32 v1, v3;
	_ =	sdelay $0x2  }
0x618: {  	[tilespmem:s20], [sflag:$0x1] =	stream.indirect_vreg.gather [hbm4b:s22+s3], $0x80, v4, vm1, $0xb8;
	[tilespmem:$0x1E000] =	vst v63  }
0x619: {  	s19 =	simm.s32 $0x9800  }
0x61a: {  	[tilespmem:s19], [sflag:$0x1] =	stream.indirect_vreg.gather [hbm4b:s22+s3], $0x80, v3, vm1, $0xb8;
	[tilespmem:$0x1E000] =	vst v63  }
0x61b: {  	v3 =	vld [tilespmem:$0x1E00];
	_ =	sdelay $0x4  }
0x61c: {  	v56 =	vperm.xlane v3, v0;
	_ =	sdelay $0x1  }
0x61d: {  	v3 =	vperm.xlane v3, v2;
	v4 =	vadd.s32 v1, v56;
	_ =	sdelay $0x1  }
0x61e: {  	v3 =	vadd.s32 v1, v3;
	_ =	sdelay $0x1  }
0x61f: {  	s19 =	simm.s32 $0x2400  }
0x620: {  	[tilespmem:s19], [sflag:$0x1] =	stream.indirect_vreg.gather [hbm4b:s23+s3], $0x80, v4, vm1, $0xb8;
	[tilespmem:$0x1E000] =	vst v63  }
0x621: {  	s20 =	simm.s32 $0x2C00  }
0x622: {  	[tilespmem:s20], [sflag:$0x1] =	stream.indirect_vreg.gather [hbm4b:s23+s3], $0x80, v3, vm1, $0xb8;
	[tilespmem:$0x1E000] =	vst v63  }
0x623: {  	v3 =	vld [tilespmem:$0x1E10];
	_ =	sdelay $0x4  }
0x624: {  	v57 =	vperm.xlane v3, v0;
	_ =	sdelay $0x1  }
0x625: {  	v3 =	vperm.xlane v3, v2;
	v4 =	vadd.s32 v1, v57;
	_ =	sdelay $0x1  }
0x626: {  	v3 =	vadd.s32 v1, v3;
	_ =	sdelay $0x1  }
0x627: {  	s14 =	simm.s32 $0x3400  }
0x628: {  	[tilespmem:s14], [sflag:$0x1] =	stream.indirect_vreg.gather [hbm4b:s23+s3], $0x80, v4, vm1, $0xb8;
	[tilespmem:$0x1E000] =	vst v63  }
0x629: {  	s18 =	simm.s32 $0x3C00  }
0x62a: {  	[tilespmem:s18], [sflag:$0x1] =	stream.indirect_vreg.gather [hbm4b:s23+s3], $0x80, v3, vm1, $0xb8;
	[tilespmem:$0x1E000] =	vst v63  }
0x62b: {  	v3 =	vld [tilespmem:$0x1E20];
	_ =	sdelay $0x4  }
0x62c: {  	v58 =	vperm.xlane v3, v0;
	_ =	sdelay $0x1  }
0x62d: {  	v3 =	vperm.xlane v3, v2;
	v4 =	vadd.s32 v1, v58;
	_ =	sdelay $0x1  }
0x62e: {  	v3 =	vadd.s32 v1, v3;
	_ =	sdelay $0x1  }
0x62f: {  	s30 =	simm.s32 $0x4400  }
0x630: {  	[tilespmem:s30], [sflag:$0x1] =	stream.indirect_vreg.gather [hbm4b:s23+s3], $0x80, v4, vm1, $0xb8;
	[tilespmem:$0x1E000] =	vst v63  }
0x631: {  	s12 =	simm.s32 $0x4C00  }
0x632: {  	[tilespmem:s12], [sflag:$0x1] =	stream.indirect_vreg.gather [hbm4b:s23+s3], $0x80, v3, vm1, $0xb8;
	[tilespmem:$0x1E000] =	vst v63  }
0x633: {  	v3 =	vld [tilespmem:$0x1E30];
	_ =	sdelay $0x4  }
0x634: {  	v59 =	vperm.xlane v3, v0;
	_ =	sdelay $0x1  }
0x635: {  	v3 =	vperm.xlane v3, v2;
	v4 =	vadd.s32 v1, v59;
	_ =	sdelay $0x1  }
0x636: {  	v3 =	vadd.s32 v1, v3;
	_ =	sdelay $0x1  }
0x637: {  	s21 =	simm.s32 $0x5400  }
0x638: {  	[tilespmem:s21], [sflag:$0x1] =	stream.indirect_vreg.gather [hbm4b:s23+s3], $0x80, v4, vm1, $0xb8;
	[tilespmem:$0x1E000] =	vst v63  }
0x639: {  	s11 =	simm.s32 $0x5C00  }
0x63a: {  	[tilespmem:s11], [sflag:$0x1] =	stream.indirect_vreg.gather [hbm4b:s23+s3], $0x80, v3, vm1, $0xb8;
	[tilespmem:$0x1E000] =	vst v63  }
0x63b: {  	v3 =	vld [tilespmem:$0x1E40];
	_ =	sdelay $0x4  }
0x63c: {  	v60 =	vperm.xlane v3, v0;
	_ =	sdelay $0x1  }
0x63d: {  	v3 =	vperm.xlane v3, v2;
	v4 =	vadd.s32 v1, v60;
	_ =	sdelay $0x1  }
0x63e: {  	v3 =	vadd.s32 v1, v3;
	_ =	sdelay $0x1  }
0x63f: {  	s10 =	simm.s32 $0x6400  }
0x640: {  	[tilespmem:s10], [sflag:$0x1] =	stream.indirect_vreg.gather [hbm4b:s23+s3], $0x80, v4, vm1, $0xb8;
	[tilespmem:$0x1E000] =	vst v63  }
0x641: {  	s17 =	simm.s32 $0x6C00  }
0x642: {  	[tilespmem:s17], [sflag:$0x1] =	stream.indirect_vreg.gather [hbm4b:s23+s3], $0x80, v3, vm1, $0xb8;
	[tilespmem:$0x1E000] =	vst v63  }
0x643: {  	v3 =	vld [tilespmem:$0x1E50];
	_ =	sdelay $0x4  }
0x644: {  	v61 =	vperm.xlane v3, v0;
	_ =	sdelay $0x1  }
0x645: {  	v3 =	vperm.xlane v3, v2;
	v4 =	vadd.s32 v1, v61;
	_ =	sdelay $0x1  }
0x646: {  	v3 =	vadd.s32 v1, v3;
	_ =	sdelay $0x1  }
0x647: {  	s15 =	simm.s32 $0x7400  }
0x648: {  	[tilespmem:s15], [sflag:$0x1] =	stream.indirect_vreg.gather [hbm4b:s23+s3], $0x80, v4, vm1, $0xb8;
	[tilespmem:$0x1E000] =	vst v63  }
0x649: {  	s7 =	simm.s32 $0x7C00  }
0x64a: {  	[tilespmem:s7], [sflag:$0x1] =	stream.indirect_vreg.gather [hbm4b:s23+s3], $0x80, v3, vm1, $0xb8;
	[tilespmem:$0x1E000] =	vst v63  }
0x64b: {  	v3 =	vld [tilespmem:$0x1E60];
	_ =	sdelay $0x4  }
0x64c: {  	v62 =	vperm.xlane v3, v0;
	_ =	sdelay $0x1  }
0x64d: {  	v3 =	vperm.xlane v3, v2;
	v4 =	vadd.s32 v1, v62;
	_ =	sdelay $0x1  }
0x64e: {  	v3 =	vadd.s32 v1, v3;
	_ =	sdelay $0x1  }
0x64f: {  	s5 =	simm.s32 $0x8400  }
0x650: {  	[tilespmem:s5], [sflag:$0x1] =	stream.indirect_vreg.gather [hbm4b:s23+s3], $0x80, v4, vm1, $0xb8;
	[tilespmem:$0x1E000] =	vst v63  }
0x651: {  	s6 =	simm.s32 $0x8C00  }
0x652: {  	[tilespmem:s6], [sflag:$0x1] =	stream.indirect_vreg.gather [hbm4b:s23+s3], $0x80, v3, vm1, $0xb8;
	[tilespmem:$0x1E000] =	vst v63  }
0x653: {  	v3 =	vld [tilespmem:$0x1E70];
	_ =	sdelay $0x4  }
0x654: {  	v63 =	vperm.xlane v3, v0;
	_ =	sdelay $0x1  }
0x655: {  	v3 =	vperm.xlane v3, v2;
	v4 =	vadd.s32 v1, v63;
	_ =	sdelay $0x1  }
0x656: {  	v3 =	vadd.s32 v1, v3;
	_ =	sdelay $0x1  }
0x657: {  	s1 =	simm.s32 $0x9400  }
0x658: {  	[tilespmem:s1], [sflag:$0x1] =	stream.indirect_vreg.gather [hbm4b:s23+s3], $0x80, v4, vm1, $0xb8;
	[tilespmem:$0x1E000] =	vst v63  }
0x659: {  	s2 =	simm.s32 $0x9C00  }
0x65a: {  	[tilespmem:s2], [sflag:$0x1] =	stream.indirect_vreg.gather [hbm4b:s23+s3], $0x80, v3, vm1, $0xb8;
	[tilespmem:$0x1E000] =	vst v63  }
0x65b: {  	_ =	swait.ge [sflag:s26], $0x4000  }
0x65c: {  	s0 =	sld [smem:$0x7BB]  }
0x65d: {  	[sflag:s26] =	ssyncset.done $0x0  }
0x65e: {  	[sflag:s26] =	ssyncadd.s32 $0xFFFFC000  }
0x65f: {  	[hbm4b:s0+s3] =	stream.linear.scatter [tilespmem:s28], [sflag:$0x2], $0x4000, $0x38;
	[tilespmem:$0x1E000] =	vst v63  }
0x660: {  	_ =	swait.ge [sflag:s26], $0x4000  }
0x661: {  	s9 =	sld [smem:$0x7BC]  }
0x662: {  	[sflag:s26] =	ssyncset.done $0x0  }
0x663: {  	s0 =	simm.s32 $0xE000;
	[sflag:s26] =	ssyncadd.s32 $0xFFFFC000  }
0x664: {  	[hbm4b:s9+s3] =	stream.linear.scatter [tilespmem:s0], [sflag:$0x3], $0x4000, $0x38;
	[tilespmem:$0x1E000] =	vst v63  }
0x665: {  	_ =	swait.ge [sflag:s26], $0x4000  }
0x666: {  	s0 =	sld [smem:$0x7BD]  }
0x667: {  	[sflag:s26] =	ssyncset.done $0x0  }
0x668: {  	[sflag:s26] =	ssyncadd.s32 $0xFFFFC000  }
0x669: {  	[hbm4b:s0+s3] =	stream.linear.scatter [tilespmem:s31], [sflag:$0x4], $0x4000, $0x38;
	[tilespmem:$0x1E000] =	vst v63  }
0x66a: {  	_ =	swait.ge [sflag:s26], $0x4000  }
0x66b: {  	s0 =	sld [smem:$0x7BE]  }
0x66c: {  	[sflag:s26] =	ssyncset.done $0x0  }
0x66d: {  	s31 =	simm.s32 $0x16000;
	[sflag:s26] =	ssyncadd.s32 $0xFFFFC000  }
0x66e: {  	[hbm4b:s0+s3] =	stream.linear.scatter [tilespmem:s31], [sflag:$0x5], $0x4000, $0x38;
	[tilespmem:$0x1E000] =	vst v63  }
0x66f: {  	_ =	swait.ge [sflag:s26], $0x4000  }
0x670: {  	s0 =	sld [smem:$0x7BF]  }
0x671: {  	[sflag:s26] =	ssyncset.done $0x0  }
0x672: {  	[sflag:s26] =	ssyncadd.s32 $0xFFFFC000  }
0x673: {  	[hbm4b:s0+s3] =	stream.linear.scatter [tilespmem:s29], [sflag:$0x6], $0x4000, $0x38;
	[tilespmem:$0x1E000] =	vst v63  }
0x674: {  	_ =	swait.ge [sflag:s26], $0x4000  }
0x675: {  	s0 =	sld [smem:$0x7F7]  }
0x676: {  	[sflag:s26] =	ssyncset.done $0x0  }
0x677: {  	s29 =	simm.s32 $0x2000;
	[sflag:s26] =	ssyncadd.s32 $0xFFFFC000  }
0x678: {  	[hbm4b:s0+s3] =	stream.linear.scatter [tilespmem:s29], [sflag:$0x7], $0x400, $0x38;
	[tilespmem:$0x1E000] =	vst v63  }
0x679: {  	s31 =	simm.s32 $0x2800;
	s9 =	sadd.s32 $0x80, s0  }
0x67a: {  	[hbm4b:s9+s3] =	stream.linear.scatter [tilespmem:s31], [sflag:$0x7], $0x400, $0x38;
	[tilespmem:$0x1E000] =	vst v63  }
0x67b: {  	s9 =	sadd.s32 $0x100, s0;
	s31 =	simm.s32 $0x3000  }
0x67c: {  	[hbm4b:s9+s3] =	stream.linear.scatter [tilespmem:s31], [sflag:$0x7], $0x400, $0x38;
	[tilespmem:$0x1E000] =	vst v63  }
0x67d: {  	s9 =	sadd.s32 $0x180, s0;
	s31 =	simm.s32 $0x3800  }
0x67e: {  	[hbm4b:s9+s3] =	stream.linear.scatter [tilespmem:s31], [sflag:$0x7], $0x400, $0x38;
	[tilespmem:$0x1E000] =	vst v63  }
0x67f: {  	s9 =	sadd.s32 $0x200, s0;
	s31 =	simm.s32 $0x4000  }
0x680: {  	[hbm4b:s9+s3] =	stream.linear.scatter [tilespmem:s31], [sflag:$0x7], $0x400, $0x38;
	[tilespmem:$0x1E000] =	vst v63  }
0x681: {  	s31 =	sadd.s32 $0x280, s0  }
0x682: {  	[hbm4b:s31+s3] =	stream.linear.scatter [tilespmem:s25], [sflag:$0x7], $0x400, $0x38;
	[tilespmem:$0x1E000] =	vst v63  }
0x683: {  	s29 =	sadd.s32 $0x300, s0;
	s31 =	simm.s32 $0x5000  }
0x684: {  	[hbm4b:s29+s3] =	stream.linear.scatter [tilespmem:s31], [sflag:$0x7], $0x400, $0x38;
	[tilespmem:$0x1E000] =	vst v63  }
0x685: {  	s25 =	sadd.s32 $0x380, s0;
	s29 =	simm.s32 $0x5800  }
0x686: {  	[hbm4b:s25+s3] =	stream.linear.scatter [tilespmem:s29], [sflag:$0x7], $0x400, $0x38;
	[tilespmem:$0x1E000] =	vst v63  }
0x687: {  	s31 =	sadd.s32 $0x400, s0  }
0x688: {  	[hbm4b:s31+s3] =	stream.linear.scatter [tilespmem:s24], [sflag:$0x7], $0x400, $0x38;
	[tilespmem:$0x1E000] =	vst v63  }
0x689: {  	s25 =	simm.s32 $0x6800;
	s24 =	sadd.s32 $0x480, s0  }
0x68a: {  	[hbm4b:s24+s3] =	stream.linear.scatter [tilespmem:s25], [sflag:$0x7], $0x400, $0x38;
	[tilespmem:$0x1E000] =	vst v63  }
0x68b: {  	s29 =	sadd.s32 $0x500, s0;
	s31 =	simm.s32 $0x7000  }
0x68c: {  	[hbm4b:s29+s3] =	stream.linear.scatter [tilespmem:s31], [sflag:$0x7], $0x400, $0x38;
	[tilespmem:$0x1E000] =	vst v63  }
0x68d: {  	s24 =	sadd.s32 $0x580, s0;
	s25 =	simm.s32 $0x7800  }
0x68e: {  	[hbm4b:s24+s3] =	stream.linear.scatter [tilespmem:s25], [sflag:$0x7], $0x400, $0x38;
	[tilespmem:$0x1E000] =	vst v63  }
0x68f: {  	s29 =	sadd.s32 $0x600, s0;
	s31 =	simm.s32 $0x8000  }
0x690: {  	[hbm4b:s29+s3] =	stream.linear.scatter [tilespmem:s31], [sflag:$0x7], $0x400, $0x38;
	[tilespmem:$0x1E000] =	vst v63  }
0x691: {  	s24 =	sadd.s32 $0x680, s0;
	s25 =	simm.s32 $0x8800  }
0x692: {  	[hbm4b:s24+s3] =	stream.linear.scatter [tilespmem:s25], [sflag:$0x7], $0x400, $0x38;
	[tilespmem:$0x1E000] =	vst v63  }
0x693: {  	s29 =	sadd.s32 $0x700, s0;
	s31 =	simm.s32 $0x9000  }
0x694: {  	[hbm4b:s29+s3] =	stream.linear.scatter [tilespmem:s31], [sflag:$0x7], $0x400, $0x38;
	[tilespmem:$0x1E000] =	vst v63  }
0x695: {  	s25 =	sadd.s32 $0x780, s0;
	s29 =	simm.s32 $0x9800  }
0x696: {  	[hbm4b:s25+s3] =	stream.linear.scatter [tilespmem:s29], [sflag:$0x7], $0x400, $0x38;
	[tilespmem:$0x1E000] =	vst v63  }
0x697: {  	_ =	swait.ge [sflag:s26], $0x4000  }
0x698: {  	s0 =	sld [smem:$0x7F9]  }
0x699: {  	[sflag:s26] =	ssyncset.done $0x0  }
0x69a: {  	[sflag:s26] =	ssyncadd.s32 $0xFFFFC000  }
0x69b: {  	[hbm4b:s0+s3] =	stream.linear.scatter [tilespmem:s19], [sflag:$0x7], $0x400, $0x38;
	[tilespmem:$0x1E000] =	vst v63  }
0x69c: {  	s31 =	sadd.s32 $0x80, s0  }
0x69d: {  	[hbm4b:s31+s3] =	stream.linear.scatter [tilespmem:s20], [sflag:$0x7], $0x400, $0x38;
	[tilespmem:$0x1E000] =	vst v63  }
0x69e: {  	s19 =	sadd.s32 $0x100, s0  }
0x69f: {  	[hbm4b:s19+s3] =	stream.linear.scatter [tilespmem:s14], [sflag:$0x7], $0x400, $0x38;
	[tilespmem:$0x1E000] =	vst v63  }
0x6a0: {  	s20 =	sadd.s32 $0x180, s0  }
0x6a1: {  	[hbm4b:s20+s3] =	stream.linear.scatter [tilespmem:s18], [sflag:$0x7], $0x400, $0x38;
	[tilespmem:$0x1E000] =	vst v63  }
0x6a2: {  	s24 =	sadd.s32 $0x200, s0  }
0x6a3: {  	[hbm4b:s24+s3] =	stream.linear.scatter [tilespmem:s30], [sflag:$0x7], $0x400, $0x38;
	[tilespmem:$0x1E000] =	vst v63  }
0x6a4: {  	s25 =	sadd.s32 $0x280, s0  }
0x6a5: {  	[hbm4b:s25+s3] =	stream.linear.scatter [tilespmem:s12], [sflag:$0x7], $0x400, $0x38;
	[tilespmem:$0x1E000] =	vst v63  }
0x6a6: {  	s29 =	sadd.s32 $0x300, s0  }
0x6a7: {  	[hbm4b:s29+s3] =	stream.linear.scatter [tilespmem:s21], [sflag:$0x7], $0x400, $0x38;
	[tilespmem:$0x1E000] =	vst v63  }
0x6a8: {  	s30 =	sadd.s32 $0x380, s0  }
0x6a9: {  	[hbm4b:s30+s3] =	stream.linear.scatter [tilespmem:s11], [sflag:$0x7], $0x400, $0x38;
	[tilespmem:$0x1E000] =	vst v63  }
0x6aa: {  	s31 =	sadd.s32 $0x400, s0  }
0x6ab: {  	[hbm4b:s31+s3] =	stream.linear.scatter [tilespmem:s10], [sflag:$0x7], $0x400, $0x38;
	[tilespmem:$0x1E000] =	vst v63  }
0x6ac: {  	s11 =	sadd.s32 $0x480, s0  }
0x6ad: {  	[hbm4b:s11+s3] =	stream.linear.scatter [tilespmem:s17], [sflag:$0x7], $0x400, $0x38;
	[tilespmem:$0x1E000] =	vst v63  }
0x6ae: {  	s12 =	sadd.s32 $0x500, s0  }
0x6af: {  	[hbm4b:s12+s3] =	stream.linear.scatter [tilespmem:s15], [sflag:$0x7], $0x400, $0x38;
	[tilespmem:$0x1E000] =	vst v63  }
0x6b0: {  	s14 =	sadd.s32 $0x580, s0  }
0x6b1: {  	[hbm4b:s14+s3] =	stream.linear.scatter [tilespmem:s7], [sflag:$0x7], $0x400, $0x38;
	[tilespmem:$0x1E000] =	vst v63  }
0x6b2: {  	s15 =	sadd.s32 $0x600, s0  }
0x6b3: {  	[hbm4b:s15+s3] =	stream.linear.scatter [tilespmem:s5], [sflag:$0x7], $0x400, $0x38;
	[tilespmem:$0x1E000] =	vst v63  }
0x6b4: {  	s17 =	sadd.s32 $0x680, s0  }
0x6b5: {  	[hbm4b:s17+s3] =	stream.linear.scatter [tilespmem:s6], [sflag:$0x7], $0x400, $0x38;
	[tilespmem:$0x1E000] =	vst v63  }
0x6b6: {  	s18 =	sadd.s32 $0x700, s0  }
0x6b7: {  	[hbm4b:s18+s3] =	stream.linear.scatter [tilespmem:s1], [sflag:$0x7], $0x400, $0x38;
	[tilespmem:$0x1E000] =	vst v63  }
0x6b8: {  	s19 =	sadd.s32 $0x780, s0  }
0x6b9: {  	[hbm4b:s19+s3] =	stream.linear.scatter [tilespmem:s2], [sflag:$0x7], $0x400, $0x38;
	[tilespmem:$0x1E000] =	vst v63  }
0x6ba: {  	_ =	swait.ge [sflag:s16], $0x4000  }
0x6bb: {  	s20 =	sld [smem:$0x7FC]  }
0x6bc: {  	s21 =	sld [smem:$0x7FD]  }
0x6bd: {  	[sflag:s16] =	ssyncset.done $0x0  }
0x6be: {  	[sflag:s16] =	ssyncadd.s32 $0xFFFFC000  }
0x6bf: {  	[tilespmem:s28], [sflag:$0x1] =	stream.indirect.gather [hbm4b:s21+s13], $0x80, s20, s13, $0xb8;
	[tilespmem:$0x1E000] =	vst v63  }
0x6c0: {  	_ =	swait.ge [sflag:s26], $0x4000  }
0x6c1: {  	s24 =	sld [smem:$0x7C0]  }
0x6c2: {  	[sflag:s26] =	ssyncset.done $0x0  }
0x6c3: {  	[sflag:s26] =	ssyncadd.s32 $0xFFFFC000  }
0x6c4: {  	[hbm4b:s24+s3] =	stream.linear.scatter [tilespmem:s28], [sflag:$0x2], $0x4000, $0x38;
	[tilespmem:$0x1E000] =	vst v63  }
0x6c5: {  	s28 =	simm.s32 $0x3  }
0x6c6: {  	s25 =	sld [smem:$0x7AB];
	_ =	swait.ge [sflag:s28], $0x4000  }
0x6c7: {  	[sflag:s28] =	ssyncset.done $0x0  }
0x6c8: {  	s29 =	simm.s32 $0x4;
	[sflag:s28] =	ssyncadd.s32 $0xFFFFC000  }
0x6c9: {  	_ =	swait.ge [sflag:s29], $0x4000  }
0x6ca: {  	[sflag:s29] =	ssyncset.done $0x0  }
0x6cb: {  	s30 =	simm.s32 $0x5;
	[sflag:s29] =	ssyncadd.s32 $0xFFFFC000  }
0x6cc: {  	_ =	swait.ge [sflag:s30], $0x4000  }
0x6cd: {  	[sflag:s30] =	ssyncset.done $0x0  }
0x6ce: {  	s31 =	simm.s32 $0x6;
	[sflag:s30] =	ssyncadd.s32 $0xFFFFC000  }
0x6cf: {  	_ =	swait.ge [sflag:s31], $0x4000  }
0x6d0: {  	[sflag:s31] =	ssyncset.done $0x0  }
0x6d1: {  	[sflag:s31] =	ssyncadd.s32 $0xFFFFC000  }
0x6d2: {  	_ =	swait.ge [sflag:s8], $0x4000  }
0x6d3: {  	[sflag:s8] =	ssyncset.done $0x0  }
0x6d4: {  	[sflag:s8] =	ssyncadd.s32 $0xFFFFC000  }
0x6d5: {  	p0 =	sne.s32 s25, $0x1;
	_ =	swait.ge [sflag:s8], $0x4000  }
.Ltmp0:
0x6d6: {  	[sflag:s8] =	ssyncset.done $0x0;
	(pc) =	sbr.rel @p0 .LBB2_1-.Ltmp0, $4  }
0x6d7: {  	[sflag:s8] =	ssyncadd.s32 $0xFFFFC000  }
0x6d8: {  	_ =	swait.ge [sflag:s16], $0x4000  }
0x6d9: {  	[sflag:s16] =	ssyncset.done $0x0  }
0x6da: {  	s9 =	sadd.s32 $0xFFFFFFFF, s25;
	[sflag:s16] =	ssyncadd.s32 $0xFFFFC000  }
0x6db: {  	_ =	sfence.sel $0x180000  }
0x6dc: {  	[bflag:$0x0] =	sbarrier.arrive $0xFFFF  }
0x6dd: {  	_ =	strace $0x90000047  }
0x6de: {  	s0 =	stileid.u32;
	[bflag:$0x2] =	sbarrier.arrive $0xFFFF  }
0x6df: {  	p0 =	sne.s32 s0, $0x0;
	s0 =	rddreg [dreg:$0x3]  }
0x6e0: {  	s0 =	sadd.s32 @!p0 $0x100000, s0  }
0x6e1: {  	[sflag:s0] =	ssyncadd.tile.s32 @!p0 $0x1;
	_ =	shalt  }
.Lfunc_end2:
_tile_overlayer_lowered:
.L_overlay_start_2:
0x6e2: {  	(tag) =	ssettag $0x2  }
0x6e3: {  	s0 =	rddreg [dreg:$0x0];
	s2 =	stileid.u32  }
0x6e4: {  	s1 =	rddreg [dreg:$0x1];
	p0 =	sne.s32 s2, $0x0  }
0x6e5: {  	s3 =	rddreg [dreg:$0x2];
	[bflag:$0x3] =	sbarrier.arrive $0xFFFF;
	s2 =	simm.s32 @!p0 $0x1C08  }
0x6e6: {  	[timem:s3], [sflag:s2] =	dma.local @!p0 [hbm:s0], s1  }
0x6e7: {  	s0 =	simm.s32 @!p0 $0x8  }
0x6e8: {  	_ =	swait.ge @!p0 [sflag:s0], s1  }
0x6e9: {  	s1 =	ssub.s32 @!p0 $0x0, s1;
	[sflag:s0] =	ssyncset.done @!p0 $0x0  }
0x6ea: {  	[sflag:s0] =	ssyncadd.s32 @!p0 s1  }
0x6eb: {  	[bflag:$0x3] =	sbarrier.arrive $0xFFFF  }
0x6ec: {  	_ =	shalt  }

</sc_bundles>
